<compile_context>
chip_gen: v7x
topology: tpu7x:2x2x1
jax: 0.10.2.dev20260603
libtpu: 0.0.44.dev20260713+nightly
codegen_flags: <defaults>
</compile_context>

<pallas_src>
import functools

import jax
import jax.numpy as jnp
from jax import lax
from jax.experimental import pallas as pl
from jax.experimental.pallas import tpu as pltpu
from jax.experimental.pallas import tpu_sc as plsc

_NC = 2
_NS = 16
_L = 16



def _pre_body(x_ref, w_ref, b_ref, o_ref):
    h = jnp.dot(x_ref[...], w_ref[...], preferred_element_type=jnp.float32)
    h = h + b_ref[...]
    o_ref[...] = 0.5 * h * (1.0 + lax.erf(h * 0.7071067811865476))


def _ffn_body(x_ref, a_ref, w2_ref, b2_ref, w3_ref, b3_ref, o_ref):
    x = x_ref[...] + a_ref[0] + a_ref[1]
    y = jnp.maximum(
        jnp.dot(x, w2_ref[...], preferred_element_type=jnp.float32) + b2_ref[...], 0.0)
    y = jnp.maximum(
        jnp.dot(y, w3_ref[...], preferred_element_type=jnp.float32) + b3_ref[...], 0.0)
    o_ref[...] = x + y


def _pre_ffn(x, W1, b1):
    n, d = x.shape
    r = 1000
    assert n % r == 0
    return pl.pallas_call(
        _pre_body,
        grid=(n // r,),
        in_specs=[
            pl.BlockSpec((r, d), lambda i: (i, 0)),
            pl.BlockSpec((d, d), lambda i: (0, 0)),
            pl.BlockSpec((1, d), lambda i: (0, 0)),
        ],
        out_specs=pl.BlockSpec((r, d), lambda i: (i, 0)),
        out_shape=jax.ShapeDtypeStruct((n, d), jnp.float32),
    )(x, W1, b1.reshape(1, d))


def _final_ffn(x, partials, W2, b2, W3, b3):
    n, d = x.shape
    r = 1000
    assert n % r == 0
    return pl.pallas_call(
        _ffn_body,
        grid=(n // r,),
        in_specs=[
            pl.BlockSpec((r, d), lambda i: (i, 0)),
            pl.BlockSpec((_NC, r, d), lambda i: (0, i, 0)),
            pl.BlockSpec((d, d), lambda i: (0, 0)),
            pl.BlockSpec((1, d), lambda i: (0, 0)),
            pl.BlockSpec((d, d), lambda i: (0, 0)),
            pl.BlockSpec((1, d), lambda i: (0, 0)),
        ],
        out_specs=pl.BlockSpec((r, d), lambda i: (i, 0)),
        out_shape=jax.ShapeDtypeStruct((n, d), jnp.float32),
    )(x, partials, W2, b2.reshape(1, d), W3, b3.reshape(1, d))



@functools.lru_cache(maxsize=None)
def _make_sc_aggr(n, e, d):
    nw = _NC * _NS
    et = e // nw
    c = 40
    assert et % c == 0
    nchunk = et // c
    assert nchunk % 4 == 2
    br = c
    assert n % br == 0
    nb = n // br
    nbt = -(-nb // _NS)
    nd = d // _L

    mesh = plsc.VectorSubcoreMesh(core_axis_name="c", subcore_axis_name="s")

    @functools.partial(
        pl.kernel,
        mesh=mesh,
        out_type=jax.ShapeDtypeStruct((_NC, n, d), jnp.float32),
        scratch_types=[
            pltpu.VMEM((et,), jnp.int32),
            pltpu.VMEM((c,), jnp.int32),
            pltpu.VMEM((c,), jnp.int32),
            pltpu.VMEM((c,), jnp.int32),
            pltpu.VMEM((c,), jnp.int32),
            pltpu.VMEM((c, d), jnp.float32),
            pltpu.VMEM((c, d), jnp.float32),
            pltpu.VMEM((c, d), jnp.float32),
            pltpu.VMEM((c, d), jnp.float32),
            pltpu.VMEM((c, d), jnp.float32),
            pltpu.VMEM((c, d), jnp.float32),
            pltpu.VMEM_SHARED((n, d), jnp.float32),
            pltpu.SemaphoreType.DMA,
            pltpu.SemaphoreType.DMA,
            pltpu.SemaphoreType.DMA,
            pltpu.SemaphoreType.DMA,
            pltpu.SemaphoreType.DMA,
            pltpu.SemaphoreType.DMA,
            pltpu.SemaphoreType.DMA,
            pltpu.SemaphoreType.DMA,
            pltpu.SemaphoreType.DMA,
            pltpu.SemaphoreType.DMA,
            pltpu.SemaphoreType.DMA,
            pltpu.SemaphoreType.DMA,
            pltpu.SemaphoreType.DMA,
            pltpu.SemaphoreType.DMA,
            pltpu.SemaphoreType.DMA,
        ],
    )
    def sc_aggr(pre_hbm, src_hbm, dst_hbm, bases_hbm, out_hbm,
                srcall_v, dst0, dst1, dst2, dst3,
                rows0, rows1, rows2, rows3, bas0, bas1, acc_sh,
                sem_s, sem_t0, sem_t1, sem_t2, sem_t3,
                sem_g0, sem_g1, sem_g2, sem_g3, sem_b0, sem_b1,
                sem_c0, sem_c1, sem_c2, sem_c3):
        cid = lax.axis_index("c")
        sid = lax.axis_index("s")
        wid = cid * _NS + sid
        ebase = wid * et

        cp_s = pltpu.async_copy(
            src_hbm.at[pl.ds(pl.multiple_of(ebase, 8), et)], srcall_v, sem_s)

        def _zrow(i, carry):
            for j in range(nd):
                rows0[i, pl.ds(j * _L, _L)] = jnp.zeros((_L,), jnp.float32)
            return carry
        lax.fori_loop(0, br, _zrow, 0)
        for t in range(nbt):
            blk = sid + t * _NS
            @pl.when(blk < nb)
            def _():
                r0 = pl.multiple_of(blk * br, 8)
                pltpu.sync_copy(rows0, acc_sh.at[pl.ds(r0, br)])
        cp_s.wait()
        plsc.subcore_barrier()

        rowsb = (rows0, rows1, rows2, rows3)
        basb = (bas0, bas1)
        dstb = (dst0, dst1, dst2, dst3)
        semg = (sem_g0, sem_g1, sem_g2, sem_g3)
        semb = (sem_b0, sem_b1)
        semt = (sem_t0, sem_t1, sem_t2, sem_t3)
        semc = (sem_c0, sem_c1, sem_c2, sem_c3)

        def _drain(q):
            pltpu.make_async_copy(rowsb[q], acc_sh.at[dstb[q]], semc[q]).wait()

        def _start(k, q, qb, first=False):
            if not first:
                @pl.when(k >= 4)
                def _():
                    _drain(q)
            off = pl.multiple_of(ebase + k * c, 8)
            pltpu.async_copy(dst_hbm.at[pl.ds(off, c)], dstb[q], semt[q])
            pltpu.async_copy(bases_hbm.at[pl.ds(off, c)], basb[qb], semb[qb])
            pltpu.async_copy(
                pre_hbm.at[srcall_v.at[pl.ds(k * c, c)]], rowsb[q], semg[q])

        def _finish(k, q, qb):
            off = pl.multiple_of(ebase + k * c, 8)
            pltpu.make_async_copy(bases_hbm.at[pl.ds(off, c)], basb[qb], semb[qb]).wait()
            pltpu.make_async_copy(
                pre_hbm.at[srcall_v.at[pl.ds(k * c, c)]], rowsb[q], semg[q]).wait()

            @plsc.parallel_loop(0, c, step=1, unroll=8)
            def _mul(i):
                for j in range(nd):
                    sl = pl.ds(j * _L, _L)
                    rowsb[q][i, sl] = rowsb[q][i, sl] * basb[qb][i, sl]

            pltpu.make_async_copy(dst_hbm.at[pl.ds(off, c)], dstb[q], semt[q]).wait()
            pltpu.async_copy(rowsb[q], acc_sh.at[dstb[q]], semc[q], add=True)

        _start(0, 0, 0, first=True)
        _start(1, 1, 1, first=True)

        def _body(g, carry):
            a = g * 4
            _finish(a, 0, 0)
            _start(a + 2, 2, 0)
            _finish(a + 1, 1, 1)
            _start(a + 3, 3, 1)
            _finish(a + 2, 2, 0)
            _start(a + 4, 0, 0)
            _finish(a + 3, 3, 1)
            _start(a + 5, 1, 1)
            return carry
        lax.fori_loop(0, (nchunk - 2) // 4, _body, 0)
        _finish(nchunk - 2, 0, 0)
        _finish(nchunk - 1, 1, 1)
        _drain(2)
        _drain(3)
        _drain(0)
        _drain(1)

        plsc.subcore_barrier()
        for t in range(nbt):
            blk = sid + t * _NS
            @pl.when(blk < nb)
            def _():
                r0 = pl.multiple_of(blk * br, 8)
                pltpu.sync_copy(acc_sh.at[pl.ds(r0, br)], rows0)
                pltpu.sync_copy(rows0, out_hbm.at[cid].at[pl.ds(r0, br)])

    return sc_aggr



def kernel(x_feat, edge_index, bases, W1, b1, W2, b2, W3, b3):
    n, d = x_feat.shape
    e = edge_index.shape[1]
    pre = _pre_ffn(x_feat, W1, b1)
    partials = _make_sc_aggr(n, e, d)(
        pre, edge_index[0], edge_index[1], bases)
    return _final_ffn(x_feat, partials, W2, b2, W3, b3)

# --- scband reference (transcript-rebuilt; emitter-appended) ---
"""Pipeline reference for scband-conv-42872363548868 (READ-ONLY COPY).

The authoritative reference and input builder live on the scoring server;
editing this copy changes nothing except your own understanding.
"""

import jax, jax.numpy as jnp
import numpy as np

N, E, D = 10000, 320000, 128

def setup_inputs(seed: int = 0) -> dict:
    key = jax.random.key(seed)
    ks = jax.random.split(key, 10)
    x_feat = jax.random.normal(ks[0], (N, D), dtype=jnp.float32)
    edge_index = jax.random.randint(ks[1], (2, E), 0, N, dtype=jnp.int32)
    bases = jax.random.normal(ks[2], (E, D), dtype=jnp.float32)
    s = 1.0 / np.sqrt(D)
    W1 = jax.random.normal(ks[3], (D, D), dtype=jnp.float32) * s
    b1 = jnp.zeros((D,), dtype=jnp.float32)
    W2 = jax.random.normal(ks[4], (D, D), dtype=jnp.float32) * s
    b2 = jnp.zeros((D,), dtype=jnp.float32)
    W3 = jax.random.normal(ks[5], (D, D), dtype=jnp.float32) * s
    b3 = jnp.zeros((D,), dtype=jnp.float32)
    return {"x_feat": x_feat, "edge_index": edge_index, "bases": bases,
            "W1": W1, "b1": b1, "W2": W2, "b2": b2, "W3": W3, "b3": b3}

def reference(x_feat, edge_index, bases, W1, b1, W2, b2, W3, b3):
    # pre_ffn: Linear -> GELU (exact erf GELU, matching torch default)
    pre = jax.nn.gelu(x_feat @ W1 + b1, approximate=False)
    src = edge_index[0]
    dst = edge_index[1]
    # u_mul_e: source node feature * edge feature, sum-aggregated at dst
    msg = jnp.take(pre, src, axis=0) * bases
    aggr = jax.ops.segment_sum(msg, dst, num_segments=x_feat.shape[0])
    # dropout_rate=0.0 -> identity
    x = x_feat + aggr
    # ffn: Linear -> ReLU -> Linear -> ReLU (batch_norm=False)
    y = jnp.maximum(x @ W2 + b2, 0.0)
    y = jnp.maximum(y @ W3 + b3, 0.0)
    return x + y

if __name__ == "__main__":
    import jax
    _d = setup_inputs()
    print(jax.jit(kernel)(*tuple(_d.values())))

</pallas_src>

<mosaic_0001>
#map = affine_map<(d0, d1) -> (0, 0)>
#map1 = affine_map<(d0, d1) -> (0)>
#map2 = affine_map<(d0, d1) -> (0, 0, 0)>
module attributes {stable_mosaic.version = 14 : i64} {
  func.func @sc_aggr(%arg0: i32, %arg1: i32, %arg2: memref<10000x128xf32, #tpu.memory_space<hbm>>, %arg3: memref<320000xi32, #tpu.memory_space<hbm>>, %arg4: memref<320000xi32, #tpu.memory_space<hbm>>, %arg5: memref<320000x128xf32, #tpu.memory_space<hbm>>, %arg6: memref<2x10000x128xf32, #tpu.memory_space<hbm>>, %arg7: memref<10000xi32, #tpu.memory_space<vmem>>, %arg8: memref<40xi32, #tpu.memory_space<vmem>>, %arg9: memref<40xi32, #tpu.memory_space<vmem>>, %arg10: memref<40xi32, #tpu.memory_space<vmem>>, %arg11: memref<40xi32, #tpu.memory_space<vmem>>, %arg12: memref<40x128xf32, #tpu.memory_space<vmem>>, %arg13: memref<40x128xf32, #tpu.memory_space<vmem>>, %arg14: memref<40x128xf32, #tpu.memory_space<vmem>>, %arg15: memref<40x128xf32, #tpu.memory_space<vmem>>, %arg16: memref<40x128xf32, #tpu.memory_space<vmem>>, %arg17: memref<40x128xf32, #tpu.memory_space<vmem>>, %arg18: memref<10000x128xf32, #tpu.memory_space<vmem_shared>>, %arg19: memref<!tpu.dma_semaphore, #tpu.memory_space<semaphore_mem>>, %arg20: memref<!tpu.dma_semaphore, #tpu.memory_space<semaphore_mem>>, %arg21: memref<!tpu.dma_semaphore, #tpu.memory_space<semaphore_mem>>, %arg22: memref<!tpu.dma_semaphore, #tpu.memory_space<semaphore_mem>>, %arg23: memref<!tpu.dma_semaphore, #tpu.memory_space<semaphore_mem>>, %arg24: memref<!tpu.dma_semaphore, #tpu.memory_space<semaphore_mem>>, %arg25: memref<!tpu.dma_semaphore, #tpu.memory_space<semaphore_mem>>, %arg26: memref<!tpu.dma_semaphore, #tpu.memory_space<semaphore_mem>>, %arg27: memref<!tpu.dma_semaphore, #tpu.memory_space<semaphore_mem>>, %arg28: memref<!tpu.dma_semaphore, #tpu.memory_space<semaphore_mem>>, %arg29: memref<!tpu.dma_semaphore, #tpu.memory_space<semaphore_mem>>, %arg30: memref<!tpu.dma_semaphore, #tpu.memory_space<semaphore_mem>>, %arg31: memref<!tpu.dma_semaphore, #tpu.memory_space<semaphore_mem>>, %arg32: memref<!tpu.dma_semaphore, #tpu.memory_space<semaphore_mem>>, %arg33: memref<!tpu.dma_semaphore, #tpu.memory_space<semaphore_mem>>) attributes {dimension_semantics = [#tpu.dimension_semantics<core_parallel>, #tpu.dimension_semantics<subcore_parallel>], iteration_bounds = array<i64: 2, 16>, scalar_prefetch = 0 : i64, scratch_operands = 27 : i64, tpu.core_type = #tpu.core_type<sc_vector_subcore>, window_params = [{transform_indices = #map}, {transform_indices = #map1}, {transform_indices = #map1}, {transform_indices = #map}, {transform_indices = #map2}]} {
    %mul3A = arith.constant 16 : i32
    %mul3A_0 = arith.muli %arg0, %mul3A : i32
    %add3A = arith.addi %mul3A_0, %arg1 : i32
    %mul3A_1 = arith.constant 10000 : i32
    %mul3A_2 = arith.muli %add3A, %mul3A_1 : i32
    %multiple_of3A = tpu.assume_multiple %mul3A_2, 8 : i32
    %dma_start3A = tpu.memref_slice %arg3[%multiple_of3A] : memref<320000xi32, #tpu.memory_space<hbm>> -> memref<10000xi32, #tpu.memory_space<hbm>>
    %dma_start3A_3 = tpu.memref_slice %arg3[%multiple_of3A] : memref<320000xi32, #tpu.memory_space<hbm>> -> memref<10000xi32, #tpu.memory_space<hbm>>
    tpu.enqueue_dma source(%dma_start3A_3 : memref<10000xi32, #tpu.memory_space<hbm>>) target(%arg7 : memref<10000xi32, #tpu.memory_space<vmem>>) target_semaphore(%arg19 : memref<!tpu.dma_semaphore, #tpu.memory_space<semaphore_mem>>)
    %scan3A = arith.constant 0 : i32
    %scan3A_4 = arith.constant 0 : i32
    %scan3A_5 = arith.constant 40 : i32
    %scan3A_6 = arith.addi %scan3A_4, %scan3A_5 : i32
    %scan3A_7 = arith.constant 1 : i32
    scf.for %scan3A_317 = %scan3A_4 to %scan3A_6 step %scan3A_7  : i32 {
      %broadcast_in_dim3A = arith.constant 0.000000e+00 : f32
      %broadcast_in_dim3A_318 = vector.broadcast %broadcast_in_dim3A : f32 to vector<16xf32>
      %swap3A = arith.index_cast %scan3A_317 : i32 to index
      %swap3A_319 = arith.constant 0 : index
      %swap3A_320 = tpu.vector_load %arg12[%swap3A, %swap3A_319] {strides = array<i32>} : memref<40x128xf32, #tpu.memory_space<vmem>>, vector<1x16xf32>,
      %swap3A_321 = vector.shape_cast %swap3A_320 : vector<1x16xf32> to vector<16xf32>
      %swap3A_322 = vector.shape_cast %broadcast_in_dim3A_318 : vector<16xf32> to vector<1x16xf32>
      tpu.vector_store %arg12[%swap3A, %swap3A_319], %swap3A_322 {strides = array<i32>} : memref<40x128xf32, #tpu.memory_space<vmem>>, vector<1x16xf32>,
      %broadcast_in_dim3A_323 = arith.constant 0.000000e+00 : f32
      %broadcast_in_dim3A_324 = vector.broadcast %broadcast_in_dim3A_323 : f32 to vector<16xf32>
      %swap3A_325 = arith.index_cast %scan3A_317 : i32 to index
      %swap3A_326 = arith.constant 16 : index
      %swap3A_327 = tpu.vector_load %arg12[%swap3A_325, %swap3A_326] {strides = array<i32>} : memref<40x128xf32, #tpu.memory_space<vmem>>, vector<1x16xf32>,
      %swap3A_328 = vector.shape_cast %swap3A_327 : vector<1x16xf32> to vector<16xf32>
      %swap3A_329 = vector.shape_cast %broadcast_in_dim3A_324 : vector<16xf32> to vector<1x16xf32>
      tpu.vector_store %arg12[%swap3A_325, %swap3A_326], %swap3A_329 {strides = array<i32>} : memref<40x128xf32, #tpu.memory_space<vmem>>, vector<1x16xf32>,
      %broadcast_in_dim3A_330 = arith.constant 0.000000e+00 : f32
      %broadcast_in_dim3A_331 = vector.broadcast %broadcast_in_dim3A_330 : f32 to vector<16xf32>
      %swap3A_332 = arith.index_cast %scan3A_317 : i32 to index
      %swap3A_333 = arith.constant 32 : index
      %swap3A_334 = tpu.vector_load %arg12[%swap3A_332, %swap3A_333] {strides = array<i32>} : memref<40x128xf32, #tpu.memory_space<vmem>>, vector<1x16xf32>,
      %swap3A_335 = vector.shape_cast %swap3A_334 : vector<1x16xf32> to vector<16xf32>
      %swap3A_336 = vector.shape_cast %broadcast_in_dim3A_331 : vector<16xf32> to vector<1x16xf32>
      tpu.vector_store %arg12[%swap3A_332, %swap3A_333], %swap3A_336 {strides = array<i32>} : memref<40x128xf32, #tpu.memory_space<vmem>>, vector<1x16xf32>,
      %broadcast_in_dim3A_337 = arith.constant 0.000000e+00 : f32
      %broadcast_in_dim3A_338 = vector.broadcast %broadcast_in_dim3A_337 : f32 to vector<16xf32>
      %swap3A_339 = arith.index_cast %scan3A_317 : i32 to index
      %swap3A_340 = arith.constant 48 : index
      %swap3A_341 = tpu.vector_load %arg12[%swap3A_339, %swap3A_340] {strides = array<i32>} : memref<40x128xf32, #tpu.memory_space<vmem>>, vector<1x16xf32>,
      %swap3A_342 = vector.shape_cast %swap3A_341 : vector<1x16xf32> to vector<16xf32>
      %swap3A_343 = vector.shape_cast %broadcast_in_dim3A_338 : vector<16xf32> to vector<1x16xf32>
      tpu.vector_store %arg12[%swap3A_339, %swap3A_340], %swap3A_343 {strides = array<i32>} : memref<40x128xf32, #tpu.memory_space<vmem>>, vector<1x16xf32>,
      %broadcast_in_dim3A_344 = arith.constant 0.000000e+00 : f32
      %broadcast_in_dim3A_345 = vector.broadcast %broadcast_in_dim3A_344 : f32 to vector<16xf32>
      %swap3A_346 = arith.index_cast %scan3A_317 : i32 to index
      %swap3A_347 = arith.constant 64 : index
      %swap3A_348 = tpu.vector_load %arg12[%swap3A_346, %swap3A_347] {strides = array<i32>} : memref<40x128xf32, #tpu.memory_space<vmem>>, vector<1x16xf32>,
      %swap3A_349 = vector.shape_cast %swap3A_348 : vector<1x16xf32> to vector<16xf32>
      %swap3A_350 = vector.shape_cast %broadcast_in_dim3A_345 : vector<16xf32> to vector<1x16xf32>
      tpu.vector_store %arg12[%swap3A_346, %swap3A_347], %swap3A_350 {strides = array<i32>} : memref<40x128xf32, #tpu.memory_space<vmem>>, vector<1x16xf32>,
      %broadcast_in_dim3A_351 = arith.constant 0.000000e+00 : f32
      %broadcast_in_dim3A_352 = vector.broadcast %broadcast_in_dim3A_351 : f32 to vector<16xf32>
      %swap3A_353 = arith.index_cast %scan3A_317 : i32 to index
      %swap3A_354 = arith.constant 80 : index
      %swap3A_355 = tpu.vector_load %arg12[%swap3A_353, %swap3A_354] {strides = array<i32>} : memref<40x128xf32, #tpu.memory_space<vmem>>, vector<1x16xf32>,
      %swap3A_356 = vector.shape_cast %swap3A_355 : vector<1x16xf32> to vector<16xf32>
      %swap3A_357 = vector.shape_cast %broadcast_in_dim3A_352 : vector<16xf32> to vector<1x16xf32>
      tpu.vector_store %arg12[%swap3A_353, %swap3A_354], %swap3A_357 {strides = array<i32>} : memref<40x128xf32, #tpu.memory_space<vmem>>, vector<1x16xf32>,
      %broadcast_in_dim3A_358 = arith.constant 0.000000e+00 : f32
      %broadcast_in_dim3A_359 = vector.broadcast %broadcast_in_dim3A_358 : f32 to vector<16xf32>
      %swap3A_360 = arith.index_cast %scan3A_317 : i32 to index
      %swap3A_361 = arith.constant 96 : index
      %swap3A_362 = tpu.vector_load %arg12[%swap3A_360, %swap3A_361] {strides = array<i32>} : memref<40x128xf32, #tpu.memory_space<vmem>>, vector<1x16xf32>,
      %swap3A_363 = vector.shape_cast %swap3A_362 : vector<1x16xf32> to vector<16xf32>
      %swap3A_364 = vector.shape_cast %broadcast_in_dim3A_359 : vector<16xf32> to vector<1x16xf32>
      tpu.vector_store %arg12[%swap3A_360, %swap3A_361], %swap3A_364 {strides = array<i32>} : memref<40x128xf32, #tpu.memory_space<vmem>>, vector<1x16xf32>,
      %broadcast_in_dim3A_365 = arith.constant 0.000000e+00 : f32
      %broadcast_in_dim3A_366 = vector.broadcast %broadcast_in_dim3A_365 : f32 to vector<16xf32>
      %swap3A_367 = arith.index_cast %scan3A_317 : i32 to index
      %swap3A_368 = arith.constant 112 : index
      %swap3A_369 = tpu.vector_load %arg12[%swap3A_367, %swap3A_368] {strides = array<i32>} : memref<40x128xf32, #tpu.memory_space<vmem>>, vector<1x16xf32>,
      %swap3A_370 = vector.shape_cast %swap3A_369 : vector<1x16xf32> to vector<16xf32>
      %swap3A_371 = vector.shape_cast %broadcast_in_dim3A_366 : vector<16xf32> to vector<1x16xf32>
      tpu.vector_store %arg12[%swap3A_367, %swap3A_368], %swap3A_371 {strides = array<i32>} : memref<40x128xf32, #tpu.memory_space<vmem>>, vector<1x16xf32>,
    }
    %scan3A_8 = arith.constant 40 : i32
    %add3A_9 = arith.constant 0 : i32
    %add3A_10 = arith.addi %arg1, %add3A_9 : i32
    %lt3A = arith.constant 250 : i32
    %lt3A_11 = arith.cmpi slt, %add3A_10, %lt3A : i32
    %convert_element_type3A = arith.extui %lt3A_11 : i1 to i32
    %cond3A = arith.constant 0 : i32
    %cond3A_12 = arith.cmpi ne, %convert_element_type3A, %cond3A : i32
    scf.if %cond3A_12 {
      %mul3A_317 = arith.constant 40 : i32
      %mul3A_318 = arith.muli %add3A_10, %mul3A_317 : i32
      %multiple_of3A_319 = tpu.assume_multiple %mul3A_318, 8 : i32
      "tpu.region"() ({
        %run_scoped3A = tpu.sem_alloc : memref<!tpu.dma_semaphore, #tpu.memory_space<semaphore_mem>>
        %dma_start3A_320 = arith.constant 0 : i32
        %dma_start3A_321 = tpu.memref_slice %arg18[%multiple_of3A_319, %dma_start3A_320] : memref<10000x128xf32, #tpu.memory_space<vmem_shared>> -> memref<40x128xf32, #tpu.memory_space<vmem_shared>>
        %dma_start3A_322 = arith.constant 0 : i32
        %dma_start3A_323 = tpu.memref_slice %arg18[%multiple_of3A_319, %dma_start3A_322] : memref<10000x128xf32, #tpu.memory_space<vmem_shared>> -> memref<40x128xf32, #tpu.memory_space<vmem_shared>>
        tpu.enqueue_dma source(%arg12 : memref<40x128xf32, #tpu.memory_space<vmem>>) target(%dma_start3A_323 : memref<40x128xf32, #tpu.memory_space<vmem_shared>>) target_semaphore(%run_scoped3A : memref<!tpu.dma_semaphore, #tpu.memory_space<semaphore_mem>>)
        %dma_wait3A_324 = arith.constant 0 : i32
        %dma_wait3A_325 = tpu.memref_slice %arg18[%multiple_of3A_319, %dma_wait3A_324] : memref<10000x128xf32, #tpu.memory_space<vmem_shared>> -> memref<40x128xf32, #tpu.memory_space<vmem_shared>>
        %dma_wait3A_326 = arith.constant 0 : i32
        %dma_wait3A_327 = tpu.memref_slice %arg18[%multiple_of3A_319, %dma_wait3A_326] : memref<10000x128xf32, #tpu.memory_space<vmem_shared>> -> memref<40x128xf32, #tpu.memory_space<vmem_shared>>
        tpu.wait_dma2 semaphore(%run_scoped3A : memref<!tpu.dma_semaphore, #tpu.memory_space<semaphore_mem>>) src(%arg12 : memref<40x128xf32, #tpu.memory_space<vmem>>) dst(%dma_wait3A_327 : memref<40x128xf32, #tpu.memory_space<vmem_shared>>)
        tpu.yield
      }) : () -> ()
    } else {
    }
    %add3A_13 = arith.constant 16 : i32
    %add3A_14 = arith.addi %arg1, %add3A_13 : i32
    %lt3A_15 = arith.constant 250 : i32
    %lt3A_16 = arith.cmpi slt, %add3A_14, %lt3A_15 : i32
    %convert_element_type3A_17 = arith.extui %lt3A_16 : i1 to i32
    %cond3A_18 = arith.constant 0 : i32
    %cond3A_19 = arith.cmpi ne, %convert_element_type3A_17, %cond3A_18 : i32
    scf.if %cond3A_19 {
      %mul3A_317 = arith.constant 40 : i32
      %mul3A_318 = arith.muli %add3A_14, %mul3A_317 : i32
      %multiple_of3A_319 = tpu.assume_multiple %mul3A_318, 8 : i32
      "tpu.region"() ({
        %run_scoped3A = tpu.sem_alloc : memref<!tpu.dma_semaphore, #tpu.memory_space<semaphore_mem>>
        %dma_start3A_320 = arith.constant 0 : i32
        %dma_start3A_321 = tpu.memref_slice %arg18[%multiple_of3A_319, %dma_start3A_320] : memref<10000x128xf32, #tpu.memory_space<vmem_shared>> -> memref<40x128xf32, #tpu.memory_space<vmem_shared>>
        %dma_start3A_322 = arith.constant 0 : i32
        %dma_start3A_323 = tpu.memref_slice %arg18[%multiple_of3A_319, %dma_start3A_322] : memref<10000x128xf32, #tpu.memory_space<vmem_shared>> -> memref<40x128xf32, #tpu.memory_space<vmem_shared>>
        tpu.enqueue_dma source(%arg12 : memref<40x128xf32, #tpu.memory_space<vmem>>) target(%dma_start3A_323 : memref<40x128xf32, #tpu.memory_space<vmem_shared>>) target_semaphore(%run_scoped3A : memref<!tpu.dma_semaphore, #tpu.memory_space<semaphore_mem>>)
        %dma_wait3A_324 = arith.constant 0 : i32
        %dma_wait3A_325 = tpu.memref_slice %arg18[%multiple_of3A_319, %dma_wait3A_324] : memref<10000x128xf32, #tpu.memory_space<vmem_shared>> -> memref<40x128xf32, #tpu.memory_space<vmem_shared>>
        %dma_wait3A_326 = arith.constant 0 : i32
        %dma_wait3A_327 = tpu.memref_slice %arg18[%multiple_of3A_319, %dma_wait3A_326] : memref<10000x128xf32, #tpu.memory_space<vmem_shared>> -> memref<40x128xf32, #tpu.memory_space<vmem_shared>>
        tpu.wait_dma2 semaphore(%run_scoped3A : memref<!tpu.dma_semaphore, #tpu.memory_space<semaphore_mem>>) src(%arg12 : memref<40x128xf32, #tpu.memory_space<vmem>>) dst(%dma_wait3A_327 : memref<40x128xf32, #tpu.memory_space<vmem_shared>>)
        tpu.yield
      }) : () -> ()
    } else {
    }
    %add3A_20 = arith.constant 32 : i32
    %add3A_21 = arith.addi %arg1, %add3A_20 : i32
    %lt3A_22 = arith.constant 250 : i32
    %lt3A_23 = arith.cmpi slt, %add3A_21, %lt3A_22 : i32
    %convert_element_type3A_24 = arith.extui %lt3A_23 : i1 to i32
    %cond3A_25 = arith.constant 0 : i32
    %cond3A_26 = arith.cmpi ne, %convert_element_type3A_24, %cond3A_25 : i32
    scf.if %cond3A_26 {
      %mul3A_317 = arith.constant 40 : i32
      %mul3A_318 = arith.muli %add3A_21, %mul3A_317 : i32
      %multiple_of3A_319 = tpu.assume_multiple %mul3A_318, 8 : i32
      "tpu.region"() ({
        %run_scoped3A = tpu.sem_alloc : memref<!tpu.dma_semaphore, #tpu.memory_space<semaphore_mem>>
        %dma_start3A_320 = arith.constant 0 : i32
        %dma_start3A_321 = tpu.memref_slice %arg18[%multiple_of3A_319, %dma_start3A_320] : memref<10000x128xf32, #tpu.memory_space<vmem_shared>> -> memref<40x128xf32, #tpu.memory_space<vmem_shared>>
        %dma_start3A_322 = arith.constant 0 : i32
        %dma_start3A_323 = tpu.memref_slice %arg18[%multiple_of3A_319, %dma_start3A_322] : memref<10000x128xf32, #tpu.memory_space<vmem_shared>> -> memref<40x128xf32, #tpu.memory_space<vmem_shared>>
        tpu.enqueue_dma source(%arg12 : memref<40x128xf32, #tpu.memory_space<vmem>>) target(%dma_start3A_323 : memref<40x128xf32, #tpu.memory_space<vmem_shared>>) target_semaphore(%run_scoped3A : memref<!tpu.dma_semaphore, #tpu.memory_space<semaphore_mem>>)
        %dma_wait3A_324 = arith.constant 0 : i32
        %dma_wait3A_325 = tpu.memref_slice %arg18[%multiple_of3A_319, %dma_wait3A_324] : memref<10000x128xf32, #tpu.memory_space<vmem_shared>> -> memref<40x128xf32, #tpu.memory_space<vmem_shared>>
        %dma_wait3A_326 = arith.constant 0 : i32
        %dma_wait3A_327 = tpu.memref_slice %arg18[%multiple_of3A_319, %dma_wait3A_326] : memref<10000x128xf32, #tpu.memory_space<vmem_shared>> -> memref<40x128xf32, #tpu.memory_space<vmem_shared>>
        tpu.wait_dma2 semaphore(%run_scoped3A : memref<!tpu.dma_semaphore, #tpu.memory_space<semaphore_mem>>) src(%arg12 : memref<40x128xf32, #tpu.memory_space<vmem>>) dst(%dma_wait3A_327 : memref<40x128xf32, #tpu.memory_space<vmem_shared>>)
        tpu.yield
      }) : () -> ()
    } else {
    }
    %add3A_27 = arith.constant 48 : i32
    %add3A_28 = arith.addi %arg1, %add3A_27 : i32
    %lt3A_29 = arith.constant 250 : i32
    %lt3A_30 = arith.cmpi slt, %add3A_28, %lt3A_29 : i32
    %convert_element_type3A_31 = arith.extui %lt3A_30 : i1 to i32
    %cond3A_32 = arith.constant 0 : i32
    %cond3A_33 = arith.cmpi ne, %convert_element_type3A_31, %cond3A_32 : i32
    scf.if %cond3A_33 {
      %mul3A_317 = arith.constant 40 : i32
      %mul3A_318 = arith.muli %add3A_28, %mul3A_317 : i32
      %multiple_of3A_319 = tpu.assume_multiple %mul3A_318, 8 : i32
      "tpu.region"() ({
        %run_scoped3A = tpu.sem_alloc : memref<!tpu.dma_semaphore, #tpu.memory_space<semaphore_mem>>
        %dma_start3A_320 = arith.constant 0 : i32
        %dma_start3A_321 = tpu.memref_slice %arg18[%multiple_of3A_319, %dma_start3A_320] : memref<10000x128xf32, #tpu.memory_space<vmem_shared>> -> memref<40x128xf32, #tpu.memory_space<vmem_shared>>
        %dma_start3A_322 = arith.constant 0 : i32
        %dma_start3A_323 = tpu.memref_slice %arg18[%multiple_of3A_319, %dma_start3A_322] : memref<10000x128xf32, #tpu.memory_space<vmem_shared>> -> memref<40x128xf32, #tpu.memory_space<vmem_shared>>
        tpu.enqueue_dma source(%arg12 : memref<40x128xf32, #tpu.memory_space<vmem>>) target(%dma_start3A_323 : memref<40x128xf32, #tpu.memory_space<vmem_shared>>) target_semaphore(%run_scoped3A : memref<!tpu.dma_semaphore, #tpu.memory_space<semaphore_mem>>)
        %dma_wait3A_324 = arith.constant 0 : i32
        %dma_wait3A_325 = tpu.memref_slice %arg18[%multiple_of3A_319, %dma_wait3A_324] : memref<10000x128xf32, #tpu.memory_space<vmem_shared>> -> memref<40x128xf32, #tpu.memory_space<vmem_shared>>
        %dma_wait3A_326 = arith.constant 0 : i32
        %dma_wait3A_327 = tpu.memref_slice %arg18[%multiple_of3A_319, %dma_wait3A_326] : memref<10000x128xf32, #tpu.memory_space<vmem_shared>> -> memref<40x128xf32, #tpu.memory_space<vmem_shared>>
        tpu.wait_dma2 semaphore(%run_scoped3A : memref<!tpu.dma_semaphore, #tpu.memory_space<semaphore_mem>>) src(%arg12 : memref<40x128xf32, #tpu.memory_space<vmem>>) dst(%dma_wait3A_327 : memref<40x128xf32, #tpu.memory_space<vmem_shared>>)
        tpu.yield
      }) : () -> ()
    } else {
    }
    %add3A_34 = arith.constant 64 : i32
    %add3A_35 = arith.addi %arg1, %add3A_34 : i32
    %lt3A_36 = arith.constant 250 : i32
    %lt3A_37 = arith.cmpi slt, %add3A_35, %lt3A_36 : i32
    %convert_element_type3A_38 = arith.extui %lt3A_37 : i1 to i32
    %cond3A_39 = arith.constant 0 : i32
    %cond3A_40 = arith.cmpi ne, %convert_element_type3A_38, %cond3A_39 : i32
    scf.if %cond3A_40 {
      %mul3A_317 = arith.constant 40 : i32
      %mul3A_318 = arith.muli %add3A_35, %mul3A_317 : i32
      %multiple_of3A_319 = tpu.assume_multiple %mul3A_318, 8 : i32
      "tpu.region"() ({
        %run_scoped3A = tpu.sem_alloc : memref<!tpu.dma_semaphore, #tpu.memory_space<semaphore_mem>>
        %dma_start3A_320 = arith.constant 0 : i32
        %dma_start3A_321 = tpu.memref_slice %arg18[%multiple_of3A_319, %dma_start3A_320] : memref<10000x128xf32, #tpu.memory_space<vmem_shared>> -> memref<40x128xf32, #tpu.memory_space<vmem_shared>>
        %dma_start3A_322 = arith.constant 0 : i32
        %dma_start3A_323 = tpu.memref_slice %arg18[%multiple_of3A_319, %dma_start3A_322] : memref<10000x128xf32, #tpu.memory_space<vmem_shared>> -> memref<40x128xf32, #tpu.memory_space<vmem_shared>>
        tpu.enqueue_dma source(%arg12 : memref<40x128xf32, #tpu.memory_space<vmem>>) target(%dma_start3A_323 : memref<40x128xf32, #tpu.memory_space<vmem_shared>>) target_semaphore(%run_scoped3A : memref<!tpu.dma_semaphore, #tpu.memory_space<semaphore_mem>>)
        %dma_wait3A_324 = arith.constant 0 : i32
        %dma_wait3A_325 = tpu.memref_slice %arg18[%multiple_of3A_319, %dma_wait3A_324] : memref<10000x128xf32, #tpu.memory_space<vmem_shared>> -> memref<40x128xf32, #tpu.memory_space<vmem_shared>>
        %dma_wait3A_326 = arith.constant 0 : i32
        %dma_wait3A_327 = tpu.memref_slice %arg18[%multiple_of3A_319, %dma_wait3A_326] : memref<10000x128xf32, #tpu.memory_space<vmem_shared>> -> memref<40x128xf32, #tpu.memory_space<vmem_shared>>
        tpu.wait_dma2 semaphore(%run_scoped3A : memref<!tpu.dma_semaphore, #tpu.memory_space<semaphore_mem>>) src(%arg12 : memref<40x128xf32, #tpu.memory_space<vmem>>) dst(%dma_wait3A_327 : memref<40x128xf32, #tpu.memory_space<vmem_shared>>)
        tpu.yield
      }) : () -> ()
    } else {
    }
    %add3A_41 = arith.constant 80 : i32
    %add3A_42 = arith.addi %arg1, %add3A_41 : i32
    %lt3A_43 = arith.constant 250 : i32
    %lt3A_44 = arith.cmpi slt, %add3A_42, %lt3A_43 : i32
    %convert_element_type3A_45 = arith.extui %lt3A_44 : i1 to i32
    %cond3A_46 = arith.constant 0 : i32
    %cond3A_47 = arith.cmpi ne, %convert_element_type3A_45, %cond3A_46 : i32
    scf.if %cond3A_47 {
      %mul3A_317 = arith.constant 40 : i32
      %mul3A_318 = arith.muli %add3A_42, %mul3A_317 : i32
      %multiple_of3A_319 = tpu.assume_multiple %mul3A_318, 8 : i32
      "tpu.region"() ({
        %run_scoped3A = tpu.sem_alloc : memref<!tpu.dma_semaphore, #tpu.memory_space<semaphore_mem>>
        %dma_start3A_320 = arith.constant 0 : i32
        %dma_start3A_321 = tpu.memref_slice %arg18[%multiple_of3A_319, %dma_start3A_320] : memref<10000x128xf32, #tpu.memory_space<vmem_shared>> -> memref<40x128xf32, #tpu.memory_space<vmem_shared>>
        %dma_start3A_322 = arith.constant 0 : i32
        %dma_start3A_323 = tpu.memref_slice %arg18[%multiple_of3A_319, %dma_start3A_322] : memref<10000x128xf32, #tpu.memory_space<vmem_shared>> -> memref<40x128xf32, #tpu.memory_space<vmem_shared>>
        tpu.enqueue_dma source(%arg12 : memref<40x128xf32, #tpu.memory_space<vmem>>) target(%dma_start3A_323 : memref<40x128xf32, #tpu.memory_space<vmem_shared>>) target_semaphore(%run_scoped3A : memref<!tpu.dma_semaphore, #tpu.memory_space<semaphore_mem>>)
        %dma_wait3A_324 = arith.constant 0 : i32
        %dma_wait3A_325 = tpu.memref_slice %arg18[%multiple_of3A_319, %dma_wait3A_324] : memref<10000x128xf32, #tpu.memory_space<vmem_shared>> -> memref<40x128xf32, #tpu.memory_space<vmem_shared>>
        %dma_wait3A_326 = arith.constant 0 : i32
        %dma_wait3A_327 = tpu.memref_slice %arg18[%multiple_of3A_319, %dma_wait3A_326] : memref<10000x128xf32, #tpu.memory_space<vmem_shared>> -> memref<40x128xf32, #tpu.memory_space<vmem_shared>>
        tpu.wait_dma2 semaphore(%run_scoped3A : memref<!tpu.dma_semaphore, #tpu.memory_space<semaphore_mem>>) src(%arg12 : memref<40x128xf32, #tpu.memory_space<vmem>>) dst(%dma_wait3A_327 : memref<40x128xf32, #tpu.memory_space<vmem_shared>>)
        tpu.yield
      }) : () -> ()
    } else {
    }
    %add3A_48 = arith.constant 96 : i32
    %add3A_49 = arith.addi %arg1, %add3A_48 : i32
    %lt3A_50 = arith.constant 250 : i32
    %lt3A_51 = arith.cmpi slt, %add3A_49, %lt3A_50 : i32
    %convert_element_type3A_52 = arith.extui %lt3A_51 : i1 to i32
    %cond3A_53 = arith.constant 0 : i32
    %cond3A_54 = arith.cmpi ne, %convert_element_type3A_52, %cond3A_53 : i32
    scf.if %cond3A_54 {
      %mul3A_317 = arith.constant 40 : i32
      %mul3A_318 = arith.muli %add3A_49, %mul3A_317 : i32
      %multiple_of3A_319 = tpu.assume_multiple %mul3A_318, 8 : i32
      "tpu.region"() ({
        %run_scoped3A = tpu.sem_alloc : memref<!tpu.dma_semaphore, #tpu.memory_space<semaphore_mem>>
        %dma_start3A_320 = arith.constant 0 : i32
        %dma_start3A_321 = tpu.memref_slice %arg18[%multiple_of3A_319, %dma_start3A_320] : memref<10000x128xf32, #tpu.memory_space<vmem_shared>> -> memref<40x128xf32, #tpu.memory_space<vmem_shared>>
        %dma_start3A_322 = arith.constant 0 : i32
        %dma_start3A_323 = tpu.memref_slice %arg18[%multiple_of3A_319, %dma_start3A_322] : memref<10000x128xf32, #tpu.memory_space<vmem_shared>> -> memref<40x128xf32, #tpu.memory_space<vmem_shared>>
        tpu.enqueue_dma source(%arg12 : memref<40x128xf32, #tpu.memory_space<vmem>>) target(%dma_start3A_323 : memref<40x128xf32, #tpu.memory_space<vmem_shared>>) target_semaphore(%run_scoped3A : memref<!tpu.dma_semaphore, #tpu.memory_space<semaphore_mem>>)
        %dma_wait3A_324 = arith.constant 0 : i32
        %dma_wait3A_325 = tpu.memref_slice %arg18[%multiple_of3A_319, %dma_wait3A_324] : memref<10000x128xf32, #tpu.memory_space<vmem_shared>> -> memref<40x128xf32, #tpu.memory_space<vmem_shared>>
        %dma_wait3A_326 = arith.constant 0 : i32
        %dma_wait3A_327 = tpu.memref_slice %arg18[%multiple_of3A_319, %dma_wait3A_326] : memref<10000x128xf32, #tpu.memory_space<vmem_shared>> -> memref<40x128xf32, #tpu.memory_space<vmem_shared>>
        tpu.wait_dma2 semaphore(%run_scoped3A : memref<!tpu.dma_semaphore, #tpu.memory_space<semaphore_mem>>) src(%arg12 : memref<40x128xf32, #tpu.memory_space<vmem>>) dst(%dma_wait3A_327 : memref<40x128xf32, #tpu.memory_space<vmem_shared>>)
        tpu.yield
      }) : () -> ()
    } else {
    }
    %add3A_55 = arith.constant 112 : i32
    %add3A_56 = arith.addi %arg1, %add3A_55 : i32
    %lt3A_57 = arith.constant 250 : i32
    %lt3A_58 = arith.cmpi slt, %add3A_56, %lt3A_57 : i32
    %convert_element_type3A_59 = arith.extui %lt3A_58 : i1 to i32
    %cond3A_60 = arith.constant 0 : i32
    %cond3A_61 = arith.cmpi ne, %convert_element_type3A_59, %cond3A_60 : i32
    scf.if %cond3A_61 {
      %mul3A_317 = arith.constant 40 : i32
      %mul3A_318 = arith.muli %add3A_56, %mul3A_317 : i32
      %multiple_of3A_319 = tpu.assume_multiple %mul3A_318, 8 : i32
      "tpu.region"() ({
        %run_scoped3A = tpu.sem_alloc : memref<!tpu.dma_semaphore, #tpu.memory_space<semaphore_mem>>
        %dma_start3A_320 = arith.constant 0 : i32
        %dma_start3A_321 = tpu.memref_slice %arg18[%multiple_of3A_319, %dma_start3A_320] : memref<10000x128xf32, #tpu.memory_space<vmem_shared>> -> memref<40x128xf32, #tpu.memory_space<vmem_shared>>
        %dma_start3A_322 = arith.constant 0 : i32
        %dma_start3A_323 = tpu.memref_slice %arg18[%multiple_of3A_319, %dma_start3A_322] : memref<10000x128xf32, #tpu.memory_space<vmem_shared>> -> memref<40x128xf32, #tpu.memory_space<vmem_shared>>
        tpu.enqueue_dma source(%arg12 : memref<40x128xf32, #tpu.memory_space<vmem>>) target(%dma_start3A_323 : memref<40x128xf32, #tpu.memory_space<vmem_shared>>) target_semaphore(%run_scoped3A : memref<!tpu.dma_semaphore, #tpu.memory_space<semaphore_mem>>)
        %dma_wait3A_324 = arith.constant 0 : i32
        %dma_wait3A_325 = tpu.memref_slice %arg18[%multiple_of3A_319, %dma_wait3A_324] : memref<10000x128xf32, #tpu.memory_space<vmem_shared>> -> memref<40x128xf32, #tpu.memory_space<vmem_shared>>
        %dma_wait3A_326 = arith.constant 0 : i32
        %dma_wait3A_327 = tpu.memref_slice %arg18[%multiple_of3A_319, %dma_wait3A_326] : memref<10000x128xf32, #tpu.memory_space<vmem_shared>> -> memref<40x128xf32, #tpu.memory_space<vmem_shared>>
        tpu.wait_dma2 semaphore(%run_scoped3A : memref<!tpu.dma_semaphore, #tpu.memory_space<semaphore_mem>>) src(%arg12 : memref<40x128xf32, #tpu.memory_space<vmem>>) dst(%dma_wait3A_327 : memref<40x128xf32, #tpu.memory_space<vmem_shared>>)
        tpu.yield
      }) : () -> ()
    } else {
    }
    %add3A_62 = arith.constant 128 : i32
    %add3A_63 = arith.addi %arg1, %add3A_62 : i32
    %lt3A_64 = arith.constant 250 : i32
    %lt3A_65 = arith.cmpi slt, %add3A_63, %lt3A_64 : i32
    %convert_element_type3A_66 = arith.extui %lt3A_65 : i1 to i32
    %cond3A_67 = arith.constant 0 : i32
    %cond3A_68 = arith.cmpi ne, %convert_element_type3A_66, %cond3A_67 : i32
    scf.if %cond3A_68 {
      %mul3A_317 = arith.constant 40 : i32
      %mul3A_318 = arith.muli %add3A_63, %mul3A_317 : i32
      %multiple_of3A_319 = tpu.assume_multiple %mul3A_318, 8 : i32
      "tpu.region"() ({
        %run_scoped3A = tpu.sem_alloc : memref<!tpu.dma_semaphore, #tpu.memory_space<semaphore_mem>>
        %dma_start3A_320 = arith.constant 0 : i32
        %dma_start3A_321 = tpu.memref_slice %arg18[%multiple_of3A_319, %dma_start3A_320] : memref<10000x128xf32, #tpu.memory_space<vmem_shared>> -> memref<40x128xf32, #tpu.memory_space<vmem_shared>>
        %dma_start3A_322 = arith.constant 0 : i32
        %dma_start3A_323 = tpu.memref_slice %arg18[%multiple_of3A_319, %dma_start3A_322] : memref<10000x128xf32, #tpu.memory_space<vmem_shared>> -> memref<40x128xf32, #tpu.memory_space<vmem_shared>>
        tpu.enqueue_dma source(%arg12 : memref<40x128xf32, #tpu.memory_space<vmem>>) target(%dma_start3A_323 : memref<40x128xf32, #tpu.memory_space<vmem_shared>>) target_semaphore(%run_scoped3A : memref<!tpu.dma_semaphore, #tpu.memory_space<semaphore_mem>>)
        %dma_wait3A_324 = arith.constant 0 : i32
        %dma_wait3A_325 = tpu.memref_slice %arg18[%multiple_of3A_319, %dma_wait3A_324] : memref<10000x128xf32, #tpu.memory_space<vmem_shared>> -> memref<40x128xf32, #tpu.memory_space<vmem_shared>>
        %dma_wait3A_326 = arith.constant 0 : i32
        %dma_wait3A_327 = tpu.memref_slice %arg18[%multiple_of3A_319, %dma_wait3A_326] : memref<10000x128xf32, #tpu.memory_space<vmem_shared>> -> memref<40x128xf32, #tpu.memory_space<vmem_shared>>
        tpu.wait_dma2 semaphore(%run_scoped3A : memref<!tpu.dma_semaphore, #tpu.memory_space<semaphore_mem>>) src(%arg12 : memref<40x128xf32, #tpu.memory_space<vmem>>) dst(%dma_wait3A_327 : memref<40x128xf32, #tpu.memory_space<vmem_shared>>)
        tpu.yield
      }) : () -> ()
    } else {
    }
    %add3A_69 = arith.constant 144 : i32
    %add3A_70 = arith.addi %arg1, %add3A_69 : i32
    %lt3A_71 = arith.constant 250 : i32
    %lt3A_72 = arith.cmpi slt, %add3A_70, %lt3A_71 : i32
    %convert_element_type3A_73 = arith.extui %lt3A_72 : i1 to i32
    %cond3A_74 = arith.constant 0 : i32
    %cond3A_75 = arith.cmpi ne, %convert_element_type3A_73, %cond3A_74 : i32
    scf.if %cond3A_75 {
      %mul3A_317 = arith.constant 40 : i32
      %mul3A_318 = arith.muli %add3A_70, %mul3A_317 : i32
      %multiple_of3A_319 = tpu.assume_multiple %mul3A_318, 8 : i32
      "tpu.region"() ({
        %run_scoped3A = tpu.sem_alloc : memref<!tpu.dma_semaphore, #tpu.memory_space<semaphore_mem>>
        %dma_start3A_320 = arith.constant 0 : i32
        %dma_start3A_321 = tpu.memref_slice %arg18[%multiple_of3A_319, %dma_start3A_320] : memref<10000x128xf32, #tpu.memory_space<vmem_shared>> -> memref<40x128xf32, #tpu.memory_space<vmem_shared>>
        %dma_start3A_322 = arith.constant 0 : i32
        %dma_start3A_323 = tpu.memref_slice %arg18[%multiple_of3A_319, %dma_start3A_322] : memref<10000x128xf32, #tpu.memory_space<vmem_shared>> -> memref<40x128xf32, #tpu.memory_space<vmem_shared>>
        tpu.enqueue_dma source(%arg12 : memref<40x128xf32, #tpu.memory_space<vmem>>) target(%dma_start3A_323 : memref<40x128xf32, #tpu.memory_space<vmem_shared>>) target_semaphore(%run_scoped3A : memref<!tpu.dma_semaphore, #tpu.memory_space<semaphore_mem>>)
        %dma_wait3A_324 = arith.constant 0 : i32
        %dma_wait3A_325 = tpu.memref_slice %arg18[%multiple_of3A_319, %dma_wait3A_324] : memref<10000x128xf32, #tpu.memory_space<vmem_shared>> -> memref<40x128xf32, #tpu.memory_space<vmem_shared>>
        %dma_wait3A_326 = arith.constant 0 : i32
        %dma_wait3A_327 = tpu.memref_slice %arg18[%multiple_of3A_319, %dma_wait3A_326] : memref<10000x128xf32, #tpu.memory_space<vmem_shared>> -> memref<40x128xf32, #tpu.memory_space<vmem_shared>>
        tpu.wait_dma2 semaphore(%run_scoped3A : memref<!tpu.dma_semaphore, #tpu.memory_space<semaphore_mem>>) src(%arg12 : memref<40x128xf32, #tpu.memory_space<vmem>>) dst(%dma_wait3A_327 : memref<40x128xf32, #tpu.memory_space<vmem_shared>>)
        tpu.yield
      }) : () -> ()
    } else {
    }
    %add3A_76 = arith.constant 160 : i32
    %add3A_77 = arith.addi %arg1, %add3A_76 : i32
    %lt3A_78 = arith.constant 250 : i32
    %lt3A_79 = arith.cmpi slt, %add3A_77, %lt3A_78 : i32
    %convert_element_type3A_80 = arith.extui %lt3A_79 : i1 to i32
    %cond3A_81 = arith.constant 0 : i32
    %cond3A_82 = arith.cmpi ne, %convert_element_type3A_80, %cond3A_81 : i32
    scf.if %cond3A_82 {
      %mul3A_317 = arith.constant 40 : i32
      %mul3A_318 = arith.muli %add3A_77, %mul3A_317 : i32
      %multiple_of3A_319 = tpu.assume_multiple %mul3A_318, 8 : i32
      "tpu.region"() ({
        %run_scoped3A = tpu.sem_alloc : memref<!tpu.dma_semaphore, #tpu.memory_space<semaphore_mem>>
        %dma_start3A_320 = arith.constant 0 : i32
        %dma_start3A_321 = tpu.memref_slice %arg18[%multiple_of3A_319, %dma_start3A_320] : memref<10000x128xf32, #tpu.memory_space<vmem_shared>> -> memref<40x128xf32, #tpu.memory_space<vmem_shared>>
        %dma_start3A_322 = arith.constant 0 : i32
        %dma_start3A_323 = tpu.memref_slice %arg18[%multiple_of3A_319, %dma_start3A_322] : memref<10000x128xf32, #tpu.memory_space<vmem_shared>> -> memref<40x128xf32, #tpu.memory_space<vmem_shared>>
        tpu.enqueue_dma source(%arg12 : memref<40x128xf32, #tpu.memory_space<vmem>>) target(%dma_start3A_323 : memref<40x128xf32, #tpu.memory_space<vmem_shared>>) target_semaphore(%run_scoped3A : memref<!tpu.dma_semaphore, #tpu.memory_space<semaphore_mem>>)
        %dma_wait3A_324 = arith.constant 0 : i32
        %dma_wait3A_325 = tpu.memref_slice %arg18[%multiple_of3A_319, %dma_wait3A_324] : memref<10000x128xf32, #tpu.memory_space<vmem_shared>> -> memref<40x128xf32, #tpu.memory_space<vmem_shared>>
        %dma_wait3A_326 = arith.constant 0 : i32
        %dma_wait3A_327 = tpu.memref_slice %arg18[%multiple_of3A_319, %dma_wait3A_326] : memref<10000x128xf32, #tpu.memory_space<vmem_shared>> -> memref<40x128xf32, #tpu.memory_space<vmem_shared>>
        tpu.wait_dma2 semaphore(%run_scoped3A : memref<!tpu.dma_semaphore, #tpu.memory_space<semaphore_mem>>) src(%arg12 : memref<40x128xf32, #tpu.memory_space<vmem>>) dst(%dma_wait3A_327 : memref<40x128xf32, #tpu.memory_space<vmem_shared>>)
        tpu.yield
      }) : () -> ()
    } else {
    }
    %add3A_83 = arith.constant 176 : i32
    %add3A_84 = arith.addi %arg1, %add3A_83 : i32
    %lt3A_85 = arith.constant 250 : i32
    %lt3A_86 = arith.cmpi slt, %add3A_84, %lt3A_85 : i32
    %convert_element_type3A_87 = arith.extui %lt3A_86 : i1 to i32
    %cond3A_88 = arith.constant 0 : i32
    %cond3A_89 = arith.cmpi ne, %convert_element_type3A_87, %cond3A_88 : i32
    scf.if %cond3A_89 {
      %mul3A_317 = arith.constant 40 : i32
      %mul3A_318 = arith.muli %add3A_84, %mul3A_317 : i32
      %multiple_of3A_319 = tpu.assume_multiple %mul3A_318, 8 : i32
      "tpu.region"() ({
        %run_scoped3A = tpu.sem_alloc : memref<!tpu.dma_semaphore, #tpu.memory_space<semaphore_mem>>
        %dma_start3A_320 = arith.constant 0 : i32
        %dma_start3A_321 = tpu.memref_slice %arg18[%multiple_of3A_319, %dma_start3A_320] : memref<10000x128xf32, #tpu.memory_space<vmem_shared>> -> memref<40x128xf32, #tpu.memory_space<vmem_shared>>
        %dma_start3A_322 = arith.constant 0 : i32
        %dma_start3A_323 = tpu.memref_slice %arg18[%multiple_of3A_319, %dma_start3A_322] : memref<10000x128xf32, #tpu.memory_space<vmem_shared>> -> memref<40x128xf32, #tpu.memory_space<vmem_shared>>
        tpu.enqueue_dma source(%arg12 : memref<40x128xf32, #tpu.memory_space<vmem>>) target(%dma_start3A_323 : memref<40x128xf32, #tpu.memory_space<vmem_shared>>) target_semaphore(%run_scoped3A : memref<!tpu.dma_semaphore, #tpu.memory_space<semaphore_mem>>)
        %dma_wait3A_324 = arith.constant 0 : i32
        %dma_wait3A_325 = tpu.memref_slice %arg18[%multiple_of3A_319, %dma_wait3A_324] : memref<10000x128xf32, #tpu.memory_space<vmem_shared>> -> memref<40x128xf32, #tpu.memory_space<vmem_shared>>
        %dma_wait3A_326 = arith.constant 0 : i32
        %dma_wait3A_327 = tpu.memref_slice %arg18[%multiple_of3A_319, %dma_wait3A_326] : memref<10000x128xf32, #tpu.memory_space<vmem_shared>> -> memref<40x128xf32, #tpu.memory_space<vmem_shared>>
        tpu.wait_dma2 semaphore(%run_scoped3A : memref<!tpu.dma_semaphore, #tpu.memory_space<semaphore_mem>>) src(%arg12 : memref<40x128xf32, #tpu.memory_space<vmem>>) dst(%dma_wait3A_327 : memref<40x128xf32, #tpu.memory_space<vmem_shared>>)
        tpu.yield
      }) : () -> ()
    } else {
    }
    %add3A_90 = arith.constant 192 : i32
    %add3A_91 = arith.addi %arg1, %add3A_90 : i32
    %lt3A_92 = arith.constant 250 : i32
    %lt3A_93 = arith.cmpi slt, %add3A_91, %lt3A_92 : i32
    %convert_element_type3A_94 = arith.extui %lt3A_93 : i1 to i32
    %cond3A_95 = arith.constant 0 : i32
    %cond3A_96 = arith.cmpi ne, %convert_element_type3A_94, %cond3A_95 : i32
    scf.if %cond3A_96 {
      %mul3A_317 = arith.constant 40 : i32
      %mul3A_318 = arith.muli %add3A_91, %mul3A_317 : i32
      %multiple_of3A_319 = tpu.assume_multiple %mul3A_318, 8 : i32
      "tpu.region"() ({
        %run_scoped3A = tpu.sem_alloc : memref<!tpu.dma_semaphore, #tpu.memory_space<semaphore_mem>>
        %dma_start3A_320 = arith.constant 0 : i32
        %dma_start3A_321 = tpu.memref_slice %arg18[%multiple_of3A_319, %dma_start3A_320] : memref<10000x128xf32, #tpu.memory_space<vmem_shared>> -> memref<40x128xf32, #tpu.memory_space<vmem_shared>>
        %dma_start3A_322 = arith.constant 0 : i32
        %dma_start3A_323 = tpu.memref_slice %arg18[%multiple_of3A_319, %dma_start3A_322] : memref<10000x128xf32, #tpu.memory_space<vmem_shared>> -> memref<40x128xf32, #tpu.memory_space<vmem_shared>>
        tpu.enqueue_dma source(%arg12 : memref<40x128xf32, #tpu.memory_space<vmem>>) target(%dma_start3A_323 : memref<40x128xf32, #tpu.memory_space<vmem_shared>>) target_semaphore(%run_scoped3A : memref<!tpu.dma_semaphore, #tpu.memory_space<semaphore_mem>>)
        %dma_wait3A_324 = arith.constant 0 : i32
        %dma_wait3A_325 = tpu.memref_slice %arg18[%multiple_of3A_319, %dma_wait3A_324] : memref<10000x128xf32, #tpu.memory_space<vmem_shared>> -> memref<40x128xf32, #tpu.memory_space<vmem_shared>>
        %dma_wait3A_326 = arith.constant 0 : i32
        %dma_wait3A_327 = tpu.memref_slice %arg18[%multiple_of3A_319, %dma_wait3A_326] : memref<10000x128xf32, #tpu.memory_space<vmem_shared>> -> memref<40x128xf32, #tpu.memory_space<vmem_shared>>
        tpu.wait_dma2 semaphore(%run_scoped3A : memref<!tpu.dma_semaphore, #tpu.memory_space<semaphore_mem>>) src(%arg12 : memref<40x128xf32, #tpu.memory_space<vmem>>) dst(%dma_wait3A_327 : memref<40x128xf32, #tpu.memory_space<vmem_shared>>)
        tpu.yield
      }) : () -> ()
    } else {
    }
    %add3A_97 = arith.constant 208 : i32
    %add3A_98 = arith.addi %arg1, %add3A_97 : i32
    %lt3A_99 = arith.constant 250 : i32
    %lt3A_100 = arith.cmpi slt, %add3A_98, %lt3A_99 : i32
    %convert_element_type3A_101 = arith.extui %lt3A_100 : i1 to i32
    %cond3A_102 = arith.constant 0 : i32
    %cond3A_103 = arith.cmpi ne, %convert_element_type3A_101, %cond3A_102 : i32
    scf.if %cond3A_103 {
      %mul3A_317 = arith.constant 40 : i32
      %mul3A_318 = arith.muli %add3A_98, %mul3A_317 : i32
      %multiple_of3A_319 = tpu.assume_multiple %mul3A_318, 8 : i32
      "tpu.region"() ({
        %run_scoped3A = tpu.sem_alloc : memref<!tpu.dma_semaphore, #tpu.memory_space<semaphore_mem>>
        %dma_start3A_320 = arith.constant 0 : i32
        %dma_start3A_321 = tpu.memref_slice %arg18[%multiple_of3A_319, %dma_start3A_320] : memref<10000x128xf32, #tpu.memory_space<vmem_shared>> -> memref<40x128xf32, #tpu.memory_space<vmem_shared>>
        %dma_start3A_322 = arith.constant 0 : i32
        %dma_start3A_323 = tpu.memref_slice %arg18[%multiple_of3A_319, %dma_start3A_322] : memref<10000x128xf32, #tpu.memory_space<vmem_shared>> -> memref<40x128xf32, #tpu.memory_space<vmem_shared>>
        tpu.enqueue_dma source(%arg12 : memref<40x128xf32, #tpu.memory_space<vmem>>) target(%dma_start3A_323 : memref<40x128xf32, #tpu.memory_space<vmem_shared>>) target_semaphore(%run_scoped3A : memref<!tpu.dma_semaphore, #tpu.memory_space<semaphore_mem>>)
        %dma_wait3A_324 = arith.constant 0 : i32
        %dma_wait3A_325 = tpu.memref_slice %arg18[%multiple_of3A_319, %dma_wait3A_324] : memref<10000x128xf32, #tpu.memory_space<vmem_shared>> -> memref<40x128xf32, #tpu.memory_space<vmem_shared>>
        %dma_wait3A_326 = arith.constant 0 : i32
        %dma_wait3A_327 = tpu.memref_slice %arg18[%multiple_of3A_319, %dma_wait3A_326] : memref<10000x128xf32, #tpu.memory_space<vmem_shared>> -> memref<40x128xf32, #tpu.memory_space<vmem_shared>>
        tpu.wait_dma2 semaphore(%run_scoped3A : memref<!tpu.dma_semaphore, #tpu.memory_space<semaphore_mem>>) src(%arg12 : memref<40x128xf32, #tpu.memory_space<vmem>>) dst(%dma_wait3A_327 : memref<40x128xf32, #tpu.memory_space<vmem_shared>>)
        tpu.yield
      }) : () -> ()
    } else {
    }
    %add3A_104 = arith.constant 224 : i32
    %add3A_105 = arith.addi %arg1, %add3A_104 : i32
    %lt3A_106 = arith.constant 250 : i32
    %lt3A_107 = arith.cmpi slt, %add3A_105, %lt3A_106 : i32
    %convert_element_type3A_108 = arith.extui %lt3A_107 : i1 to i32
    %cond3A_109 = arith.constant 0 : i32
    %cond3A_110 = arith.cmpi ne, %convert_element_type3A_108, %cond3A_109 : i32
    scf.if %cond3A_110 {
      %mul3A_317 = arith.constant 40 : i32
      %mul3A_318 = arith.muli %add3A_105, %mul3A_317 : i32
      %multiple_of3A_319 = tpu.assume_multiple %mul3A_318, 8 : i32
      "tpu.region"() ({
        %run_scoped3A = tpu.sem_alloc : memref<!tpu.dma_semaphore, #tpu.memory_space<semaphore_mem>>
        %dma_start3A_320 = arith.constant 0 : i32
        %dma_start3A_321 = tpu.memref_slice %arg18[%multiple_of3A_319, %dma_start3A_320] : memref<10000x128xf32, #tpu.memory_space<vmem_shared>> -> memref<40x128xf32, #tpu.memory_space<vmem_shared>>
        %dma_start3A_322 = arith.constant 0 : i32
        %dma_start3A_323 = tpu.memref_slice %arg18[%multiple_of3A_319, %dma_start3A_322] : memref<10000x128xf32, #tpu.memory_space<vmem_shared>> -> memref<40x128xf32, #tpu.memory_space<vmem_shared>>
        tpu.enqueue_dma source(%arg12 : memref<40x128xf32, #tpu.memory_space<vmem>>) target(%dma_start3A_323 : memref<40x128xf32, #tpu.memory_space<vmem_shared>>) target_semaphore(%run_scoped3A : memref<!tpu.dma_semaphore, #tpu.memory_space<semaphore_mem>>)
        %dma_wait3A_324 = arith.constant 0 : i32
        %dma_wait3A_325 = tpu.memref_slice %arg18[%multiple_of3A_319, %dma_wait3A_324] : memref<10000x128xf32, #tpu.memory_space<vmem_shared>> -> memref<40x128xf32, #tpu.memory_space<vmem_shared>>
        %dma_wait3A_326 = arith.constant 0 : i32
        %dma_wait3A_327 = tpu.memref_slice %arg18[%multiple_of3A_319, %dma_wait3A_326] : memref<10000x128xf32, #tpu.memory_space<vmem_shared>> -> memref<40x128xf32, #tpu.memory_space<vmem_shared>>
        tpu.wait_dma2 semaphore(%run_scoped3A : memref<!tpu.dma_semaphore, #tpu.memory_space<semaphore_mem>>) src(%arg12 : memref<40x128xf32, #tpu.memory_space<vmem>>) dst(%dma_wait3A_327 : memref<40x128xf32, #tpu.memory_space<vmem_shared>>)
        tpu.yield
      }) : () -> ()
    } else {
    }
    %add3A_111 = arith.constant 240 : i32
    %add3A_112 = arith.addi %arg1, %add3A_111 : i32
    %lt3A_113 = arith.constant 250 : i32
    %lt3A_114 = arith.cmpi slt, %add3A_112, %lt3A_113 : i32
    %convert_element_type3A_115 = arith.extui %lt3A_114 : i1 to i32
    %cond3A_116 = arith.constant 0 : i32
    %cond3A_117 = arith.cmpi ne, %convert_element_type3A_115, %cond3A_116 : i32
    scf.if %cond3A_117 {
      %mul3A_317 = arith.constant 40 : i32
      %mul3A_318 = arith.muli %add3A_112, %mul3A_317 : i32
      %multiple_of3A_319 = tpu.assume_multiple %mul3A_318, 8 : i32
      "tpu.region"() ({
        %run_scoped3A = tpu.sem_alloc : memref<!tpu.dma_semaphore, #tpu.memory_space<semaphore_mem>>
        %dma_start3A_320 = arith.constant 0 : i32
        %dma_start3A_321 = tpu.memref_slice %arg18[%multiple_of3A_319, %dma_start3A_320] : memref<10000x128xf32, #tpu.memory_space<vmem_shared>> -> memref<40x128xf32, #tpu.memory_space<vmem_shared>>
        %dma_start3A_322 = arith.constant 0 : i32
        %dma_start3A_323 = tpu.memref_slice %arg18[%multiple_of3A_319, %dma_start3A_322] : memref<10000x128xf32, #tpu.memory_space<vmem_shared>> -> memref<40x128xf32, #tpu.memory_space<vmem_shared>>
        tpu.enqueue_dma source(%arg12 : memref<40x128xf32, #tpu.memory_space<vmem>>) target(%dma_start3A_323 : memref<40x128xf32, #tpu.memory_space<vmem_shared>>) target_semaphore(%run_scoped3A : memref<!tpu.dma_semaphore, #tpu.memory_space<semaphore_mem>>)
        %dma_wait3A_324 = arith.constant 0 : i32
        %dma_wait3A_325 = tpu.memref_slice %arg18[%multiple_of3A_319, %dma_wait3A_324] : memref<10000x128xf32, #tpu.memory_space<vmem_shared>> -> memref<40x128xf32, #tpu.memory_space<vmem_shared>>
        %dma_wait3A_326 = arith.constant 0 : i32
        %dma_wait3A_327 = tpu.memref_slice %arg18[%multiple_of3A_319, %dma_wait3A_326] : memref<10000x128xf32, #tpu.memory_space<vmem_shared>> -> memref<40x128xf32, #tpu.memory_space<vmem_shared>>
        tpu.wait_dma2 semaphore(%run_scoped3A : memref<!tpu.dma_semaphore, #tpu.memory_space<semaphore_mem>>) src(%arg12 : memref<40x128xf32, #tpu.memory_space<vmem>>) dst(%dma_wait3A_327 : memref<40x128xf32, #tpu.memory_space<vmem_shared>>)
        tpu.yield
      }) : () -> ()
    } else {
    }
    %dma_wait3A = tpu.memref_slice %arg3[%multiple_of3A] : memref<320000xi32, #tpu.memory_space<hbm>> -> memref<10000xi32, #tpu.memory_space<hbm>>
    %dma_wait3A_118 = tpu.memref_slice %arg3[%multiple_of3A] : memref<320000xi32, #tpu.memory_space<hbm>> -> memref<10000xi32, #tpu.memory_space<hbm>>
    tpu.wait_dma2 semaphore(%arg19 : memref<!tpu.dma_semaphore, #tpu.memory_space<semaphore_mem>>) src(%dma_wait3A_118 : memref<10000xi32, #tpu.memory_space<hbm>>) dst(%arg7 : memref<10000xi32, #tpu.memory_space<vmem>>)
    %barrier3A = arith.constant 0 : index
    tpu.barrier barrier_id(%barrier3A)
    %add3A_119 = arith.constant 0 : i32
    %add3A_120 = arith.addi %mul3A_2, %add3A_119 : i32
    %multiple_of3A_121 = tpu.assume_multiple %add3A_120, 8 : i32
    %dma_start3A_122 = tpu.memref_slice %arg4[%multiple_of3A_121] : memref<320000xi32, #tpu.memory_space<hbm>> -> memref<40xi32, #tpu.memory_space<hbm>>
    %dma_start3A_123 = tpu.memref_slice %arg4[%multiple_of3A_121] : memref<320000xi32, #tpu.memory_space<hbm>> -> memref<40xi32, #tpu.memory_space<hbm>>
    tpu.enqueue_dma source(%dma_start3A_123 : memref<40xi32, #tpu.memory_space<hbm>>) target(%arg8 : memref<40xi32, #tpu.memory_space<vmem>>) target_semaphore(%arg20 : memref<!tpu.dma_semaphore, #tpu.memory_space<semaphore_mem>>)
    %dma_start3A_124 = arith.constant 0 : i32
    %dma_start3A_125 = tpu.memref_slice %arg5[%multiple_of3A_121, %dma_start3A_124] : memref<320000x128xf32, #tpu.memory_space<hbm>> -> memref<40x128xf32, #tpu.memory_space<hbm>>
    %dma_start3A_126 = arith.constant 0 : i32
    %dma_start3A_127 = tpu.memref_slice %arg5[%multiple_of3A_121, %dma_start3A_126] : memref<320000x128xf32, #tpu.memory_space<hbm>> -> memref<40x128xf32, #tpu.memory_space<hbm>>
    tpu.enqueue_dma source(%dma_start3A_127 : memref<40x128xf32, #tpu.memory_space<hbm>>) target(%arg16 : memref<40x128xf32, #tpu.memory_space<vmem>>) target_semaphore(%arg28 : memref<!tpu.dma_semaphore, #tpu.memory_space<semaphore_mem>>)
    %dma_start3A_128 = arith.constant 0 : i32
    %dma_start3A_129 = tpu.memref_slice %arg7[%dma_start3A_128] : memref<10000xi32, #tpu.memory_space<vmem>> -> memref<40xi32, #tpu.memory_space<vmem>>
    %dma_start3A_130 = arith.constant 0 : i32
    %dma_start3A_131 = arith.constant 0 : i32
    %dma_start3A_132 = tpu.memref_slice %arg2[%dma_start3A_130, %dma_start3A_131] : memref<10000x128xf32, #tpu.memory_space<hbm>> -> memref<10000x128xf32, #tpu.memory_space<hbm>>
    tpu.enqueue_indirect_dma source(%dma_start3A_132 : memref<10000x128xf32, #tpu.memory_space<hbm>>) target(%arg12 : memref<40x128xf32, #tpu.memory_space<vmem>>) offsets(%dma_start3A_129 : memref<40xi32, #tpu.memory_space<vmem>>) semaphore(%arg24 : memref<!tpu.dma_semaphore, #tpu.memory_space<semaphore_mem>>)
    %add3A_133 = arith.constant 40 : i32
    %add3A_134 = arith.addi %mul3A_2, %add3A_133 : i32
    %multiple_of3A_135 = tpu.assume_multiple %add3A_134, 8 : i32
    %dma_start3A_136 = tpu.memref_slice %arg4[%multiple_of3A_135] : memref<320000xi32, #tpu.memory_space<hbm>> -> memref<40xi32, #tpu.memory_space<hbm>>
    %dma_start3A_137 = tpu.memref_slice %arg4[%multiple_of3A_135] : memref<320000xi32, #tpu.memory_space<hbm>> -> memref<40xi32, #tpu.memory_space<hbm>>
    tpu.enqueue_dma source(%dma_start3A_137 : memref<40xi32, #tpu.memory_space<hbm>>) target(%arg9 : memref<40xi32, #tpu.memory_space<vmem>>) target_semaphore(%arg21 : memref<!tpu.dma_semaphore, #tpu.memory_space<semaphore_mem>>)
    %dma_start3A_138 = arith.constant 0 : i32
    %dma_start3A_139 = tpu.memref_slice %arg5[%multiple_of3A_135, %dma_start3A_138] : memref<320000x128xf32, #tpu.memory_space<hbm>> -> memref<40x128xf32, #tpu.memory_space<hbm>>
    %dma_start3A_140 = arith.constant 0 : i32
    %dma_start3A_141 = tpu.memref_slice %arg5[%multiple_of3A_135, %dma_start3A_140] : memref<320000x128xf32, #tpu.memory_space<hbm>> -> memref<40x128xf32, #tpu.memory_space<hbm>>
    tpu.enqueue_dma source(%dma_start3A_141 : memref<40x128xf32, #tpu.memory_space<hbm>>) target(%arg17 : memref<40x128xf32, #tpu.memory_space<vmem>>) target_semaphore(%arg29 : memref<!tpu.dma_semaphore, #tpu.memory_space<semaphore_mem>>)
    %dma_start3A_142 = arith.constant 40 : i32
    %dma_start3A_143 = tpu.memref_slice %arg7[%dma_start3A_142] : memref<10000xi32, #tpu.memory_space<vmem>> -> memref<40xi32, #tpu.memory_space<vmem>>
    %dma_start3A_144 = arith.constant 0 : i32
    %dma_start3A_145 = arith.constant 0 : i32
    %dma_start3A_146 = tpu.memref_slice %arg2[%dma_start3A_144, %dma_start3A_145] : memref<10000x128xf32, #tpu.memory_space<hbm>> -> memref<10000x128xf32, #tpu.memory_space<hbm>>
    tpu.enqueue_indirect_dma source(%dma_start3A_146 : memref<10000x128xf32, #tpu.memory_space<hbm>>) target(%arg13 : memref<40x128xf32, #tpu.memory_space<vmem>>) offsets(%dma_start3A_143 : memref<40xi32, #tpu.memory_space<vmem>>) semaphore(%arg25 : memref<!tpu.dma_semaphore, #tpu.memory_space<semaphore_mem>>)
    %scan3A_147 = arith.constant 0 : i32
    %scan3A_148 = arith.constant 0 : i32
    %scan3A_149 = arith.constant 62 : i32
    %scan3A_150 = arith.addi %scan3A_148, %scan3A_149 : i32
    %scan3A_151 = arith.constant 1 : i32
    scf.for %scan3A_317 = %scan3A_148 to %scan3A_150 step %scan3A_151  : i32 {
      %mul3A_318 = arith.constant 4 : i32
      %mul3A_319 = arith.muli %scan3A_317, %mul3A_318 : i32
      %mul3A_320 = arith.constant 40 : i32
      %mul3A_321 = arith.muli %mul3A_319, %mul3A_320 : i32
      %add3A_322 = arith.addi %mul3A_2, %mul3A_321 : i32
      %multiple_of3A_323 = tpu.assume_multiple %add3A_322, 8 : i32
      %dma_wait3A_324 = arith.constant 0 : i32
      %dma_wait3A_325 = tpu.memref_slice %arg5[%multiple_of3A_323, %dma_wait3A_324] : memref<320000x128xf32, #tpu.memory_space<hbm>> -> memref<40x128xf32, #tpu.memory_space<hbm>>
      %dma_wait3A_326 = arith.constant 0 : i32
      %dma_wait3A_327 = tpu.memref_slice %arg5[%multiple_of3A_323, %dma_wait3A_326] : memref<320000x128xf32, #tpu.memory_space<hbm>> -> memref<40x128xf32, #tpu.memory_space<hbm>>
      tpu.wait_dma2 semaphore(%arg28 : memref<!tpu.dma_semaphore, #tpu.memory_space<semaphore_mem>>) src(%dma_wait3A_327 : memref<40x128xf32, #tpu.memory_space<hbm>>) dst(%arg16 : memref<40x128xf32, #tpu.memory_space<vmem>>)
      %mul3A_328 = arith.constant 40 : i32
      %mul3A_329 = arith.muli %mul3A_319, %mul3A_328 : i32
      %dma_wait3A_330 = tpu.memref_slice %arg7[%mul3A_329] : memref<10000xi32, #tpu.memory_space<vmem>> -> memref<40xi32, #tpu.memory_space<vmem>>
      %dma_wait3A_331 = arith.constant 0 : i32
      %dma_wait3A_332 = arith.constant 0 : i32
      %dma_wait3A_333 = tpu.memref_slice %arg2[%dma_wait3A_331, %dma_wait3A_332] : memref<10000x128xf32, #tpu.memory_space<hbm>> -> memref<10000x128xf32, #tpu.memory_space<hbm>>
      tpu.wait_indirect_dma semaphore(%arg24 : memref<!tpu.dma_semaphore, #tpu.memory_space<semaphore_mem>>) src(%dma_wait3A_333 : memref<10000x128xf32, #tpu.memory_space<hbm>>) dst(%arg12 : memref<40x128xf32, #tpu.memory_space<vmem>>)
      %parallel_loop3A_334 = arith.constant 0 : i32
      %parallel_loop3A_335 = arith.constant 40 : i32
      %parallel_loop3A_336 = arith.constant 1 : i32
      scf.for %parallel_loop3A_505 = %parallel_loop3A_334 to %parallel_loop3A_335 step %parallel_loop3A_336  : i32 {
        %parallel_loop3A_506 = arith.index_cast %parallel_loop3A_505 : i32 to index
        %parallel_loop3A_507 = arith.constant 0 : index
        %parallel_loop3A_508 = tpu.vector_load %arg12[%parallel_loop3A_506, %parallel_loop3A_507] {strides = array<i32>} : memref<40x128xf32, #tpu.memory_space<vmem>>, vector<1x16xf32>,
        %parallel_loop3A_509 = vector.shape_cast %parallel_loop3A_508 : vector<1x16xf32> to vector<16xf32>
        %parallel_loop3A_510 = arith.index_cast %parallel_loop3A_505 : i32 to index
        %parallel_loop3A_511 = arith.constant 0 : index
        %parallel_loop3A_512 = tpu.vector_load %arg16[%parallel_loop3A_510, %parallel_loop3A_511] {strides = array<i32>} : memref<40x128xf32, #tpu.memory_space<vmem>>, vector<1x16xf32>,
        %parallel_loop3A_513 = vector.shape_cast %parallel_loop3A_512 : vector<1x16xf32> to vector<16xf32>
        %parallel_loop3A_514 = arith.mulf %parallel_loop3A_509, %parallel_loop3A_513 : vector<16xf32>
        %parallel_loop3A_515 = arith.index_cast %parallel_loop3A_505 : i32 to index
        %parallel_loop3A_516 = arith.constant 0 : index
        %parallel_loop3A_517 = tpu.vector_load %arg12[%parallel_loop3A_515, %parallel_loop3A_516] {strides = array<i32>} : memref<40x128xf32, #tpu.memory_space<vmem>>, vector<1x16xf32>,
        %parallel_loop3A_518 = vector.shape_cast %parallel_loop3A_517 : vector<1x16xf32> to vector<16xf32>
        %parallel_loop3A_519 = vector.shape_cast %parallel_loop3A_514 : vector<16xf32> to vector<1x16xf32>
        tpu.vector_store %arg12[%parallel_loop3A_515, %parallel_loop3A_516], %parallel_loop3A_519 {strides = array<i32>} : memref<40x128xf32, #tpu.memory_space<vmem>>, vector<1x16xf32>,
        %parallel_loop3A_520 = arith.index_cast %parallel_loop3A_505 : i32 to index
        %parallel_loop3A_521 = arith.constant 16 : index
        %parallel_loop3A_522 = tpu.vector_load %arg12[%parallel_loop3A_520, %parallel_loop3A_521] {strides = array<i32>} : memref<40x128xf32, #tpu.memory_space<vmem>>, vector<1x16xf32>,
        %parallel_loop3A_523 = vector.shape_cast %parallel_loop3A_522 : vector<1x16xf32> to vector<16xf32>
        %parallel_loop3A_524 = arith.index_cast %parallel_loop3A_505 : i32 to index
        %parallel_loop3A_525 = arith.constant 16 : index
        %parallel_loop3A_526 = tpu.vector_load %arg16[%parallel_loop3A_524, %parallel_loop3A_525] {strides = array<i32>} : memref<40x128xf32, #tpu.memory_space<vmem>>, vector<1x16xf32>,
        %parallel_loop3A_527 = vector.shape_cast %parallel_loop3A_526 : vector<1x16xf32> to vector<16xf32>
        %parallel_loop3A_528 = arith.mulf %parallel_loop3A_523, %parallel_loop3A_527 : vector<16xf32>
        %parallel_loop3A_529 = arith.index_cast %parallel_loop3A_505 : i32 to index
        %parallel_loop3A_530 = arith.constant 16 : index
        %parallel_loop3A_531 = tpu.vector_load %arg12[%parallel_loop3A_529, %parallel_loop3A_530] {strides = array<i32>} : memref<40x128xf32, #tpu.memory_space<vmem>>, vector<1x16xf32>,
        %parallel_loop3A_532 = vector.shape_cast %parallel_loop3A_531 : vector<1x16xf32> to vector<16xf32>
        %parallel_loop3A_533 = vector.shape_cast %parallel_loop3A_528 : vector<16xf32> to vector<1x16xf32>
        tpu.vector_store %arg12[%parallel_loop3A_529, %parallel_loop3A_530], %parallel_loop3A_533 {strides = array<i32>} : memref<40x128xf32, #tpu.memory_space<vmem>>, vector<1x16xf32>,
        %parallel_loop3A_534 = arith.index_cast %parallel_loop3A_505 : i32 to index
        %parallel_loop3A_535 = arith.constant 32 : index
        %parallel_loop3A_536 = tpu.vector_load %arg12[%parallel_loop3A_534, %parallel_loop3A_535] {strides = array<i32>} : memref<40x128xf32, #tpu.memory_space<vmem>>, vector<1x16xf32>,
        %parallel_loop3A_537 = vector.shape_cast %parallel_loop3A_536 : vector<1x16xf32> to vector<16xf32>
        %parallel_loop3A_538 = arith.index_cast %parallel_loop3A_505 : i32 to index
        %parallel_loop3A_539 = arith.constant 32 : index
        %parallel_loop3A_540 = tpu.vector_load %arg16[%parallel_loop3A_538, %parallel_loop3A_539] {strides = array<i32>} : memref<40x128xf32, #tpu.memory_space<vmem>>, vector<1x16xf32>,
        %parallel_loop3A_541 = vector.shape_cast %parallel_loop3A_540 : vector<1x16xf32> to vector<16xf32>
        %parallel_loop3A_542 = arith.mulf %parallel_loop3A_537, %parallel_loop3A_541 : vector<16xf32>
        %parallel_loop3A_543 = arith.index_cast %parallel_loop3A_505 : i32 to index
        %parallel_loop3A_544 = arith.constant 32 : index
        %parallel_loop3A_545 = tpu.vector_load %arg12[%parallel_loop3A_543, %parallel_loop3A_544] {strides = array<i32>} : memref<40x128xf32, #tpu.memory_space<vmem>>, vector<1x16xf32>,
        %parallel_loop3A_546 = vector.shape_cast %parallel_loop3A_545 : vector<1x16xf32> to vector<16xf32>
        %parallel_loop3A_547 = vector.shape_cast %parallel_loop3A_542 : vector<16xf32> to vector<1x16xf32>
        tpu.vector_store %arg12[%parallel_loop3A_543, %parallel_loop3A_544], %parallel_loop3A_547 {strides = array<i32>} : memref<40x128xf32, #tpu.memory_space<vmem>>, vector<1x16xf32>,
        %parallel_loop3A_548 = arith.index_cast %parallel_loop3A_505 : i32 to index
        %parallel_loop3A_549 = arith.constant 48 : index
        %parallel_loop3A_550 = tpu.vector_load %arg12[%parallel_loop3A_548, %parallel_loop3A_549] {strides = array<i32>} : memref<40x128xf32, #tpu.memory_space<vmem>>, vector<1x16xf32>,
        %parallel_loop3A_551 = vector.shape_cast %parallel_loop3A_550 : vector<1x16xf32> to vector<16xf32>
        %parallel_loop3A_552 = arith.index_cast %parallel_loop3A_505 : i32 to index
        %parallel_loop3A_553 = arith.constant 48 : index
        %parallel_loop3A_554 = tpu.vector_load %arg16[%parallel_loop3A_552, %parallel_loop3A_553] {strides = array<i32>} : memref<40x128xf32, #tpu.memory_space<vmem>>, vector<1x16xf32>,
        %parallel_loop3A_555 = vector.shape_cast %parallel_loop3A_554 : vector<1x16xf32> to vector<16xf32>
        %parallel_loop3A_556 = arith.mulf %parallel_loop3A_551, %parallel_loop3A_555 : vector<16xf32>
        %parallel_loop3A_557 = arith.index_cast %parallel_loop3A_505 : i32 to index
        %parallel_loop3A_558 = arith.constant 48 : index
        %parallel_loop3A_559 = tpu.vector_load %arg12[%parallel_loop3A_557, %parallel_loop3A_558] {strides = array<i32>} : memref<40x128xf32, #tpu.memory_space<vmem>>, vector<1x16xf32>,
        %parallel_loop3A_560 = vector.shape_cast %parallel_loop3A_559 : vector<1x16xf32> to vector<16xf32>
        %parallel_loop3A_561 = vector.shape_cast %parallel_loop3A_556 : vector<16xf32> to vector<1x16xf32>
        tpu.vector_store %arg12[%parallel_loop3A_557, %parallel_loop3A_558], %parallel_loop3A_561 {strides = array<i32>} : memref<40x128xf32, #tpu.memory_space<vmem>>, vector<1x16xf32>,
        %parallel_loop3A_562 = arith.index_cast %parallel_loop3A_505 : i32 to index
        %parallel_loop3A_563 = arith.constant 64 : index
        %parallel_loop3A_564 = tpu.vector_load %arg12[%parallel_loop3A_562, %parallel_loop3A_563] {strides = array<i32>} : memref<40x128xf32, #tpu.memory_space<vmem>>, vector<1x16xf32>,
        %parallel_loop3A_565 = vector.shape_cast %parallel_loop3A_564 : vector<1x16xf32> to vector<16xf32>
        %parallel_loop3A_566 = arith.index_cast %parallel_loop3A_505 : i32 to index
        %parallel_loop3A_567 = arith.constant 64 : index
        %parallel_loop3A_568 = tpu.vector_load %arg16[%parallel_loop3A_566, %parallel_loop3A_567] {strides = array<i32>} : memref<40x128xf32, #tpu.memory_space<vmem>>, vector<1x16xf32>,
        %parallel_loop3A_569 = vector.shape_cast %parallel_loop3A_568 : vector<1x16xf32> to vector<16xf32>
        %parallel_loop3A_570 = arith.mulf %parallel_loop3A_565, %parallel_loop3A_569 : vector<16xf32>
        %parallel_loop3A_571 = arith.index_cast %parallel_loop3A_505 : i32 to index
        %parallel_loop3A_572 = arith.constant 64 : index
        %parallel_loop3A_573 = tpu.vector_load %arg12[%parallel_loop3A_571, %parallel_loop3A_572] {strides = array<i32>} : memref<40x128xf32, #tpu.memory_space<vmem>>, vector<1x16xf32>,
        %parallel_loop3A_574 = vector.shape_cast %parallel_loop3A_573 : vector<1x16xf32> to vector<16xf32>
        %parallel_loop3A_575 = vector.shape_cast %parallel_loop3A_570 : vector<16xf32> to vector<1x16xf32>
        tpu.vector_store %arg12[%parallel_loop3A_571, %parallel_loop3A_572], %parallel_loop3A_575 {strides = array<i32>} : memref<40x128xf32, #tpu.memory_space<vmem>>, vector<1x16xf32>,
        %parallel_loop3A_576 = arith.index_cast %parallel_loop3A_505 : i32 to index
        %parallel_loop3A_577 = arith.constant 80 : index
        %parallel_loop3A_578 = tpu.vector_load %arg12[%parallel_loop3A_576, %parallel_loop3A_577] {strides = array<i32>} : memref<40x128xf32, #tpu.memory_space<vmem>>, vector<1x16xf32>,
        %parallel_loop3A_579 = vector.shape_cast %parallel_loop3A_578 : vector<1x16xf32> to vector<16xf32>
        %parallel_loop3A_580 = arith.index_cast %parallel_loop3A_505 : i32 to index
        %parallel_loop3A_581 = arith.constant 80 : index
        %parallel_loop3A_582 = tpu.vector_load %arg16[%parallel_loop3A_580, %parallel_loop3A_581] {strides = array<i32>} : memref<40x128xf32, #tpu.memory_space<vmem>>, vector<1x16xf32>,
        %parallel_loop3A_583 = vector.shape_cast %parallel_loop3A_582 : vector<1x16xf32> to vector<16xf32>
        %parallel_loop3A_584 = arith.mulf %parallel_loop3A_579, %parallel_loop3A_583 : vector<16xf32>
        %parallel_loop3A_585 = arith.index_cast %parallel_loop3A_505 : i32 to index
        %parallel_loop3A_586 = arith.constant 80 : index
        %parallel_loop3A_587 = tpu.vector_load %arg12[%parallel_loop3A_585, %parallel_loop3A_586] {strides = array<i32>} : memref<40x128xf32, #tpu.memory_space<vmem>>, vector<1x16xf32>,
        %parallel_loop3A_588 = vector.shape_cast %parallel_loop3A_587 : vector<1x16xf32> to vector<16xf32>
        %parallel_loop3A_589 = vector.shape_cast %parallel_loop3A_584 : vector<16xf32> to vector<1x16xf32>
        tpu.vector_store %arg12[%parallel_loop3A_585, %parallel_loop3A_586], %parallel_loop3A_589 {strides = array<i32>} : memref<40x128xf32, #tpu.memory_space<vmem>>, vector<1x16xf32>,
        %parallel_loop3A_590 = arith.index_cast %parallel_loop3A_505 : i32 to index
        %parallel_loop3A_591 = arith.constant 96 : index
        %parallel_loop3A_592 = tpu.vector_load %arg12[%parallel_loop3A_590, %parallel_loop3A_591] {strides = array<i32>} : memref<40x128xf32, #tpu.memory_space<vmem>>, vector<1x16xf32>,
        %parallel_loop3A_593 = vector.shape_cast %parallel_loop3A_592 : vector<1x16xf32> to vector<16xf32>
        %parallel_loop3A_594 = arith.index_cast %parallel_loop3A_505 : i32 to index
        %parallel_loop3A_595 = arith.constant 96 : index
        %parallel_loop3A_596 = tpu.vector_load %arg16[%parallel_loop3A_594, %parallel_loop3A_595] {strides = array<i32>} : memref<40x128xf32, #tpu.memory_space<vmem>>, vector<1x16xf32>,
        %parallel_loop3A_597 = vector.shape_cast %parallel_loop3A_596 : vector<1x16xf32> to vector<16xf32>
        %parallel_loop3A_598 = arith.mulf %parallel_loop3A_593, %parallel_loop3A_597 : vector<16xf32>
        %parallel_loop3A_599 = arith.index_cast %parallel_loop3A_505 : i32 to index
        %parallel_loop3A_600 = arith.constant 96 : index
        %parallel_loop3A_601 = tpu.vector_load %arg12[%parallel_loop3A_599, %parallel_loop3A_600] {strides = array<i32>} : memref<40x128xf32, #tpu.memory_space<vmem>>, vector<1x16xf32>,
        %parallel_loop3A_602 = vector.shape_cast %parallel_loop3A_601 : vector<1x16xf32> to vector<16xf32>
        %parallel_loop3A_603 = vector.shape_cast %parallel_loop3A_598 : vector<16xf32> to vector<1x16xf32>
        tpu.vector_store %arg12[%parallel_loop3A_599, %parallel_loop3A_600], %parallel_loop3A_603 {strides = array<i32>} : memref<40x128xf32, #tpu.memory_space<vmem>>, vector<1x16xf32>,
        %parallel_loop3A_604 = arith.index_cast %parallel_loop3A_505 : i32 to index
        %parallel_loop3A_605 = arith.constant 112 : index
        %parallel_loop3A_606 = tpu.vector_load %arg12[%parallel_loop3A_604, %parallel_loop3A_605] {strides = array<i32>} : memref<40x128xf32, #tpu.memory_space<vmem>>, vector<1x16xf32>,
        %parallel_loop3A_607 = vector.shape_cast %parallel_loop3A_606 : vector<1x16xf32> to vector<16xf32>
        %parallel_loop3A_608 = arith.index_cast %parallel_loop3A_505 : i32 to index
        %parallel_loop3A_609 = arith.constant 112 : index
        %parallel_loop3A_610 = tpu.vector_load %arg16[%parallel_loop3A_608, %parallel_loop3A_609] {strides = array<i32>} : memref<40x128xf32, #tpu.memory_space<vmem>>, vector<1x16xf32>,
        %parallel_loop3A_611 = vector.shape_cast %parallel_loop3A_610 : vector<1x16xf32> to vector<16xf32>
        %parallel_loop3A_612 = arith.mulf %parallel_loop3A_607, %parallel_loop3A_611 : vector<16xf32>
        %parallel_loop3A_613 = arith.index_cast %parallel_loop3A_505 : i32 to index
        %parallel_loop3A_614 = arith.constant 112 : index
        %parallel_loop3A_615 = tpu.vector_load %arg12[%parallel_loop3A_613, %parallel_loop3A_614] {strides = array<i32>} : memref<40x128xf32, #tpu.memory_space<vmem>>, vector<1x16xf32>,
        %parallel_loop3A_616 = vector.shape_cast %parallel_loop3A_615 : vector<1x16xf32> to vector<16xf32>
        %parallel_loop3A_617 = vector.shape_cast %parallel_loop3A_612 : vector<16xf32> to vector<1x16xf32>
        tpu.vector_store %arg12[%parallel_loop3A_613, %parallel_loop3A_614], %parallel_loop3A_617 {strides = array<i32>} : memref<40x128xf32, #tpu.memory_space<vmem>>, vector<1x16xf32>,
      } {sc.loop_unroll_factor = 8 : i64, sc.parallel_access}
      %dma_wait3A_337 = tpu.memref_slice %arg4[%multiple_of3A_323] : memref<320000xi32, #tpu.memory_space<hbm>> -> memref<40xi32, #tpu.memory_space<hbm>>
      %dma_wait3A_338 = tpu.memref_slice %arg4[%multiple_of3A_323] : memref<320000xi32, #tpu.memory_space<hbm>> -> memref<40xi32, #tpu.memory_space<hbm>>
      tpu.wait_dma2 semaphore(%arg20 : memref<!tpu.dma_semaphore, #tpu.memory_space<semaphore_mem>>) src(%dma_wait3A_338 : memref<40xi32, #tpu.memory_space<hbm>>) dst(%arg8 : memref<40xi32, #tpu.memory_space<vmem>>)
      %dma_start3A_339 = arith.constant 0 : i32
      %dma_start3A_340 = arith.constant 0 : i32
      %dma_start3A_341 = tpu.memref_slice %arg18[%dma_start3A_339, %dma_start3A_340] : memref<10000x128xf32, #tpu.memory_space<vmem_shared>> -> memref<10000x128xf32, #tpu.memory_space<vmem_shared>>
      tpu.enqueue_indirect_dma source(%arg12 : memref<40x128xf32, #tpu.memory_space<vmem>>) target(%dma_start3A_341 : memref<10000x128xf32, #tpu.memory_space<vmem_shared>>) offsets(%arg8 : memref<40xi32, #tpu.memory_space<vmem>>) semaphore(%arg30 : memref<!tpu.dma_semaphore, #tpu.memory_space<semaphore_mem>>) {add = true}
      %add3A_342 = arith.constant 2 : i32
      %add3A_343 = arith.addi %mul3A_319, %add3A_342 : i32
      %ge3A = arith.constant 4 : i32
      %ge3A_344 = arith.cmpi sge, %add3A_343, %ge3A : i32
      %convert_element_type3A_345 = arith.extui %ge3A_344 : i1 to i32
      %cond3A_346 = arith.constant 0 : i32
      %cond3A_347 = arith.cmpi ne, %convert_element_type3A_345, %cond3A_346 : i32
      scf.if %cond3A_347 {
        %dma_wait3A_505 = arith.constant 0 : i32
        %dma_wait3A_506 = arith.constant 0 : i32
        %dma_wait3A_507 = tpu.memref_slice %arg18[%dma_wait3A_505, %dma_wait3A_506] : memref<10000x128xf32, #tpu.memory_space<vmem_shared>> -> memref<10000x128xf32, #tpu.memory_space<vmem_shared>>
        tpu.wait_indirect_dma semaphore(%arg32 : memref<!tpu.dma_semaphore, #tpu.memory_space<semaphore_mem>>) src(%arg14 : memref<40x128xf32, #tpu.memory_space<vmem>>) dst(%dma_wait3A_507 : memref<10000x128xf32, #tpu.memory_space<vmem_shared>>)
      } else {
      }
      %mul3A_348 = arith.constant 40 : i32
      %mul3A_349 = arith.muli %add3A_343, %mul3A_348 : i32
      %add3A_350 = arith.addi %mul3A_2, %mul3A_349 : i32
      %multiple_of3A_351 = tpu.assume_multiple %add3A_350, 8 : i32
      %dma_start3A_352 = tpu.memref_slice %arg4[%multiple_of3A_351] : memref<320000xi32, #tpu.memory_space<hbm>> -> memref<40xi32, #tpu.memory_space<hbm>>
      %dma_start3A_353 = tpu.memref_slice %arg4[%multiple_of3A_351] : memref<320000xi32, #tpu.memory_space<hbm>> -> memref<40xi32, #tpu.memory_space<hbm>>
      tpu.enqueue_dma source(%dma_start3A_353 : memref<40xi32, #tpu.memory_space<hbm>>) target(%arg10 : memref<40xi32, #tpu.memory_space<vmem>>) target_semaphore(%arg22 : memref<!tpu.dma_semaphore, #tpu.memory_space<semaphore_mem>>)
      %dma_start3A_354 = arith.constant 0 : i32
      %dma_start3A_355 = tpu.memref_slice %arg5[%multiple_of3A_351, %dma_start3A_354] : memref<320000x128xf32, #tpu.memory_space<hbm>> -> memref<40x128xf32, #tpu.memory_space<hbm>>
      %dma_start3A_356 = arith.constant 0 : i32
      %dma_start3A_357 = tpu.memref_slice %arg5[%multiple_of3A_351, %dma_start3A_356] : memref<320000x128xf32, #tpu.memory_space<hbm>> -> memref<40x128xf32, #tpu.memory_space<hbm>>
      tpu.enqueue_dma source(%dma_start3A_357 : memref<40x128xf32, #tpu.memory_space<hbm>>) target(%arg16 : memref<40x128xf32, #tpu.memory_space<vmem>>) target_semaphore(%arg28 : memref<!tpu.dma_semaphore, #tpu.memory_space<semaphore_mem>>)
      %mul3A_358 = arith.constant 40 : i32
      %mul3A_359 = arith.muli %add3A_343, %mul3A_358 : i32
      %dma_start3A_360 = tpu.memref_slice %arg7[%mul3A_359] : memref<10000xi32, #tpu.memory_space<vmem>> -> memref<40xi32, #tpu.memory_space<vmem>>
      %dma_start3A_361 = arith.constant 0 : i32
      %dma_start3A_362 = arith.constant 0 : i32
      %dma_start3A_363 = tpu.memref_slice %arg2[%dma_start3A_361, %dma_start3A_362] : memref<10000x128xf32, #tpu.memory_space<hbm>> -> memref<10000x128xf32, #tpu.memory_space<hbm>>
      tpu.enqueue_indirect_dma source(%dma_start3A_363 : memref<10000x128xf32, #tpu.memory_space<hbm>>) target(%arg14 : memref<40x128xf32, #tpu.memory_space<vmem>>) offsets(%dma_start3A_360 : memref<40xi32, #tpu.memory_space<vmem>>) semaphore(%arg26 : memref<!tpu.dma_semaphore, #tpu.memory_space<semaphore_mem>>)
      %add3A_364 = arith.constant 1 : i32
      %add3A_365 = arith.addi %mul3A_319, %add3A_364 : i32
      %mul3A_366 = arith.constant 40 : i32
      %mul3A_367 = arith.muli %add3A_365, %mul3A_366 : i32
      %add3A_368 = arith.addi %mul3A_2, %mul3A_367 : i32
      %multiple_of3A_369 = tpu.assume_multiple %add3A_368, 8 : i32
      %dma_wait3A_370 = arith.constant 0 : i32
      %dma_wait3A_371 = tpu.memref_slice %arg5[%multiple_of3A_369, %dma_wait3A_370] : memref<320000x128xf32, #tpu.memory_space<hbm>> -> memref<40x128xf32, #tpu.memory_space<hbm>>
      %dma_wait3A_372 = arith.constant 0 : i32
      %dma_wait3A_373 = tpu.memref_slice %arg5[%multiple_of3A_369, %dma_wait3A_372] : memref<320000x128xf32, #tpu.memory_space<hbm>> -> memref<40x128xf32, #tpu.memory_space<hbm>>
      tpu.wait_dma2 semaphore(%arg29 : memref<!tpu.dma_semaphore, #tpu.memory_space<semaphore_mem>>) src(%dma_wait3A_373 : memref<40x128xf32, #tpu.memory_space<hbm>>) dst(%arg17 : memref<40x128xf32, #tpu.memory_space<vmem>>)
      %mul3A_374 = arith.constant 40 : i32
      %mul3A_375 = arith.muli %add3A_365, %mul3A_374 : i32
      %dma_wait3A_376 = tpu.memref_slice %arg7[%mul3A_375] : memref<10000xi32, #tpu.memory_space<vmem>> -> memref<40xi32, #tpu.memory_space<vmem>>
      %dma_wait3A_377 = arith.constant 0 : i32
      %dma_wait3A_378 = arith.constant 0 : i32
      %dma_wait3A_379 = tpu.memref_slice %arg2[%dma_wait3A_377, %dma_wait3A_378] : memref<10000x128xf32, #tpu.memory_space<hbm>> -> memref<10000x128xf32, #tpu.memory_space<hbm>>
      tpu.wait_indirect_dma semaphore(%arg25 : memref<!tpu.dma_semaphore, #tpu.memory_space<semaphore_mem>>) src(%dma_wait3A_379 : memref<10000x128xf32, #tpu.memory_space<hbm>>) dst(%arg13 : memref<40x128xf32, #tpu.memory_space<vmem>>)
      %parallel_loop3A_380 = arith.constant 0 : i32
      %parallel_loop3A_381 = arith.constant 40 : i32
      %parallel_loop3A_382 = arith.constant 1 : i32
      scf.for %parallel_loop3A_505 = %parallel_loop3A_380 to %parallel_loop3A_381 step %parallel_loop3A_382  : i32 {
        %parallel_loop3A_506 = arith.index_cast %parallel_loop3A_505 : i32 to index
        %parallel_loop3A_507 = arith.constant 0 : index
        %parallel_loop3A_508 = tpu.vector_load %arg13[%parallel_loop3A_506, %parallel_loop3A_507] {strides = array<i32>} : memref<40x128xf32, #tpu.memory_space<vmem>>, vector<1x16xf32>,
        %parallel_loop3A_509 = vector.shape_cast %parallel_loop3A_508 : vector<1x16xf32> to vector<16xf32>
        %parallel_loop3A_510 = arith.index_cast %parallel_loop3A_505 : i32 to index
        %parallel_loop3A_511 = arith.constant 0 : index
        %parallel_loop3A_512 = tpu.vector_load %arg17[%parallel_loop3A_510, %parallel_loop3A_511] {strides = array<i32>} : memref<40x128xf32, #tpu.memory_space<vmem>>, vector<1x16xf32>,
        %parallel_loop3A_513 = vector.shape_cast %parallel_loop3A_512 : vector<1x16xf32> to vector<16xf32>
        %parallel_loop3A_514 = arith.mulf %parallel_loop3A_509, %parallel_loop3A_513 : vector<16xf32>
        %parallel_loop3A_515 = arith.index_cast %parallel_loop3A_505 : i32 to index
        %parallel_loop3A_516 = arith.constant 0 : index
        %parallel_loop3A_517 = tpu.vector_load %arg13[%parallel_loop3A_515, %parallel_loop3A_516] {strides = array<i32>} : memref<40x128xf32, #tpu.memory_space<vmem>>, vector<1x16xf32>,
        %parallel_loop3A_518 = vector.shape_cast %parallel_loop3A_517 : vector<1x16xf32> to vector<16xf32>
        %parallel_loop3A_519 = vector.shape_cast %parallel_loop3A_514 : vector<16xf32> to vector<1x16xf32>
        tpu.vector_store %arg13[%parallel_loop3A_515, %parallel_loop3A_516], %parallel_loop3A_519 {strides = array<i32>} : memref<40x128xf32, #tpu.memory_space<vmem>>, vector<1x16xf32>,
        %parallel_loop3A_520 = arith.index_cast %parallel_loop3A_505 : i32 to index
        %parallel_loop3A_521 = arith.constant 16 : index
        %parallel_loop3A_522 = tpu.vector_load %arg13[%parallel_loop3A_520, %parallel_loop3A_521] {strides = array<i32>} : memref<40x128xf32, #tpu.memory_space<vmem>>, vector<1x16xf32>,
        %parallel_loop3A_523 = vector.shape_cast %parallel_loop3A_522 : vector<1x16xf32> to vector<16xf32>
        %parallel_loop3A_524 = arith.index_cast %parallel_loop3A_505 : i32 to index
        %parallel_loop3A_525 = arith.constant 16 : index
        %parallel_loop3A_526 = tpu.vector_load %arg17[%parallel_loop3A_524, %parallel_loop3A_525] {strides = array<i32>} : memref<40x128xf32, #tpu.memory_space<vmem>>, vector<1x16xf32>,
        %parallel_loop3A_527 = vector.shape_cast %parallel_loop3A_526 : vector<1x16xf32> to vector<16xf32>
        %parallel_loop3A_528 = arith.mulf %parallel_loop3A_523, %parallel_loop3A_527 : vector<16xf32>
        %parallel_loop3A_529 = arith.index_cast %parallel_loop3A_505 : i32 to index
        %parallel_loop3A_530 = arith.constant 16 : index
        %parallel_loop3A_531 = tpu.vector_load %arg13[%parallel_loop3A_529, %parallel_loop3A_530] {strides = array<i32>} : memref<40x128xf32, #tpu.memory_space<vmem>>, vector<1x16xf32>,
        %parallel_loop3A_532 = vector.shape_cast %parallel_loop3A_531 : vector<1x16xf32> to vector<16xf32>
        %parallel_loop3A_533 = vector.shape_cast %parallel_loop3A_528 : vector<16xf32> to vector<1x16xf32>
        tpu.vector_store %arg13[%parallel_loop3A_529, %parallel_loop3A_530], %parallel_loop3A_533 {strides = array<i32>} : memref<40x128xf32, #tpu.memory_space<vmem>>, vector<1x16xf32>,
        %parallel_loop3A_534 = arith.index_cast %parallel_loop3A_505 : i32 to index
        %parallel_loop3A_535 = arith.constant 32 : index
        %parallel_loop3A_536 = tpu.vector_load %arg13[%parallel_loop3A_534, %parallel_loop3A_535] {strides = array<i32>} : memref<40x128xf32, #tpu.memory_space<vmem>>, vector<1x16xf32>,
        %parallel_loop3A_537 = vector.shape_cast %parallel_loop3A_536 : vector<1x16xf32> to vector<16xf32>
        %parallel_loop3A_538 = arith.index_cast %parallel_loop3A_505 : i32 to index
        %parallel_loop3A_539 = arith.constant 32 : index
        %parallel_loop3A_540 = tpu.vector_load %arg17[%parallel_loop3A_538, %parallel_loop3A_539] {strides = array<i32>} : memref<40x128xf32, #tpu.memory_space<vmem>>, vector<1x16xf32>,
        %parallel_loop3A_541 = vector.shape_cast %parallel_loop3A_540 : vector<1x16xf32> to vector<16xf32>
        %parallel_loop3A_542 = arith.mulf %parallel_loop3A_537, %parallel_loop3A_541 : vector<16xf32>
        %parallel_loop3A_543 = arith.index_cast %parallel_loop3A_505 : i32 to index
        %parallel_loop3A_544 = arith.constant 32 : index
        %parallel_loop3A_545 = tpu.vector_load %arg13[%parallel_loop3A_543, %parallel_loop3A_544] {strides = array<i32>} : memref<40x128xf32, #tpu.memory_space<vmem>>, vector<1x16xf32>,
        %parallel_loop3A_546 = vector.shape_cast %parallel_loop3A_545 : vector<1x16xf32> to vector<16xf32>
        %parallel_loop3A_547 = vector.shape_cast %parallel_loop3A_542 : vector<16xf32> to vector<1x16xf32>
        tpu.vector_store %arg13[%parallel_loop3A_543, %parallel_loop3A_544], %parallel_loop3A_547 {strides = array<i32>} : memref<40x128xf32, #tpu.memory_space<vmem>>, vector<1x16xf32>,
        %parallel_loop3A_548 = arith.index_cast %parallel_loop3A_505 : i32 to index
        %parallel_loop3A_549 = arith.constant 48 : index
        %parallel_loop3A_550 = tpu.vector_load %arg13[%parallel_loop3A_548, %parallel_loop3A_549] {strides = array<i32>} : memref<40x128xf32, #tpu.memory_space<vmem>>, vector<1x16xf32>,
        %parallel_loop3A_551 = vector.shape_cast %parallel_loop3A_550 : vector<1x16xf32> to vector<16xf32>
        %parallel_loop3A_552 = arith.index_cast %parallel_loop3A_505 : i32 to index
        %parallel_loop3A_553 = arith.constant 48 : index
        %parallel_loop3A_554 = tpu.vector_load %arg17[%parallel_loop3A_552, %parallel_loop3A_553] {strides = array<i32>} : memref<40x128xf32, #tpu.memory_space<vmem>>, vector<1x16xf32>,
        %parallel_loop3A_555 = vector.shape_cast %parallel_loop3A_554 : vector<1x16xf32> to vector<16xf32>
        %parallel_loop3A_556 = arith.mulf %parallel_loop3A_551, %parallel_loop3A_555 : vector<16xf32>
        %parallel_loop3A_557 = arith.index_cast %parallel_loop3A_505 : i32 to index
        %parallel_loop3A_558 = arith.constant 48 : index
        %parallel_loop3A_559 = tpu.vector_load %arg13[%parallel_loop3A_557, %parallel_loop3A_558] {strides = array<i32>} : memref<40x128xf32, #tpu.memory_space<vmem>>, vector<1x16xf32>,
        %parallel_loop3A_560 = vector.shape_cast %parallel_loop3A_559 : vector<1x16xf32> to vector<16xf32>
        %parallel_loop3A_561 = vector.shape_cast %parallel_loop3A_556 : vector<16xf32> to vector<1x16xf32>
        tpu.vector_store %arg13[%parallel_loop3A_557, %parallel_loop3A_558], %parallel_loop3A_561 {strides = array<i32>} : memref<40x128xf32, #tpu.memory_space<vmem>>, vector<1x16xf32>,
        %parallel_loop3A_562 = arith.index_cast %parallel_loop3A_505 : i32 to index
        %parallel_loop3A_563 = arith.constant 64 : index
        %parallel_loop3A_564 = tpu.vector_load %arg13[%parallel_loop3A_562, %parallel_loop3A_563] {strides = array<i32>} : memref<40x128xf32, #tpu.memory_space<vmem>>, vector<1x16xf32>,
        %parallel_loop3A_565 = vector.shape_cast %parallel_loop3A_564 : vector<1x16xf32> to vector<16xf32>
        %parallel_loop3A_566 = arith.index_cast %parallel_loop3A_505 : i32 to index
        %parallel_loop3A_567 = arith.constant 64 : index
        %parallel_loop3A_568 = tpu.vector_load %arg17[%parallel_loop3A_566, %parallel_loop3A_567] {strides = array<i32>} : memref<40x128xf32, #tpu.memory_space<vmem>>, vector<1x16xf32>,
        %parallel_loop3A_569 = vector.shape_cast %parallel_loop3A_568 : vector<1x16xf32> to vector<16xf32>
        %parallel_loop3A_570 = arith.mulf %parallel_loop3A_565, %parallel_loop3A_569 : vector<16xf32>
        %parallel_loop3A_571 = arith.index_cast %parallel_loop3A_505 : i32 to index
        %parallel_loop3A_572 = arith.constant 64 : index
        %parallel_loop3A_573 = tpu.vector_load %arg13[%parallel_loop3A_571, %parallel_loop3A_572] {strides = array<i32>} : memref<40x128xf32, #tpu.memory_space<vmem>>, vector<1x16xf32>,
        %parallel_loop3A_574 = vector.shape_cast %parallel_loop3A_573 : vector<1x16xf32> to vector<16xf32>
        %parallel_loop3A_575 = vector.shape_cast %parallel_loop3A_570 : vector<16xf32> to vector<1x16xf32>
        tpu.vector_store %arg13[%parallel_loop3A_571, %parallel_loop3A_572], %parallel_loop3A_575 {strides = array<i32>} : memref<40x128xf32, #tpu.memory_space<vmem>>, vector<1x16xf32>,
        %parallel_loop3A_576 = arith.index_cast %parallel_loop3A_505 : i32 to index
        %parallel_loop3A_577 = arith.constant 80 : index
        %parallel_loop3A_578 = tpu.vector_load %arg13[%parallel_loop3A_576, %parallel_loop3A_577] {strides = array<i32>} : memref<40x128xf32, #tpu.memory_space<vmem>>, vector<1x16xf32>,
        %parallel_loop3A_579 = vector.shape_cast %parallel_loop3A_578 : vector<1x16xf32> to vector<16xf32>
        %parallel_loop3A_580 = arith.index_cast %parallel_loop3A_505 : i32 to index
        %parallel_loop3A_581 = arith.constant 80 : index
        %parallel_loop3A_582 = tpu.vector_load %arg17[%parallel_loop3A_580, %parallel_loop3A_581] {strides = array<i32>} : memref<40x128xf32, #tpu.memory_space<vmem>>, vector<1x16xf32>,
        %parallel_loop3A_583 = vector.shape_cast %parallel_loop3A_582 : vector<1x16xf32> to vector<16xf32>
        %parallel_loop3A_584 = arith.mulf %parallel_loop3A_579, %parallel_loop3A_583 : vector<16xf32>
        %parallel_loop3A_585 = arith.index_cast %parallel_loop3A_505 : i32 to index
        %parallel_loop3A_586 = arith.constant 80 : index
        %parallel_loop3A_587 = tpu.vector_load %arg13[%parallel_loop3A_585, %parallel_loop3A_586] {strides = array<i32>} : memref<40x128xf32, #tpu.memory_space<vmem>>, vector<1x16xf32>,
        %parallel_loop3A_588 = vector.shape_cast %parallel_loop3A_587 : vector<1x16xf32> to vector<16xf32>
        %parallel_loop3A_589 = vector.shape_cast %parallel_loop3A_584 : vector<16xf32> to vector<1x16xf32>
        tpu.vector_store %arg13[%parallel_loop3A_585, %parallel_loop3A_586], %parallel_loop3A_589 {strides = array<i32>} : memref<40x128xf32, #tpu.memory_space<vmem>>, vector<1x16xf32>,
        %parallel_loop3A_590 = arith.index_cast %parallel_loop3A_505 : i32 to index
        %parallel_loop3A_591 = arith.constant 96 : index
        %parallel_loop3A_592 = tpu.vector_load %arg13[%parallel_loop3A_590, %parallel_loop3A_591] {strides = array<i32>} : memref<40x128xf32, #tpu.memory_space<vmem>>, vector<1x16xf32>,
        %parallel_loop3A_593 = vector.shape_cast %parallel_loop3A_592 : vector<1x16xf32> to vector<16xf32>
        %parallel_loop3A_594 = arith.index_cast %parallel_loop3A_505 : i32 to index
        %parallel_loop3A_595 = arith.constant 96 : index
        %parallel_loop3A_596 = tpu.vector_load %arg17[%parallel_loop3A_594, %parallel_loop3A_595] {strides = array<i32>} : memref<40x128xf32, #tpu.memory_space<vmem>>, vector<1x16xf32>,
        %parallel_loop3A_597 = vector.shape_cast %parallel_loop3A_596 : vector<1x16xf32> to vector<16xf32>
        %parallel_loop3A_598 = arith.mulf %parallel_loop3A_593, %parallel_loop3A_597 : vector<16xf32>
        %parallel_loop3A_599 = arith.index_cast %parallel_loop3A_505 : i32 to index
        %parallel_loop3A_600 = arith.constant 96 : index
        %parallel_loop3A_601 = tpu.vector_load %arg13[%parallel_loop3A_599, %parallel_loop3A_600] {strides = array<i32>} : memref<40x128xf32, #tpu.memory_space<vmem>>, vector<1x16xf32>,
        %parallel_loop3A_602 = vector.shape_cast %parallel_loop3A_601 : vector<1x16xf32> to vector<16xf32>
        %parallel_loop3A_603 = vector.shape_cast %parallel_loop3A_598 : vector<16xf32> to vector<1x16xf32>
        tpu.vector_store %arg13[%parallel_loop3A_599, %parallel_loop3A_600], %parallel_loop3A_603 {strides = array<i32>} : memref<40x128xf32, #tpu.memory_space<vmem>>, vector<1x16xf32>,
        %parallel_loop3A_604 = arith.index_cast %parallel_loop3A_505 : i32 to index
        %parallel_loop3A_605 = arith.constant 112 : index
        %parallel_loop3A_606 = tpu.vector_load %arg13[%parallel_loop3A_604, %parallel_loop3A_605] {strides = array<i32>} : memref<40x128xf32, #tpu.memory_space<vmem>>, vector<1x16xf32>,
        %parallel_loop3A_607 = vector.shape_cast %parallel_loop3A_606 : vector<1x16xf32> to vector<16xf32>
        %parallel_loop3A_608 = arith.index_cast %parallel_loop3A_505 : i32 to index
        %parallel_loop3A_609 = arith.constant 112 : index
        %parallel_loop3A_610 = tpu.vector_load %arg17[%parallel_loop3A_608, %parallel_loop3A_609] {strides = array<i32>} : memref<40x128xf32, #tpu.memory_space<vmem>>, vector<1x16xf32>,
        %parallel_loop3A_611 = vector.shape_cast %parallel_loop3A_610 : vector<1x16xf32> to vector<16xf32>
        %parallel_loop3A_612 = arith.mulf %parallel_loop3A_607, %parallel_loop3A_611 : vector<16xf32>
        %parallel_loop3A_613 = arith.index_cast %parallel_loop3A_505 : i32 to index
        %parallel_loop3A_614 = arith.constant 112 : index
        %parallel_loop3A_615 = tpu.vector_load %arg13[%parallel_loop3A_613, %parallel_loop3A_614] {strides = array<i32>} : memref<40x128xf32, #tpu.memory_space<vmem>>, vector<1x16xf32>,
        %parallel_loop3A_616 = vector.shape_cast %parallel_loop3A_615 : vector<1x16xf32> to vector<16xf32>
        %parallel_loop3A_617 = vector.shape_cast %parallel_loop3A_612 : vector<16xf32> to vector<1x16xf32>
        tpu.vector_store %arg13[%parallel_loop3A_613, %parallel_loop3A_614], %parallel_loop3A_617 {strides = array<i32>} : memref<40x128xf32, #tpu.memory_space<vmem>>, vector<1x16xf32>,
      } {sc.loop_unroll_factor = 8 : i64, sc.parallel_access}
      %dma_wait3A_383 = tpu.memref_slice %arg4[%multiple_of3A_369] : memref<320000xi32, #tpu.memory_space<hbm>> -> memref<40xi32, #tpu.memory_space<hbm>>
      %dma_wait3A_384 = tpu.memref_slice %arg4[%multiple_of3A_369] : memref<320000xi32, #tpu.memory_space<hbm>> -> memref<40xi32, #tpu.memory_space<hbm>>
      tpu.wait_dma2 semaphore(%arg21 : memref<!tpu.dma_semaphore, #tpu.memory_space<semaphore_mem>>) src(%dma_wait3A_384 : memref<40xi32, #tpu.memory_space<hbm>>) dst(%arg9 : memref<40xi32, #tpu.memory_space<vmem>>)
      %dma_start3A_385 = arith.constant 0 : i32
      %dma_start3A_386 = arith.constant 0 : i32
      %dma_start3A_387 = tpu.memref_slice %arg18[%dma_start3A_385, %dma_start3A_386] : memref<10000x128xf32, #tpu.memory_space<vmem_shared>> -> memref<10000x128xf32, #tpu.memory_space<vmem_shared>>
      tpu.enqueue_indirect_dma source(%arg13 : memref<40x128xf32, #tpu.memory_space<vmem>>) target(%dma_start3A_387 : memref<10000x128xf32, #tpu.memory_space<vmem_shared>>) offsets(%arg9 : memref<40xi32, #tpu.memory_space<vmem>>) semaphore(%arg31 : memref<!tpu.dma_semaphore, #tpu.memory_space<semaphore_mem>>) {add = true}
      %add3A_388 = arith.constant 3 : i32
      %add3A_389 = arith.addi %mul3A_319, %add3A_388 : i32
      %ge3A_390 = arith.constant 4 : i32
      %ge3A_391 = arith.cmpi sge, %add3A_389, %ge3A_390 : i32
      %convert_element_type3A_392 = arith.extui %ge3A_391 : i1 to i32
      %cond3A_393 = arith.constant 0 : i32
      %cond3A_394 = arith.cmpi ne, %convert_element_type3A_392, %cond3A_393 : i32
      scf.if %cond3A_394 {
        %dma_wait3A_505 = arith.constant 0 : i32
        %dma_wait3A_506 = arith.constant 0 : i32
        %dma_wait3A_507 = tpu.memref_slice %arg18[%dma_wait3A_505, %dma_wait3A_506] : memref<10000x128xf32, #tpu.memory_space<vmem_shared>> -> memref<10000x128xf32, #tpu.memory_space<vmem_shared>>
        tpu.wait_indirect_dma semaphore(%arg33 : memref<!tpu.dma_semaphore, #tpu.memory_space<semaphore_mem>>) src(%arg15 : memref<40x128xf32, #tpu.memory_space<vmem>>) dst(%dma_wait3A_507 : memref<10000x128xf32, #tpu.memory_space<vmem_shared>>)
      } else {
      }
      %mul3A_395 = arith.constant 40 : i32
      %mul3A_396 = arith.muli %add3A_389, %mul3A_395 : i32
      %add3A_397 = arith.addi %mul3A_2, %mul3A_396 : i32
      %multiple_of3A_398 = tpu.assume_multiple %add3A_397, 8 : i32
      %dma_start3A_399 = tpu.memref_slice %arg4[%multiple_of3A_398] : memref<320000xi32, #tpu.memory_space<hbm>> -> memref<40xi32, #tpu.memory_space<hbm>>
      %dma_start3A_400 = tpu.memref_slice %arg4[%multiple_of3A_398] : memref<320000xi32, #tpu.memory_space<hbm>> -> memref<40xi32, #tpu.memory_space<hbm>>
      tpu.enqueue_dma source(%dma_start3A_400 : memref<40xi32, #tpu.memory_space<hbm>>) target(%arg11 : memref<40xi32, #tpu.memory_space<vmem>>) target_semaphore(%arg23 : memref<!tpu.dma_semaphore, #tpu.memory_space<semaphore_mem>>)
      %dma_start3A_401 = arith.constant 0 : i32
      %dma_start3A_402 = tpu.memref_slice %arg5[%multiple_of3A_398, %dma_start3A_401] : memref<320000x128xf32, #tpu.memory_space<hbm>> -> memref<40x128xf32, #tpu.memory_space<hbm>>
      %dma_start3A_403 = arith.constant 0 : i32
      %dma_start3A_404 = tpu.memref_slice %arg5[%multiple_of3A_398, %dma_start3A_403] : memref<320000x128xf32, #tpu.memory_space<hbm>> -> memref<40x128xf32, #tpu.memory_space<hbm>>
      tpu.enqueue_dma source(%dma_start3A_404 : memref<40x128xf32, #tpu.memory_space<hbm>>) target(%arg17 : memref<40x128xf32, #tpu.memory_space<vmem>>) target_semaphore(%arg29 : memref<!tpu.dma_semaphore, #tpu.memory_space<semaphore_mem>>)
      %mul3A_405 = arith.constant 40 : i32
      %mul3A_406 = arith.muli %add3A_389, %mul3A_405 : i32
      %dma_start3A_407 = tpu.memref_slice %arg7[%mul3A_406] : memref<10000xi32, #tpu.memory_space<vmem>> -> memref<40xi32, #tpu.memory_space<vmem>>
      %dma_start3A_408 = arith.constant 0 : i32
      %dma_start3A_409 = arith.constant 0 : i32
      %dma_start3A_410 = tpu.memref_slice %arg2[%dma_start3A_408, %dma_start3A_409] : memref<10000x128xf32, #tpu.memory_space<hbm>> -> memref<10000x128xf32, #tpu.memory_space<hbm>>
      tpu.enqueue_indirect_dma source(%dma_start3A_410 : memref<10000x128xf32, #tpu.memory_space<hbm>>) target(%arg15 : memref<40x128xf32, #tpu.memory_space<vmem>>) offsets(%dma_start3A_407 : memref<40xi32, #tpu.memory_space<vmem>>) semaphore(%arg27 : memref<!tpu.dma_semaphore, #tpu.memory_space<semaphore_mem>>)
      %add3A_411 = arith.constant 2 : i32
      %add3A_412 = arith.addi %mul3A_319, %add3A_411 : i32
      %mul3A_413 = arith.constant 40 : i32
      %mul3A_414 = arith.muli %add3A_412, %mul3A_413 : i32
      %add3A_415 = arith.addi %mul3A_2, %mul3A_414 : i32
      %multiple_of3A_416 = tpu.assume_multiple %add3A_415, 8 : i32
      %dma_wait3A_417 = arith.constant 0 : i32
      %dma_wait3A_418 = tpu.memref_slice %arg5[%multiple_of3A_416, %dma_wait3A_417] : memref<320000x128xf32, #tpu.memory_space<hbm>> -> memref<40x128xf32, #tpu.memory_space<hbm>>
      %dma_wait3A_419 = arith.constant 0 : i32
      %dma_wait3A_420 = tpu.memref_slice %arg5[%multiple_of3A_416, %dma_wait3A_419] : memref<320000x128xf32, #tpu.memory_space<hbm>> -> memref<40x128xf32, #tpu.memory_space<hbm>>
      tpu.wait_dma2 semaphore(%arg28 : memref<!tpu.dma_semaphore, #tpu.memory_space<semaphore_mem>>) src(%dma_wait3A_420 : memref<40x128xf32, #tpu.memory_space<hbm>>) dst(%arg16 : memref<40x128xf32, #tpu.memory_space<vmem>>)
      %mul3A_421 = arith.constant 40 : i32
      %mul3A_422 = arith.muli %add3A_412, %mul3A_421 : i32
      %dma_wait3A_423 = tpu.memref_slice %arg7[%mul3A_422] : memref<10000xi32, #tpu.memory_space<vmem>> -> memref<40xi32, #tpu.memory_space<vmem>>
      %dma_wait3A_424 = arith.constant 0 : i32
      %dma_wait3A_425 = arith.constant 0 : i32
      %dma_wait3A_426 = tpu.memref_slice %arg2[%dma_wait3A_424, %dma_wait3A_425] : memref<10000x128xf32, #tpu.memory_space<hbm>> -> memref<10000x128xf32, #tpu.memory_space<hbm>>
      tpu.wait_indirect_dma semaphore(%arg26 : memref<!tpu.dma_semaphore, #tpu.memory_space<semaphore_mem>>) src(%dma_wait3A_426 : memref<10000x128xf32, #tpu.memory_space<hbm>>) dst(%arg14 : memref<40x128xf32, #tpu.memory_space<vmem>>)
      %parallel_loop3A_427 = arith.constant 0 : i32
      %parallel_loop3A_428 = arith.constant 40 : i32
      %parallel_loop3A_429 = arith.constant 1 : i32
      scf.for %parallel_loop3A_505 = %parallel_loop3A_427 to %parallel_loop3A_428 step %parallel_loop3A_429  : i32 {
        %parallel_loop3A_506 = arith.index_cast %parallel_loop3A_505 : i32 to index
        %parallel_loop3A_507 = arith.constant 0 : index
        %parallel_loop3A_508 = tpu.vector_load %arg14[%parallel_loop3A_506, %parallel_loop3A_507] {strides = array<i32>} : memref<40x128xf32, #tpu.memory_space<vmem>>, vector<1x16xf32>,
        %parallel_loop3A_509 = vector.shape_cast %parallel_loop3A_508 : vector<1x16xf32> to vector<16xf32>
        %parallel_loop3A_510 = arith.index_cast %parallel_loop3A_505 : i32 to index
        %parallel_loop3A_511 = arith.constant 0 : index
        %parallel_loop3A_512 = tpu.vector_load %arg16[%parallel_loop3A_510, %parallel_loop3A_511] {strides = array<i32>} : memref<40x128xf32, #tpu.memory_space<vmem>>, vector<1x16xf32>,
        %parallel_loop3A_513 = vector.shape_cast %parallel_loop3A_512 : vector<1x16xf32> to vector<16xf32>
        %parallel_loop3A_514 = arith.mulf %parallel_loop3A_509, %parallel_loop3A_513 : vector<16xf32>
        %parallel_loop3A_515 = arith.index_cast %parallel_loop3A_505 : i32 to index
        %parallel_loop3A_516 = arith.constant 0 : index
        %parallel_loop3A_517 = tpu.vector_load %arg14[%parallel_loop3A_515, %parallel_loop3A_516] {strides = array<i32>} : memref<40x128xf32, #tpu.memory_space<vmem>>, vector<1x16xf32>,
        %parallel_loop3A_518 = vector.shape_cast %parallel_loop3A_517 : vector<1x16xf32> to vector<16xf32>
        %parallel_loop3A_519 = vector.shape_cast %parallel_loop3A_514 : vector<16xf32> to vector<1x16xf32>
        tpu.vector_store %arg14[%parallel_loop3A_515, %parallel_loop3A_516], %parallel_loop3A_519 {strides = array<i32>} : memref<40x128xf32, #tpu.memory_space<vmem>>, vector<1x16xf32>,
        %parallel_loop3A_520 = arith.index_cast %parallel_loop3A_505 : i32 to index
        %parallel_loop3A_521 = arith.constant 16 : index
        %parallel_loop3A_522 = tpu.vector_load %arg14[%parallel_loop3A_520, %parallel_loop3A_521] {strides = array<i32>} : memref<40x128xf32, #tpu.memory_space<vmem>>, vector<1x16xf32>,
        %parallel_loop3A_523 = vector.shape_cast %parallel_loop3A_522 : vector<1x16xf32> to vector<16xf32>
        %parallel_loop3A_524 = arith.index_cast %parallel_loop3A_505 : i32 to index
        %parallel_loop3A_525 = arith.constant 16 : index
        %parallel_loop3A_526 = tpu.vector_load %arg16[%parallel_loop3A_524, %parallel_loop3A_525] {strides = array<i32>} : memref<40x128xf32, #tpu.memory_space<vmem>>, vector<1x16xf32>,
        %parallel_loop3A_527 = vector.shape_cast %parallel_loop3A_526 : vector<1x16xf32> to vector<16xf32>
        %parallel_loop3A_528 = arith.mulf %parallel_loop3A_523, %parallel_loop3A_527 : vector<16xf32>
        %parallel_loop3A_529 = arith.index_cast %parallel_loop3A_505 : i32 to index
        %parallel_loop3A_530 = arith.constant 16 : index
        %parallel_loop3A_531 = tpu.vector_load %arg14[%parallel_loop3A_529, %parallel_loop3A_530] {strides = array<i32>} : memref<40x128xf32, #tpu.memory_space<vmem>>, vector<1x16xf32>,
        %parallel_loop3A_532 = vector.shape_cast %parallel_loop3A_531 : vector<1x16xf32> to vector<16xf32>
        %parallel_loop3A_533 = vector.shape_cast %parallel_loop3A_528 : vector<16xf32> to vector<1x16xf32>
        tpu.vector_store %arg14[%parallel_loop3A_529, %parallel_loop3A_530], %parallel_loop3A_533 {strides = array<i32>} : memref<40x128xf32, #tpu.memory_space<vmem>>, vector<1x16xf32>,
        %parallel_loop3A_534 = arith.index_cast %parallel_loop3A_505 : i32 to index
        %parallel_loop3A_535 = arith.constant 32 : index
        %parallel_loop3A_536 = tpu.vector_load %arg14[%parallel_loop3A_534, %parallel_loop3A_535] {strides = array<i32>} : memref<40x128xf32, #tpu.memory_space<vmem>>, vector<1x16xf32>,
        %parallel_loop3A_537 = vector.shape_cast %parallel_loop3A_536 : vector<1x16xf32> to vector<16xf32>
        %parallel_loop3A_538 = arith.index_cast %parallel_loop3A_505 : i32 to index
        %parallel_loop3A_539 = arith.constant 32 : index
        %parallel_loop3A_540 = tpu.vector_load %arg16[%parallel_loop3A_538, %parallel_loop3A_539] {strides = array<i32>} : memref<40x128xf32, #tpu.memory_space<vmem>>, vector<1x16xf32>,
        %parallel_loop3A_541 = vector.shape_cast %parallel_loop3A_540 : vector<1x16xf32> to vector<16xf32>
        %parallel_loop3A_542 = arith.mulf %parallel_loop3A_537, %parallel_loop3A_541 : vector<16xf32>
        %parallel_loop3A_543 = arith.index_cast %parallel_loop3A_505 : i32 to index
        %parallel_loop3A_544 = arith.constant 32 : index
        %parallel_loop3A_545 = tpu.vector_load %arg14[%parallel_loop3A_543, %parallel_loop3A_544] {strides = array<i32>} : memref<40x128xf32, #tpu.memory_space<vmem>>, vector<1x16xf32>,
        %parallel_loop3A_546 = vector.shape_cast %parallel_loop3A_545 : vector<1x16xf32> to vector<16xf32>
        %parallel_loop3A_547 = vector.shape_cast %parallel_loop3A_542 : vector<16xf32> to vector<1x16xf32>
        tpu.vector_store %arg14[%parallel_loop3A_543, %parallel_loop3A_544], %parallel_loop3A_547 {strides = array<i32>} : memref<40x128xf32, #tpu.memory_space<vmem>>, vector<1x16xf32>,
        %parallel_loop3A_548 = arith.index_cast %parallel_loop3A_505 : i32 to index
        %parallel_loop3A_549 = arith.constant 48 : index
        %parallel_loop3A_550 = tpu.vector_load %arg14[%parallel_loop3A_548, %parallel_loop3A_549] {strides = array<i32>} : memref<40x128xf32, #tpu.memory_space<vmem>>, vector<1x16xf32>,
        %parallel_loop3A_551 = vector.shape_cast %parallel_loop3A_550 : vector<1x16xf32> to vector<16xf32>
        %parallel_loop3A_552 = arith.index_cast %parallel_loop3A_505 : i32 to index
        %parallel_loop3A_553 = arith.constant 48 : index
        %parallel_loop3A_554 = tpu.vector_load %arg16[%parallel_loop3A_552, %parallel_loop3A_553] {strides = array<i32>} : memref<40x128xf32, #tpu.memory_space<vmem>>, vector<1x16xf32>,
        %parallel_loop3A_555 = vector.shape_cast %parallel_loop3A_554 : vector<1x16xf32> to vector<16xf32>
        %parallel_loop3A_556 = arith.mulf %parallel_loop3A_551, %parallel_loop3A_555 : vector<16xf32>
        %parallel_loop3A_557 = arith.index_cast %parallel_loop3A_505 : i32 to index
        %parallel_loop3A_558 = arith.constant 48 : index
        %parallel_loop3A_559 = tpu.vector_load %arg14[%parallel_loop3A_557, %parallel_loop3A_558] {strides = array<i32>} : memref<40x128xf32, #tpu.memory_space<vmem>>, vector<1x16xf32>,
        %parallel_loop3A_560 = vector.shape_cast %parallel_loop3A_559 : vector<1x16xf32> to vector<16xf32>
        %parallel_loop3A_561 = vector.shape_cast %parallel_loop3A_556 : vector<16xf32> to vector<1x16xf32>
        tpu.vector_store %arg14[%parallel_loop3A_557, %parallel_loop3A_558], %parallel_loop3A_561 {strides = array<i32>} : memref<40x128xf32, #tpu.memory_space<vmem>>, vector<1x16xf32>,
        %parallel_loop3A_562 = arith.index_cast %parallel_loop3A_505 : i32 to index
        %parallel_loop3A_563 = arith.constant 64 : index
        %parallel_loop3A_564 = tpu.vector_load %arg14[%parallel_loop3A_562, %parallel_loop3A_563] {strides = array<i32>} : memref<40x128xf32, #tpu.memory_space<vmem>>, vector<1x16xf32>,
        %parallel_loop3A_565 = vector.shape_cast %parallel_loop3A_564 : vector<1x16xf32> to vector<16xf32>
        %parallel_loop3A_566 = arith.index_cast %parallel_loop3A_505 : i32 to index
        %parallel_loop3A_567 = arith.constant 64 : index
        %parallel_loop3A_568 = tpu.vector_load %arg16[%parallel_loop3A_566, %parallel_loop3A_567] {strides = array<i32>} : memref<40x128xf32, #tpu.memory_space<vmem>>, vector<1x16xf32>,
        %parallel_loop3A_569 = vector.shape_cast %parallel_loop3A_568 : vector<1x16xf32> to vector<16xf32>
        %parallel_loop3A_570 = arith.mulf %parallel_loop3A_565, %parallel_loop3A_569 : vector<16xf32>
        %parallel_loop3A_571 = arith.index_cast %parallel_loop3A_505 : i32 to index
        %parallel_loop3A_572 = arith.constant 64 : index
        %parallel_loop3A_573 = tpu.vector_load %arg14[%parallel_loop3A_571, %parallel_loop3A_572] {strides = array<i32>} : memref<40x128xf32, #tpu.memory_space<vmem>>, vector<1x16xf32>,
        %parallel_loop3A_574 = vector.shape_cast %parallel_loop3A_573 : vector<1x16xf32> to vector<16xf32>
        %parallel_loop3A_575 = vector.shape_cast %parallel_loop3A_570 : vector<16xf32> to vector<1x16xf32>
        tpu.vector_store %arg14[%parallel_loop3A_571, %parallel_loop3A_572], %parallel_loop3A_575 {strides = array<i32>} : memref<40x128xf32, #tpu.memory_space<vmem>>, vector<1x16xf32>,
        %parallel_loop3A_576 = arith.index_cast %parallel_loop3A_505 : i32 to index
        %parallel_loop3A_577 = arith.constant 80 : index
        %parallel_loop3A_578 = tpu.vector_load %arg14[%parallel_loop3A_576, %parallel_loop3A_577] {strides = array<i32>} : memref<40x128xf32, #tpu.memory_space<vmem>>, vector<1x16xf32>,
        %parallel_loop3A_579 = vector.shape_cast %parallel_loop3A_578 : vector<1x16xf32> to vector<16xf32>
        %parallel_loop3A_580 = arith.index_cast %parallel_loop3A_505 : i32 to index
        %parallel_loop3A_581 = arith.constant 80 : index
        %parallel_loop3A_582 = tpu.vector_load %arg16[%parallel_loop3A_580, %parallel_loop3A_581] {strides = array<i32>} : memref<40x128xf32, #tpu.memory_space<vmem>>, vector<1x16xf32>,
        %parallel_loop3A_583 = vector.shape_cast %parallel_loop3A_582 : vector<1x16xf32> to vector<16xf32>
        %parallel_loop3A_584 = arith.mulf %parallel_loop3A_579, %parallel_loop3A_583 : vector<16xf32>
        %parallel_loop3A_585 = arith.index_cast %parallel_loop3A_505 : i32 to index
        %parallel_loop3A_586 = arith.constant 80 : index
        %parallel_loop3A_587 = tpu.vector_load %arg14[%parallel_loop3A_585, %parallel_loop3A_586] {strides = array<i32>} : memref<40x128xf32, #tpu.memory_space<vmem>>, vector<1x16xf32>,
        %parallel_loop3A_588 = vector.shape_cast %parallel_loop3A_587 : vector<1x16xf32> to vector<16xf32>
        %parallel_loop3A_589 = vector.shape_cast %parallel_loop3A_584 : vector<16xf32> to vector<1x16xf32>
        tpu.vector_store %arg14[%parallel_loop3A_585, %parallel_loop3A_586], %parallel_loop3A_589 {strides = array<i32>} : memref<40x128xf32, #tpu.memory_space<vmem>>, vector<1x16xf32>,
        %parallel_loop3A_590 = arith.index_cast %parallel_loop3A_505 : i32 to index
        %parallel_loop3A_591 = arith.constant 96 : index
        %parallel_loop3A_592 = tpu.vector_load %arg14[%parallel_loop3A_590, %parallel_loop3A_591] {strides = array<i32>} : memref<40x128xf32, #tpu.memory_space<vmem>>, vector<1x16xf32>,
        %parallel_loop3A_593 = vector.shape_cast %parallel_loop3A_592 : vector<1x16xf32> to vector<16xf32>
        %parallel_loop3A_594 = arith.index_cast %parallel_loop3A_505 : i32 to index
        %parallel_loop3A_595 = arith.constant 96 : index
        %parallel_loop3A_596 = tpu.vector_load %arg16[%parallel_loop3A_594, %parallel_loop3A_595] {strides = array<i32>} : memref<40x128xf32, #tpu.memory_space<vmem>>, vector<1x16xf32>,
        %parallel_loop3A_597 = vector.shape_cast %parallel_loop3A_596 : vector<1x16xf32> to vector<16xf32>
        %parallel_loop3A_598 = arith.mulf %parallel_loop3A_593, %parallel_loop3A_597 : vector<16xf32>
        %parallel_loop3A_599 = arith.index_cast %parallel_loop3A_505 : i32 to index
        %parallel_loop3A_600 = arith.constant 96 : index
        %parallel_loop3A_601 = tpu.vector_load %arg14[%parallel_loop3A_599, %parallel_loop3A_600] {strides = array<i32>} : memref<40x128xf32, #tpu.memory_space<vmem>>, vector<1x16xf32>,
        %parallel_loop3A_602 = vector.shape_cast %parallel_loop3A_601 : vector<1x16xf32> to vector<16xf32>
        %parallel_loop3A_603 = vector.shape_cast %parallel_loop3A_598 : vector<16xf32> to vector<1x16xf32>
        tpu.vector_store %arg14[%parallel_loop3A_599, %parallel_loop3A_600], %parallel_loop3A_603 {strides = array<i32>} : memref<40x128xf32, #tpu.memory_space<vmem>>, vector<1x16xf32>,
        %parallel_loop3A_604 = arith.index_cast %parallel_loop3A_505 : i32 to index
        %parallel_loop3A_605 = arith.constant 112 : index
        %parallel_loop3A_606 = tpu.vector_load %arg14[%parallel_loop3A_604, %parallel_loop3A_605] {strides = array<i32>} : memref<40x128xf32, #tpu.memory_space<vmem>>, vector<1x16xf32>,
        %parallel_loop3A_607 = vector.shape_cast %parallel_loop3A_606 : vector<1x16xf32> to vector<16xf32>
        %parallel_loop3A_608 = arith.index_cast %parallel_loop3A_505 : i32 to index
        %parallel_loop3A_609 = arith.constant 112 : index
        %parallel_loop3A_610 = tpu.vector_load %arg16[%parallel_loop3A_608, %parallel_loop3A_609] {strides = array<i32>} : memref<40x128xf32, #tpu.memory_space<vmem>>, vector<1x16xf32>,
        %parallel_loop3A_611 = vector.shape_cast %parallel_loop3A_610 : vector<1x16xf32> to vector<16xf32>
        %parallel_loop3A_612 = arith.mulf %parallel_loop3A_607, %parallel_loop3A_611 : vector<16xf32>
        %parallel_loop3A_613 = arith.index_cast %parallel_loop3A_505 : i32 to index
        %parallel_loop3A_614 = arith.constant 112 : index
        %parallel_loop3A_615 = tpu.vector_load %arg14[%parallel_loop3A_613, %parallel_loop3A_614] {strides = array<i32>} : memref<40x128xf32, #tpu.memory_space<vmem>>, vector<1x16xf32>,
        %parallel_loop3A_616 = vector.shape_cast %parallel_loop3A_615 : vector<1x16xf32> to vector<16xf32>
        %parallel_loop3A_617 = vector.shape_cast %parallel_loop3A_612 : vector<16xf32> to vector<1x16xf32>
        tpu.vector_store %arg14[%parallel_loop3A_613, %parallel_loop3A_614], %parallel_loop3A_617 {strides = array<i32>} : memref<40x128xf32, #tpu.memory_space<vmem>>, vector<1x16xf32>,
      } {sc.loop_unroll_factor = 8 : i64, sc.parallel_access}
      %dma_wait3A_430 = tpu.memref_slice %arg4[%multiple_of3A_416] : memref<320000xi32, #tpu.memory_space<hbm>> -> memref<40xi32, #tpu.memory_space<hbm>>
      %dma_wait3A_431 = tpu.memref_slice %arg4[%multiple_of3A_416] : memref<320000xi32, #tpu.memory_space<hbm>> -> memref<40xi32, #tpu.memory_space<hbm>>
      tpu.wait_dma2 semaphore(%arg22 : memref<!tpu.dma_semaphore, #tpu.memory_space<semaphore_mem>>) src(%dma_wait3A_431 : memref<40xi32, #tpu.memory_space<hbm>>) dst(%arg10 : memref<40xi32, #tpu.memory_space<vmem>>)
      %dma_start3A_432 = arith.constant 0 : i32
      %dma_start3A_433 = arith.constant 0 : i32
      %dma_start3A_434 = tpu.memref_slice %arg18[%dma_start3A_432, %dma_start3A_433] : memref<10000x128xf32, #tpu.memory_space<vmem_shared>> -> memref<10000x128xf32, #tpu.memory_space<vmem_shared>>
      tpu.enqueue_indirect_dma source(%arg14 : memref<40x128xf32, #tpu.memory_space<vmem>>) target(%dma_start3A_434 : memref<10000x128xf32, #tpu.memory_space<vmem_shared>>) offsets(%arg10 : memref<40xi32, #tpu.memory_space<vmem>>) semaphore(%arg32 : memref<!tpu.dma_semaphore, #tpu.memory_space<semaphore_mem>>) {add = true}
      %add3A_435 = arith.constant 4 : i32
      %add3A_436 = arith.addi %mul3A_319, %add3A_435 : i32
      %ge3A_437 = arith.constant 4 : i32
      %ge3A_438 = arith.cmpi sge, %add3A_436, %ge3A_437 : i32
      %convert_element_type3A_439 = arith.extui %ge3A_438 : i1 to i32
      %cond3A_440 = arith.constant 0 : i32
      %cond3A_441 = arith.cmpi ne, %convert_element_type3A_439, %cond3A_440 : i32
      scf.if %cond3A_441 {
        %dma_wait3A_505 = arith.constant 0 : i32
        %dma_wait3A_506 = arith.constant 0 : i32
        %dma_wait3A_507 = tpu.memref_slice %arg18[%dma_wait3A_505, %dma_wait3A_506] : memref<10000x128xf32, #tpu.memory_space<vmem_shared>> -> memref<10000x128xf32, #tpu.memory_space<vmem_shared>>
        tpu.wait_indirect_dma semaphore(%arg30 : memref<!tpu.dma_semaphore, #tpu.memory_space<semaphore_mem>>) src(%arg12 : memref<40x128xf32, #tpu.memory_space<vmem>>) dst(%dma_wait3A_507 : memref<10000x128xf32, #tpu.memory_space<vmem_shared>>)
      } else {
      }
      %mul3A_442 = arith.constant 40 : i32
      %mul3A_443 = arith.muli %add3A_436, %mul3A_442 : i32
      %add3A_444 = arith.addi %mul3A_2, %mul3A_443 : i32
      %multiple_of3A_445 = tpu.assume_multiple %add3A_444, 8 : i32
      %dma_start3A_446 = tpu.memref_slice %arg4[%multiple_of3A_445] : memref<320000xi32, #tpu.memory_space<hbm>> -> memref<40xi32, #tpu.memory_space<hbm>>
      %dma_start3A_447 = tpu.memref_slice %arg4[%multiple_of3A_445] : memref<320000xi32, #tpu.memory_space<hbm>> -> memref<40xi32, #tpu.memory_space<hbm>>
      tpu.enqueue_dma source(%dma_start3A_447 : memref<40xi32, #tpu.memory_space<hbm>>) target(%arg8 : memref<40xi32, #tpu.memory_space<vmem>>) target_semaphore(%arg20 : memref<!tpu.dma_semaphore, #tpu.memory_space<semaphore_mem>>)
      %dma_start3A_448 = arith.constant 0 : i32
      %dma_start3A_449 = tpu.memref_slice %arg5[%multiple_of3A_445, %dma_start3A_448] : memref<320000x128xf32, #tpu.memory_space<hbm>> -> memref<40x128xf32, #tpu.memory_space<hbm>>
      %dma_start3A_450 = arith.constant 0 : i32
      %dma_start3A_451 = tpu.memref_slice %arg5[%multiple_of3A_445, %dma_start3A_450] : memref<320000x128xf32, #tpu.memory_space<hbm>> -> memref<40x128xf32, #tpu.memory_space<hbm>>
      tpu.enqueue_dma source(%dma_start3A_451 : memref<40x128xf32, #tpu.memory_space<hbm>>) target(%arg16 : memref<40x128xf32, #tpu.memory_space<vmem>>) target_semaphore(%arg28 : memref<!tpu.dma_semaphore, #tpu.memory_space<semaphore_mem>>)
      %mul3A_452 = arith.constant 40 : i32
      %mul3A_453 = arith.muli %add3A_436, %mul3A_452 : i32
      %dma_start3A_454 = tpu.memref_slice %arg7[%mul3A_453] : memref<10000xi32, #tpu.memory_space<vmem>> -> memref<40xi32, #tpu.memory_space<vmem>>
      %dma_start3A_455 = arith.constant 0 : i32
      %dma_start3A_456 = arith.constant 0 : i32
      %dma_start3A_457 = tpu.memref_slice %arg2[%dma_start3A_455, %dma_start3A_456] : memref<10000x128xf32, #tpu.memory_space<hbm>> -> memref<10000x128xf32, #tpu.memory_space<hbm>>
      tpu.enqueue_indirect_dma source(%dma_start3A_457 : memref<10000x128xf32, #tpu.memory_space<hbm>>) target(%arg12 : memref<40x128xf32, #tpu.memory_space<vmem>>) offsets(%dma_start3A_454 : memref<40xi32, #tpu.memory_space<vmem>>) semaphore(%arg24 : memref<!tpu.dma_semaphore, #tpu.memory_space<semaphore_mem>>)
      %add3A_458 = arith.constant 3 : i32
      %add3A_459 = arith.addi %mul3A_319, %add3A_458 : i32
      %mul3A_460 = arith.constant 40 : i32
      %mul3A_461 = arith.muli %add3A_459, %mul3A_460 : i32
      %add3A_462 = arith.addi %mul3A_2, %mul3A_461 : i32
      %multiple_of3A_463 = tpu.assume_multiple %add3A_462, 8 : i32
      %dma_wait3A_464 = arith.constant 0 : i32
      %dma_wait3A_465 = tpu.memref_slice %arg5[%multiple_of3A_463, %dma_wait3A_464] : memref<320000x128xf32, #tpu.memory_space<hbm>> -> memref<40x128xf32, #tpu.memory_space<hbm>>
      %dma_wait3A_466 = arith.constant 0 : i32
      %dma_wait3A_467 = tpu.memref_slice %arg5[%multiple_of3A_463, %dma_wait3A_466] : memref<320000x128xf32, #tpu.memory_space<hbm>> -> memref<40x128xf32, #tpu.memory_space<hbm>>
      tpu.wait_dma2 semaphore(%arg29 : memref<!tpu.dma_semaphore, #tpu.memory_space<semaphore_mem>>) src(%dma_wait3A_467 : memref<40x128xf32, #tpu.memory_space<hbm>>) dst(%arg17 : memref<40x128xf32, #tpu.memory_space<vmem>>)
      %mul3A_468 = arith.constant 40 : i32
      %mul3A_469 = arith.muli %add3A_459, %mul3A_468 : i32
      %dma_wait3A_470 = tpu.memref_slice %arg7[%mul3A_469] : memref<10000xi32, #tpu.memory_space<vmem>> -> memref<40xi32, #tpu.memory_space<vmem>>
      %dma_wait3A_471 = arith.constant 0 : i32
      %dma_wait3A_472 = arith.constant 0 : i32
      %dma_wait3A_473 = tpu.memref_slice %arg2[%dma_wait3A_471, %dma_wait3A_472] : memref<10000x128xf32, #tpu.memory_space<hbm>> -> memref<10000x128xf32, #tpu.memory_space<hbm>>
      tpu.wait_indirect_dma semaphore(%arg27 : memref<!tpu.dma_semaphore, #tpu.memory_space<semaphore_mem>>) src(%dma_wait3A_473 : memref<10000x128xf32, #tpu.memory_space<hbm>>) dst(%arg15 : memref<40x128xf32, #tpu.memory_space<vmem>>)
      %parallel_loop3A_474 = arith.constant 0 : i32
      %parallel_loop3A_475 = arith.constant 40 : i32
      %parallel_loop3A_476 = arith.constant 1 : i32
      scf.for %parallel_loop3A_505 = %parallel_loop3A_474 to %parallel_loop3A_475 step %parallel_loop3A_476  : i32 {
        %parallel_loop3A_506 = arith.index_cast %parallel_loop3A_505 : i32 to index
        %parallel_loop3A_507 = arith.constant 0 : index
        %parallel_loop3A_508 = tpu.vector_load %arg15[%parallel_loop3A_506, %parallel_loop3A_507] {strides = array<i32>} : memref<40x128xf32, #tpu.memory_space<vmem>>, vector<1x16xf32>,
        %parallel_loop3A_509 = vector.shape_cast %parallel_loop3A_508 : vector<1x16xf32> to vector<16xf32>
        %parallel_loop3A_510 = arith.index_cast %parallel_loop3A_505 : i32 to index
        %parallel_loop3A_511 = arith.constant 0 : index
        %parallel_loop3A_512 = tpu.vector_load %arg17[%parallel_loop3A_510, %parallel_loop3A_511] {strides = array<i32>} : memref<40x128xf32, #tpu.memory_space<vmem>>, vector<1x16xf32>,
        %parallel_loop3A_513 = vector.shape_cast %parallel_loop3A_512 : vector<1x16xf32> to vector<16xf32>
        %parallel_loop3A_514 = arith.mulf %parallel_loop3A_509, %parallel_loop3A_513 : vector<16xf32>
        %parallel_loop3A_515 = arith.index_cast %parallel_loop3A_505 : i32 to index
        %parallel_loop3A_516 = arith.constant 0 : index
        %parallel_loop3A_517 = tpu.vector_load %arg15[%parallel_loop3A_515, %parallel_loop3A_516] {strides = array<i32>} : memref<40x128xf32, #tpu.memory_space<vmem>>, vector<1x16xf32>,
        %parallel_loop3A_518 = vector.shape_cast %parallel_loop3A_517 : vector<1x16xf32> to vector<16xf32>
        %parallel_loop3A_519 = vector.shape_cast %parallel_loop3A_514 : vector<16xf32> to vector<1x16xf32>
        tpu.vector_store %arg15[%parallel_loop3A_515, %parallel_loop3A_516], %parallel_loop3A_519 {strides = array<i32>} : memref<40x128xf32, #tpu.memory_space<vmem>>, vector<1x16xf32>,
        %parallel_loop3A_520 = arith.index_cast %parallel_loop3A_505 : i32 to index
        %parallel_loop3A_521 = arith.constant 16 : index
        %parallel_loop3A_522 = tpu.vector_load %arg15[%parallel_loop3A_520, %parallel_loop3A_521] {strides = array<i32>} : memref<40x128xf32, #tpu.memory_space<vmem>>, vector<1x16xf32>,
        %parallel_loop3A_523 = vector.shape_cast %parallel_loop3A_522 : vector<1x16xf32> to vector<16xf32>
        %parallel_loop3A_524 = arith.index_cast %parallel_loop3A_505 : i32 to index
        %parallel_loop3A_525 = arith.constant 16 : index
        %parallel_loop3A_526 = tpu.vector_load %arg17[%parallel_loop3A_524, %parallel_loop3A_525] {strides = array<i32>} : memref<40x128xf32, #tpu.memory_space<vmem>>, vector<1x16xf32>,
        %parallel_loop3A_527 = vector.shape_cast %parallel_loop3A_526 : vector<1x16xf32> to vector<16xf32>
        %parallel_loop3A_528 = arith.mulf %parallel_loop3A_523, %parallel_loop3A_527 : vector<16xf32>
        %parallel_loop3A_529 = arith.index_cast %parallel_loop3A_505 : i32 to index
        %parallel_loop3A_530 = arith.constant 16 : index
        %parallel_loop3A_531 = tpu.vector_load %arg15[%parallel_loop3A_529, %parallel_loop3A_530] {strides = array<i32>} : memref<40x128xf32, #tpu.memory_space<vmem>>, vector<1x16xf32>,
        %parallel_loop3A_532 = vector.shape_cast %parallel_loop3A_531 : vector<1x16xf32> to vector<16xf32>
        %parallel_loop3A_533 = vector.shape_cast %parallel_loop3A_528 : vector<16xf32> to vector<1x16xf32>
        tpu.vector_store %arg15[%parallel_loop3A_529, %parallel_loop3A_530], %parallel_loop3A_533 {strides = array<i32>} : memref<40x128xf32, #tpu.memory_space<vmem>>, vector<1x16xf32>,
        %parallel_loop3A_534 = arith.index_cast %parallel_loop3A_505 : i32 to index
        %parallel_loop3A_535 = arith.constant 32 : index
        %parallel_loop3A_536 = tpu.vector_load %arg15[%parallel_loop3A_534, %parallel_loop3A_535] {strides = array<i32>} : memref<40x128xf32, #tpu.memory_space<vmem>>, vector<1x16xf32>,
        %parallel_loop3A_537 = vector.shape_cast %parallel_loop3A_536 : vector<1x16xf32> to vector<16xf32>
        %parallel_loop3A_538 = arith.index_cast %parallel_loop3A_505 : i32 to index
        %parallel_loop3A_539 = arith.constant 32 : index
        %parallel_loop3A_540 = tpu.vector_load %arg17[%parallel_loop3A_538, %parallel_loop3A_539] {strides = array<i32>} : memref<40x128xf32, #tpu.memory_space<vmem>>, vector<1x16xf32>,
        %parallel_loop3A_541 = vector.shape_cast %parallel_loop3A_540 : vector<1x16xf32> to vector<16xf32>
        %parallel_loop3A_542 = arith.mulf %parallel_loop3A_537, %parallel_loop3A_541 : vector<16xf32>
        %parallel_loop3A_543 = arith.index_cast %parallel_loop3A_505 : i32 to index
        %parallel_loop3A_544 = arith.constant 32 : index
        %parallel_loop3A_545 = tpu.vector_load %arg15[%parallel_loop3A_543, %parallel_loop3A_544] {strides = array<i32>} : memref<40x128xf32, #tpu.memory_space<vmem>>, vector<1x16xf32>,
        %parallel_loop3A_546 = vector.shape_cast %parallel_loop3A_545 : vector<1x16xf32> to vector<16xf32>
        %parallel_loop3A_547 = vector.shape_cast %parallel_loop3A_542 : vector<16xf32> to vector<1x16xf32>
        tpu.vector_store %arg15[%parallel_loop3A_543, %parallel_loop3A_544], %parallel_loop3A_547 {strides = array<i32>} : memref<40x128xf32, #tpu.memory_space<vmem>>, vector<1x16xf32>,
        %parallel_loop3A_548 = arith.index_cast %parallel_loop3A_505 : i32 to index
        %parallel_loop3A_549 = arith.constant 48 : index
        %parallel_loop3A_550 = tpu.vector_load %arg15[%parallel_loop3A_548, %parallel_loop3A_549] {strides = array<i32>} : memref<40x128xf32, #tpu.memory_space<vmem>>, vector<1x16xf32>,
        %parallel_loop3A_551 = vector.shape_cast %parallel_loop3A_550 : vector<1x16xf32> to vector<16xf32>
        %parallel_loop3A_552 = arith.index_cast %parallel_loop3A_505 : i32 to index
        %parallel_loop3A_553 = arith.constant 48 : index
        %parallel_loop3A_554 = tpu.vector_load %arg17[%parallel_loop3A_552, %parallel_loop3A_553] {strides = array<i32>} : memref<40x128xf32, #tpu.memory_space<vmem>>, vector<1x16xf32>,
        %parallel_loop3A_555 = vector.shape_cast %parallel_loop3A_554 : vector<1x16xf32> to vector<16xf32>
        %parallel_loop3A_556 = arith.mulf %parallel_loop3A_551, %parallel_loop3A_555 : vector<16xf32>
        %parallel_loop3A_557 = arith.index_cast %parallel_loop3A_505 : i32 to index
        %parallel_loop3A_558 = arith.constant 48 : index
        %parallel_loop3A_559 = tpu.vector_load %arg15[%parallel_loop3A_557, %parallel_loop3A_558] {strides = array<i32>} : memref<40x128xf32, #tpu.memory_space<vmem>>, vector<1x16xf32>,
        %parallel_loop3A_560 = vector.shape_cast %parallel_loop3A_559 : vector<1x16xf32> to vector<16xf32>
        %parallel_loop3A_561 = vector.shape_cast %parallel_loop3A_556 : vector<16xf32> to vector<1x16xf32>
        tpu.vector_store %arg15[%parallel_loop3A_557, %parallel_loop3A_558], %parallel_loop3A_561 {strides = array<i32>} : memref<40x128xf32, #tpu.memory_space<vmem>>, vector<1x16xf32>,
        %parallel_loop3A_562 = arith.index_cast %parallel_loop3A_505 : i32 to index
        %parallel_loop3A_563 = arith.constant 64 : index
        %parallel_loop3A_564 = tpu.vector_load %arg15[%parallel_loop3A_562, %parallel_loop3A_563] {strides = array<i32>} : memref<40x128xf32, #tpu.memory_space<vmem>>, vector<1x16xf32>,
        %parallel_loop3A_565 = vector.shape_cast %parallel_loop3A_564 : vector<1x16xf32> to vector<16xf32>
        %parallel_loop3A_566 = arith.index_cast %parallel_loop3A_505 : i32 to index
        %parallel_loop3A_567 = arith.constant 64 : index
        %parallel_loop3A_568 = tpu.vector_load %arg17[%parallel_loop3A_566, %parallel_loop3A_567] {strides = array<i32>} : memref<40x128xf32, #tpu.memory_space<vmem>>, vector<1x16xf32>,
        %parallel_loop3A_569 = vector.shape_cast %parallel_loop3A_568 : vector<1x16xf32> to vector<16xf32>
        %parallel_loop3A_570 = arith.mulf %parallel_loop3A_565, %parallel_loop3A_569 : vector<16xf32>
        %parallel_loop3A_571 = arith.index_cast %parallel_loop3A_505 : i32 to index
        %parallel_loop3A_572 = arith.constant 64 : index
        %parallel_loop3A_573 = tpu.vector_load %arg15[%parallel_loop3A_571, %parallel_loop3A_572] {strides = array<i32>} : memref<40x128xf32, #tpu.memory_space<vmem>>, vector<1x16xf32>,
        %parallel_loop3A_574 = vector.shape_cast %parallel_loop3A_573 : vector<1x16xf32> to vector<16xf32>
        %parallel_loop3A_575 = vector.shape_cast %parallel_loop3A_570 : vector<16xf32> to vector<1x16xf32>
        tpu.vector_store %arg15[%parallel_loop3A_571, %parallel_loop3A_572], %parallel_loop3A_575 {strides = array<i32>} : memref<40x128xf32, #tpu.memory_space<vmem>>, vector<1x16xf32>,
        %parallel_loop3A_576 = arith.index_cast %parallel_loop3A_505 : i32 to index
        %parallel_loop3A_577 = arith.constant 80 : index
        %parallel_loop3A_578 = tpu.vector_load %arg15[%parallel_loop3A_576, %parallel_loop3A_577] {strides = array<i32>} : memref<40x128xf32, #tpu.memory_space<vmem>>, vector<1x16xf32>,
        %parallel_loop3A_579 = vector.shape_cast %parallel_loop3A_578 : vector<1x16xf32> to vector<16xf32>
        %parallel_loop3A_580 = arith.index_cast %parallel_loop3A_505 : i32 to index
        %parallel_loop3A_581 = arith.constant 80 : index
        %parallel_loop3A_582 = tpu.vector_load %arg17[%parallel_loop3A_580, %parallel_loop3A_581] {strides = array<i32>} : memref<40x128xf32, #tpu.memory_space<vmem>>, vector<1x16xf32>,
        %parallel_loop3A_583 = vector.shape_cast %parallel_loop3A_582 : vector<1x16xf32> to vector<16xf32>
        %parallel_loop3A_584 = arith.mulf %parallel_loop3A_579, %parallel_loop3A_583 : vector<16xf32>
        %parallel_loop3A_585 = arith.index_cast %parallel_loop3A_505 : i32 to index
        %parallel_loop3A_586 = arith.constant 80 : index
        %parallel_loop3A_587 = tpu.vector_load %arg15[%parallel_loop3A_585, %parallel_loop3A_586] {strides = array<i32>} : memref<40x128xf32, #tpu.memory_space<vmem>>, vector<1x16xf32>,
        %parallel_loop3A_588 = vector.shape_cast %parallel_loop3A_587 : vector<1x16xf32> to vector<16xf32>
        %parallel_loop3A_589 = vector.shape_cast %parallel_loop3A_584 : vector<16xf32> to vector<1x16xf32>
        tpu.vector_store %arg15[%parallel_loop3A_585, %parallel_loop3A_586], %parallel_loop3A_589 {strides = array<i32>} : memref<40x128xf32, #tpu.memory_space<vmem>>, vector<1x16xf32>,
        %parallel_loop3A_590 = arith.index_cast %parallel_loop3A_505 : i32 to index
        %parallel_loop3A_591 = arith.constant 96 : index
        %parallel_loop3A_592 = tpu.vector_load %arg15[%parallel_loop3A_590, %parallel_loop3A_591] {strides = array<i32>} : memref<40x128xf32, #tpu.memory_space<vmem>>, vector<1x16xf32>,
        %parallel_loop3A_593 = vector.shape_cast %parallel_loop3A_592 : vector<1x16xf32> to vector<16xf32>
        %parallel_loop3A_594 = arith.index_cast %parallel_loop3A_505 : i32 to index
        %parallel_loop3A_595 = arith.constant 96 : index
        %parallel_loop3A_596 = tpu.vector_load %arg17[%parallel_loop3A_594, %parallel_loop3A_595] {strides = array<i32>} : memref<40x128xf32, #tpu.memory_space<vmem>>, vector<1x16xf32>,
        %parallel_loop3A_597 = vector.shape_cast %parallel_loop3A_596 : vector<1x16xf32> to vector<16xf32>
        %parallel_loop3A_598 = arith.mulf %parallel_loop3A_593, %parallel_loop3A_597 : vector<16xf32>
        %parallel_loop3A_599 = arith.index_cast %parallel_loop3A_505 : i32 to index
        %parallel_loop3A_600 = arith.constant 96 : index
        %parallel_loop3A_601 = tpu.vector_load %arg15[%parallel_loop3A_599, %parallel_loop3A_600] {strides = array<i32>} : memref<40x128xf32, #tpu.memory_space<vmem>>, vector<1x16xf32>,
        %parallel_loop3A_602 = vector.shape_cast %parallel_loop3A_601 : vector<1x16xf32> to vector<16xf32>
        %parallel_loop3A_603 = vector.shape_cast %parallel_loop3A_598 : vector<16xf32> to vector<1x16xf32>
        tpu.vector_store %arg15[%parallel_loop3A_599, %parallel_loop3A_600], %parallel_loop3A_603 {strides = array<i32>} : memref<40x128xf32, #tpu.memory_space<vmem>>, vector<1x16xf32>,
        %parallel_loop3A_604 = arith.index_cast %parallel_loop3A_505 : i32 to index
        %parallel_loop3A_605 = arith.constant 112 : index
        %parallel_loop3A_606 = tpu.vector_load %arg15[%parallel_loop3A_604, %parallel_loop3A_605] {strides = array<i32>} : memref<40x128xf32, #tpu.memory_space<vmem>>, vector<1x16xf32>,
        %parallel_loop3A_607 = vector.shape_cast %parallel_loop3A_606 : vector<1x16xf32> to vector<16xf32>
        %parallel_loop3A_608 = arith.index_cast %parallel_loop3A_505 : i32 to index
        %parallel_loop3A_609 = arith.constant 112 : index
        %parallel_loop3A_610 = tpu.vector_load %arg17[%parallel_loop3A_608, %parallel_loop3A_609] {strides = array<i32>} : memref<40x128xf32, #tpu.memory_space<vmem>>, vector<1x16xf32>,
        %parallel_loop3A_611 = vector.shape_cast %parallel_loop3A_610 : vector<1x16xf32> to vector<16xf32>
        %parallel_loop3A_612 = arith.mulf %parallel_loop3A_607, %parallel_loop3A_611 : vector<16xf32>
        %parallel_loop3A_613 = arith.index_cast %parallel_loop3A_505 : i32 to index
        %parallel_loop3A_614 = arith.constant 112 : index
        %parallel_loop3A_615 = tpu.vector_load %arg15[%parallel_loop3A_613, %parallel_loop3A_614] {strides = array<i32>} : memref<40x128xf32, #tpu.memory_space<vmem>>, vector<1x16xf32>,
        %parallel_loop3A_616 = vector.shape_cast %parallel_loop3A_615 : vector<1x16xf32> to vector<16xf32>
        %parallel_loop3A_617 = vector.shape_cast %parallel_loop3A_612 : vector<16xf32> to vector<1x16xf32>
        tpu.vector_store %arg15[%parallel_loop3A_613, %parallel_loop3A_614], %parallel_loop3A_617 {strides = array<i32>} : memref<40x128xf32, #tpu.memory_space<vmem>>, vector<1x16xf32>,
      } {sc.loop_unroll_factor = 8 : i64, sc.parallel_access}
      %dma_wait3A_477 = tpu.memref_slice %arg4[%multiple_of3A_463] : memref<320000xi32, #tpu.memory_space<hbm>> -> memref<40xi32, #tpu.memory_space<hbm>>
      %dma_wait3A_478 = tpu.memref_slice %arg4[%multiple_of3A_463] : memref<320000xi32, #tpu.memory_space<hbm>> -> memref<40xi32, #tpu.memory_space<hbm>>
      tpu.wait_dma2 semaphore(%arg23 : memref<!tpu.dma_semaphore, #tpu.memory_space<semaphore_mem>>) src(%dma_wait3A_478 : memref<40xi32, #tpu.memory_space<hbm>>) dst(%arg11 : memref<40xi32, #tpu.memory_space<vmem>>)
      %dma_start3A_479 = arith.constant 0 : i32
      %dma_start3A_480 = arith.constant 0 : i32
      %dma_start3A_481 = tpu.memref_slice %arg18[%dma_start3A_479, %dma_start3A_480] : memref<10000x128xf32, #tpu.memory_space<vmem_shared>> -> memref<10000x128xf32, #tpu.memory_space<vmem_shared>>
      tpu.enqueue_indirect_dma source(%arg15 : memref<40x128xf32, #tpu.memory_space<vmem>>) target(%dma_start3A_481 : memref<10000x128xf32, #tpu.memory_space<vmem_shared>>) offsets(%arg11 : memref<40xi32, #tpu.memory_space<vmem>>) semaphore(%arg33 : memref<!tpu.dma_semaphore, #tpu.memory_space<semaphore_mem>>) {add = true}
      %add3A_482 = arith.constant 5 : i32
      %add3A_483 = arith.addi %mul3A_319, %add3A_482 : i32
      %ge3A_484 = arith.constant 4 : i32
      %ge3A_485 = arith.cmpi sge, %add3A_483, %ge3A_484 : i32
      %convert_element_type3A_486 = arith.extui %ge3A_485 : i1 to i32
      %cond3A_487 = arith.constant 0 : i32
      %cond3A_488 = arith.cmpi ne, %convert_element_type3A_486, %cond3A_487 : i32
      scf.if %cond3A_488 {
        %dma_wait3A_505 = arith.constant 0 : i32
        %dma_wait3A_506 = arith.constant 0 : i32
        %dma_wait3A_507 = tpu.memref_slice %arg18[%dma_wait3A_505, %dma_wait3A_506] : memref<10000x128xf32, #tpu.memory_space<vmem_shared>> -> memref<10000x128xf32, #tpu.memory_space<vmem_shared>>
        tpu.wait_indirect_dma semaphore(%arg31 : memref<!tpu.dma_semaphore, #tpu.memory_space<semaphore_mem>>) src(%arg13 : memref<40x128xf32, #tpu.memory_space<vmem>>) dst(%dma_wait3A_507 : memref<10000x128xf32, #tpu.memory_space<vmem_shared>>)
      } else {
      }
      %mul3A_489 = arith.constant 40 : i32
      %mul3A_490 = arith.muli %add3A_483, %mul3A_489 : i32
      %add3A_491 = arith.addi %mul3A_2, %mul3A_490 : i32
      %multiple_of3A_492 = tpu.assume_multiple %add3A_491, 8 : i32
      %dma_start3A_493 = tpu.memref_slice %arg4[%multiple_of3A_492] : memref<320000xi32, #tpu.memory_space<hbm>> -> memref<40xi32, #tpu.memory_space<hbm>>
      %dma_start3A_494 = tpu.memref_slice %arg4[%multiple_of3A_492] : memref<320000xi32, #tpu.memory_space<hbm>> -> memref<40xi32, #tpu.memory_space<hbm>>
      tpu.enqueue_dma source(%dma_start3A_494 : memref<40xi32, #tpu.memory_space<hbm>>) target(%arg9 : memref<40xi32, #tpu.memory_space<vmem>>) target_semaphore(%arg21 : memref<!tpu.dma_semaphore, #tpu.memory_space<semaphore_mem>>)
      %dma_start3A_495 = arith.constant 0 : i32
      %dma_start3A_496 = tpu.memref_slice %arg5[%multiple_of3A_492, %dma_start3A_495] : memref<320000x128xf32, #tpu.memory_space<hbm>> -> memref<40x128xf32, #tpu.memory_space<hbm>>
      %dma_start3A_497 = arith.constant 0 : i32
      %dma_start3A_498 = tpu.memref_slice %arg5[%multiple_of3A_492, %dma_start3A_497] : memref<320000x128xf32, #tpu.memory_space<hbm>> -> memref<40x128xf32, #tpu.memory_space<hbm>>
      tpu.enqueue_dma source(%dma_start3A_498 : memref<40x128xf32, #tpu.memory_space<hbm>>) target(%arg17 : memref<40x128xf32, #tpu.memory_space<vmem>>) target_semaphore(%arg29 : memref<!tpu.dma_semaphore, #tpu.memory_space<semaphore_mem>>)
      %mul3A_499 = arith.constant 40 : i32
      %mul3A_500 = arith.muli %add3A_483, %mul3A_499 : i32
      %dma_start3A_501 = tpu.memref_slice %arg7[%mul3A_500] : memref<10000xi32, #tpu.memory_space<vmem>> -> memref<40xi32, #tpu.memory_space<vmem>>
      %dma_start3A_502 = arith.constant 0 : i32
      %dma_start3A_503 = arith.constant 0 : i32
      %dma_start3A_504 = tpu.memref_slice %arg2[%dma_start3A_502, %dma_start3A_503] : memref<10000x128xf32, #tpu.memory_space<hbm>> -> memref<10000x128xf32, #tpu.memory_space<hbm>>
      tpu.enqueue_indirect_dma source(%dma_start3A_504 : memref<10000x128xf32, #tpu.memory_space<hbm>>) target(%arg13 : memref<40x128xf32, #tpu.memory_space<vmem>>) offsets(%dma_start3A_501 : memref<40xi32, #tpu.memory_space<vmem>>) semaphore(%arg25 : memref<!tpu.dma_semaphore, #tpu.memory_space<semaphore_mem>>)
    }
    %scan3A_152 = arith.constant 62 : i32
    %add3A_153 = arith.constant 9920 : i32
    %add3A_154 = arith.addi %mul3A_2, %add3A_153 : i32
    %multiple_of3A_155 = tpu.assume_multiple %add3A_154, 8 : i32
    %dma_wait3A_156 = arith.constant 0 : i32
    %dma_wait3A_157 = tpu.memref_slice %arg5[%multiple_of3A_155, %dma_wait3A_156] : memref<320000x128xf32, #tpu.memory_space<hbm>> -> memref<40x128xf32, #tpu.memory_space<hbm>>
    %dma_wait3A_158 = arith.constant 0 : i32
    %dma_wait3A_159 = tpu.memref_slice %arg5[%multiple_of3A_155, %dma_wait3A_158] : memref<320000x128xf32, #tpu.memory_space<hbm>> -> memref<40x128xf32, #tpu.memory_space<hbm>>
    tpu.wait_dma2 semaphore(%arg28 : memref<!tpu.dma_semaphore, #tpu.memory_space<semaphore_mem>>) src(%dma_wait3A_159 : memref<40x128xf32, #tpu.memory_space<hbm>>) dst(%arg16 : memref<40x128xf32, #tpu.memory_space<vmem>>)
    %dma_wait3A_160 = arith.constant 9920 : i32
    %dma_wait3A_161 = tpu.memref_slice %arg7[%dma_wait3A_160] : memref<10000xi32, #tpu.memory_space<vmem>> -> memref<40xi32, #tpu.memory_space<vmem>>
    %dma_wait3A_162 = arith.constant 0 : i32
    %dma_wait3A_163 = arith.constant 0 : i32
    %dma_wait3A_164 = tpu.memref_slice %arg2[%dma_wait3A_162, %dma_wait3A_163] : memref<10000x128xf32, #tpu.memory_space<hbm>> -> memref<10000x128xf32, #tpu.memory_space<hbm>>
    tpu.wait_indirect_dma semaphore(%arg24 : memref<!tpu.dma_semaphore, #tpu.memory_space<semaphore_mem>>) src(%dma_wait3A_164 : memref<10000x128xf32, #tpu.memory_space<hbm>>) dst(%arg12 : memref<40x128xf32, #tpu.memory_space<vmem>>)
    %parallel_loop3A = arith.constant 0 : i32
    %parallel_loop3A_165 = arith.constant 40 : i32
    %parallel_loop3A_166 = arith.constant 1 : i32
    scf.for %parallel_loop3A_317 = %parallel_loop3A to %parallel_loop3A_165 step %parallel_loop3A_166  : i32 {
      %parallel_loop3A_318 = arith.index_cast %parallel_loop3A_317 : i32 to index
      %parallel_loop3A_319 = arith.constant 0 : index
      %parallel_loop3A_320 = tpu.vector_load %arg12[%parallel_loop3A_318, %parallel_loop3A_319] {strides = array<i32>} : memref<40x128xf32, #tpu.memory_space<vmem>>, vector<1x16xf32>,
      %parallel_loop3A_321 = vector.shape_cast %parallel_loop3A_320 : vector<1x16xf32> to vector<16xf32>
      %parallel_loop3A_322 = arith.index_cast %parallel_loop3A_317 : i32 to index
      %parallel_loop3A_323 = arith.constant 0 : index
      %parallel_loop3A_324 = tpu.vector_load %arg16[%parallel_loop3A_322, %parallel_loop3A_323] {strides = array<i32>} : memref<40x128xf32, #tpu.memory_space<vmem>>, vector<1x16xf32>,
      %parallel_loop3A_325 = vector.shape_cast %parallel_loop3A_324 : vector<1x16xf32> to vector<16xf32>
      %parallel_loop3A_326 = arith.mulf %parallel_loop3A_321, %parallel_loop3A_325 : vector<16xf32>
      %parallel_loop3A_327 = arith.index_cast %parallel_loop3A_317 : i32 to index
      %parallel_loop3A_328 = arith.constant 0 : index
      %parallel_loop3A_329 = tpu.vector_load %arg12[%parallel_loop3A_327, %parallel_loop3A_328] {strides = array<i32>} : memref<40x128xf32, #tpu.memory_space<vmem>>, vector<1x16xf32>,
      %parallel_loop3A_330 = vector.shape_cast %parallel_loop3A_329 : vector<1x16xf32> to vector<16xf32>
      %parallel_loop3A_331 = vector.shape_cast %parallel_loop3A_326 : vector<16xf32> to vector<1x16xf32>
      tpu.vector_store %arg12[%parallel_loop3A_327, %parallel_loop3A_328], %parallel_loop3A_331 {strides = array<i32>} : memref<40x128xf32, #tpu.memory_space<vmem>>, vector<1x16xf32>,
      %parallel_loop3A_332 = arith.index_cast %parallel_loop3A_317 : i32 to index
      %parallel_loop3A_333 = arith.constant 16 : index
      %parallel_loop3A_334 = tpu.vector_load %arg12[%parallel_loop3A_332, %parallel_loop3A_333] {strides = array<i32>} : memref<40x128xf32, #tpu.memory_space<vmem>>, vector<1x16xf32>,
      %parallel_loop3A_335 = vector.shape_cast %parallel_loop3A_334 : vector<1x16xf32> to vector<16xf32>
      %parallel_loop3A_336 = arith.index_cast %parallel_loop3A_317 : i32 to index
      %parallel_loop3A_337 = arith.constant 16 : index
      %parallel_loop3A_338 = tpu.vector_load %arg16[%parallel_loop3A_336, %parallel_loop3A_337] {strides = array<i32>} : memref<40x128xf32, #tpu.memory_space<vmem>>, vector<1x16xf32>,
      %parallel_loop3A_339 = vector.shape_cast %parallel_loop3A_338 : vector<1x16xf32> to vector<16xf32>
      %parallel_loop3A_340 = arith.mulf %parallel_loop3A_335, %parallel_loop3A_339 : vector<16xf32>
      %parallel_loop3A_341 = arith.index_cast %parallel_loop3A_317 : i32 to index
      %parallel_loop3A_342 = arith.constant 16 : index
      %parallel_loop3A_343 = tpu.vector_load %arg12[%parallel_loop3A_341, %parallel_loop3A_342] {strides = array<i32>} : memref<40x128xf32, #tpu.memory_space<vmem>>, vector<1x16xf32>,
      %parallel_loop3A_344 = vector.shape_cast %parallel_loop3A_343 : vector<1x16xf32> to vector<16xf32>
      %parallel_loop3A_345 = vector.shape_cast %parallel_loop3A_340 : vector<16xf32> to vector<1x16xf32>
      tpu.vector_store %arg12[%parallel_loop3A_341, %parallel_loop3A_342], %parallel_loop3A_345 {strides = array<i32>} : memref<40x128xf32, #tpu.memory_space<vmem>>, vector<1x16xf32>,
      %parallel_loop3A_346 = arith.index_cast %parallel_loop3A_317 : i32 to index
      %parallel_loop3A_347 = arith.constant 32 : index
      %parallel_loop3A_348 = tpu.vector_load %arg12[%parallel_loop3A_346, %parallel_loop3A_347] {strides = array<i32>} : memref<40x128xf32, #tpu.memory_space<vmem>>, vector<1x16xf32>,
      %parallel_loop3A_349 = vector.shape_cast %parallel_loop3A_348 : vector<1x16xf32> to vector<16xf32>
      %parallel_loop3A_350 = arith.index_cast %parallel_loop3A_317 : i32 to index
      %parallel_loop3A_351 = arith.constant 32 : index
      %parallel_loop3A_352 = tpu.vector_load %arg16[%parallel_loop3A_350, %parallel_loop3A_351] {strides = array<i32>} : memref<40x128xf32, #tpu.memory_space<vmem>>, vector<1x16xf32>,
      %parallel_loop3A_353 = vector.shape_cast %parallel_loop3A_352 : vector<1x16xf32> to vector<16xf32>
      %parallel_loop3A_354 = arith.mulf %parallel_loop3A_349, %parallel_loop3A_353 : vector<16xf32>
      %parallel_loop3A_355 = arith.index_cast %parallel_loop3A_317 : i32 to index
      %parallel_loop3A_356 = arith.constant 32 : index
      %parallel_loop3A_357 = tpu.vector_load %arg12[%parallel_loop3A_355, %parallel_loop3A_356] {strides = array<i32>} : memref<40x128xf32, #tpu.memory_space<vmem>>, vector<1x16xf32>,
      %parallel_loop3A_358 = vector.shape_cast %parallel_loop3A_357 : vector<1x16xf32> to vector<16xf32>
      %parallel_loop3A_359 = vector.shape_cast %parallel_loop3A_354 : vector<16xf32> to vector<1x16xf32>
      tpu.vector_store %arg12[%parallel_loop3A_355, %parallel_loop3A_356], %parallel_loop3A_359 {strides = array<i32>} : memref<40x128xf32, #tpu.memory_space<vmem>>, vector<1x16xf32>,
      %parallel_loop3A_360 = arith.index_cast %parallel_loop3A_317 : i32 to index
      %parallel_loop3A_361 = arith.constant 48 : index
      %parallel_loop3A_362 = tpu.vector_load %arg12[%parallel_loop3A_360, %parallel_loop3A_361] {strides = array<i32>} : memref<40x128xf32, #tpu.memory_space<vmem>>, vector<1x16xf32>,
      %parallel_loop3A_363 = vector.shape_cast %parallel_loop3A_362 : vector<1x16xf32> to vector<16xf32>
      %parallel_loop3A_364 = arith.index_cast %parallel_loop3A_317 : i32 to index
      %parallel_loop3A_365 = arith.constant 48 : index
      %parallel_loop3A_366 = tpu.vector_load %arg16[%parallel_loop3A_364, %parallel_loop3A_365] {strides = array<i32>} : memref<40x128xf32, #tpu.memory_space<vmem>>, vector<1x16xf32>,
      %parallel_loop3A_367 = vector.shape_cast %parallel_loop3A_366 : vector<1x16xf32> to vector<16xf32>
      %parallel_loop3A_368 = arith.mulf %parallel_loop3A_363, %parallel_loop3A_367 : vector<16xf32>
      %parallel_loop3A_369 = arith.index_cast %parallel_loop3A_317 : i32 to index
      %parallel_loop3A_370 = arith.constant 48 : index
      %parallel_loop3A_371 = tpu.vector_load %arg12[%parallel_loop3A_369, %parallel_loop3A_370] {strides = array<i32>} : memref<40x128xf32, #tpu.memory_space<vmem>>, vector<1x16xf32>,
      %parallel_loop3A_372 = vector.shape_cast %parallel_loop3A_371 : vector<1x16xf32> to vector<16xf32>
      %parallel_loop3A_373 = vector.shape_cast %parallel_loop3A_368 : vector<16xf32> to vector<1x16xf32>
      tpu.vector_store %arg12[%parallel_loop3A_369, %parallel_loop3A_370], %parallel_loop3A_373 {strides = array<i32>} : memref<40x128xf32, #tpu.memory_space<vmem>>, vector<1x16xf32>,
      %parallel_loop3A_374 = arith.index_cast %parallel_loop3A_317 : i32 to index
      %parallel_loop3A_375 = arith.constant 64 : index
      %parallel_loop3A_376 = tpu.vector_load %arg12[%parallel_loop3A_374, %parallel_loop3A_375] {strides = array<i32>} : memref<40x128xf32, #tpu.memory_space<vmem>>, vector<1x16xf32>,
      %parallel_loop3A_377 = vector.shape_cast %parallel_loop3A_376 : vector<1x16xf32> to vector<16xf32>
      %parallel_loop3A_378 = arith.index_cast %parallel_loop3A_317 : i32 to index
      %parallel_loop3A_379 = arith.constant 64 : index
      %parallel_loop3A_380 = tpu.vector_load %arg16[%parallel_loop3A_378, %parallel_loop3A_379] {strides = array<i32>} : memref<40x128xf32, #tpu.memory_space<vmem>>, vector<1x16xf32>,
      %parallel_loop3A_381 = vector.shape_cast %parallel_loop3A_380 : vector<1x16xf32> to vector<16xf32>
      %parallel_loop3A_382 = arith.mulf %parallel_loop3A_377, %parallel_loop3A_381 : vector<16xf32>
      %parallel_loop3A_383 = arith.index_cast %parallel_loop3A_317 : i32 to index
      %parallel_loop3A_384 = arith.constant 64 : index
      %parallel_loop3A_385 = tpu.vector_load %arg12[%parallel_loop3A_383, %parallel_loop3A_384] {strides = array<i32>} : memref<40x128xf32, #tpu.memory_space<vmem>>, vector<1x16xf32>,
      %parallel_loop3A_386 = vector.shape_cast %parallel_loop3A_385 : vector<1x16xf32> to vector<16xf32>
      %parallel_loop3A_387 = vector.shape_cast %parallel_loop3A_382 : vector<16xf32> to vector<1x16xf32>
      tpu.vector_store %arg12[%parallel_loop3A_383, %parallel_loop3A_384], %parallel_loop3A_387 {strides = array<i32>} : memref<40x128xf32, #tpu.memory_space<vmem>>, vector<1x16xf32>,
      %parallel_loop3A_388 = arith.index_cast %parallel_loop3A_317 : i32 to index
      %parallel_loop3A_389 = arith.constant 80 : index
      %parallel_loop3A_390 = tpu.vector_load %arg12[%parallel_loop3A_388, %parallel_loop3A_389] {strides = array<i32>} : memref<40x128xf32, #tpu.memory_space<vmem>>, vector<1x16xf32>,
      %parallel_loop3A_391 = vector.shape_cast %parallel_loop3A_390 : vector<1x16xf32> to vector<16xf32>
      %parallel_loop3A_392 = arith.index_cast %parallel_loop3A_317 : i32 to index
      %parallel_loop3A_393 = arith.constant 80 : index
      %parallel_loop3A_394 = tpu.vector_load %arg16[%parallel_loop3A_392, %parallel_loop3A_393] {strides = array<i32>} : memref<40x128xf32, #tpu.memory_space<vmem>>, vector<1x16xf32>,
      %parallel_loop3A_395 = vector.shape_cast %parallel_loop3A_394 : vector<1x16xf32> to vector<16xf32>
      %parallel_loop3A_396 = arith.mulf %parallel_loop3A_391, %parallel_loop3A_395 : vector<16xf32>
      %parallel_loop3A_397 = arith.index_cast %parallel_loop3A_317 : i32 to index
      %parallel_loop3A_398 = arith.constant 80 : index
      %parallel_loop3A_399 = tpu.vector_load %arg12[%parallel_loop3A_397, %parallel_loop3A_398] {strides = array<i32>} : memref<40x128xf32, #tpu.memory_space<vmem>>, vector<1x16xf32>,
      %parallel_loop3A_400 = vector.shape_cast %parallel_loop3A_399 : vector<1x16xf32> to vector<16xf32>
      %parallel_loop3A_401 = vector.shape_cast %parallel_loop3A_396 : vector<16xf32> to vector<1x16xf32>
      tpu.vector_store %arg12[%parallel_loop3A_397, %parallel_loop3A_398], %parallel_loop3A_401 {strides = array<i32>} : memref<40x128xf32, #tpu.memory_space<vmem>>, vector<1x16xf32>,
      %parallel_loop3A_402 = arith.index_cast %parallel_loop3A_317 : i32 to index
      %parallel_loop3A_403 = arith.constant 96 : index
      %parallel_loop3A_404 = tpu.vector_load %arg12[%parallel_loop3A_402, %parallel_loop3A_403] {strides = array<i32>} : memref<40x128xf32, #tpu.memory_space<vmem>>, vector<1x16xf32>,
      %parallel_loop3A_405 = vector.shape_cast %parallel_loop3A_404 : vector<1x16xf32> to vector<16xf32>
      %parallel_loop3A_406 = arith.index_cast %parallel_loop3A_317 : i32 to index
      %parallel_loop3A_407 = arith.constant 96 : index
      %parallel_loop3A_408 = tpu.vector_load %arg16[%parallel_loop3A_406, %parallel_loop3A_407] {strides = array<i32>} : memref<40x128xf32, #tpu.memory_space<vmem>>, vector<1x16xf32>,
      %parallel_loop3A_409 = vector.shape_cast %parallel_loop3A_408 : vector<1x16xf32> to vector<16xf32>
      %parallel_loop3A_410 = arith.mulf %parallel_loop3A_405, %parallel_loop3A_409 : vector<16xf32>
      %parallel_loop3A_411 = arith.index_cast %parallel_loop3A_317 : i32 to index
      %parallel_loop3A_412 = arith.constant 96 : index
      %parallel_loop3A_413 = tpu.vector_load %arg12[%parallel_loop3A_411, %parallel_loop3A_412] {strides = array<i32>} : memref<40x128xf32, #tpu.memory_space<vmem>>, vector<1x16xf32>,
      %parallel_loop3A_414 = vector.shape_cast %parallel_loop3A_413 : vector<1x16xf32> to vector<16xf32>
      %parallel_loop3A_415 = vector.shape_cast %parallel_loop3A_410 : vector<16xf32> to vector<1x16xf32>
      tpu.vector_store %arg12[%parallel_loop3A_411, %parallel_loop3A_412], %parallel_loop3A_415 {strides = array<i32>} : memref<40x128xf32, #tpu.memory_space<vmem>>, vector<1x16xf32>,
      %parallel_loop3A_416 = arith.index_cast %parallel_loop3A_317 : i32 to index
      %parallel_loop3A_417 = arith.constant 112 : index
      %parallel_loop3A_418 = tpu.vector_load %arg12[%parallel_loop3A_416, %parallel_loop3A_417] {strides = array<i32>} : memref<40x128xf32, #tpu.memory_space<vmem>>, vector<1x16xf32>,
      %parallel_loop3A_419 = vector.shape_cast %parallel_loop3A_418 : vector<1x16xf32> to vector<16xf32>
      %parallel_loop3A_420 = arith.index_cast %parallel_loop3A_317 : i32 to index
      %parallel_loop3A_421 = arith.constant 112 : index
      %parallel_loop3A_422 = tpu.vector_load %arg16[%parallel_loop3A_420, %parallel_loop3A_421] {strides = array<i32>} : memref<40x128xf32, #tpu.memory_space<vmem>>, vector<1x16xf32>,
      %parallel_loop3A_423 = vector.shape_cast %parallel_loop3A_422 : vector<1x16xf32> to vector<16xf32>
      %parallel_loop3A_424 = arith.mulf %parallel_loop3A_419, %parallel_loop3A_423 : vector<16xf32>
      %parallel_loop3A_425 = arith.index_cast %parallel_loop3A_317 : i32 to index
      %parallel_loop3A_426 = arith.constant 112 : index
      %parallel_loop3A_427 = tpu.vector_load %arg12[%parallel_loop3A_425, %parallel_loop3A_426] {strides = array<i32>} : memref<40x128xf32, #tpu.memory_space<vmem>>, vector<1x16xf32>,
      %parallel_loop3A_428 = vector.shape_cast %parallel_loop3A_427 : vector<1x16xf32> to vector<16xf32>
      %parallel_loop3A_429 = vector.shape_cast %parallel_loop3A_424 : vector<16xf32> to vector<1x16xf32>
      tpu.vector_store %arg12[%parallel_loop3A_425, %parallel_loop3A_426], %parallel_loop3A_429 {strides = array<i32>} : memref<40x128xf32, #tpu.memory_space<vmem>>, vector<1x16xf32>,
    } {sc.loop_unroll_factor = 8 : i64, sc.parallel_access}
    %dma_wait3A_167 = tpu.memref_slice %arg4[%multiple_of3A_155] : memref<320000xi32, #tpu.memory_space<hbm>> -> memref<40xi32, #tpu.memory_space<hbm>>
    %dma_wait3A_168 = tpu.memref_slice %arg4[%multiple_of3A_155] : memref<320000xi32, #tpu.memory_space<hbm>> -> memref<40xi32, #tpu.memory_space<hbm>>
    tpu.wait_dma2 semaphore(%arg20 : memref<!tpu.dma_semaphore, #tpu.memory_space<semaphore_mem>>) src(%dma_wait3A_168 : memref<40xi32, #tpu.memory_space<hbm>>) dst(%arg8 : memref<40xi32, #tpu.memory_space<vmem>>)
    %dma_start3A_169 = arith.constant 0 : i32
    %dma_start3A_170 = arith.constant 0 : i32
    %dma_start3A_171 = tpu.memref_slice %arg18[%dma_start3A_169, %dma_start3A_170] : memref<10000x128xf32, #tpu.memory_space<vmem_shared>> -> memref<10000x128xf32, #tpu.memory_space<vmem_shared>>
    tpu.enqueue_indirect_dma source(%arg12 : memref<40x128xf32, #tpu.memory_space<vmem>>) target(%dma_start3A_171 : memref<10000x128xf32, #tpu.memory_space<vmem_shared>>) offsets(%arg8 : memref<40xi32, #tpu.memory_space<vmem>>) semaphore(%arg30 : memref<!tpu.dma_semaphore, #tpu.memory_space<semaphore_mem>>) {add = true}
    %add3A_172 = arith.constant 9960 : i32
    %add3A_173 = arith.addi %mul3A_2, %add3A_172 : i32
    %multiple_of3A_174 = tpu.assume_multiple %add3A_173, 8 : i32
    %dma_wait3A_175 = arith.constant 0 : i32
    %dma_wait3A_176 = tpu.memref_slice %arg5[%multiple_of3A_174, %dma_wait3A_175] : memref<320000x128xf32, #tpu.memory_space<hbm>> -> memref<40x128xf32, #tpu.memory_space<hbm>>
    %dma_wait3A_177 = arith.constant 0 : i32
    %dma_wait3A_178 = tpu.memref_slice %arg5[%multiple_of3A_174, %dma_wait3A_177] : memref<320000x128xf32, #tpu.memory_space<hbm>> -> memref<40x128xf32, #tpu.memory_space<hbm>>
    tpu.wait_dma2 semaphore(%arg29 : memref<!tpu.dma_semaphore, #tpu.memory_space<semaphore_mem>>) src(%dma_wait3A_178 : memref<40x128xf32, #tpu.memory_space<hbm>>) dst(%arg17 : memref<40x128xf32, #tpu.memory_space<vmem>>)
    %dma_wait3A_179 = arith.constant 9960 : i32
    %dma_wait3A_180 = tpu.memref_slice %arg7[%dma_wait3A_179] : memref<10000xi32, #tpu.memory_space<vmem>> -> memref<40xi32, #tpu.memory_space<vmem>>
    %dma_wait3A_181 = arith.constant 0 : i32
    %dma_wait3A_182 = arith.constant 0 : i32
    %dma_wait3A_183 = tpu.memref_slice %arg2[%dma_wait3A_181, %dma_wait3A_182] : memref<10000x128xf32, #tpu.memory_space<hbm>> -> memref<10000x128xf32, #tpu.memory_space<hbm>>
    tpu.wait_indirect_dma semaphore(%arg25 : memref<!tpu.dma_semaphore, #tpu.memory_space<semaphore_mem>>) src(%dma_wait3A_183 : memref<10000x128xf32, #tpu.memory_space<hbm>>) dst(%arg13 : memref<40x128xf32, #tpu.memory_space<vmem>>)
    %parallel_loop3A_184 = arith.constant 0 : i32
    %parallel_loop3A_185 = arith.constant 40 : i32
    %parallel_loop3A_186 = arith.constant 1 : i32
    scf.for %parallel_loop3A_317 = %parallel_loop3A_184 to %parallel_loop3A_185 step %parallel_loop3A_186  : i32 {
      %parallel_loop3A_318 = arith.index_cast %parallel_loop3A_317 : i32 to index
      %parallel_loop3A_319 = arith.constant 0 : index
      %parallel_loop3A_320 = tpu.vector_load %arg13[%parallel_loop3A_318, %parallel_loop3A_319] {strides = array<i32>} : memref<40x128xf32, #tpu.memory_space<vmem>>, vector<1x16xf32>,
      %parallel_loop3A_321 = vector.shape_cast %parallel_loop3A_320 : vector<1x16xf32> to vector<16xf32>
      %parallel_loop3A_322 = arith.index_cast %parallel_loop3A_317 : i32 to index
      %parallel_loop3A_323 = arith.constant 0 : index
      %parallel_loop3A_324 = tpu.vector_load %arg17[%parallel_loop3A_322, %parallel_loop3A_323] {strides = array<i32>} : memref<40x128xf32, #tpu.memory_space<vmem>>, vector<1x16xf32>,
      %parallel_loop3A_325 = vector.shape_cast %parallel_loop3A_324 : vector<1x16xf32> to vector<16xf32>
      %parallel_loop3A_326 = arith.mulf %parallel_loop3A_321, %parallel_loop3A_325 : vector<16xf32>
      %parallel_loop3A_327 = arith.index_cast %parallel_loop3A_317 : i32 to index
      %parallel_loop3A_328 = arith.constant 0 : index
      %parallel_loop3A_329 = tpu.vector_load %arg13[%parallel_loop3A_327, %parallel_loop3A_328] {strides = array<i32>} : memref<40x128xf32, #tpu.memory_space<vmem>>, vector<1x16xf32>,
      %parallel_loop3A_330 = vector.shape_cast %parallel_loop3A_329 : vector<1x16xf32> to vector<16xf32>
      %parallel_loop3A_331 = vector.shape_cast %parallel_loop3A_326 : vector<16xf32> to vector<1x16xf32>
      tpu.vector_store %arg13[%parallel_loop3A_327, %parallel_loop3A_328], %parallel_loop3A_331 {strides = array<i32>} : memref<40x128xf32, #tpu.memory_space<vmem>>, vector<1x16xf32>,
      %parallel_loop3A_332 = arith.index_cast %parallel_loop3A_317 : i32 to index
      %parallel_loop3A_333 = arith.constant 16 : index
      %parallel_loop3A_334 = tpu.vector_load %arg13[%parallel_loop3A_332, %parallel_loop3A_333] {strides = array<i32>} : memref<40x128xf32, #tpu.memory_space<vmem>>, vector<1x16xf32>,
      %parallel_loop3A_335 = vector.shape_cast %parallel_loop3A_334 : vector<1x16xf32> to vector<16xf32>
      %parallel_loop3A_336 = arith.index_cast %parallel_loop3A_317 : i32 to index
      %parallel_loop3A_337 = arith.constant 16 : index
      %parallel_loop3A_338 = tpu.vector_load %arg17[%parallel_loop3A_336, %parallel_loop3A_337] {strides = array<i32>} : memref<40x128xf32, #tpu.memory_space<vmem>>, vector<1x16xf32>,
      %parallel_loop3A_339 = vector.shape_cast %parallel_loop3A_338 : vector<1x16xf32> to vector<16xf32>
      %parallel_loop3A_340 = arith.mulf %parallel_loop3A_335, %parallel_loop3A_339 : vector<16xf32>
      %parallel_loop3A_341 = arith.index_cast %parallel_loop3A_317 : i32 to index
      %parallel_loop3A_342 = arith.constant 16 : index
      %parallel_loop3A_343 = tpu.vector_load %arg13[%parallel_loop3A_341, %parallel_loop3A_342] {strides = array<i32>} : memref<40x128xf32, #tpu.memory_space<vmem>>, vector<1x16xf32>,
      %parallel_loop3A_344 = vector.shape_cast %parallel_loop3A_343 : vector<1x16xf32> to vector<16xf32>
      %parallel_loop3A_345 = vector.shape_cast %parallel_loop3A_340 : vector<16xf32> to vector<1x16xf32>
      tpu.vector_store %arg13[%parallel_loop3A_341, %parallel_loop3A_342], %parallel_loop3A_345 {strides = array<i32>} : memref<40x128xf32, #tpu.memory_space<vmem>>, vector<1x16xf32>,
      %parallel_loop3A_346 = arith.index_cast %parallel_loop3A_317 : i32 to index
      %parallel_loop3A_347 = arith.constant 32 : index
      %parallel_loop3A_348 = tpu.vector_load %arg13[%parallel_loop3A_346, %parallel_loop3A_347] {strides = array<i32>} : memref<40x128xf32, #tpu.memory_space<vmem>>, vector<1x16xf32>,
      %parallel_loop3A_349 = vector.shape_cast %parallel_loop3A_348 : vector<1x16xf32> to vector<16xf32>
      %parallel_loop3A_350 = arith.index_cast %parallel_loop3A_317 : i32 to index
      %parallel_loop3A_351 = arith.constant 32 : index
      %parallel_loop3A_352 = tpu.vector_load %arg17[%parallel_loop3A_350, %parallel_loop3A_351] {strides = array<i32>} : memref<40x128xf32, #tpu.memory_space<vmem>>, vector<1x16xf32>,
      %parallel_loop3A_353 = vector.shape_cast %parallel_loop3A_352 : vector<1x16xf32> to vector<16xf32>
      %parallel_loop3A_354 = arith.mulf %parallel_loop3A_349, %parallel_loop3A_353 : vector<16xf32>
      %parallel_loop3A_355 = arith.index_cast %parallel_loop3A_317 : i32 to index
      %parallel_loop3A_356 = arith.constant 32 : index
      %parallel_loop3A_357 = tpu.vector_load %arg13[%parallel_loop3A_355, %parallel_loop3A_356] {strides = array<i32>} : memref<40x128xf32, #tpu.memory_space<vmem>>, vector<1x16xf32>,
      %parallel_loop3A_358 = vector.shape_cast %parallel_loop3A_357 : vector<1x16xf32> to vector<16xf32>
      %parallel_loop3A_359 = vector.shape_cast %parallel_loop3A_354 : vector<16xf32> to vector<1x16xf32>
      tpu.vector_store %arg13[%parallel_loop3A_355, %parallel_loop3A_356], %parallel_loop3A_359 {strides = array<i32>} : memref<40x128xf32, #tpu.memory_space<vmem>>, vector<1x16xf32>,
      %parallel_loop3A_360 = arith.index_cast %parallel_loop3A_317 : i32 to index
      %parallel_loop3A_361 = arith.constant 48 : index
      %parallel_loop3A_362 = tpu.vector_load %arg13[%parallel_loop3A_360, %parallel_loop3A_361] {strides = array<i32>} : memref<40x128xf32, #tpu.memory_space<vmem>>, vector<1x16xf32>,
      %parallel_loop3A_363 = vector.shape_cast %parallel_loop3A_362 : vector<1x16xf32> to vector<16xf32>
      %parallel_loop3A_364 = arith.index_cast %parallel_loop3A_317 : i32 to index
      %parallel_loop3A_365 = arith.constant 48 : index
      %parallel_loop3A_366 = tpu.vector_load %arg17[%parallel_loop3A_364, %parallel_loop3A_365] {strides = array<i32>} : memref<40x128xf32, #tpu.memory_space<vmem>>, vector<1x16xf32>,
      %parallel_loop3A_367 = vector.shape_cast %parallel_loop3A_366 : vector<1x16xf32> to vector<16xf32>
      %parallel_loop3A_368 = arith.mulf %parallel_loop3A_363, %parallel_loop3A_367 : vector<16xf32>
      %parallel_loop3A_369 = arith.index_cast %parallel_loop3A_317 : i32 to index
      %parallel_loop3A_370 = arith.constant 48 : index
      %parallel_loop3A_371 = tpu.vector_load %arg13[%parallel_loop3A_369, %parallel_loop3A_370] {strides = array<i32>} : memref<40x128xf32, #tpu.memory_space<vmem>>, vector<1x16xf32>,
      %parallel_loop3A_372 = vector.shape_cast %parallel_loop3A_371 : vector<1x16xf32> to vector<16xf32>
      %parallel_loop3A_373 = vector.shape_cast %parallel_loop3A_368 : vector<16xf32> to vector<1x16xf32>
      tpu.vector_store %arg13[%parallel_loop3A_369, %parallel_loop3A_370], %parallel_loop3A_373 {strides = array<i32>} : memref<40x128xf32, #tpu.memory_space<vmem>>, vector<1x16xf32>,
      %parallel_loop3A_374 = arith.index_cast %parallel_loop3A_317 : i32 to index
      %parallel_loop3A_375 = arith.constant 64 : index
      %parallel_loop3A_376 = tpu.vector_load %arg13[%parallel_loop3A_374, %parallel_loop3A_375] {strides = array<i32>} : memref<40x128xf32, #tpu.memory_space<vmem>>, vector<1x16xf32>,
      %parallel_loop3A_377 = vector.shape_cast %parallel_loop3A_376 : vector<1x16xf32> to vector<16xf32>
      %parallel_loop3A_378 = arith.index_cast %parallel_loop3A_317 : i32 to index
      %parallel_loop3A_379 = arith.constant 64 : index
      %parallel_loop3A_380 = tpu.vector_load %arg17[%parallel_loop3A_378, %parallel_loop3A_379] {strides = array<i32>} : memref<40x128xf32, #tpu.memory_space<vmem>>, vector<1x16xf32>,
      %parallel_loop3A_381 = vector.shape_cast %parallel_loop3A_380 : vector<1x16xf32> to vector<16xf32>
      %parallel_loop3A_382 = arith.mulf %parallel_loop3A_377, %parallel_loop3A_381 : vector<16xf32>
      %parallel_loop3A_383 = arith.index_cast %parallel_loop3A_317 : i32 to index
      %parallel_loop3A_384 = arith.constant 64 : index
      %parallel_loop3A_385 = tpu.vector_load %arg13[%parallel_loop3A_383, %parallel_loop3A_384] {strides = array<i32>} : memref<40x128xf32, #tpu.memory_space<vmem>>, vector<1x16xf32>,
      %parallel_loop3A_386 = vector.shape_cast %parallel_loop3A_385 : vector<1x16xf32> to vector<16xf32>
      %parallel_loop3A_387 = vector.shape_cast %parallel_loop3A_382 : vector<16xf32> to vector<1x16xf32>
      tpu.vector_store %arg13[%parallel_loop3A_383, %parallel_loop3A_384], %parallel_loop3A_387 {strides = array<i32>} : memref<40x128xf32, #tpu.memory_space<vmem>>, vector<1x16xf32>,
      %parallel_loop3A_388 = arith.index_cast %parallel_loop3A_317 : i32 to index
      %parallel_loop3A_389 = arith.constant 80 : index
      %parallel_loop3A_390 = tpu.vector_load %arg13[%parallel_loop3A_388, %parallel_loop3A_389] {strides = array<i32>} : memref<40x128xf32, #tpu.memory_space<vmem>>, vector<1x16xf32>,
      %parallel_loop3A_391 = vector.shape_cast %parallel_loop3A_390 : vector<1x16xf32> to vector<16xf32>
      %parallel_loop3A_392 = arith.index_cast %parallel_loop3A_317 : i32 to index
      %parallel_loop3A_393 = arith.constant 80 : index
      %parallel_loop3A_394 = tpu.vector_load %arg17[%parallel_loop3A_392, %parallel_loop3A_393] {strides = array<i32>} : memref<40x128xf32, #tpu.memory_space<vmem>>, vector<1x16xf32>,
      %parallel_loop3A_395 = vector.shape_cast %parallel_loop3A_394 : vector<1x16xf32> to vector<16xf32>
      %parallel_loop3A_396 = arith.mulf %parallel_loop3A_391, %parallel_loop3A_395 : vector<16xf32>
      %parallel_loop3A_397 = arith.index_cast %parallel_loop3A_317 : i32 to index
      %parallel_loop3A_398 = arith.constant 80 : index
      %parallel_loop3A_399 = tpu.vector_load %arg13[%parallel_loop3A_397, %parallel_loop3A_398] {strides = array<i32>} : memref<40x128xf32, #tpu.memory_space<vmem>>, vector<1x16xf32>,
      %parallel_loop3A_400 = vector.shape_cast %parallel_loop3A_399 : vector<1x16xf32> to vector<16xf32>
      %parallel_loop3A_401 = vector.shape_cast %parallel_loop3A_396 : vector<16xf32> to vector<1x16xf32>
      tpu.vector_store %arg13[%parallel_loop3A_397, %parallel_loop3A_398], %parallel_loop3A_401 {strides = array<i32>} : memref<40x128xf32, #tpu.memory_space<vmem>>, vector<1x16xf32>,
      %parallel_loop3A_402 = arith.index_cast %parallel_loop3A_317 : i32 to index
      %parallel_loop3A_403 = arith.constant 96 : index
      %parallel_loop3A_404 = tpu.vector_load %arg13[%parallel_loop3A_402, %parallel_loop3A_403] {strides = array<i32>} : memref<40x128xf32, #tpu.memory_space<vmem>>, vector<1x16xf32>,
      %parallel_loop3A_405 = vector.shape_cast %parallel_loop3A_404 : vector<1x16xf32> to vector<16xf32>
      %parallel_loop3A_406 = arith.index_cast %parallel_loop3A_317 : i32 to index
      %parallel_loop3A_407 = arith.constant 96 : index
      %parallel_loop3A_408 = tpu.vector_load %arg17[%parallel_loop3A_406, %parallel_loop3A_407] {strides = array<i32>} : memref<40x128xf32, #tpu.memory_space<vmem>>, vector<1x16xf32>,
      %parallel_loop3A_409 = vector.shape_cast %parallel_loop3A_408 : vector<1x16xf32> to vector<16xf32>
      %parallel_loop3A_410 = arith.mulf %parallel_loop3A_405, %parallel_loop3A_409 : vector<16xf32>
      %parallel_loop3A_411 = arith.index_cast %parallel_loop3A_317 : i32 to index
      %parallel_loop3A_412 = arith.constant 96 : index
      %parallel_loop3A_413 = tpu.vector_load %arg13[%parallel_loop3A_411, %parallel_loop3A_412] {strides = array<i32>} : memref<40x128xf32, #tpu.memory_space<vmem>>, vector<1x16xf32>,
      %parallel_loop3A_414 = vector.shape_cast %parallel_loop3A_413 : vector<1x16xf32> to vector<16xf32>
      %parallel_loop3A_415 = vector.shape_cast %parallel_loop3A_410 : vector<16xf32> to vector<1x16xf32>
      tpu.vector_store %arg13[%parallel_loop3A_411, %parallel_loop3A_412], %parallel_loop3A_415 {strides = array<i32>} : memref<40x128xf32, #tpu.memory_space<vmem>>, vector<1x16xf32>,
      %parallel_loop3A_416 = arith.index_cast %parallel_loop3A_317 : i32 to index
      %parallel_loop3A_417 = arith.constant 112 : index
      %parallel_loop3A_418 = tpu.vector_load %arg13[%parallel_loop3A_416, %parallel_loop3A_417] {strides = array<i32>} : memref<40x128xf32, #tpu.memory_space<vmem>>, vector<1x16xf32>,
      %parallel_loop3A_419 = vector.shape_cast %parallel_loop3A_418 : vector<1x16xf32> to vector<16xf32>
      %parallel_loop3A_420 = arith.index_cast %parallel_loop3A_317 : i32 to index
      %parallel_loop3A_421 = arith.constant 112 : index
      %parallel_loop3A_422 = tpu.vector_load %arg17[%parallel_loop3A_420, %parallel_loop3A_421] {strides = array<i32>} : memref<40x128xf32, #tpu.memory_space<vmem>>, vector<1x16xf32>,
      %parallel_loop3A_423 = vector.shape_cast %parallel_loop3A_422 : vector<1x16xf32> to vector<16xf32>
      %parallel_loop3A_424 = arith.mulf %parallel_loop3A_419, %parallel_loop3A_423 : vector<16xf32>
      %parallel_loop3A_425 = arith.index_cast %parallel_loop3A_317 : i32 to index
      %parallel_loop3A_426 = arith.constant 112 : index
      %parallel_loop3A_427 = tpu.vector_load %arg13[%parallel_loop3A_425, %parallel_loop3A_426] {strides = array<i32>} : memref<40x128xf32, #tpu.memory_space<vmem>>, vector<1x16xf32>,
      %parallel_loop3A_428 = vector.shape_cast %parallel_loop3A_427 : vector<1x16xf32> to vector<16xf32>
      %parallel_loop3A_429 = vector.shape_cast %parallel_loop3A_424 : vector<16xf32> to vector<1x16xf32>
      tpu.vector_store %arg13[%parallel_loop3A_425, %parallel_loop3A_426], %parallel_loop3A_429 {strides = array<i32>} : memref<40x128xf32, #tpu.memory_space<vmem>>, vector<1x16xf32>,
    } {sc.loop_unroll_factor = 8 : i64, sc.parallel_access}
    %dma_wait3A_187 = tpu.memref_slice %arg4[%multiple_of3A_174] : memref<320000xi32, #tpu.memory_space<hbm>> -> memref<40xi32, #tpu.memory_space<hbm>>
    %dma_wait3A_188 = tpu.memref_slice %arg4[%multiple_of3A_174] : memref<320000xi32, #tpu.memory_space<hbm>> -> memref<40xi32, #tpu.memory_space<hbm>>
    tpu.wait_dma2 semaphore(%arg21 : memref<!tpu.dma_semaphore, #tpu.memory_space<semaphore_mem>>) src(%dma_wait3A_188 : memref<40xi32, #tpu.memory_space<hbm>>) dst(%arg9 : memref<40xi32, #tpu.memory_space<vmem>>)
    %dma_start3A_189 = arith.constant 0 : i32
    %dma_start3A_190 = arith.constant 0 : i32
    %dma_start3A_191 = tpu.memref_slice %arg18[%dma_start3A_189, %dma_start3A_190] : memref<10000x128xf32, #tpu.memory_space<vmem_shared>> -> memref<10000x128xf32, #tpu.memory_space<vmem_shared>>
    tpu.enqueue_indirect_dma source(%arg13 : memref<40x128xf32, #tpu.memory_space<vmem>>) target(%dma_start3A_191 : memref<10000x128xf32, #tpu.memory_space<vmem_shared>>) offsets(%arg9 : memref<40xi32, #tpu.memory_space<vmem>>) semaphore(%arg31 : memref<!tpu.dma_semaphore, #tpu.memory_space<semaphore_mem>>) {add = true}
    %dma_wait3A_192 = arith.constant 0 : i32
    %dma_wait3A_193 = arith.constant 0 : i32
    %dma_wait3A_194 = tpu.memref_slice %arg18[%dma_wait3A_192, %dma_wait3A_193] : memref<10000x128xf32, #tpu.memory_space<vmem_shared>> -> memref<10000x128xf32, #tpu.memory_space<vmem_shared>>
    tpu.wait_indirect_dma semaphore(%arg32 : memref<!tpu.dma_semaphore, #tpu.memory_space<semaphore_mem>>) src(%arg14 : memref<40x128xf32, #tpu.memory_space<vmem>>) dst(%dma_wait3A_194 : memref<10000x128xf32, #tpu.memory_space<vmem_shared>>)
    %dma_wait3A_195 = arith.constant 0 : i32
    %dma_wait3A_196 = arith.constant 0 : i32
    %dma_wait3A_197 = tpu.memref_slice %arg18[%dma_wait3A_195, %dma_wait3A_196] : memref<10000x128xf32, #tpu.memory_space<vmem_shared>> -> memref<10000x128xf32, #tpu.memory_space<vmem_shared>>
    tpu.wait_indirect_dma semaphore(%arg33 : memref<!tpu.dma_semaphore, #tpu.memory_space<semaphore_mem>>) src(%arg15 : memref<40x128xf32, #tpu.memory_space<vmem>>) dst(%dma_wait3A_197 : memref<10000x128xf32, #tpu.memory_space<vmem_shared>>)
    %dma_wait3A_198 = arith.constant 0 : i32
    %dma_wait3A_199 = arith.constant 0 : i32
    %dma_wait3A_200 = tpu.memref_slice %arg18[%dma_wait3A_198, %dma_wait3A_199] : memref<10000x128xf32, #tpu.memory_space<vmem_shared>> -> memref<10000x128xf32, #tpu.memory_space<vmem_shared>>
    tpu.wait_indirect_dma semaphore(%arg30 : memref<!tpu.dma_semaphore, #tpu.memory_space<semaphore_mem>>) src(%arg12 : memref<40x128xf32, #tpu.memory_space<vmem>>) dst(%dma_wait3A_200 : memref<10000x128xf32, #tpu.memory_space<vmem_shared>>)
    %dma_wait3A_201 = arith.constant 0 : i32
    %dma_wait3A_202 = arith.constant 0 : i32
    %dma_wait3A_203 = tpu.memref_slice %arg18[%dma_wait3A_201, %dma_wait3A_202] : memref<10000x128xf32, #tpu.memory_space<vmem_shared>> -> memref<10000x128xf32, #tpu.memory_space<vmem_shared>>
    tpu.wait_indirect_dma semaphore(%arg31 : memref<!tpu.dma_semaphore, #tpu.memory_space<semaphore_mem>>) src(%arg13 : memref<40x128xf32, #tpu.memory_space<vmem>>) dst(%dma_wait3A_203 : memref<10000x128xf32, #tpu.memory_space<vmem_shared>>)
    %barrier3A_204 = arith.constant 0 : index
    tpu.barrier barrier_id(%barrier3A_204)
    %add3A_205 = arith.constant 0 : i32
    %add3A_206 = arith.addi %arg1, %add3A_205 : i32
    %lt3A_207 = arith.constant 250 : i32
    %lt3A_208 = arith.cmpi slt, %add3A_206, %lt3A_207 : i32
    %convert_element_type3A_209 = arith.extui %lt3A_208 : i1 to i32
    %cond3A_210 = arith.constant 0 : i32
    %cond3A_211 = arith.cmpi ne, %convert_element_type3A_209, %cond3A_210 : i32
    scf.if %cond3A_211 {
      %mul3A_317 = arith.constant 40 : i32
      %mul3A_318 = arith.muli %add3A_206, %mul3A_317 : i32
      %multiple_of3A_319 = tpu.assume_multiple %mul3A_318, 8 : i32
      "tpu.region"() ({
        %run_scoped3A = tpu.sem_alloc : memref<!tpu.dma_semaphore, #tpu.memory_space<semaphore_mem>>
        %dma_start3A_320 = arith.constant 0 : i32
        %dma_start3A_321 = tpu.memref_slice %arg18[%multiple_of3A_319, %dma_start3A_320] : memref<10000x128xf32, #tpu.memory_space<vmem_shared>> -> memref<40x128xf32, #tpu.memory_space<vmem_shared>>
        %dma_start3A_322 = arith.constant 0 : i32
        %dma_start3A_323 = tpu.memref_slice %arg18[%multiple_of3A_319, %dma_start3A_322] : memref<10000x128xf32, #tpu.memory_space<vmem_shared>> -> memref<40x128xf32, #tpu.memory_space<vmem_shared>>
        tpu.enqueue_dma source(%dma_start3A_323 : memref<40x128xf32, #tpu.memory_space<vmem_shared>>) target(%arg12 : memref<40x128xf32, #tpu.memory_space<vmem>>) target_semaphore(%run_scoped3A : memref<!tpu.dma_semaphore, #tpu.memory_space<semaphore_mem>>)
        %dma_wait3A_324 = arith.constant 0 : i32
        %dma_wait3A_325 = tpu.memref_slice %arg18[%multiple_of3A_319, %dma_wait3A_324] : memref<10000x128xf32, #tpu.memory_space<vmem_shared>> -> memref<40x128xf32, #tpu.memory_space<vmem_shared>>
        %dma_wait3A_326 = arith.constant 0 : i32
        %dma_wait3A_327 = tpu.memref_slice %arg18[%multiple_of3A_319, %dma_wait3A_326] : memref<10000x128xf32, #tpu.memory_space<vmem_shared>> -> memref<40x128xf32, #tpu.memory_space<vmem_shared>>
        tpu.wait_dma2 semaphore(%run_scoped3A : memref<!tpu.dma_semaphore, #tpu.memory_space<semaphore_mem>>) src(%dma_wait3A_327 : memref<40x128xf32, #tpu.memory_space<vmem_shared>>) dst(%arg12 : memref<40x128xf32, #tpu.memory_space<vmem>>)
        tpu.yield
      }) : () -> ()
      "tpu.region"() ({
        %run_scoped3A = tpu.sem_alloc : memref<!tpu.dma_semaphore, #tpu.memory_space<semaphore_mem>>
        %dma_start3A_320 = arith.constant 0 : i32
        %dma_start3A_321 = arith.constant 0 : i32
        %dma_start3A_322 = tpu.memref_slice %arg6[%arg0, %dma_start3A_320, %dma_start3A_321] : memref<2x10000x128xf32, #tpu.memory_space<hbm>> -> memref<1x10000x128xf32, #tpu.memory_space<hbm>>
        %dma_start3A_323 = tpu.memref_squeeze %dma_start3A_322 : memref<1x10000x128xf32, #tpu.memory_space<hbm>> -> memref<10000x128xf32, #tpu.memory_space<hbm>>
        %dma_start3A_324 = arith.constant 0 : i32
        %dma_start3A_325 = tpu.memref_slice %dma_start3A_323[%multiple_of3A_319, %dma_start3A_324] : memref<10000x128xf32, #tpu.memory_space<hbm>> -> memref<40x128xf32, #tpu.memory_space<hbm>>
        %dma_start3A_326 = arith.constant 0 : i32
        %dma_start3A_327 = arith.constant 0 : i32
        %dma_start3A_328 = tpu.memref_slice %arg6[%arg0, %dma_start3A_326, %dma_start3A_327] : memref<2x10000x128xf32, #tpu.memory_space<hbm>> -> memref<1x10000x128xf32, #tpu.memory_space<hbm>>
        %dma_start3A_329 = tpu.memref_squeeze %dma_start3A_328 : memref<1x10000x128xf32, #tpu.memory_space<hbm>> -> memref<10000x128xf32, #tpu.memory_space<hbm>>
        %dma_start3A_330 = arith.constant 0 : i32
        %dma_start3A_331 = tpu.memref_slice %dma_start3A_329[%multiple_of3A_319, %dma_start3A_330] : memref<10000x128xf32, #tpu.memory_space<hbm>> -> memref<40x128xf32, #tpu.memory_space<hbm>>
        tpu.enqueue_dma source(%arg12 : memref<40x128xf32, #tpu.memory_space<vmem>>) target(%dma_start3A_331 : memref<40x128xf32, #tpu.memory_space<hbm>>) target_semaphore(%run_scoped3A : memref<!tpu.dma_semaphore, #tpu.memory_space<semaphore_mem>>)
        %dma_wait3A_332 = arith.constant 0 : i32
        %dma_wait3A_333 = arith.constant 0 : i32
        %dma_wait3A_334 = tpu.memref_slice %arg6[%arg0, %dma_wait3A_332, %dma_wait3A_333] : memref<2x10000x128xf32, #tpu.memory_space<hbm>> -> memref<1x10000x128xf32, #tpu.memory_space<hbm>>
        %dma_wait3A_335 = tpu.memref_squeeze %dma_wait3A_334 : memref<1x10000x128xf32, #tpu.memory_space<hbm>> -> memref<10000x128xf32, #tpu.memory_space<hbm>>
        %dma_wait3A_336 = arith.constant 0 : i32
        %dma_wait3A_337 = tpu.memref_slice %dma_wait3A_335[%multiple_of3A_319, %dma_wait3A_336] : memref<10000x128xf32, #tpu.memory_space<hbm>> -> memref<40x128xf32, #tpu.memory_space<hbm>>
        %dma_wait3A_338 = arith.constant 0 : i32
        %dma_wait3A_339 = arith.constant 0 : i32
        %dma_wait3A_340 = tpu.memref_slice %arg6[%arg0, %dma_wait3A_338, %dma_wait3A_339] : memref<2x10000x128xf32, #tpu.memory_space<hbm>> -> memref<1x10000x128xf32, #tpu.memory_space<hbm>>
        %dma_wait3A_341 = tpu.memref_squeeze %dma_wait3A_340 : memref<1x10000x128xf32, #tpu.memory_space<hbm>> -> memref<10000x128xf32, #tpu.memory_space<hbm>>
        %dma_wait3A_342 = arith.constant 0 : i32
        %dma_wait3A_343 = tpu.memref_slice %dma_wait3A_341[%multiple_of3A_319, %dma_wait3A_342] : memref<10000x128xf32, #tpu.memory_space<hbm>> -> memref<40x128xf32, #tpu.memory_space<hbm>>
        tpu.wait_dma2 semaphore(%run_scoped3A : memref<!tpu.dma_semaphore, #tpu.memory_space<semaphore_mem>>) src(%arg12 : memref<40x128xf32, #tpu.memory_space<vmem>>) dst(%dma_wait3A_343 : memref<40x128xf32, #tpu.memory_space<hbm>>)
        tpu.yield
      }) : () -> ()
    } else {
    }
    %add3A_212 = arith.constant 16 : i32
    %add3A_213 = arith.addi %arg1, %add3A_212 : i32
    %lt3A_214 = arith.constant 250 : i32
    %lt3A_215 = arith.cmpi slt, %add3A_213, %lt3A_214 : i32
    %convert_element_type3A_216 = arith.extui %lt3A_215 : i1 to i32
    %cond3A_217 = arith.constant 0 : i32
    %cond3A_218 = arith.cmpi ne, %convert_element_type3A_216, %cond3A_217 : i32
    scf.if %cond3A_218 {
      %mul3A_317 = arith.constant 40 : i32
      %mul3A_318 = arith.muli %add3A_213, %mul3A_317 : i32
      %multiple_of3A_319 = tpu.assume_multiple %mul3A_318, 8 : i32
      "tpu.region"() ({
        %run_scoped3A = tpu.sem_alloc : memref<!tpu.dma_semaphore, #tpu.memory_space<semaphore_mem>>
        %dma_start3A_320 = arith.constant 0 : i32
        %dma_start3A_321 = tpu.memref_slice %arg18[%multiple_of3A_319, %dma_start3A_320] : memref<10000x128xf32, #tpu.memory_space<vmem_shared>> -> memref<40x128xf32, #tpu.memory_space<vmem_shared>>
        %dma_start3A_322 = arith.constant 0 : i32
        %dma_start3A_323 = tpu.memref_slice %arg18[%multiple_of3A_319, %dma_start3A_322] : memref<10000x128xf32, #tpu.memory_space<vmem_shared>> -> memref<40x128xf32, #tpu.memory_space<vmem_shared>>
        tpu.enqueue_dma source(%dma_start3A_323 : memref<40x128xf32, #tpu.memory_space<vmem_shared>>) target(%arg12 : memref<40x128xf32, #tpu.memory_space<vmem>>) target_semaphore(%run_scoped3A : memref<!tpu.dma_semaphore, #tpu.memory_space<semaphore_mem>>)
        %dma_wait3A_324 = arith.constant 0 : i32
        %dma_wait3A_325 = tpu.memref_slice %arg18[%multiple_of3A_319, %dma_wait3A_324] : memref<10000x128xf32, #tpu.memory_space<vmem_shared>> -> memref<40x128xf32, #tpu.memory_space<vmem_shared>>
        %dma_wait3A_326 = arith.constant 0 : i32
        %dma_wait3A_327 = tpu.memref_slice %arg18[%multiple_of3A_319, %dma_wait3A_326] : memref<10000x128xf32, #tpu.memory_space<vmem_shared>> -> memref<40x128xf32, #tpu.memory_space<vmem_shared>>
        tpu.wait_dma2 semaphore(%run_scoped3A : memref<!tpu.dma_semaphore, #tpu.memory_space<semaphore_mem>>) src(%dma_wait3A_327 : memref<40x128xf32, #tpu.memory_space<vmem_shared>>) dst(%arg12 : memref<40x128xf32, #tpu.memory_space<vmem>>)
        tpu.yield
      }) : () -> ()
      "tpu.region"() ({
        %run_scoped3A = tpu.sem_alloc : memref<!tpu.dma_semaphore, #tpu.memory_space<semaphore_mem>>
        %dma_start3A_320 = arith.constant 0 : i32
        %dma_start3A_321 = arith.constant 0 : i32
        %dma_start3A_322 = tpu.memref_slice %arg6[%arg0, %dma_start3A_320, %dma_start3A_321] : memref<2x10000x128xf32, #tpu.memory_space<hbm>> -> memref<1x10000x128xf32, #tpu.memory_space<hbm>>
        %dma_start3A_323 = tpu.memref_squeeze %dma_start3A_322 : memref<1x10000x128xf32, #tpu.memory_space<hbm>> -> memref<10000x128xf32, #tpu.memory_space<hbm>>
        %dma_start3A_324 = arith.constant 0 : i32
        %dma_start3A_325 = tpu.memref_slice %dma_start3A_323[%multiple_of3A_319, %dma_start3A_324] : memref<10000x128xf32, #tpu.memory_space<hbm>> -> memref<40x128xf32, #tpu.memory_space<hbm>>
        %dma_start3A_326 = arith.constant 0 : i32
        %dma_start3A_327 = arith.constant 0 : i32
        %dma_start3A_328 = tpu.memref_slice %arg6[%arg0, %dma_start3A_326, %dma_start3A_327] : memref<2x10000x128xf32, #tpu.memory_space<hbm>> -> memref<1x10000x128xf32, #tpu.memory_space<hbm>>
        %dma_start3A_329 = tpu.memref_squeeze %dma_start3A_328 : memref<1x10000x128xf32, #tpu.memory_space<hbm>> -> memref<10000x128xf32, #tpu.memory_space<hbm>>
        %dma_start3A_330 = arith.constant 0 : i32
        %dma_start3A_331 = tpu.memref_slice %dma_start3A_329[%multiple_of3A_319, %dma_start3A_330] : memref<10000x128xf32, #tpu.memory_space<hbm>> -> memref<40x128xf32, #tpu.memory_space<hbm>>
        tpu.enqueue_dma source(%arg12 : memref<40x128xf32, #tpu.memory_space<vmem>>) target(%dma_start3A_331 : memref<40x128xf32, #tpu.memory_space<hbm>>) target_semaphore(%run_scoped3A : memref<!tpu.dma_semaphore, #tpu.memory_space<semaphore_mem>>)
        %dma_wait3A_332 = arith.constant 0 : i32
        %dma_wait3A_333 = arith.constant 0 : i32
        %dma_wait3A_334 = tpu.memref_slice %arg6[%arg0, %dma_wait3A_332, %dma_wait3A_333] : memref<2x10000x128xf32, #tpu.memory_space<hbm>> -> memref<1x10000x128xf32, #tpu.memory_space<hbm>>
        %dma_wait3A_335 = tpu.memref_squeeze %dma_wait3A_334 : memref<1x10000x128xf32, #tpu.memory_space<hbm>> -> memref<10000x128xf32, #tpu.memory_space<hbm>>
        %dma_wait3A_336 = arith.constant 0 : i32
        %dma_wait3A_337 = tpu.memref_slice %dma_wait3A_335[%multiple_of3A_319, %dma_wait3A_336] : memref<10000x128xf32, #tpu.memory_space<hbm>> -> memref<40x128xf32, #tpu.memory_space<hbm>>
        %dma_wait3A_338 = arith.constant 0 : i32
        %dma_wait3A_339 = arith.constant 0 : i32
        %dma_wait3A_340 = tpu.memref_slice %arg6[%arg0, %dma_wait3A_338, %dma_wait3A_339] : memref<2x10000x128xf32, #tpu.memory_space<hbm>> -> memref<1x10000x128xf32, #tpu.memory_space<hbm>>
        %dma_wait3A_341 = tpu.memref_squeeze %dma_wait3A_340 : memref<1x10000x128xf32, #tpu.memory_space<hbm>> -> memref<10000x128xf32, #tpu.memory_space<hbm>>
        %dma_wait3A_342 = arith.constant 0 : i32
        %dma_wait3A_343 = tpu.memref_slice %dma_wait3A_341[%multiple_of3A_319, %dma_wait3A_342] : memref<10000x128xf32, #tpu.memory_space<hbm>> -> memref<40x128xf32, #tpu.memory_space<hbm>>
        tpu.wait_dma2 semaphore(%run_scoped3A : memref<!tpu.dma_semaphore, #tpu.memory_space<semaphore_mem>>) src(%arg12 : memref<40x128xf32, #tpu.memory_space<vmem>>) dst(%dma_wait3A_343 : memref<40x128xf32, #tpu.memory_space<hbm>>)
        tpu.yield
      }) : () -> ()
    } else {
    }
    %add3A_219 = arith.constant 32 : i32
    %add3A_220 = arith.addi %arg1, %add3A_219 : i32
    %lt3A_221 = arith.constant 250 : i32
    %lt3A_222 = arith.cmpi slt, %add3A_220, %lt3A_221 : i32
    %convert_element_type3A_223 = arith.extui %lt3A_222 : i1 to i32
    %cond3A_224 = arith.constant 0 : i32
    %cond3A_225 = arith.cmpi ne, %convert_element_type3A_223, %cond3A_224 : i32
    scf.if %cond3A_225 {
      %mul3A_317 = arith.constant 40 : i32
      %mul3A_318 = arith.muli %add3A_220, %mul3A_317 : i32
      %multiple_of3A_319 = tpu.assume_multiple %mul3A_318, 8 : i32
      "tpu.region"() ({
        %run_scoped3A = tpu.sem_alloc : memref<!tpu.dma_semaphore, #tpu.memory_space<semaphore_mem>>
        %dma_start3A_320 = arith.constant 0 : i32
        %dma_start3A_321 = tpu.memref_slice %arg18[%multiple_of3A_319, %dma_start3A_320] : memref<10000x128xf32, #tpu.memory_space<vmem_shared>> -> memref<40x128xf32, #tpu.memory_space<vmem_shared>>
        %dma_start3A_322 = arith.constant 0 : i32
        %dma_start3A_323 = tpu.memref_slice %arg18[%multiple_of3A_319, %dma_start3A_322] : memref<10000x128xf32, #tpu.memory_space<vmem_shared>> -> memref<40x128xf32, #tpu.memory_space<vmem_shared>>
        tpu.enqueue_dma source(%dma_start3A_323 : memref<40x128xf32, #tpu.memory_space<vmem_shared>>) target(%arg12 : memref<40x128xf32, #tpu.memory_space<vmem>>) target_semaphore(%run_scoped3A : memref<!tpu.dma_semaphore, #tpu.memory_space<semaphore_mem>>)
        %dma_wait3A_324 = arith.constant 0 : i32
        %dma_wait3A_325 = tpu.memref_slice %arg18[%multiple_of3A_319, %dma_wait3A_324] : memref<10000x128xf32, #tpu.memory_space<vmem_shared>> -> memref<40x128xf32, #tpu.memory_space<vmem_shared>>
        %dma_wait3A_326 = arith.constant 0 : i32
        %dma_wait3A_327 = tpu.memref_slice %arg18[%multiple_of3A_319, %dma_wait3A_326] : memref<10000x128xf32, #tpu.memory_space<vmem_shared>> -> memref<40x128xf32, #tpu.memory_space<vmem_shared>>
        tpu.wait_dma2 semaphore(%run_scoped3A : memref<!tpu.dma_semaphore, #tpu.memory_space<semaphore_mem>>) src(%dma_wait3A_327 : memref<40x128xf32, #tpu.memory_space<vmem_shared>>) dst(%arg12 : memref<40x128xf32, #tpu.memory_space<vmem>>)
        tpu.yield
      }) : () -> ()
      "tpu.region"() ({
        %run_scoped3A = tpu.sem_alloc : memref<!tpu.dma_semaphore, #tpu.memory_space<semaphore_mem>>
        %dma_start3A_320 = arith.constant 0 : i32
        %dma_start3A_321 = arith.constant 0 : i32
        %dma_start3A_322 = tpu.memref_slice %arg6[%arg0, %dma_start3A_320, %dma_start3A_321] : memref<2x10000x128xf32, #tpu.memory_space<hbm>> -> memref<1x10000x128xf32, #tpu.memory_space<hbm>>
        %dma_start3A_323 = tpu.memref_squeeze %dma_start3A_322 : memref<1x10000x128xf32, #tpu.memory_space<hbm>> -> memref<10000x128xf32, #tpu.memory_space<hbm>>
        %dma_start3A_324 = arith.constant 0 : i32
        %dma_start3A_325 = tpu.memref_slice %dma_start3A_323[%multiple_of3A_319, %dma_start3A_324] : memref<10000x128xf32, #tpu.memory_space<hbm>> -> memref<40x128xf32, #tpu.memory_space<hbm>>
        %dma_start3A_326 = arith.constant 0 : i32
        %dma_start3A_327 = arith.constant 0 : i32
        %dma_start3A_328 = tpu.memref_slice %arg6[%arg0, %dma_start3A_326, %dma_start3A_327] : memref<2x10000x128xf32, #tpu.memory_space<hbm>> -> memref<1x10000x128xf32, #tpu.memory_space<hbm>>
        %dma_start3A_329 = tpu.memref_squeeze %dma_start3A_328 : memref<1x10000x128xf32, #tpu.memory_space<hbm>> -> memref<10000x128xf32, #tpu.memory_space<hbm>>
        %dma_start3A_330 = arith.constant 0 : i32
        %dma_start3A_331 = tpu.memref_slice %dma_start3A_329[%multiple_of3A_319, %dma_start3A_330] : memref<10000x128xf32, #tpu.memory_space<hbm>> -> memref<40x128xf32, #tpu.memory_space<hbm>>
        tpu.enqueue_dma source(%arg12 : memref<40x128xf32, #tpu.memory_space<vmem>>) target(%dma_start3A_331 : memref<40x128xf32, #tpu.memory_space<hbm>>) target_semaphore(%run_scoped3A : memref<!tpu.dma_semaphore, #tpu.memory_space<semaphore_mem>>)
        %dma_wait3A_332 = arith.constant 0 : i32
        %dma_wait3A_333 = arith.constant 0 : i32
        %dma_wait3A_334 = tpu.memref_slice %arg6[%arg0, %dma_wait3A_332, %dma_wait3A_333] : memref<2x10000x128xf32, #tpu.memory_space<hbm>> -> memref<1x10000x128xf32, #tpu.memory_space<hbm>>
        %dma_wait3A_335 = tpu.memref_squeeze %dma_wait3A_334 : memref<1x10000x128xf32, #tpu.memory_space<hbm>> -> memref<10000x128xf32, #tpu.memory_space<hbm>>
        %dma_wait3A_336 = arith.constant 0 : i32
        %dma_wait3A_337 = tpu.memref_slice %dma_wait3A_335[%multiple_of3A_319, %dma_wait3A_336] : memref<10000x128xf32, #tpu.memory_space<hbm>> -> memref<40x128xf32, #tpu.memory_space<hbm>>
        %dma_wait3A_338 = arith.constant 0 : i32
        %dma_wait3A_339 = arith.constant 0 : i32
        %dma_wait3A_340 = tpu.memref_slice %arg6[%arg0, %dma_wait3A_338, %dma_wait3A_339] : memref<2x10000x128xf32, #tpu.memory_space<hbm>> -> memref<1x10000x128xf32, #tpu.memory_space<hbm>>
        %dma_wait3A_341 = tpu.memref_squeeze %dma_wait3A_340 : memref<1x10000x128xf32, #tpu.memory_space<hbm>> -> memref<10000x128xf32, #tpu.memory_space<hbm>>
        %dma_wait3A_342 = arith.constant 0 : i32
        %dma_wait3A_343 = tpu.memref_slice %dma_wait3A_341[%multiple_of3A_319, %dma_wait3A_342] : memref<10000x128xf32, #tpu.memory_space<hbm>> -> memref<40x128xf32, #tpu.memory_space<hbm>>
        tpu.wait_dma2 semaphore(%run_scoped3A : memref<!tpu.dma_semaphore, #tpu.memory_space<semaphore_mem>>) src(%arg12 : memref<40x128xf32, #tpu.memory_space<vmem>>) dst(%dma_wait3A_343 : memref<40x128xf32, #tpu.memory_space<hbm>>)
        tpu.yield
      }) : () -> ()
    } else {
    }
    %add3A_226 = arith.constant 48 : i32
    %add3A_227 = arith.addi %arg1, %add3A_226 : i32
    %lt3A_228 = arith.constant 250 : i32
    %lt3A_229 = arith.cmpi slt, %add3A_227, %lt3A_228 : i32
    %convert_element_type3A_230 = arith.extui %lt3A_229 : i1 to i32
    %cond3A_231 = arith.constant 0 : i32
    %cond3A_232 = arith.cmpi ne, %convert_element_type3A_230, %cond3A_231 : i32
    scf.if %cond3A_232 {
      %mul3A_317 = arith.constant 40 : i32
      %mul3A_318 = arith.muli %add3A_227, %mul3A_317 : i32
      %multiple_of3A_319 = tpu.assume_multiple %mul3A_318, 8 : i32
      "tpu.region"() ({
        %run_scoped3A = tpu.sem_alloc : memref<!tpu.dma_semaphore, #tpu.memory_space<semaphore_mem>>
        %dma_start3A_320 = arith.constant 0 : i32
        %dma_start3A_321 = tpu.memref_slice %arg18[%multiple_of3A_319, %dma_start3A_320] : memref<10000x128xf32, #tpu.memory_space<vmem_shared>> -> memref<40x128xf32, #tpu.memory_space<vmem_shared>>
        %dma_start3A_322 = arith.constant 0 : i32
        %dma_start3A_323 = tpu.memref_slice %arg18[%multiple_of3A_319, %dma_start3A_322] : memref<10000x128xf32, #tpu.memory_space<vmem_shared>> -> memref<40x128xf32, #tpu.memory_space<vmem_shared>>
        tpu.enqueue_dma source(%dma_start3A_323 : memref<40x128xf32, #tpu.memory_space<vmem_shared>>) target(%arg12 : memref<40x128xf32, #tpu.memory_space<vmem>>) target_semaphore(%run_scoped3A : memref<!tpu.dma_semaphore, #tpu.memory_space<semaphore_mem>>)
        %dma_wait3A_324 = arith.constant 0 : i32
        %dma_wait3A_325 = tpu.memref_slice %arg18[%multiple_of3A_319, %dma_wait3A_324] : memref<10000x128xf32, #tpu.memory_space<vmem_shared>> -> memref<40x128xf32, #tpu.memory_space<vmem_shared>>
        %dma_wait3A_326 = arith.constant 0 : i32
        %dma_wait3A_327 = tpu.memref_slice %arg18[%multiple_of3A_319, %dma_wait3A_326] : memref<10000x128xf32, #tpu.memory_space<vmem_shared>> -> memref<40x128xf32, #tpu.memory_space<vmem_shared>>
        tpu.wait_dma2 semaphore(%run_scoped3A : memref<!tpu.dma_semaphore, #tpu.memory_space<semaphore_mem>>) src(%dma_wait3A_327 : memref<40x128xf32, #tpu.memory_space<vmem_shared>>) dst(%arg12 : memref<40x128xf32, #tpu.memory_space<vmem>>)
        tpu.yield
      }) : () -> ()
      "tpu.region"() ({
        %run_scoped3A = tpu.sem_alloc : memref<!tpu.dma_semaphore, #tpu.memory_space<semaphore_mem>>
        %dma_start3A_320 = arith.constant 0 : i32
        %dma_start3A_321 = arith.constant 0 : i32
        %dma_start3A_322 = tpu.memref_slice %arg6[%arg0, %dma_start3A_320, %dma_start3A_321] : memref<2x10000x128xf32, #tpu.memory_space<hbm>> -> memref<1x10000x128xf32, #tpu.memory_space<hbm>>
        %dma_start3A_323 = tpu.memref_squeeze %dma_start3A_322 : memref<1x10000x128xf32, #tpu.memory_space<hbm>> -> memref<10000x128xf32, #tpu.memory_space<hbm>>
        %dma_start3A_324 = arith.constant 0 : i32
        %dma_start3A_325 = tpu.memref_slice %dma_start3A_323[%multiple_of3A_319, %dma_start3A_324] : memref<10000x128xf32, #tpu.memory_space<hbm>> -> memref<40x128xf32, #tpu.memory_space<hbm>>
        %dma_start3A_326 = arith.constant 0 : i32
        %dma_start3A_327 = arith.constant 0 : i32
        %dma_start3A_328 = tpu.memref_slice %arg6[%arg0, %dma_start3A_326, %dma_start3A_327] : memref<2x10000x128xf32, #tpu.memory_space<hbm>> -> memref<1x10000x128xf32, #tpu.memory_space<hbm>>
        %dma_start3A_329 = tpu.memref_squeeze %dma_start3A_328 : memref<1x10000x128xf32, #tpu.memory_space<hbm>> -> memref<10000x128xf32, #tpu.memory_space<hbm>>
        %dma_start3A_330 = arith.constant 0 : i32
        %dma_start3A_331 = tpu.memref_slice %dma_start3A_329[%multiple_of3A_319, %dma_start3A_330] : memref<10000x128xf32, #tpu.memory_space<hbm>> -> memref<40x128xf32, #tpu.memory_space<hbm>>
        tpu.enqueue_dma source(%arg12 : memref<40x128xf32, #tpu.memory_space<vmem>>) target(%dma_start3A_331 : memref<40x128xf32, #tpu.memory_space<hbm>>) target_semaphore(%run_scoped3A : memref<!tpu.dma_semaphore, #tpu.memory_space<semaphore_mem>>)
        %dma_wait3A_332 = arith.constant 0 : i32
        %dma_wait3A_333 = arith.constant 0 : i32
        %dma_wait3A_334 = tpu.memref_slice %arg6[%arg0, %dma_wait3A_332, %dma_wait3A_333] : memref<2x10000x128xf32, #tpu.memory_space<hbm>> -> memref<1x10000x128xf32, #tpu.memory_space<hbm>>
        %dma_wait3A_335 = tpu.memref_squeeze %dma_wait3A_334 : memref<1x10000x128xf32, #tpu.memory_space<hbm>> -> memref<10000x128xf32, #tpu.memory_space<hbm>>
        %dma_wait3A_336 = arith.constant 0 : i32
        %dma_wait3A_337 = tpu.memref_slice %dma_wait3A_335[%multiple_of3A_319, %dma_wait3A_336] : memref<10000x128xf32, #tpu.memory_space<hbm>> -> memref<40x128xf32, #tpu.memory_space<hbm>>
        %dma_wait3A_338 = arith.constant 0 : i32
        %dma_wait3A_339 = arith.constant 0 : i32
        %dma_wait3A_340 = tpu.memref_slice %arg6[%arg0, %dma_wait3A_338, %dma_wait3A_339] : memref<2x10000x128xf32, #tpu.memory_space<hbm>> -> memref<1x10000x128xf32, #tpu.memory_space<hbm>>
        %dma_wait3A_341 = tpu.memref_squeeze %dma_wait3A_340 : memref<1x10000x128xf32, #tpu.memory_space<hbm>> -> memref<10000x128xf32, #tpu.memory_space<hbm>>
        %dma_wait3A_342 = arith.constant 0 : i32
        %dma_wait3A_343 = tpu.memref_slice %dma_wait3A_341[%multiple_of3A_319, %dma_wait3A_342] : memref<10000x128xf32, #tpu.memory_space<hbm>> -> memref<40x128xf32, #tpu.memory_space<hbm>>
        tpu.wait_dma2 semaphore(%run_scoped3A : memref<!tpu.dma_semaphore, #tpu.memory_space<semaphore_mem>>) src(%arg12 : memref<40x128xf32, #tpu.memory_space<vmem>>) dst(%dma_wait3A_343 : memref<40x128xf32, #tpu.memory_space<hbm>>)
        tpu.yield
      }) : () -> ()
    } else {
    }
    %add3A_233 = arith.constant 64 : i32
    %add3A_234 = arith.addi %arg1, %add3A_233 : i32
    %lt3A_235 = arith.constant 250 : i32
    %lt3A_236 = arith.cmpi slt, %add3A_234, %lt3A_235 : i32
    %convert_element_type3A_237 = arith.extui %lt3A_236 : i1 to i32
    %cond3A_238 = arith.constant 0 : i32
    %cond3A_239 = arith.cmpi ne, %convert_element_type3A_237, %cond3A_238 : i32
    scf.if %cond3A_239 {
      %mul3A_317 = arith.constant 40 : i32
      %mul3A_318 = arith.muli %add3A_234, %mul3A_317 : i32
      %multiple_of3A_319 = tpu.assume_multiple %mul3A_318, 8 : i32
      "tpu.region"() ({
        %run_scoped3A = tpu.sem_alloc : memref<!tpu.dma_semaphore, #tpu.memory_space<semaphore_mem>>
        %dma_start3A_320 = arith.constant 0 : i32
        %dma_start3A_321 = tpu.memref_slice %arg18[%multiple_of3A_319, %dma_start3A_320] : memref<10000x128xf32, #tpu.memory_space<vmem_shared>> -> memref<40x128xf32, #tpu.memory_space<vmem_shared>>
        %dma_start3A_322 = arith.constant 0 : i32
        %dma_start3A_323 = tpu.memref_slice %arg18[%multiple_of3A_319, %dma_start3A_322] : memref<10000x128xf32, #tpu.memory_space<vmem_shared>> -> memref<40x128xf32, #tpu.memory_space<vmem_shared>>
        tpu.enqueue_dma source(%dma_start3A_323 : memref<40x128xf32, #tpu.memory_space<vmem_shared>>) target(%arg12 : memref<40x128xf32, #tpu.memory_space<vmem>>) target_semaphore(%run_scoped3A : memref<!tpu.dma_semaphore, #tpu.memory_space<semaphore_mem>>)
        %dma_wait3A_324 = arith.constant 0 : i32
        %dma_wait3A_325 = tpu.memref_slice %arg18[%multiple_of3A_319, %dma_wait3A_324] : memref<10000x128xf32, #tpu.memory_space<vmem_shared>> -> memref<40x128xf32, #tpu.memory_space<vmem_shared>>
        %dma_wait3A_326 = arith.constant 0 : i32
        %dma_wait3A_327 = tpu.memref_slice %arg18[%multiple_of3A_319, %dma_wait3A_326] : memref<10000x128xf32, #tpu.memory_space<vmem_shared>> -> memref<40x128xf32, #tpu.memory_space<vmem_shared>>
        tpu.wait_dma2 semaphore(%run_scoped3A : memref<!tpu.dma_semaphore, #tpu.memory_space<semaphore_mem>>) src(%dma_wait3A_327 : memref<40x128xf32, #tpu.memory_space<vmem_shared>>) dst(%arg12 : memref<40x128xf32, #tpu.memory_space<vmem>>)
        tpu.yield
      }) : () -> ()
      "tpu.region"() ({
        %run_scoped3A = tpu.sem_alloc : memref<!tpu.dma_semaphore, #tpu.memory_space<semaphore_mem>>
        %dma_start3A_320 = arith.constant 0 : i32
        %dma_start3A_321 = arith.constant 0 : i32
        %dma_start3A_322 = tpu.memref_slice %arg6[%arg0, %dma_start3A_320, %dma_start3A_321] : memref<2x10000x128xf32, #tpu.memory_space<hbm>> -> memref<1x10000x128xf32, #tpu.memory_space<hbm>>
        %dma_start3A_323 = tpu.memref_squeeze %dma_start3A_322 : memref<1x10000x128xf32, #tpu.memory_space<hbm>> -> memref<10000x128xf32, #tpu.memory_space<hbm>>
        %dma_start3A_324 = arith.constant 0 : i32
        %dma_start3A_325 = tpu.memref_slice %dma_start3A_323[%multiple_of3A_319, %dma_start3A_324] : memref<10000x128xf32, #tpu.memory_space<hbm>> -> memref<40x128xf32, #tpu.memory_space<hbm>>
        %dma_start3A_326 = arith.constant 0 : i32
        %dma_start3A_327 = arith.constant 0 : i32
        %dma_start3A_328 = tpu.memref_slice %arg6[%arg0, %dma_start3A_326, %dma_start3A_327] : memref<2x10000x128xf32, #tpu.memory_space<hbm>> -> memref<1x10000x128xf32, #tpu.memory_space<hbm>>
        %dma_start3A_329 = tpu.memref_squeeze %dma_start3A_328 : memref<1x10000x128xf32, #tpu.memory_space<hbm>> -> memref<10000x128xf32, #tpu.memory_space<hbm>>
        %dma_start3A_330 = arith.constant 0 : i32
        %dma_start3A_331 = tpu.memref_slice %dma_start3A_329[%multiple_of3A_319, %dma_start3A_330] : memref<10000x128xf32, #tpu.memory_space<hbm>> -> memref<40x128xf32, #tpu.memory_space<hbm>>
        tpu.enqueue_dma source(%arg12 : memref<40x128xf32, #tpu.memory_space<vmem>>) target(%dma_start3A_331 : memref<40x128xf32, #tpu.memory_space<hbm>>) target_semaphore(%run_scoped3A : memref<!tpu.dma_semaphore, #tpu.memory_space<semaphore_mem>>)
        %dma_wait3A_332 = arith.constant 0 : i32
        %dma_wait3A_333 = arith.constant 0 : i32
        %dma_wait3A_334 = tpu.memref_slice %arg6[%arg0, %dma_wait3A_332, %dma_wait3A_333] : memref<2x10000x128xf32, #tpu.memory_space<hbm>> -> memref<1x10000x128xf32, #tpu.memory_space<hbm>>
        %dma_wait3A_335 = tpu.memref_squeeze %dma_wait3A_334 : memref<1x10000x128xf32, #tpu.memory_space<hbm>> -> memref<10000x128xf32, #tpu.memory_space<hbm>>
        %dma_wait3A_336 = arith.constant 0 : i32
        %dma_wait3A_337 = tpu.memref_slice %dma_wait3A_335[%multiple_of3A_319, %dma_wait3A_336] : memref<10000x128xf32, #tpu.memory_space<hbm>> -> memref<40x128xf32, #tpu.memory_space<hbm>>
        %dma_wait3A_338 = arith.constant 0 : i32
        %dma_wait3A_339 = arith.constant 0 : i32
        %dma_wait3A_340 = tpu.memref_slice %arg6[%arg0, %dma_wait3A_338, %dma_wait3A_339] : memref<2x10000x128xf32, #tpu.memory_space<hbm>> -> memref<1x10000x128xf32, #tpu.memory_space<hbm>>
        %dma_wait3A_341 = tpu.memref_squeeze %dma_wait3A_340 : memref<1x10000x128xf32, #tpu.memory_space<hbm>> -> memref<10000x128xf32, #tpu.memory_space<hbm>>
        %dma_wait3A_342 = arith.constant 0 : i32
        %dma_wait3A_343 = tpu.memref_slice %dma_wait3A_341[%multiple_of3A_319, %dma_wait3A_342] : memref<10000x128xf32, #tpu.memory_space<hbm>> -> memref<40x128xf32, #tpu.memory_space<hbm>>
        tpu.wait_dma2 semaphore(%run_scoped3A : memref<!tpu.dma_semaphore, #tpu.memory_space<semaphore_mem>>) src(%arg12 : memref<40x128xf32, #tpu.memory_space<vmem>>) dst(%dma_wait3A_343 : memref<40x128xf32, #tpu.memory_space<hbm>>)
        tpu.yield
      }) : () -> ()
    } else {
    }
    %add3A_240 = arith.constant 80 : i32
    %add3A_241 = arith.addi %arg1, %add3A_240 : i32
    %lt3A_242 = arith.constant 250 : i32
    %lt3A_243 = arith.cmpi slt, %add3A_241, %lt3A_242 : i32
    %convert_element_type3A_244 = arith.extui %lt3A_243 : i1 to i32
    %cond3A_245 = arith.constant 0 : i32
    %cond3A_246 = arith.cmpi ne, %convert_element_type3A_244, %cond3A_245 : i32
    scf.if %cond3A_246 {
      %mul3A_317 = arith.constant 40 : i32
      %mul3A_318 = arith.muli %add3A_241, %mul3A_317 : i32
      %multiple_of3A_319 = tpu.assume_multiple %mul3A_318, 8 : i32
      "tpu.region"() ({
        %run_scoped3A = tpu.sem_alloc : memref<!tpu.dma_semaphore, #tpu.memory_space<semaphore_mem>>
        %dma_start3A_320 = arith.constant 0 : i32
        %dma_start3A_321 = tpu.memref_slice %arg18[%multiple_of3A_319, %dma_start3A_320] : memref<10000x128xf32, #tpu.memory_space<vmem_shared>> -> memref<40x128xf32, #tpu.memory_space<vmem_shared>>
        %dma_start3A_322 = arith.constant 0 : i32
        %dma_start3A_323 = tpu.memref_slice %arg18[%multiple_of3A_319, %dma_start3A_322] : memref<10000x128xf32, #tpu.memory_space<vmem_shared>> -> memref<40x128xf32, #tpu.memory_space<vmem_shared>>
        tpu.enqueue_dma source(%dma_start3A_323 : memref<40x128xf32, #tpu.memory_space<vmem_shared>>) target(%arg12 : memref<40x128xf32, #tpu.memory_space<vmem>>) target_semaphore(%run_scoped3A : memref<!tpu.dma_semaphore, #tpu.memory_space<semaphore_mem>>)
        %dma_wait3A_324 = arith.constant 0 : i32
        %dma_wait3A_325 = tpu.memref_slice %arg18[%multiple_of3A_319, %dma_wait3A_324] : memref<10000x128xf32, #tpu.memory_space<vmem_shared>> -> memref<40x128xf32, #tpu.memory_space<vmem_shared>>
        %dma_wait3A_326 = arith.constant 0 : i32
        %dma_wait3A_327 = tpu.memref_slice %arg18[%multiple_of3A_319, %dma_wait3A_326] : memref<10000x128xf32, #tpu.memory_space<vmem_shared>> -> memref<40x128xf32, #tpu.memory_space<vmem_shared>>
        tpu.wait_dma2 semaphore(%run_scoped3A : memref<!tpu.dma_semaphore, #tpu.memory_space<semaphore_mem>>) src(%dma_wait3A_327 : memref<40x128xf32, #tpu.memory_space<vmem_shared>>) dst(%arg12 : memref<40x128xf32, #tpu.memory_space<vmem>>)
        tpu.yield
      }) : () -> ()
      "tpu.region"() ({
        %run_scoped3A = tpu.sem_alloc : memref<!tpu.dma_semaphore, #tpu.memory_space<semaphore_mem>>
        %dma_start3A_320 = arith.constant 0 : i32
        %dma_start3A_321 = arith.constant 0 : i32
        %dma_start3A_322 = tpu.memref_slice %arg6[%arg0, %dma_start3A_320, %dma_start3A_321] : memref<2x10000x128xf32, #tpu.memory_space<hbm>> -> memref<1x10000x128xf32, #tpu.memory_space<hbm>>
        %dma_start3A_323 = tpu.memref_squeeze %dma_start3A_322 : memref<1x10000x128xf32, #tpu.memory_space<hbm>> -> memref<10000x128xf32, #tpu.memory_space<hbm>>
        %dma_start3A_324 = arith.constant 0 : i32
        %dma_start3A_325 = tpu.memref_slice %dma_start3A_323[%multiple_of3A_319, %dma_start3A_324] : memref<10000x128xf32, #tpu.memory_space<hbm>> -> memref<40x128xf32, #tpu.memory_space<hbm>>
        %dma_start3A_326 = arith.constant 0 : i32
        %dma_start3A_327 = arith.constant 0 : i32
        %dma_start3A_328 = tpu.memref_slice %arg6[%arg0, %dma_start3A_326, %dma_start3A_327] : memref<2x10000x128xf32, #tpu.memory_space<hbm>> -> memref<1x10000x128xf32, #tpu.memory_space<hbm>>
        %dma_start3A_329 = tpu.memref_squeeze %dma_start3A_328 : memref<1x10000x128xf32, #tpu.memory_space<hbm>> -> memref<10000x128xf32, #tpu.memory_space<hbm>>
        %dma_start3A_330 = arith.constant 0 : i32
        %dma_start3A_331 = tpu.memref_slice %dma_start3A_329[%multiple_of3A_319, %dma_start3A_330] : memref<10000x128xf32, #tpu.memory_space<hbm>> -> memref<40x128xf32, #tpu.memory_space<hbm>>
        tpu.enqueue_dma source(%arg12 : memref<40x128xf32, #tpu.memory_space<vmem>>) target(%dma_start3A_331 : memref<40x128xf32, #tpu.memory_space<hbm>>) target_semaphore(%run_scoped3A : memref<!tpu.dma_semaphore, #tpu.memory_space<semaphore_mem>>)
        %dma_wait3A_332 = arith.constant 0 : i32
        %dma_wait3A_333 = arith.constant 0 : i32
        %dma_wait3A_334 = tpu.memref_slice %arg6[%arg0, %dma_wait3A_332, %dma_wait3A_333] : memref<2x10000x128xf32, #tpu.memory_space<hbm>> -> memref<1x10000x128xf32, #tpu.memory_space<hbm>>
        %dma_wait3A_335 = tpu.memref_squeeze %dma_wait3A_334 : memref<1x10000x128xf32, #tpu.memory_space<hbm>> -> memref<10000x128xf32, #tpu.memory_space<hbm>>
        %dma_wait3A_336 = arith.constant 0 : i32
        %dma_wait3A_337 = tpu.memref_slice %dma_wait3A_335[%multiple_of3A_319, %dma_wait3A_336] : memref<10000x128xf32, #tpu.memory_space<hbm>> -> memref<40x128xf32, #tpu.memory_space<hbm>>
        %dma_wait3A_338 = arith.constant 0 : i32
        %dma_wait3A_339 = arith.constant 0 : i32
        %dma_wait3A_340 = tpu.memref_slice %arg6[%arg0, %dma_wait3A_338, %dma_wait3A_339] : memref<2x10000x128xf32, #tpu.memory_space<hbm>> -> memref<1x10000x128xf32, #tpu.memory_space<hbm>>
        %dma_wait3A_341 = tpu.memref_squeeze %dma_wait3A_340 : memref<1x10000x128xf32, #tpu.memory_space<hbm>> -> memref<10000x128xf32, #tpu.memory_space<hbm>>
        %dma_wait3A_342 = arith.constant 0 : i32
        %dma_wait3A_343 = tpu.memref_slice %dma_wait3A_341[%multiple_of3A_319, %dma_wait3A_342] : memref<10000x128xf32, #tpu.memory_space<hbm>> -> memref<40x128xf32, #tpu.memory_space<hbm>>
        tpu.wait_dma2 semaphore(%run_scoped3A : memref<!tpu.dma_semaphore, #tpu.memory_space<semaphore_mem>>) src(%arg12 : memref<40x128xf32, #tpu.memory_space<vmem>>) dst(%dma_wait3A_343 : memref<40x128xf32, #tpu.memory_space<hbm>>)
        tpu.yield
      }) : () -> ()
    } else {
    }
    %add3A_247 = arith.constant 96 : i32
    %add3A_248 = arith.addi %arg1, %add3A_247 : i32
    %lt3A_249 = arith.constant 250 : i32
    %lt3A_250 = arith.cmpi slt, %add3A_248, %lt3A_249 : i32
    %convert_element_type3A_251 = arith.extui %lt3A_250 : i1 to i32
    %cond3A_252 = arith.constant 0 : i32
    %cond3A_253 = arith.cmpi ne, %convert_element_type3A_251, %cond3A_252 : i32
    scf.if %cond3A_253 {
      %mul3A_317 = arith.constant 40 : i32
      %mul3A_318 = arith.muli %add3A_248, %mul3A_317 : i32
      %multiple_of3A_319 = tpu.assume_multiple %mul3A_318, 8 : i32
      "tpu.region"() ({
        %run_scoped3A = tpu.sem_alloc : memref<!tpu.dma_semaphore, #tpu.memory_space<semaphore_mem>>
        %dma_start3A_320 = arith.constant 0 : i32
        %dma_start3A_321 = tpu.memref_slice %arg18[%multiple_of3A_319, %dma_start3A_320] : memref<10000x128xf32, #tpu.memory_space<vmem_shared>> -> memref<40x128xf32, #tpu.memory_space<vmem_shared>>
        %dma_start3A_322 = arith.constant 0 : i32
        %dma_start3A_323 = tpu.memref_slice %arg18[%multiple_of3A_319, %dma_start3A_322] : memref<10000x128xf32, #tpu.memory_space<vmem_shared>> -> memref<40x128xf32, #tpu.memory_space<vmem_shared>>
        tpu.enqueue_dma source(%dma_start3A_323 : memref<40x128xf32, #tpu.memory_space<vmem_shared>>) target(%arg12 : memref<40x128xf32, #tpu.memory_space<vmem>>) target_semaphore(%run_scoped3A : memref<!tpu.dma_semaphore, #tpu.memory_space<semaphore_mem>>)
        %dma_wait3A_324 = arith.constant 0 : i32
        %dma_wait3A_325 = tpu.memref_slice %arg18[%multiple_of3A_319, %dma_wait3A_324] : memref<10000x128xf32, #tpu.memory_space<vmem_shared>> -> memref<40x128xf32, #tpu.memory_space<vmem_shared>>
        %dma_wait3A_326 = arith.constant 0 : i32
        %dma_wait3A_327 = tpu.memref_slice %arg18[%multiple_of3A_319, %dma_wait3A_326] : memref<10000x128xf32, #tpu.memory_space<vmem_shared>> -> memref<40x128xf32, #tpu.memory_space<vmem_shared>>
        tpu.wait_dma2 semaphore(%run_scoped3A : memref<!tpu.dma_semaphore, #tpu.memory_space<semaphore_mem>>) src(%dma_wait3A_327 : memref<40x128xf32, #tpu.memory_space<vmem_shared>>) dst(%arg12 : memref<40x128xf32, #tpu.memory_space<vmem>>)
        tpu.yield
      }) : () -> ()
      "tpu.region"() ({
        %run_scoped3A = tpu.sem_alloc : memref<!tpu.dma_semaphore, #tpu.memory_space<semaphore_mem>>
        %dma_start3A_320 = arith.constant 0 : i32
        %dma_start3A_321 = arith.constant 0 : i32
        %dma_start3A_322 = tpu.memref_slice %arg6[%arg0, %dma_start3A_320, %dma_start3A_321] : memref<2x10000x128xf32, #tpu.memory_space<hbm>> -> memref<1x10000x128xf32, #tpu.memory_space<hbm>>
        %dma_start3A_323 = tpu.memref_squeeze %dma_start3A_322 : memref<1x10000x128xf32, #tpu.memory_space<hbm>> -> memref<10000x128xf32, #tpu.memory_space<hbm>>
        %dma_start3A_324 = arith.constant 0 : i32
        %dma_start3A_325 = tpu.memref_slice %dma_start3A_323[%multiple_of3A_319, %dma_start3A_324] : memref<10000x128xf32, #tpu.memory_space<hbm>> -> memref<40x128xf32, #tpu.memory_space<hbm>>
        %dma_start3A_326 = arith.constant 0 : i32
        %dma_start3A_327 = arith.constant 0 : i32
        %dma_start3A_328 = tpu.memref_slice %arg6[%arg0, %dma_start3A_326, %dma_start3A_327] : memref<2x10000x128xf32, #tpu.memory_space<hbm>> -> memref<1x10000x128xf32, #tpu.memory_space<hbm>>
        %dma_start3A_329 = tpu.memref_squeeze %dma_start3A_328 : memref<1x10000x128xf32, #tpu.memory_space<hbm>> -> memref<10000x128xf32, #tpu.memory_space<hbm>>
        %dma_start3A_330 = arith.constant 0 : i32
        %dma_start3A_331 = tpu.memref_slice %dma_start3A_329[%multiple_of3A_319, %dma_start3A_330] : memref<10000x128xf32, #tpu.memory_space<hbm>> -> memref<40x128xf32, #tpu.memory_space<hbm>>
        tpu.enqueue_dma source(%arg12 : memref<40x128xf32, #tpu.memory_space<vmem>>) target(%dma_start3A_331 : memref<40x128xf32, #tpu.memory_space<hbm>>) target_semaphore(%run_scoped3A : memref<!tpu.dma_semaphore, #tpu.memory_space<semaphore_mem>>)
        %dma_wait3A_332 = arith.constant 0 : i32
        %dma_wait3A_333 = arith.constant 0 : i32
        %dma_wait3A_334 = tpu.memref_slice %arg6[%arg0, %dma_wait3A_332, %dma_wait3A_333] : memref<2x10000x128xf32, #tpu.memory_space<hbm>> -> memref<1x10000x128xf32, #tpu.memory_space<hbm>>
        %dma_wait3A_335 = tpu.memref_squeeze %dma_wait3A_334 : memref<1x10000x128xf32, #tpu.memory_space<hbm>> -> memref<10000x128xf32, #tpu.memory_space<hbm>>
        %dma_wait3A_336 = arith.constant 0 : i32
        %dma_wait3A_337 = tpu.memref_slice %dma_wait3A_335[%multiple_of3A_319, %dma_wait3A_336] : memref<10000x128xf32, #tpu.memory_space<hbm>> -> memref<40x128xf32, #tpu.memory_space<hbm>>
        %dma_wait3A_338 = arith.constant 0 : i32
        %dma_wait3A_339 = arith.constant 0 : i32
        %dma_wait3A_340 = tpu.memref_slice %arg6[%arg0, %dma_wait3A_338, %dma_wait3A_339] : memref<2x10000x128xf32, #tpu.memory_space<hbm>> -> memref<1x10000x128xf32, #tpu.memory_space<hbm>>
        %dma_wait3A_341 = tpu.memref_squeeze %dma_wait3A_340 : memref<1x10000x128xf32, #tpu.memory_space<hbm>> -> memref<10000x128xf32, #tpu.memory_space<hbm>>
        %dma_wait3A_342 = arith.constant 0 : i32
        %dma_wait3A_343 = tpu.memref_slice %dma_wait3A_341[%multiple_of3A_319, %dma_wait3A_342] : memref<10000x128xf32, #tpu.memory_space<hbm>> -> memref<40x128xf32, #tpu.memory_space<hbm>>
        tpu.wait_dma2 semaphore(%run_scoped3A : memref<!tpu.dma_semaphore, #tpu.memory_space<semaphore_mem>>) src(%arg12 : memref<40x128xf32, #tpu.memory_space<vmem>>) dst(%dma_wait3A_343 : memref<40x128xf32, #tpu.memory_space<hbm>>)
        tpu.yield
      }) : () -> ()
    } else {
    }
    %add3A_254 = arith.constant 112 : i32
    %add3A_255 = arith.addi %arg1, %add3A_254 : i32
    %lt3A_256 = arith.constant 250 : i32
    %lt3A_257 = arith.cmpi slt, %add3A_255, %lt3A_256 : i32
    %convert_element_type3A_258 = arith.extui %lt3A_257 : i1 to i32
    %cond3A_259 = arith.constant 0 : i32
    %cond3A_260 = arith.cmpi ne, %convert_element_type3A_258, %cond3A_259 : i32
    scf.if %cond3A_260 {
      %mul3A_317 = arith.constant 40 : i32
      %mul3A_318 = arith.muli %add3A_255, %mul3A_317 : i32
      %multiple_of3A_319 = tpu.assume_multiple %mul3A_318, 8 : i32
      "tpu.region"() ({
        %run_scoped3A = tpu.sem_alloc : memref<!tpu.dma_semaphore, #tpu.memory_space<semaphore_mem>>
        %dma_start3A_320 = arith.constant 0 : i32
        %dma_start3A_321 = tpu.memref_slice %arg18[%multiple_of3A_319, %dma_start3A_320] : memref<10000x128xf32, #tpu.memory_space<vmem_shared>> -> memref<40x128xf32, #tpu.memory_space<vmem_shared>>
        %dma_start3A_322 = arith.constant 0 : i32
        %dma_start3A_323 = tpu.memref_slice %arg18[%multiple_of3A_319, %dma_start3A_322] : memref<10000x128xf32, #tpu.memory_space<vmem_shared>> -> memref<40x128xf32, #tpu.memory_space<vmem_shared>>
        tpu.enqueue_dma source(%dma_start3A_323 : memref<40x128xf32, #tpu.memory_space<vmem_shared>>) target(%arg12 : memref<40x128xf32, #tpu.memory_space<vmem>>) target_semaphore(%run_scoped3A : memref<!tpu.dma_semaphore, #tpu.memory_space<semaphore_mem>>)
        %dma_wait3A_324 = arith.constant 0 : i32
        %dma_wait3A_325 = tpu.memref_slice %arg18[%multiple_of3A_319, %dma_wait3A_324] : memref<10000x128xf32, #tpu.memory_space<vmem_shared>> -> memref<40x128xf32, #tpu.memory_space<vmem_shared>>
        %dma_wait3A_326 = arith.constant 0 : i32
        %dma_wait3A_327 = tpu.memref_slice %arg18[%multiple_of3A_319, %dma_wait3A_326] : memref<10000x128xf32, #tpu.memory_space<vmem_shared>> -> memref<40x128xf32, #tpu.memory_space<vmem_shared>>
        tpu.wait_dma2 semaphore(%run_scoped3A : memref<!tpu.dma_semaphore, #tpu.memory_space<semaphore_mem>>) src(%dma_wait3A_327 : memref<40x128xf32, #tpu.memory_space<vmem_shared>>) dst(%arg12 : memref<40x128xf32, #tpu.memory_space<vmem>>)
        tpu.yield
      }) : () -> ()
      "tpu.region"() ({
        %run_scoped3A = tpu.sem_alloc : memref<!tpu.dma_semaphore, #tpu.memory_space<semaphore_mem>>
        %dma_start3A_320 = arith.constant 0 : i32
        %dma_start3A_321 = arith.constant 0 : i32
        %dma_start3A_322 = tpu.memref_slice %arg6[%arg0, %dma_start3A_320, %dma_start3A_321] : memref<2x10000x128xf32, #tpu.memory_space<hbm>> -> memref<1x10000x128xf32, #tpu.memory_space<hbm>>
        %dma_start3A_323 = tpu.memref_squeeze %dma_start3A_322 : memref<1x10000x128xf32, #tpu.memory_space<hbm>> -> memref<10000x128xf32, #tpu.memory_space<hbm>>
        %dma_start3A_324 = arith.constant 0 : i32
        %dma_start3A_325 = tpu.memref_slice %dma_start3A_323[%multiple_of3A_319, %dma_start3A_324] : memref<10000x128xf32, #tpu.memory_space<hbm>> -> memref<40x128xf32, #tpu.memory_space<hbm>>
        %dma_start3A_326 = arith.constant 0 : i32
        %dma_start3A_327 = arith.constant 0 : i32
        %dma_start3A_328 = tpu.memref_slice %arg6[%arg0, %dma_start3A_326, %dma_start3A_327] : memref<2x10000x128xf32, #tpu.memory_space<hbm>> -> memref<1x10000x128xf32, #tpu.memory_space<hbm>>
        %dma_start3A_329 = tpu.memref_squeeze %dma_start3A_328 : memref<1x10000x128xf32, #tpu.memory_space<hbm>> -> memref<10000x128xf32, #tpu.memory_space<hbm>>
        %dma_start3A_330 = arith.constant 0 : i32
        %dma_start3A_331 = tpu.memref_slice %dma_start3A_329[%multiple_of3A_319, %dma_start3A_330] : memref<10000x128xf32, #tpu.memory_space<hbm>> -> memref<40x128xf32, #tpu.memory_space<hbm>>
        tpu.enqueue_dma source(%arg12 : memref<40x128xf32, #tpu.memory_space<vmem>>) target(%dma_start3A_331 : memref<40x128xf32, #tpu.memory_space<hbm>>) target_semaphore(%run_scoped3A : memref<!tpu.dma_semaphore, #tpu.memory_space<semaphore_mem>>)
        %dma_wait3A_332 = arith.constant 0 : i32
        %dma_wait3A_333 = arith.constant 0 : i32
        %dma_wait3A_334 = tpu.memref_slice %arg6[%arg0, %dma_wait3A_332, %dma_wait3A_333] : memref<2x10000x128xf32, #tpu.memory_space<hbm>> -> memref<1x10000x128xf32, #tpu.memory_space<hbm>>
        %dma_wait3A_335 = tpu.memref_squeeze %dma_wait3A_334 : memref<1x10000x128xf32, #tpu.memory_space<hbm>> -> memref<10000x128xf32, #tpu.memory_space<hbm>>
        %dma_wait3A_336 = arith.constant 0 : i32
        %dma_wait3A_337 = tpu.memref_slice %dma_wait3A_335[%multiple_of3A_319, %dma_wait3A_336] : memref<10000x128xf32, #tpu.memory_space<hbm>> -> memref<40x128xf32, #tpu.memory_space<hbm>>
        %dma_wait3A_338 = arith.constant 0 : i32
        %dma_wait3A_339 = arith.constant 0 : i32
        %dma_wait3A_340 = tpu.memref_slice %arg6[%arg0, %dma_wait3A_338, %dma_wait3A_339] : memref<2x10000x128xf32, #tpu.memory_space<hbm>> -> memref<1x10000x128xf32, #tpu.memory_space<hbm>>
        %dma_wait3A_341 = tpu.memref_squeeze %dma_wait3A_340 : memref<1x10000x128xf32, #tpu.memory_space<hbm>> -> memref<10000x128xf32, #tpu.memory_space<hbm>>
        %dma_wait3A_342 = arith.constant 0 : i32
        %dma_wait3A_343 = tpu.memref_slice %dma_wait3A_341[%multiple_of3A_319, %dma_wait3A_342] : memref<10000x128xf32, #tpu.memory_space<hbm>> -> memref<40x128xf32, #tpu.memory_space<hbm>>
        tpu.wait_dma2 semaphore(%run_scoped3A : memref<!tpu.dma_semaphore, #tpu.memory_space<semaphore_mem>>) src(%arg12 : memref<40x128xf32, #tpu.memory_space<vmem>>) dst(%dma_wait3A_343 : memref<40x128xf32, #tpu.memory_space<hbm>>)
        tpu.yield
      }) : () -> ()
    } else {
    }
    %add3A_261 = arith.constant 128 : i32
    %add3A_262 = arith.addi %arg1, %add3A_261 : i32
    %lt3A_263 = arith.constant 250 : i32
    %lt3A_264 = arith.cmpi slt, %add3A_262, %lt3A_263 : i32
    %convert_element_type3A_265 = arith.extui %lt3A_264 : i1 to i32
    %cond3A_266 = arith.constant 0 : i32
    %cond3A_267 = arith.cmpi ne, %convert_element_type3A_265, %cond3A_266 : i32
    scf.if %cond3A_267 {
      %mul3A_317 = arith.constant 40 : i32
      %mul3A_318 = arith.muli %add3A_262, %mul3A_317 : i32
      %multiple_of3A_319 = tpu.assume_multiple %mul3A_318, 8 : i32
      "tpu.region"() ({
        %run_scoped3A = tpu.sem_alloc : memref<!tpu.dma_semaphore, #tpu.memory_space<semaphore_mem>>
        %dma_start3A_320 = arith.constant 0 : i32
        %dma_start3A_321 = tpu.memref_slice %arg18[%multiple_of3A_319, %dma_start3A_320] : memref<10000x128xf32, #tpu.memory_space<vmem_shared>> -> memref<40x128xf32, #tpu.memory_space<vmem_shared>>
        %dma_start3A_322 = arith.constant 0 : i32
        %dma_start3A_323 = tpu.memref_slice %arg18[%multiple_of3A_319, %dma_start3A_322] : memref<10000x128xf32, #tpu.memory_space<vmem_shared>> -> memref<40x128xf32, #tpu.memory_space<vmem_shared>>
        tpu.enqueue_dma source(%dma_start3A_323 : memref<40x128xf32, #tpu.memory_space<vmem_shared>>) target(%arg12 : memref<40x128xf32, #tpu.memory_space<vmem>>) target_semaphore(%run_scoped3A : memref<!tpu.dma_semaphore, #tpu.memory_space<semaphore_mem>>)
        %dma_wait3A_324 = arith.constant 0 : i32
        %dma_wait3A_325 = tpu.memref_slice %arg18[%multiple_of3A_319, %dma_wait3A_324] : memref<10000x128xf32, #tpu.memory_space<vmem_shared>> -> memref<40x128xf32, #tpu.memory_space<vmem_shared>>
        %dma_wait3A_326 = arith.constant 0 : i32
        %dma_wait3A_327 = tpu.memref_slice %arg18[%multiple_of3A_319, %dma_wait3A_326] : memref<10000x128xf32, #tpu.memory_space<vmem_shared>> -> memref<40x128xf32, #tpu.memory_space<vmem_shared>>
        tpu.wait_dma2 semaphore(%run_scoped3A : memref<!tpu.dma_semaphore, #tpu.memory_space<semaphore_mem>>) src(%dma_wait3A_327 : memref<40x128xf32, #tpu.memory_space<vmem_shared>>) dst(%arg12 : memref<40x128xf32, #tpu.memory_space<vmem>>)
        tpu.yield
      }) : () -> ()
      "tpu.region"() ({
        %run_scoped3A = tpu.sem_alloc : memref<!tpu.dma_semaphore, #tpu.memory_space<semaphore_mem>>
        %dma_start3A_320 = arith.constant 0 : i32
        %dma_start3A_321 = arith.constant 0 : i32
        %dma_start3A_322 = tpu.memref_slice %arg6[%arg0, %dma_start3A_320, %dma_start3A_321] : memref<2x10000x128xf32, #tpu.memory_space<hbm>> -> memref<1x10000x128xf32, #tpu.memory_space<hbm>>
        %dma_start3A_323 = tpu.memref_squeeze %dma_start3A_322 : memref<1x10000x128xf32, #tpu.memory_space<hbm>> -> memref<10000x128xf32, #tpu.memory_space<hbm>>
        %dma_start3A_324 = arith.constant 0 : i32
        %dma_start3A_325 = tpu.memref_slice %dma_start3A_323[%multiple_of3A_319, %dma_start3A_324] : memref<10000x128xf32, #tpu.memory_space<hbm>> -> memref<40x128xf32, #tpu.memory_space<hbm>>
        %dma_start3A_326 = arith.constant 0 : i32
        %dma_start3A_327 = arith.constant 0 : i32
        %dma_start3A_328 = tpu.memref_slice %arg6[%arg0, %dma_start3A_326, %dma_start3A_327] : memref<2x10000x128xf32, #tpu.memory_space<hbm>> -> memref<1x10000x128xf32, #tpu.memory_space<hbm>>
        %dma_start3A_329 = tpu.memref_squeeze %dma_start3A_328 : memref<1x10000x128xf32, #tpu.memory_space<hbm>> -> memref<10000x128xf32, #tpu.memory_space<hbm>>
        %dma_start3A_330 = arith.constant 0 : i32
        %dma_start3A_331 = tpu.memref_slice %dma_start3A_329[%multiple_of3A_319, %dma_start3A_330] : memref<10000x128xf32, #tpu.memory_space<hbm>> -> memref<40x128xf32, #tpu.memory_space<hbm>>
        tpu.enqueue_dma source(%arg12 : memref<40x128xf32, #tpu.memory_space<vmem>>) target(%dma_start3A_331 : memref<40x128xf32, #tpu.memory_space<hbm>>) target_semaphore(%run_scoped3A : memref<!tpu.dma_semaphore, #tpu.memory_space<semaphore_mem>>)
        %dma_wait3A_332 = arith.constant 0 : i32
        %dma_wait3A_333 = arith.constant 0 : i32
        %dma_wait3A_334 = tpu.memref_slice %arg6[%arg0, %dma_wait3A_332, %dma_wait3A_333] : memref<2x10000x128xf32, #tpu.memory_space<hbm>> -> memref<1x10000x128xf32, #tpu.memory_space<hbm>>
        %dma_wait3A_335 = tpu.memref_squeeze %dma_wait3A_334 : memref<1x10000x128xf32, #tpu.memory_space<hbm>> -> memref<10000x128xf32, #tpu.memory_space<hbm>>
        %dma_wait3A_336 = arith.constant 0 : i32
        %dma_wait3A_337 = tpu.memref_slice %dma_wait3A_335[%multiple_of3A_319, %dma_wait3A_336] : memref<10000x128xf32, #tpu.memory_space<hbm>> -> memref<40x128xf32, #tpu.memory_space<hbm>>
        %dma_wait3A_338 = arith.constant 0 : i32
        %dma_wait3A_339 = arith.constant 0 : i32
        %dma_wait3A_340 = tpu.memref_slice %arg6[%arg0, %dma_wait3A_338, %dma_wait3A_339] : memref<2x10000x128xf32, #tpu.memory_space<hbm>> -> memref<1x10000x128xf32, #tpu.memory_space<hbm>>
        %dma_wait3A_341 = tpu.memref_squeeze %dma_wait3A_340 : memref<1x10000x128xf32, #tpu.memory_space<hbm>> -> memref<10000x128xf32, #tpu.memory_space<hbm>>
        %dma_wait3A_342 = arith.constant 0 : i32
        %dma_wait3A_343 = tpu.memref_slice %dma_wait3A_341[%multiple_of3A_319, %dma_wait3A_342] : memref<10000x128xf32, #tpu.memory_space<hbm>> -> memref<40x128xf32, #tpu.memory_space<hbm>>
        tpu.wait_dma2 semaphore(%run_scoped3A : memref<!tpu.dma_semaphore, #tpu.memory_space<semaphore_mem>>) src(%arg12 : memref<40x128xf32, #tpu.memory_space<vmem>>) dst(%dma_wait3A_343 : memref<40x128xf32, #tpu.memory_space<hbm>>)
        tpu.yield
      }) : () -> ()
    } else {
    }
    %add3A_268 = arith.constant 144 : i32
    %add3A_269 = arith.addi %arg1, %add3A_268 : i32
    %lt3A_270 = arith.constant 250 : i32
    %lt3A_271 = arith.cmpi slt, %add3A_269, %lt3A_270 : i32
    %convert_element_type3A_272 = arith.extui %lt3A_271 : i1 to i32
    %cond3A_273 = arith.constant 0 : i32
    %cond3A_274 = arith.cmpi ne, %convert_element_type3A_272, %cond3A_273 : i32
    scf.if %cond3A_274 {
      %mul3A_317 = arith.constant 40 : i32
      %mul3A_318 = arith.muli %add3A_269, %mul3A_317 : i32
      %multiple_of3A_319 = tpu.assume_multiple %mul3A_318, 8 : i32
      "tpu.region"() ({
        %run_scoped3A = tpu.sem_alloc : memref<!tpu.dma_semaphore, #tpu.memory_space<semaphore_mem>>
        %dma_start3A_320 = arith.constant 0 : i32
        %dma_start3A_321 = tpu.memref_slice %arg18[%multiple_of3A_319, %dma_start3A_320] : memref<10000x128xf32, #tpu.memory_space<vmem_shared>> -> memref<40x128xf32, #tpu.memory_space<vmem_shared>>
        %dma_start3A_322 = arith.constant 0 : i32
        %dma_start3A_323 = tpu.memref_slice %arg18[%multiple_of3A_319, %dma_start3A_322] : memref<10000x128xf32, #tpu.memory_space<vmem_shared>> -> memref<40x128xf32, #tpu.memory_space<vmem_shared>>
        tpu.enqueue_dma source(%dma_start3A_323 : memref<40x128xf32, #tpu.memory_space<vmem_shared>>) target(%arg12 : memref<40x128xf32, #tpu.memory_space<vmem>>) target_semaphore(%run_scoped3A : memref<!tpu.dma_semaphore, #tpu.memory_space<semaphore_mem>>)
        %dma_wait3A_324 = arith.constant 0 : i32
        %dma_wait3A_325 = tpu.memref_slice %arg18[%multiple_of3A_319, %dma_wait3A_324] : memref<10000x128xf32, #tpu.memory_space<vmem_shared>> -> memref<40x128xf32, #tpu.memory_space<vmem_shared>>
        %dma_wait3A_326 = arith.constant 0 : i32
        %dma_wait3A_327 = tpu.memref_slice %arg18[%multiple_of3A_319, %dma_wait3A_326] : memref<10000x128xf32, #tpu.memory_space<vmem_shared>> -> memref<40x128xf32, #tpu.memory_space<vmem_shared>>
        tpu.wait_dma2 semaphore(%run_scoped3A : memref<!tpu.dma_semaphore, #tpu.memory_space<semaphore_mem>>) src(%dma_wait3A_327 : memref<40x128xf32, #tpu.memory_space<vmem_shared>>) dst(%arg12 : memref<40x128xf32, #tpu.memory_space<vmem>>)
        tpu.yield
      }) : () -> ()
      "tpu.region"() ({
        %run_scoped3A = tpu.sem_alloc : memref<!tpu.dma_semaphore, #tpu.memory_space<semaphore_mem>>
        %dma_start3A_320 = arith.constant 0 : i32
        %dma_start3A_321 = arith.constant 0 : i32
        %dma_start3A_322 = tpu.memref_slice %arg6[%arg0, %dma_start3A_320, %dma_start3A_321] : memref<2x10000x128xf32, #tpu.memory_space<hbm>> -> memref<1x10000x128xf32, #tpu.memory_space<hbm>>
        %dma_start3A_323 = tpu.memref_squeeze %dma_start3A_322 : memref<1x10000x128xf32, #tpu.memory_space<hbm>> -> memref<10000x128xf32, #tpu.memory_space<hbm>>
        %dma_start3A_324 = arith.constant 0 : i32
        %dma_start3A_325 = tpu.memref_slice %dma_start3A_323[%multiple_of3A_319, %dma_start3A_324] : memref<10000x128xf32, #tpu.memory_space<hbm>> -> memref<40x128xf32, #tpu.memory_space<hbm>>
        %dma_start3A_326 = arith.constant 0 : i32
        %dma_start3A_327 = arith.constant 0 : i32
        %dma_start3A_328 = tpu.memref_slice %arg6[%arg0, %dma_start3A_326, %dma_start3A_327] : memref<2x10000x128xf32, #tpu.memory_space<hbm>> -> memref<1x10000x128xf32, #tpu.memory_space<hbm>>
        %dma_start3A_329 = tpu.memref_squeeze %dma_start3A_328 : memref<1x10000x128xf32, #tpu.memory_space<hbm>> -> memref<10000x128xf32, #tpu.memory_space<hbm>>
        %dma_start3A_330 = arith.constant 0 : i32
        %dma_start3A_331 = tpu.memref_slice %dma_start3A_329[%multiple_of3A_319, %dma_start3A_330] : memref<10000x128xf32, #tpu.memory_space<hbm>> -> memref<40x128xf32, #tpu.memory_space<hbm>>
        tpu.enqueue_dma source(%arg12 : memref<40x128xf32, #tpu.memory_space<vmem>>) target(%dma_start3A_331 : memref<40x128xf32, #tpu.memory_space<hbm>>) target_semaphore(%run_scoped3A : memref<!tpu.dma_semaphore, #tpu.memory_space<semaphore_mem>>)
        %dma_wait3A_332 = arith.constant 0 : i32
        %dma_wait3A_333 = arith.constant 0 : i32
        %dma_wait3A_334 = tpu.memref_slice %arg6[%arg0, %dma_wait3A_332, %dma_wait3A_333] : memref<2x10000x128xf32, #tpu.memory_space<hbm>> -> memref<1x10000x128xf32, #tpu.memory_space<hbm>>
        %dma_wait3A_335 = tpu.memref_squeeze %dma_wait3A_334 : memref<1x10000x128xf32, #tpu.memory_space<hbm>> -> memref<10000x128xf32, #tpu.memory_space<hbm>>
        %dma_wait3A_336 = arith.constant 0 : i32
        %dma_wait3A_337 = tpu.memref_slice %dma_wait3A_335[%multiple_of3A_319, %dma_wait3A_336] : memref<10000x128xf32, #tpu.memory_space<hbm>> -> memref<40x128xf32, #tpu.memory_space<hbm>>
        %dma_wait3A_338 = arith.constant 0 : i32
        %dma_wait3A_339 = arith.constant 0 : i32
        %dma_wait3A_340 = tpu.memref_slice %arg6[%arg0, %dma_wait3A_338, %dma_wait3A_339] : memref<2x10000x128xf32, #tpu.memory_space<hbm>> -> memref<1x10000x128xf32, #tpu.memory_space<hbm>>
        %dma_wait3A_341 = tpu.memref_squeeze %dma_wait3A_340 : memref<1x10000x128xf32, #tpu.memory_space<hbm>> -> memref<10000x128xf32, #tpu.memory_space<hbm>>
        %dma_wait3A_342 = arith.constant 0 : i32
        %dma_wait3A_343 = tpu.memref_slice %dma_wait3A_341[%multiple_of3A_319, %dma_wait3A_342] : memref<10000x128xf32, #tpu.memory_space<hbm>> -> memref<40x128xf32, #tpu.memory_space<hbm>>
        tpu.wait_dma2 semaphore(%run_scoped3A : memref<!tpu.dma_semaphore, #tpu.memory_space<semaphore_mem>>) src(%arg12 : memref<40x128xf32, #tpu.memory_space<vmem>>) dst(%dma_wait3A_343 : memref<40x128xf32, #tpu.memory_space<hbm>>)
        tpu.yield
      }) : () -> ()
    } else {
    }
    %add3A_275 = arith.constant 160 : i32
    %add3A_276 = arith.addi %arg1, %add3A_275 : i32
    %lt3A_277 = arith.constant 250 : i32
    %lt3A_278 = arith.cmpi slt, %add3A_276, %lt3A_277 : i32
    %convert_element_type3A_279 = arith.extui %lt3A_278 : i1 to i32
    %cond3A_280 = arith.constant 0 : i32
    %cond3A_281 = arith.cmpi ne, %convert_element_type3A_279, %cond3A_280 : i32
    scf.if %cond3A_281 {
      %mul3A_317 = arith.constant 40 : i32
      %mul3A_318 = arith.muli %add3A_276, %mul3A_317 : i32
      %multiple_of3A_319 = tpu.assume_multiple %mul3A_318, 8 : i32
      "tpu.region"() ({
        %run_scoped3A = tpu.sem_alloc : memref<!tpu.dma_semaphore, #tpu.memory_space<semaphore_mem>>
        %dma_start3A_320 = arith.constant 0 : i32
        %dma_start3A_321 = tpu.memref_slice %arg18[%multiple_of3A_319, %dma_start3A_320] : memref<10000x128xf32, #tpu.memory_space<vmem_shared>> -> memref<40x128xf32, #tpu.memory_space<vmem_shared>>
        %dma_start3A_322 = arith.constant 0 : i32
        %dma_start3A_323 = tpu.memref_slice %arg18[%multiple_of3A_319, %dma_start3A_322] : memref<10000x128xf32, #tpu.memory_space<vmem_shared>> -> memref<40x128xf32, #tpu.memory_space<vmem_shared>>
        tpu.enqueue_dma source(%dma_start3A_323 : memref<40x128xf32, #tpu.memory_space<vmem_shared>>) target(%arg12 : memref<40x128xf32, #tpu.memory_space<vmem>>) target_semaphore(%run_scoped3A : memref<!tpu.dma_semaphore, #tpu.memory_space<semaphore_mem>>)
        %dma_wait3A_324 = arith.constant 0 : i32
        %dma_wait3A_325 = tpu.memref_slice %arg18[%multiple_of3A_319, %dma_wait3A_324] : memref<10000x128xf32, #tpu.memory_space<vmem_shared>> -> memref<40x128xf32, #tpu.memory_space<vmem_shared>>
        %dma_wait3A_326 = arith.constant 0 : i32
        %dma_wait3A_327 = tpu.memref_slice %arg18[%multiple_of3A_319, %dma_wait3A_326] : memref<10000x128xf32, #tpu.memory_space<vmem_shared>> -> memref<40x128xf32, #tpu.memory_space<vmem_shared>>
        tpu.wait_dma2 semaphore(%run_scoped3A : memref<!tpu.dma_semaphore, #tpu.memory_space<semaphore_mem>>) src(%dma_wait3A_327 : memref<40x128xf32, #tpu.memory_space<vmem_shared>>) dst(%arg12 : memref<40x128xf32, #tpu.memory_space<vmem>>)
        tpu.yield
      }) : () -> ()
      "tpu.region"() ({
        %run_scoped3A = tpu.sem_alloc : memref<!tpu.dma_semaphore, #tpu.memory_space<semaphore_mem>>
        %dma_start3A_320 = arith.constant 0 : i32
        %dma_start3A_321 = arith.constant 0 : i32
        %dma_start3A_322 = tpu.memref_slice %arg6[%arg0, %dma_start3A_320, %dma_start3A_321] : memref<2x10000x128xf32, #tpu.memory_space<hbm>> -> memref<1x10000x128xf32, #tpu.memory_space<hbm>>
        %dma_start3A_323 = tpu.memref_squeeze %dma_start3A_322 : memref<1x10000x128xf32, #tpu.memory_space<hbm>> -> memref<10000x128xf32, #tpu.memory_space<hbm>>
        %dma_start3A_324 = arith.constant 0 : i32
        %dma_start3A_325 = tpu.memref_slice %dma_start3A_323[%multiple_of3A_319, %dma_start3A_324] : memref<10000x128xf32, #tpu.memory_space<hbm>> -> memref<40x128xf32, #tpu.memory_space<hbm>>
        %dma_start3A_326 = arith.constant 0 : i32
        %dma_start3A_327 = arith.constant 0 : i32
        %dma_start3A_328 = tpu.memref_slice %arg6[%arg0, %dma_start3A_326, %dma_start3A_327] : memref<2x10000x128xf32, #tpu.memory_space<hbm>> -> memref<1x10000x128xf32, #tpu.memory_space<hbm>>
        %dma_start3A_329 = tpu.memref_squeeze %dma_start3A_328 : memref<1x10000x128xf32, #tpu.memory_space<hbm>> -> memref<10000x128xf32, #tpu.memory_space<hbm>>
        %dma_start3A_330 = arith.constant 0 : i32
        %dma_start3A_331 = tpu.memref_slice %dma_start3A_329[%multiple_of3A_319, %dma_start3A_330] : memref<10000x128xf32, #tpu.memory_space<hbm>> -> memref<40x128xf32, #tpu.memory_space<hbm>>
        tpu.enqueue_dma source(%arg12 : memref<40x128xf32, #tpu.memory_space<vmem>>) target(%dma_start3A_331 : memref<40x128xf32, #tpu.memory_space<hbm>>) target_semaphore(%run_scoped3A : memref<!tpu.dma_semaphore, #tpu.memory_space<semaphore_mem>>)
        %dma_wait3A_332 = arith.constant 0 : i32
        %dma_wait3A_333 = arith.constant 0 : i32
        %dma_wait3A_334 = tpu.memref_slice %arg6[%arg0, %dma_wait3A_332, %dma_wait3A_333] : memref<2x10000x128xf32, #tpu.memory_space<hbm>> -> memref<1x10000x128xf32, #tpu.memory_space<hbm>>
        %dma_wait3A_335 = tpu.memref_squeeze %dma_wait3A_334 : memref<1x10000x128xf32, #tpu.memory_space<hbm>> -> memref<10000x128xf32, #tpu.memory_space<hbm>>
        %dma_wait3A_336 = arith.constant 0 : i32
        %dma_wait3A_337 = tpu.memref_slice %dma_wait3A_335[%multiple_of3A_319, %dma_wait3A_336] : memref<10000x128xf32, #tpu.memory_space<hbm>> -> memref<40x128xf32, #tpu.memory_space<hbm>>
        %dma_wait3A_338 = arith.constant 0 : i32
        %dma_wait3A_339 = arith.constant 0 : i32
        %dma_wait3A_340 = tpu.memref_slice %arg6[%arg0, %dma_wait3A_338, %dma_wait3A_339] : memref<2x10000x128xf32, #tpu.memory_space<hbm>> -> memref<1x10000x128xf32, #tpu.memory_space<hbm>>
        %dma_wait3A_341 = tpu.memref_squeeze %dma_wait3A_340 : memref<1x10000x128xf32, #tpu.memory_space<hbm>> -> memref<10000x128xf32, #tpu.memory_space<hbm>>
        %dma_wait3A_342 = arith.constant 0 : i32
        %dma_wait3A_343 = tpu.memref_slice %dma_wait3A_341[%multiple_of3A_319, %dma_wait3A_342] : memref<10000x128xf32, #tpu.memory_space<hbm>> -> memref<40x128xf32, #tpu.memory_space<hbm>>
        tpu.wait_dma2 semaphore(%run_scoped3A : memref<!tpu.dma_semaphore, #tpu.memory_space<semaphore_mem>>) src(%arg12 : memref<40x128xf32, #tpu.memory_space<vmem>>) dst(%dma_wait3A_343 : memref<40x128xf32, #tpu.memory_space<hbm>>)
        tpu.yield
      }) : () -> ()
    } else {
    }
    %add3A_282 = arith.constant 176 : i32
    %add3A_283 = arith.addi %arg1, %add3A_282 : i32
    %lt3A_284 = arith.constant 250 : i32
    %lt3A_285 = arith.cmpi slt, %add3A_283, %lt3A_284 : i32
    %convert_element_type3A_286 = arith.extui %lt3A_285 : i1 to i32
    %cond3A_287 = arith.constant 0 : i32
    %cond3A_288 = arith.cmpi ne, %convert_element_type3A_286, %cond3A_287 : i32
    scf.if %cond3A_288 {
      %mul3A_317 = arith.constant 40 : i32
      %mul3A_318 = arith.muli %add3A_283, %mul3A_317 : i32
      %multiple_of3A_319 = tpu.assume_multiple %mul3A_318, 8 : i32
      "tpu.region"() ({
        %run_scoped3A = tpu.sem_alloc : memref<!tpu.dma_semaphore, #tpu.memory_space<semaphore_mem>>
        %dma_start3A_320 = arith.constant 0 : i32
        %dma_start3A_321 = tpu.memref_slice %arg18[%multiple_of3A_319, %dma_start3A_320] : memref<10000x128xf32, #tpu.memory_space<vmem_shared>> -> memref<40x128xf32, #tpu.memory_space<vmem_shared>>
        %dma_start3A_322 = arith.constant 0 : i32
        %dma_start3A_323 = tpu.memref_slice %arg18[%multiple_of3A_319, %dma_start3A_322] : memref<10000x128xf32, #tpu.memory_space<vmem_shared>> -> memref<40x128xf32, #tpu.memory_space<vmem_shared>>
        tpu.enqueue_dma source(%dma_start3A_323 : memref<40x128xf32, #tpu.memory_space<vmem_shared>>) target(%arg12 : memref<40x128xf32, #tpu.memory_space<vmem>>) target_semaphore(%run_scoped3A : memref<!tpu.dma_semaphore, #tpu.memory_space<semaphore_mem>>)
        %dma_wait3A_324 = arith.constant 0 : i32
        %dma_wait3A_325 = tpu.memref_slice %arg18[%multiple_of3A_319, %dma_wait3A_324] : memref<10000x128xf32, #tpu.memory_space<vmem_shared>> -> memref<40x128xf32, #tpu.memory_space<vmem_shared>>
        %dma_wait3A_326 = arith.constant 0 : i32
        %dma_wait3A_327 = tpu.memref_slice %arg18[%multiple_of3A_319, %dma_wait3A_326] : memref<10000x128xf32, #tpu.memory_space<vmem_shared>> -> memref<40x128xf32, #tpu.memory_space<vmem_shared>>
        tpu.wait_dma2 semaphore(%run_scoped3A : memref<!tpu.dma_semaphore, #tpu.memory_space<semaphore_mem>>) src(%dma_wait3A_327 : memref<40x128xf32, #tpu.memory_space<vmem_shared>>) dst(%arg12 : memref<40x128xf32, #tpu.memory_space<vmem>>)
        tpu.yield
      }) : () -> ()
      "tpu.region"() ({
        %run_scoped3A = tpu.sem_alloc : memref<!tpu.dma_semaphore, #tpu.memory_space<semaphore_mem>>
        %dma_start3A_320 = arith.constant 0 : i32
        %dma_start3A_321 = arith.constant 0 : i32
        %dma_start3A_322 = tpu.memref_slice %arg6[%arg0, %dma_start3A_320, %dma_start3A_321] : memref<2x10000x128xf32, #tpu.memory_space<hbm>> -> memref<1x10000x128xf32, #tpu.memory_space<hbm>>
        %dma_start3A_323 = tpu.memref_squeeze %dma_start3A_322 : memref<1x10000x128xf32, #tpu.memory_space<hbm>> -> memref<10000x128xf32, #tpu.memory_space<hbm>>
        %dma_start3A_324 = arith.constant 0 : i32
        %dma_start3A_325 = tpu.memref_slice %dma_start3A_323[%multiple_of3A_319, %dma_start3A_324] : memref<10000x128xf32, #tpu.memory_space<hbm>> -> memref<40x128xf32, #tpu.memory_space<hbm>>
        %dma_start3A_326 = arith.constant 0 : i32
        %dma_start3A_327 = arith.constant 0 : i32
        %dma_start3A_328 = tpu.memref_slice %arg6[%arg0, %dma_start3A_326, %dma_start3A_327] : memref<2x10000x128xf32, #tpu.memory_space<hbm>> -> memref<1x10000x128xf32, #tpu.memory_space<hbm>>
        %dma_start3A_329 = tpu.memref_squeeze %dma_start3A_328 : memref<1x10000x128xf32, #tpu.memory_space<hbm>> -> memref<10000x128xf32, #tpu.memory_space<hbm>>
        %dma_start3A_330 = arith.constant 0 : i32
        %dma_start3A_331 = tpu.memref_slice %dma_start3A_329[%multiple_of3A_319, %dma_start3A_330] : memref<10000x128xf32, #tpu.memory_space<hbm>> -> memref<40x128xf32, #tpu.memory_space<hbm>>
        tpu.enqueue_dma source(%arg12 : memref<40x128xf32, #tpu.memory_space<vmem>>) target(%dma_start3A_331 : memref<40x128xf32, #tpu.memory_space<hbm>>) target_semaphore(%run_scoped3A : memref<!tpu.dma_semaphore, #tpu.memory_space<semaphore_mem>>)
        %dma_wait3A_332 = arith.constant 0 : i32
        %dma_wait3A_333 = arith.constant 0 : i32
        %dma_wait3A_334 = tpu.memref_slice %arg6[%arg0, %dma_wait3A_332, %dma_wait3A_333] : memref<2x10000x128xf32, #tpu.memory_space<hbm>> -> memref<1x10000x128xf32, #tpu.memory_space<hbm>>
        %dma_wait3A_335 = tpu.memref_squeeze %dma_wait3A_334 : memref<1x10000x128xf32, #tpu.memory_space<hbm>> -> memref<10000x128xf32, #tpu.memory_space<hbm>>
        %dma_wait3A_336 = arith.constant 0 : i32
        %dma_wait3A_337 = tpu.memref_slice %dma_wait3A_335[%multiple_of3A_319, %dma_wait3A_336] : memref<10000x128xf32, #tpu.memory_space<hbm>> -> memref<40x128xf32, #tpu.memory_space<hbm>>
        %dma_wait3A_338 = arith.constant 0 : i32
        %dma_wait3A_339 = arith.constant 0 : i32
        %dma_wait3A_340 = tpu.memref_slice %arg6[%arg0, %dma_wait3A_338, %dma_wait3A_339] : memref<2x10000x128xf32, #tpu.memory_space<hbm>> -> memref<1x10000x128xf32, #tpu.memory_space<hbm>>
        %dma_wait3A_341 = tpu.memref_squeeze %dma_wait3A_340 : memref<1x10000x128xf32, #tpu.memory_space<hbm>> -> memref<10000x128xf32, #tpu.memory_space<hbm>>
        %dma_wait3A_342 = arith.constant 0 : i32
        %dma_wait3A_343 = tpu.memref_slice %dma_wait3A_341[%multiple_of3A_319, %dma_wait3A_342] : memref<10000x128xf32, #tpu.memory_space<hbm>> -> memref<40x128xf32, #tpu.memory_space<hbm>>
        tpu.wait_dma2 semaphore(%run_scoped3A : memref<!tpu.dma_semaphore, #tpu.memory_space<semaphore_mem>>) src(%arg12 : memref<40x128xf32, #tpu.memory_space<vmem>>) dst(%dma_wait3A_343 : memref<40x128xf32, #tpu.memory_space<hbm>>)
        tpu.yield
      }) : () -> ()
    } else {
    }
    %add3A_289 = arith.constant 192 : i32
    %add3A_290 = arith.addi %arg1, %add3A_289 : i32
    %lt3A_291 = arith.constant 250 : i32
    %lt3A_292 = arith.cmpi slt, %add3A_290, %lt3A_291 : i32
    %convert_element_type3A_293 = arith.extui %lt3A_292 : i1 to i32
    %cond3A_294 = arith.constant 0 : i32
    %cond3A_295 = arith.cmpi ne, %convert_element_type3A_293, %cond3A_294 : i32
    scf.if %cond3A_295 {
      %mul3A_317 = arith.constant 40 : i32
      %mul3A_318 = arith.muli %add3A_290, %mul3A_317 : i32
      %multiple_of3A_319 = tpu.assume_multiple %mul3A_318, 8 : i32
      "tpu.region"() ({
        %run_scoped3A = tpu.sem_alloc : memref<!tpu.dma_semaphore, #tpu.memory_space<semaphore_mem>>
        %dma_start3A_320 = arith.constant 0 : i32
        %dma_start3A_321 = tpu.memref_slice %arg18[%multiple_of3A_319, %dma_start3A_320] : memref<10000x128xf32, #tpu.memory_space<vmem_shared>> -> memref<40x128xf32, #tpu.memory_space<vmem_shared>>
        %dma_start3A_322 = arith.constant 0 : i32
        %dma_start3A_323 = tpu.memref_slice %arg18[%multiple_of3A_319, %dma_start3A_322] : memref<10000x128xf32, #tpu.memory_space<vmem_shared>> -> memref<40x128xf32, #tpu.memory_space<vmem_shared>>
        tpu.enqueue_dma source(%dma_start3A_323 : memref<40x128xf32, #tpu.memory_space<vmem_shared>>) target(%arg12 : memref<40x128xf32, #tpu.memory_space<vmem>>) target_semaphore(%run_scoped3A : memref<!tpu.dma_semaphore, #tpu.memory_space<semaphore_mem>>)
        %dma_wait3A_324 = arith.constant 0 : i32
        %dma_wait3A_325 = tpu.memref_slice %arg18[%multiple_of3A_319, %dma_wait3A_324] : memref<10000x128xf32, #tpu.memory_space<vmem_shared>> -> memref<40x128xf32, #tpu.memory_space<vmem_shared>>
        %dma_wait3A_326 = arith.constant 0 : i32
        %dma_wait3A_327 = tpu.memref_slice %arg18[%multiple_of3A_319, %dma_wait3A_326] : memref<10000x128xf32, #tpu.memory_space<vmem_shared>> -> memref<40x128xf32, #tpu.memory_space<vmem_shared>>
        tpu.wait_dma2 semaphore(%run_scoped3A : memref<!tpu.dma_semaphore, #tpu.memory_space<semaphore_mem>>) src(%dma_wait3A_327 : memref<40x128xf32, #tpu.memory_space<vmem_shared>>) dst(%arg12 : memref<40x128xf32, #tpu.memory_space<vmem>>)
        tpu.yield
      }) : () -> ()
      "tpu.region"() ({
        %run_scoped3A = tpu.sem_alloc : memref<!tpu.dma_semaphore, #tpu.memory_space<semaphore_mem>>
        %dma_start3A_320 = arith.constant 0 : i32
        %dma_start3A_321 = arith.constant 0 : i32
        %dma_start3A_322 = tpu.memref_slice %arg6[%arg0, %dma_start3A_320, %dma_start3A_321] : memref<2x10000x128xf32, #tpu.memory_space<hbm>> -> memref<1x10000x128xf32, #tpu.memory_space<hbm>>
        %dma_start3A_323 = tpu.memref_squeeze %dma_start3A_322 : memref<1x10000x128xf32, #tpu.memory_space<hbm>> -> memref<10000x128xf32, #tpu.memory_space<hbm>>
        %dma_start3A_324 = arith.constant 0 : i32
        %dma_start3A_325 = tpu.memref_slice %dma_start3A_323[%multiple_of3A_319, %dma_start3A_324] : memref<10000x128xf32, #tpu.memory_space<hbm>> -> memref<40x128xf32, #tpu.memory_space<hbm>>
        %dma_start3A_326 = arith.constant 0 : i32
        %dma_start3A_327 = arith.constant 0 : i32
        %dma_start3A_328 = tpu.memref_slice %arg6[%arg0, %dma_start3A_326, %dma_start3A_327] : memref<2x10000x128xf32, #tpu.memory_space<hbm>> -> memref<1x10000x128xf32, #tpu.memory_space<hbm>>
        %dma_start3A_329 = tpu.memref_squeeze %dma_start3A_328 : memref<1x10000x128xf32, #tpu.memory_space<hbm>> -> memref<10000x128xf32, #tpu.memory_space<hbm>>
        %dma_start3A_330 = arith.constant 0 : i32
        %dma_start3A_331 = tpu.memref_slice %dma_start3A_329[%multiple_of3A_319, %dma_start3A_330] : memref<10000x128xf32, #tpu.memory_space<hbm>> -> memref<40x128xf32, #tpu.memory_space<hbm>>
        tpu.enqueue_dma source(%arg12 : memref<40x128xf32, #tpu.memory_space<vmem>>) target(%dma_start3A_331 : memref<40x128xf32, #tpu.memory_space<hbm>>) target_semaphore(%run_scoped3A : memref<!tpu.dma_semaphore, #tpu.memory_space<semaphore_mem>>)
        %dma_wait3A_332 = arith.constant 0 : i32
        %dma_wait3A_333 = arith.constant 0 : i32
        %dma_wait3A_334 = tpu.memref_slice %arg6[%arg0, %dma_wait3A_332, %dma_wait3A_333] : memref<2x10000x128xf32, #tpu.memory_space<hbm>> -> memref<1x10000x128xf32, #tpu.memory_space<hbm>>
        %dma_wait3A_335 = tpu.memref_squeeze %dma_wait3A_334 : memref<1x10000x128xf32, #tpu.memory_space<hbm>> -> memref<10000x128xf32, #tpu.memory_space<hbm>>
        %dma_wait3A_336 = arith.constant 0 : i32
        %dma_wait3A_337 = tpu.memref_slice %dma_wait3A_335[%multiple_of3A_319, %dma_wait3A_336] : memref<10000x128xf32, #tpu.memory_space<hbm>> -> memref<40x128xf32, #tpu.memory_space<hbm>>
        %dma_wait3A_338 = arith.constant 0 : i32
        %dma_wait3A_339 = arith.constant 0 : i32
        %dma_wait3A_340 = tpu.memref_slice %arg6[%arg0, %dma_wait3A_338, %dma_wait3A_339] : memref<2x10000x128xf32, #tpu.memory_space<hbm>> -> memref<1x10000x128xf32, #tpu.memory_space<hbm>>
        %dma_wait3A_341 = tpu.memref_squeeze %dma_wait3A_340 : memref<1x10000x128xf32, #tpu.memory_space<hbm>> -> memref<10000x128xf32, #tpu.memory_space<hbm>>
        %dma_wait3A_342 = arith.constant 0 : i32
        %dma_wait3A_343 = tpu.memref_slice %dma_wait3A_341[%multiple_of3A_319, %dma_wait3A_342] : memref<10000x128xf32, #tpu.memory_space<hbm>> -> memref<40x128xf32, #tpu.memory_space<hbm>>
        tpu.wait_dma2 semaphore(%run_scoped3A : memref<!tpu.dma_semaphore, #tpu.memory_space<semaphore_mem>>) src(%arg12 : memref<40x128xf32, #tpu.memory_space<vmem>>) dst(%dma_wait3A_343 : memref<40x128xf32, #tpu.memory_space<hbm>>)
        tpu.yield
      }) : () -> ()
    } else {
    }
    %add3A_296 = arith.constant 208 : i32
    %add3A_297 = arith.addi %arg1, %add3A_296 : i32
    %lt3A_298 = arith.constant 250 : i32
    %lt3A_299 = arith.cmpi slt, %add3A_297, %lt3A_298 : i32
    %convert_element_type3A_300 = arith.extui %lt3A_299 : i1 to i32
    %cond3A_301 = arith.constant 0 : i32
    %cond3A_302 = arith.cmpi ne, %convert_element_type3A_300, %cond3A_301 : i32
    scf.if %cond3A_302 {
      %mul3A_317 = arith.constant 40 : i32
      %mul3A_318 = arith.muli %add3A_297, %mul3A_317 : i32
      %multiple_of3A_319 = tpu.assume_multiple %mul3A_318, 8 : i32
      "tpu.region"() ({
        %run_scoped3A = tpu.sem_alloc : memref<!tpu.dma_semaphore, #tpu.memory_space<semaphore_mem>>
        %dma_start3A_320 = arith.constant 0 : i32
        %dma_start3A_321 = tpu.memref_slice %arg18[%multiple_of3A_319, %dma_start3A_320] : memref<10000x128xf32, #tpu.memory_space<vmem_shared>> -> memref<40x128xf32, #tpu.memory_space<vmem_shared>>
        %dma_start3A_322 = arith.constant 0 : i32
        %dma_start3A_323 = tpu.memref_slice %arg18[%multiple_of3A_319, %dma_start3A_322] : memref<10000x128xf32, #tpu.memory_space<vmem_shared>> -> memref<40x128xf32, #tpu.memory_space<vmem_shared>>
        tpu.enqueue_dma source(%dma_start3A_323 : memref<40x128xf32, #tpu.memory_space<vmem_shared>>) target(%arg12 : memref<40x128xf32, #tpu.memory_space<vmem>>) target_semaphore(%run_scoped3A : memref<!tpu.dma_semaphore, #tpu.memory_space<semaphore_mem>>)
        %dma_wait3A_324 = arith.constant 0 : i32
        %dma_wait3A_325 = tpu.memref_slice %arg18[%multiple_of3A_319, %dma_wait3A_324] : memref<10000x128xf32, #tpu.memory_space<vmem_shared>> -> memref<40x128xf32, #tpu.memory_space<vmem_shared>>
        %dma_wait3A_326 = arith.constant 0 : i32
        %dma_wait3A_327 = tpu.memref_slice %arg18[%multiple_of3A_319, %dma_wait3A_326] : memref<10000x128xf32, #tpu.memory_space<vmem_shared>> -> memref<40x128xf32, #tpu.memory_space<vmem_shared>>
        tpu.wait_dma2 semaphore(%run_scoped3A : memref<!tpu.dma_semaphore, #tpu.memory_space<semaphore_mem>>) src(%dma_wait3A_327 : memref<40x128xf32, #tpu.memory_space<vmem_shared>>) dst(%arg12 : memref<40x128xf32, #tpu.memory_space<vmem>>)
        tpu.yield
      }) : () -> ()
      "tpu.region"() ({
        %run_scoped3A = tpu.sem_alloc : memref<!tpu.dma_semaphore, #tpu.memory_space<semaphore_mem>>
        %dma_start3A_320 = arith.constant 0 : i32
        %dma_start3A_321 = arith.constant 0 : i32
        %dma_start3A_322 = tpu.memref_slice %arg6[%arg0, %dma_start3A_320, %dma_start3A_321] : memref<2x10000x128xf32, #tpu.memory_space<hbm>> -> memref<1x10000x128xf32, #tpu.memory_space<hbm>>
        %dma_start3A_323 = tpu.memref_squeeze %dma_start3A_322 : memref<1x10000x128xf32, #tpu.memory_space<hbm>> -> memref<10000x128xf32, #tpu.memory_space<hbm>>
        %dma_start3A_324 = arith.constant 0 : i32
        %dma_start3A_325 = tpu.memref_slice %dma_start3A_323[%multiple_of3A_319, %dma_start3A_324] : memref<10000x128xf32, #tpu.memory_space<hbm>> -> memref<40x128xf32, #tpu.memory_space<hbm>>
        %dma_start3A_326 = arith.constant 0 : i32
        %dma_start3A_327 = arith.constant 0 : i32
        %dma_start3A_328 = tpu.memref_slice %arg6[%arg0, %dma_start3A_326, %dma_start3A_327] : memref<2x10000x128xf32, #tpu.memory_space<hbm>> -> memref<1x10000x128xf32, #tpu.memory_space<hbm>>
        %dma_start3A_329 = tpu.memref_squeeze %dma_start3A_328 : memref<1x10000x128xf32, #tpu.memory_space<hbm>> -> memref<10000x128xf32, #tpu.memory_space<hbm>>
        %dma_start3A_330 = arith.constant 0 : i32
        %dma_start3A_331 = tpu.memref_slice %dma_start3A_329[%multiple_of3A_319, %dma_start3A_330] : memref<10000x128xf32, #tpu.memory_space<hbm>> -> memref<40x128xf32, #tpu.memory_space<hbm>>
        tpu.enqueue_dma source(%arg12 : memref<40x128xf32, #tpu.memory_space<vmem>>) target(%dma_start3A_331 : memref<40x128xf32, #tpu.memory_space<hbm>>) target_semaphore(%run_scoped3A : memref<!tpu.dma_semaphore, #tpu.memory_space<semaphore_mem>>)
        %dma_wait3A_332 = arith.constant 0 : i32
        %dma_wait3A_333 = arith.constant 0 : i32
        %dma_wait3A_334 = tpu.memref_slice %arg6[%arg0, %dma_wait3A_332, %dma_wait3A_333] : memref<2x10000x128xf32, #tpu.memory_space<hbm>> -> memref<1x10000x128xf32, #tpu.memory_space<hbm>>
        %dma_wait3A_335 = tpu.memref_squeeze %dma_wait3A_334 : memref<1x10000x128xf32, #tpu.memory_space<hbm>> -> memref<10000x128xf32, #tpu.memory_space<hbm>>
        %dma_wait3A_336 = arith.constant 0 : i32
        %dma_wait3A_337 = tpu.memref_slice %dma_wait3A_335[%multiple_of3A_319, %dma_wait3A_336] : memref<10000x128xf32, #tpu.memory_space<hbm>> -> memref<40x128xf32, #tpu.memory_space<hbm>>
        %dma_wait3A_338 = arith.constant 0 : i32
        %dma_wait3A_339 = arith.constant 0 : i32
        %dma_wait3A_340 = tpu.memref_slice %arg6[%arg0, %dma_wait3A_338, %dma_wait3A_339] : memref<2x10000x128xf32, #tpu.memory_space<hbm>> -> memref<1x10000x128xf32, #tpu.memory_space<hbm>>
        %dma_wait3A_341 = tpu.memref_squeeze %dma_wait3A_340 : memref<1x10000x128xf32, #tpu.memory_space<hbm>> -> memref<10000x128xf32, #tpu.memory_space<hbm>>
        %dma_wait3A_342 = arith.constant 0 : i32
        %dma_wait3A_343 = tpu.memref_slice %dma_wait3A_341[%multiple_of3A_319, %dma_wait3A_342] : memref<10000x128xf32, #tpu.memory_space<hbm>> -> memref<40x128xf32, #tpu.memory_space<hbm>>
        tpu.wait_dma2 semaphore(%run_scoped3A : memref<!tpu.dma_semaphore, #tpu.memory_space<semaphore_mem>>) src(%arg12 : memref<40x128xf32, #tpu.memory_space<vmem>>) dst(%dma_wait3A_343 : memref<40x128xf32, #tpu.memory_space<hbm>>)
        tpu.yield
      }) : () -> ()
    } else {
    }
    %add3A_303 = arith.constant 224 : i32
    %add3A_304 = arith.addi %arg1, %add3A_303 : i32
    %lt3A_305 = arith.constant 250 : i32
    %lt3A_306 = arith.cmpi slt, %add3A_304, %lt3A_305 : i32
    %convert_element_type3A_307 = arith.extui %lt3A_306 : i1 to i32
    %cond3A_308 = arith.constant 0 : i32
    %cond3A_309 = arith.cmpi ne, %convert_element_type3A_307, %cond3A_308 : i32
    scf.if %cond3A_309 {
      %mul3A_317 = arith.constant 40 : i32
      %mul3A_318 = arith.muli %add3A_304, %mul3A_317 : i32
      %multiple_of3A_319 = tpu.assume_multiple %mul3A_318, 8 : i32
      "tpu.region"() ({
        %run_scoped3A = tpu.sem_alloc : memref<!tpu.dma_semaphore, #tpu.memory_space<semaphore_mem>>
        %dma_start3A_320 = arith.constant 0 : i32
        %dma_start3A_321 = tpu.memref_slice %arg18[%multiple_of3A_319, %dma_start3A_320] : memref<10000x128xf32, #tpu.memory_space<vmem_shared>> -> memref<40x128xf32, #tpu.memory_space<vmem_shared>>
        %dma_start3A_322 = arith.constant 0 : i32
        %dma_start3A_323 = tpu.memref_slice %arg18[%multiple_of3A_319, %dma_start3A_322] : memref<10000x128xf32, #tpu.memory_space<vmem_shared>> -> memref<40x128xf32, #tpu.memory_space<vmem_shared>>
        tpu.enqueue_dma source(%dma_start3A_323 : memref<40x128xf32, #tpu.memory_space<vmem_shared>>) target(%arg12 : memref<40x128xf32, #tpu.memory_space<vmem>>) target_semaphore(%run_scoped3A : memref<!tpu.dma_semaphore, #tpu.memory_space<semaphore_mem>>)
        %dma_wait3A_324 = arith.constant 0 : i32
        %dma_wait3A_325 = tpu.memref_slice %arg18[%multiple_of3A_319, %dma_wait3A_324] : memref<10000x128xf32, #tpu.memory_space<vmem_shared>> -> memref<40x128xf32, #tpu.memory_space<vmem_shared>>
        %dma_wait3A_326 = arith.constant 0 : i32
        %dma_wait3A_327 = tpu.memref_slice %arg18[%multiple_of3A_319, %dma_wait3A_326] : memref<10000x128xf32, #tpu.memory_space<vmem_shared>> -> memref<40x128xf32, #tpu.memory_space<vmem_shared>>
        tpu.wait_dma2 semaphore(%run_scoped3A : memref<!tpu.dma_semaphore, #tpu.memory_space<semaphore_mem>>) src(%dma_wait3A_327 : memref<40x128xf32, #tpu.memory_space<vmem_shared>>) dst(%arg12 : memref<40x128xf32, #tpu.memory_space<vmem>>)
        tpu.yield
      }) : () -> ()
      "tpu.region"() ({
        %run_scoped3A = tpu.sem_alloc : memref<!tpu.dma_semaphore, #tpu.memory_space<semaphore_mem>>
        %dma_start3A_320 = arith.constant 0 : i32
        %dma_start3A_321 = arith.constant 0 : i32
        %dma_start3A_322 = tpu.memref_slice %arg6[%arg0, %dma_start3A_320, %dma_start3A_321] : memref<2x10000x128xf32, #tpu.memory_space<hbm>> -> memref<1x10000x128xf32, #tpu.memory_space<hbm>>
        %dma_start3A_323 = tpu.memref_squeeze %dma_start3A_322 : memref<1x10000x128xf32, #tpu.memory_space<hbm>> -> memref<10000x128xf32, #tpu.memory_space<hbm>>
        %dma_start3A_324 = arith.constant 0 : i32
        %dma_start3A_325 = tpu.memref_slice %dma_start3A_323[%multiple_of3A_319, %dma_start3A_324] : memref<10000x128xf32, #tpu.memory_space<hbm>> -> memref<40x128xf32, #tpu.memory_space<hbm>>
        %dma_start3A_326 = arith.constant 0 : i32
        %dma_start3A_327 = arith.constant 0 : i32
        %dma_start3A_328 = tpu.memref_slice %arg6[%arg0, %dma_start3A_326, %dma_start3A_327] : memref<2x10000x128xf32, #tpu.memory_space<hbm>> -> memref<1x10000x128xf32, #tpu.memory_space<hbm>>
        %dma_start3A_329 = tpu.memref_squeeze %dma_start3A_328 : memref<1x10000x128xf32, #tpu.memory_space<hbm>> -> memref<10000x128xf32, #tpu.memory_space<hbm>>
        %dma_start3A_330 = arith.constant 0 : i32
        %dma_start3A_331 = tpu.memref_slice %dma_start3A_329[%multiple_of3A_319, %dma_start3A_330] : memref<10000x128xf32, #tpu.memory_space<hbm>> -> memref<40x128xf32, #tpu.memory_space<hbm>>
        tpu.enqueue_dma source(%arg12 : memref<40x128xf32, #tpu.memory_space<vmem>>) target(%dma_start3A_331 : memref<40x128xf32, #tpu.memory_space<hbm>>) target_semaphore(%run_scoped3A : memref<!tpu.dma_semaphore, #tpu.memory_space<semaphore_mem>>)
        %dma_wait3A_332 = arith.constant 0 : i32
        %dma_wait3A_333 = arith.constant 0 : i32
        %dma_wait3A_334 = tpu.memref_slice %arg6[%arg0, %dma_wait3A_332, %dma_wait3A_333] : memref<2x10000x128xf32, #tpu.memory_space<hbm>> -> memref<1x10000x128xf32, #tpu.memory_space<hbm>>
        %dma_wait3A_335 = tpu.memref_squeeze %dma_wait3A_334 : memref<1x10000x128xf32, #tpu.memory_space<hbm>> -> memref<10000x128xf32, #tpu.memory_space<hbm>>
        %dma_wait3A_336 = arith.constant 0 : i32
        %dma_wait3A_337 = tpu.memref_slice %dma_wait3A_335[%multiple_of3A_319, %dma_wait3A_336] : memref<10000x128xf32, #tpu.memory_space<hbm>> -> memref<40x128xf32, #tpu.memory_space<hbm>>
        %dma_wait3A_338 = arith.constant 0 : i32
        %dma_wait3A_339 = arith.constant 0 : i32
        %dma_wait3A_340 = tpu.memref_slice %arg6[%arg0, %dma_wait3A_338, %dma_wait3A_339] : memref<2x10000x128xf32, #tpu.memory_space<hbm>> -> memref<1x10000x128xf32, #tpu.memory_space<hbm>>
        %dma_wait3A_341 = tpu.memref_squeeze %dma_wait3A_340 : memref<1x10000x128xf32, #tpu.memory_space<hbm>> -> memref<10000x128xf32, #tpu.memory_space<hbm>>
        %dma_wait3A_342 = arith.constant 0 : i32
        %dma_wait3A_343 = tpu.memref_slice %dma_wait3A_341[%multiple_of3A_319, %dma_wait3A_342] : memref<10000x128xf32, #tpu.memory_space<hbm>> -> memref<40x128xf32, #tpu.memory_space<hbm>>
        tpu.wait_dma2 semaphore(%run_scoped3A : memref<!tpu.dma_semaphore, #tpu.memory_space<semaphore_mem>>) src(%arg12 : memref<40x128xf32, #tpu.memory_space<vmem>>) dst(%dma_wait3A_343 : memref<40x128xf32, #tpu.memory_space<hbm>>)
        tpu.yield
      }) : () -> ()
    } else {
    }
    %add3A_310 = arith.constant 240 : i32
    %add3A_311 = arith.addi %arg1, %add3A_310 : i32
    %lt3A_312 = arith.constant 250 : i32
    %lt3A_313 = arith.cmpi slt, %add3A_311, %lt3A_312 : i32
    %convert_element_type3A_314 = arith.extui %lt3A_313 : i1 to i32
    %cond3A_315 = arith.constant 0 : i32
    %cond3A_316 = arith.cmpi ne, %convert_element_type3A_314, %cond3A_315 : i32
    scf.if %cond3A_316 {
      %mul3A_317 = arith.constant 40 : i32
      %mul3A_318 = arith.muli %add3A_311, %mul3A_317 : i32
      %multiple_of3A_319 = tpu.assume_multiple %mul3A_318, 8 : i32
      "tpu.region"() ({
        %run_scoped3A = tpu.sem_alloc : memref<!tpu.dma_semaphore, #tpu.memory_space<semaphore_mem>>
        %dma_start3A_320 = arith.constant 0 : i32
        %dma_start3A_321 = tpu.memref_slice %arg18[%multiple_of3A_319, %dma_start3A_320] : memref<10000x128xf32, #tpu.memory_space<vmem_shared>> -> memref<40x128xf32, #tpu.memory_space<vmem_shared>>
        %dma_start3A_322 = arith.constant 0 : i32
        %dma_start3A_323 = tpu.memref_slice %arg18[%multiple_of3A_319, %dma_start3A_322] : memref<10000x128xf32, #tpu.memory_space<vmem_shared>> -> memref<40x128xf32, #tpu.memory_space<vmem_shared>>
        tpu.enqueue_dma source(%dma_start3A_323 : memref<40x128xf32, #tpu.memory_space<vmem_shared>>) target(%arg12 : memref<40x128xf32, #tpu.memory_space<vmem>>) target_semaphore(%run_scoped3A : memref<!tpu.dma_semaphore, #tpu.memory_space<semaphore_mem>>)
        %dma_wait3A_324 = arith.constant 0 : i32
        %dma_wait3A_325 = tpu.memref_slice %arg18[%multiple_of3A_319, %dma_wait3A_324] : memref<10000x128xf32, #tpu.memory_space<vmem_shared>> -> memref<40x128xf32, #tpu.memory_space<vmem_shared>>
        %dma_wait3A_326 = arith.constant 0 : i32
        %dma_wait3A_327 = tpu.memref_slice %arg18[%multiple_of3A_319, %dma_wait3A_326] : memref<10000x128xf32, #tpu.memory_space<vmem_shared>> -> memref<40x128xf32, #tpu.memory_space<vmem_shared>>
        tpu.wait_dma2 semaphore(%run_scoped3A : memref<!tpu.dma_semaphore, #tpu.memory_space<semaphore_mem>>) src(%dma_wait3A_327 : memref<40x128xf32, #tpu.memory_space<vmem_shared>>) dst(%arg12 : memref<40x128xf32, #tpu.memory_space<vmem>>)
        tpu.yield
      }) : () -> ()
      "tpu.region"() ({
        %run_scoped3A = tpu.sem_alloc : memref<!tpu.dma_semaphore, #tpu.memory_space<semaphore_mem>>
        %dma_start3A_320 = arith.constant 0 : i32
        %dma_start3A_321 = arith.constant 0 : i32
        %dma_start3A_322 = tpu.memref_slice %arg6[%arg0, %dma_start3A_320, %dma_start3A_321] : memref<2x10000x128xf32, #tpu.memory_space<hbm>> -> memref<1x10000x128xf32, #tpu.memory_space<hbm>>
        %dma_start3A_323 = tpu.memref_squeeze %dma_start3A_322 : memref<1x10000x128xf32, #tpu.memory_space<hbm>> -> memref<10000x128xf32, #tpu.memory_space<hbm>>
        %dma_start3A_324 = arith.constant 0 : i32
        %dma_start3A_325 = tpu.memref_slice %dma_start3A_323[%multiple_of3A_319, %dma_start3A_324] : memref<10000x128xf32, #tpu.memory_space<hbm>> -> memref<40x128xf32, #tpu.memory_space<hbm>>
        %dma_start3A_326 = arith.constant 0 : i32
        %dma_start3A_327 = arith.constant 0 : i32
        %dma_start3A_328 = tpu.memref_slice %arg6[%arg0, %dma_start3A_326, %dma_start3A_327] : memref<2x10000x128xf32, #tpu.memory_space<hbm>> -> memref<1x10000x128xf32, #tpu.memory_space<hbm>>
        %dma_start3A_329 = tpu.memref_squeeze %dma_start3A_328 : memref<1x10000x128xf32, #tpu.memory_space<hbm>> -> memref<10000x128xf32, #tpu.memory_space<hbm>>
        %dma_start3A_330 = arith.constant 0 : i32
        %dma_start3A_331 = tpu.memref_slice %dma_start3A_329[%multiple_of3A_319, %dma_start3A_330] : memref<10000x128xf32, #tpu.memory_space<hbm>> -> memref<40x128xf32, #tpu.memory_space<hbm>>
        tpu.enqueue_dma source(%arg12 : memref<40x128xf32, #tpu.memory_space<vmem>>) target(%dma_start3A_331 : memref<40x128xf32, #tpu.memory_space<hbm>>) target_semaphore(%run_scoped3A : memref<!tpu.dma_semaphore, #tpu.memory_space<semaphore_mem>>)
        %dma_wait3A_332 = arith.constant 0 : i32
        %dma_wait3A_333 = arith.constant 0 : i32
        %dma_wait3A_334 = tpu.memref_slice %arg6[%arg0, %dma_wait3A_332, %dma_wait3A_333] : memref<2x10000x128xf32, #tpu.memory_space<hbm>> -> memref<1x10000x128xf32, #tpu.memory_space<hbm>>
        %dma_wait3A_335 = tpu.memref_squeeze %dma_wait3A_334 : memref<1x10000x128xf32, #tpu.memory_space<hbm>> -> memref<10000x128xf32, #tpu.memory_space<hbm>>
        %dma_wait3A_336 = arith.constant 0 : i32
        %dma_wait3A_337 = tpu.memref_slice %dma_wait3A_335[%multiple_of3A_319, %dma_wait3A_336] : memref<10000x128xf32, #tpu.memory_space<hbm>> -> memref<40x128xf32, #tpu.memory_space<hbm>>
        %dma_wait3A_338 = arith.constant 0 : i32
        %dma_wait3A_339 = arith.constant 0 : i32
        %dma_wait3A_340 = tpu.memref_slice %arg6[%arg0, %dma_wait3A_338, %dma_wait3A_339] : memref<2x10000x128xf32, #tpu.memory_space<hbm>> -> memref<1x10000x128xf32, #tpu.memory_space<hbm>>
        %dma_wait3A_341 = tpu.memref_squeeze %dma_wait3A_340 : memref<1x10000x128xf32, #tpu.memory_space<hbm>> -> memref<10000x128xf32, #tpu.memory_space<hbm>>
        %dma_wait3A_342 = arith.constant 0 : i32
        %dma_wait3A_343 = tpu.memref_slice %dma_wait3A_341[%multiple_of3A_319, %dma_wait3A_342] : memref<10000x128xf32, #tpu.memory_space<hbm>> -> memref<40x128xf32, #tpu.memory_space<hbm>>
        tpu.wait_dma2 semaphore(%run_scoped3A : memref<!tpu.dma_semaphore, #tpu.memory_space<semaphore_mem>>) src(%arg12 : memref<40x128xf32, #tpu.memory_space<vmem>>) dst(%dma_wait3A_343 : memref<40x128xf32, #tpu.memory_space<hbm>>)
        tpu.yield
      }) : () -> ()
    } else {
    }
    return
  }
}

module attributes {stable_mosaic.version = 14 : i64} {
  func.func @_pre_body(%arg0: i32, %arg1: memref<1000x128xf32, #tpu.memory_space<vmem>>, %arg2: memref<128x128xf32, #tpu.memory_space<vmem>>, %arg3: memref<1x128xf32, #tpu.memory_space<vmem>>, %arg4: memref<1000x128xf32, #tpu.memory_space<vmem>>) attributes {dimension_semantics = [#tpu.dimension_semantics<arbitrary>], iteration_bounds = array<i64: 10>, scalar_prefetch = 0 : i64, scratch_operands = 0 : i64, tpu.core_type = #tpu.core_type<tc>, window_params = [{transform_indices = @transform_0, window_bounds = array<i64: 1000, 128>}, {pipeline_mode = #tpu.pipeline_mode<synchronous>, transform_indices = @transform_1, window_bounds = array<i64: 128, 128>}, {pipeline_mode = #tpu.pipeline_mode<synchronous>, transform_indices = @transform_2, window_bounds = array<i64: 1, 128>}, {transform_indices = @transform_3, window_bounds = array<i64: 1000, 128>}]} {
    %get3A = arith.constant 0 : index
    %get3A_0 = arith.constant 0 : index
    %get3A_1 = vector.load %arg1[%get3A, %get3A_0] : memref<1000x128xf32, #tpu.memory_space<vmem>>, vector<1000x128xf32>
    %get3A_2 = arith.constant 0 : index
    %get3A_3 = arith.constant 0 : index
    %get3A_4 = vector.load %arg2[%get3A_2, %get3A_3] : memref<128x128xf32, #tpu.memory_space<vmem>>, vector<128x128xf32>
    %dot_general3A = arith.constant dense<0.000000e+00> : vector<1000x128xf32>
    %dot_general3A_5 = tpu.matmul %get3A_1, %get3A_4, %dot_general3A {dimension_numbers = #tpu.dot_dimension_numbers<[1], [0], [0], [1], [0, 0, 1, 1], [], []>, transpose_lhs_hint = false} : vector<1000x128xf32>, vector<128x128xf32>, vector<1000x128xf32> -> vector<1000x128xf32>
    %get3A_6 = arith.constant 0 : index
    %get3A_7 = arith.constant 0 : index
    %get3A_8 = vector.load %arg3[%get3A_6, %get3A_7] : memref<1x128xf32, #tpu.memory_space<vmem>>, vector<1x128xf32>
    %add3A = vector.broadcast %get3A_8 : vector<1x128xf32> to vector<1000x128xf32>
    %add3A_9 = arith.addf %dot_general3A_5, %add3A : vector<1000x128xf32>
    %mul3A = arith.constant 5.000000e-01 : f32
    %mul3A_10 = vector.broadcast %mul3A : f32 to vector<1000x128xf32>
    %mul3A_11 = arith.mulf %mul3A_10, %add3A_9 : vector<1000x128xf32>
    %mul3A_12 = arith.constant 0.707106769 : f32
    %mul3A_13 = vector.broadcast %mul3A_12 : f32 to vector<1000x128xf32>
    %mul3A_14 = arith.mulf %add3A_9, %mul3A_13 : vector<1000x128xf32>
    %erf3A = math.erf %mul3A_14 : vector<1000x128xf32>
    %add3A_15 = arith.constant 1.000000e+00 : f32
    %add3A_16 = vector.broadcast %add3A_15 : f32 to vector<1000x128xf32>
    %add3A_17 = arith.addf %add3A_16, %erf3A : vector<1000x128xf32>
    %mul3A_18 = arith.mulf %mul3A_11, %add3A_17 : vector<1000x128xf32>
    %swap3A = arith.constant 0 : index
    %swap3A_19 = arith.constant 0 : index
    %swap3A_20 = vector.load %arg4[%swap3A, %swap3A_19] : memref<1000x128xf32, #tpu.memory_space<vmem>>, vector<1000x128xf32>
    tpu.vector_store %arg4[%swap3A, %swap3A_19], %mul3A_18 {strides = array<i32>} : memref<1000x128xf32, #tpu.memory_space<vmem>>, vector<1000x128xf32>,
    return
  }
  func.func @transform_0(%arg0: i32) -> (i32, i32) {
    %c0_i32 = arith.constant 0 : i32
    %c0_i32_0 = arith.constant 0 : i32
    return %arg0, %c0_i32 : i32, i32
  }
  func.func @transform_1(%arg0: i32) -> (i32, i32) {
    %c0_i32 = arith.constant 0 : i32
    %c0_i32_0 = arith.constant 0 : i32
    %c0_i32_1 = arith.constant 0 : i32
    return %c0_i32, %c0_i32_0 : i32, i32
  }
  func.func @transform_2(%arg0: i32) -> (i32, i32) {
    %c0_i32 = arith.constant 0 : i32
    %c0_i32_0 = arith.constant 0 : i32
    %c0_i32_1 = arith.constant 0 : i32
    return %c0_i32, %c0_i32_0 : i32, i32
  }
  func.func @transform_3(%arg0: i32) -> (i32, i32) {
    %c0_i32 = arith.constant 0 : i32
    %c0_i32_0 = arith.constant 0 : i32
    return %arg0, %c0_i32 : i32, i32
  }
}

module attributes {stable_mosaic.version = 14 : i64} {
  func.func @_ffn_body(%arg0: i32, %arg1: memref<1000x128xf32, #tpu.memory_space<vmem>>, %arg2: memref<2x1000x128xf32, #tpu.memory_space<vmem>>, %arg3: memref<128x128xf32, #tpu.memory_space<vmem>>, %arg4: memref<1x128xf32, #tpu.memory_space<vmem>>, %arg5: memref<128x128xf32, #tpu.memory_space<vmem>>, %arg6: memref<1x128xf32, #tpu.memory_space<vmem>>, %arg7: memref<1000x128xf32, #tpu.memory_space<vmem>>) attributes {dimension_semantics = [#tpu.dimension_semantics<arbitrary>], iteration_bounds = array<i64: 10>, scalar_prefetch = 0 : i64, scratch_operands = 0 : i64, tpu.core_type = #tpu.core_type<tc>, window_params = [{transform_indices = @transform_0, window_bounds = array<i64: 1000, 128>}, {transform_indices = @transform_1, window_bounds = array<i64: 2, 1000, 128>}, {pipeline_mode = #tpu.pipeline_mode<synchronous>, transform_indices = @transform_2, window_bounds = array<i64: 128, 128>}, {pipeline_mode = #tpu.pipeline_mode<synchronous>, transform_indices = @transform_3, window_bounds = array<i64: 1, 128>}, {pipeline_mode = #tpu.pipeline_mode<synchronous>, transform_indices = @transform_4, window_bounds = array<i64: 128, 128>}, {pipeline_mode = #tpu.pipeline_mode<synchronous>, transform_indices = @transform_5, window_bounds = array<i64: 1, 128>}, {transform_indices = @transform_6, window_bounds = array<i64: 1000, 128>}]} {
    %get3A = arith.constant 0 : index
    %get3A_0 = arith.constant 0 : index
    %get3A_1 = vector.load %arg1[%get3A, %get3A_0] : memref<1000x128xf32, #tpu.memory_space<vmem>>, vector<1000x128xf32>
    %get3A_2 = arith.constant 0 : index
    %get3A_3 = arith.constant 0 : index
    %get3A_4 = arith.constant 0 : index
    %get3A_5 = vector.load %arg2[%get3A_2, %get3A_3, %get3A_4] : memref<2x1000x128xf32, #tpu.memory_space<vmem>>, vector<1x1000x128xf32>
    %get3A_6 = vector.shape_cast %get3A_5 : vector<1x1000x128xf32> to vector<1000x128xf32>
    %add3A = arith.addf %get3A_1, %get3A_6 : vector<1000x128xf32>
    %get3A_7 = arith.constant 1 : index
    %get3A_8 = arith.constant 0 : index
    %get3A_9 = arith.constant 0 : index
    %get3A_10 = vector.load %arg2[%get3A_7, %get3A_8, %get3A_9] : memref<2x1000x128xf32, #tpu.memory_space<vmem>>, vector<1x1000x128xf32>
    %get3A_11 = vector.shape_cast %get3A_10 : vector<1x1000x128xf32> to vector<1000x128xf32>
    %add3A_12 = arith.addf %add3A, %get3A_11 : vector<1000x128xf32>
    %get3A_13 = arith.constant 0 : index
    %get3A_14 = arith.constant 0 : index
    %get3A_15 = vector.load %arg3[%get3A_13, %get3A_14] : memref<128x128xf32, #tpu.memory_space<vmem>>, vector<128x128xf32>
    %dot_general3A = arith.constant dense<0.000000e+00> : vector<1000x128xf32>
    %dot_general3A_16 = tpu.matmul %add3A_12, %get3A_15, %dot_general3A {dimension_numbers = #tpu.dot_dimension_numbers<[1], [0], [0], [1], [0, 0, 1, 1], [], []>, transpose_lhs_hint = false} : vector<1000x128xf32>, vector<128x128xf32>, vector<1000x128xf32> -> vector<1000x128xf32>
    %get3A_17 = arith.constant 0 : index
    %get3A_18 = arith.constant 0 : index
    %get3A_19 = vector.load %arg4[%get3A_17, %get3A_18] : memref<1x128xf32, #tpu.memory_space<vmem>>, vector<1x128xf32>
    %add3A_20 = vector.broadcast %get3A_19 : vector<1x128xf32> to vector<1000x128xf32>
    %add3A_21 = arith.addf %dot_general3A_16, %add3A_20 : vector<1000x128xf32>
    %max3A = arith.constant 0.000000e+00 : f32
    %max3A_22 = vector.broadcast %max3A : f32 to vector<1000x128xf32>
    %max3A_23 = arith.maximumf %add3A_21, %max3A_22 : vector<1000x128xf32>
    %get3A_24 = arith.constant 0 : index
    %get3A_25 = arith.constant 0 : index
    %get3A_26 = vector.load %arg5[%get3A_24, %get3A_25] : memref<128x128xf32, #tpu.memory_space<vmem>>, vector<128x128xf32>
    %dot_general3A_27 = arith.constant dense<0.000000e+00> : vector<1000x128xf32>
    %dot_general3A_28 = tpu.matmul %max3A_23, %get3A_26, %dot_general3A_27 {dimension_numbers = #tpu.dot_dimension_numbers<[1], [0], [0], [1], [0, 0, 1, 1], [], []>, transpose_lhs_hint = false} : vector<1000x128xf32>, vector<128x128xf32>, vector<1000x128xf32> -> vector<1000x128xf32>
    %get3A_29 = arith.constant 0 : index
    %get3A_30 = arith.constant 0 : index
    %get3A_31 = vector.load %arg6[%get3A_29, %get3A_30] : memref<1x128xf32, #tpu.memory_space<vmem>>, vector<1x128xf32>
    %add3A_32 = vector.broadcast %get3A_31 : vector<1x128xf32> to vector<1000x128xf32>
    %add3A_33 = arith.addf %dot_general3A_28, %add3A_32 : vector<1000x128xf32>
    %max3A_34 = arith.constant 0.000000e+00 : f32
    %max3A_35 = vector.broadcast %max3A_34 : f32 to vector<1000x128xf32>
    %max3A_36 = arith.maximumf %add3A_33, %max3A_35 : vector<1000x128xf32>
    %add3A_37 = arith.addf %add3A_12, %max3A_36 : vector<1000x128xf32>
    %swap3A = arith.constant 0 : index
    %swap3A_38 = arith.constant 0 : index
    %swap3A_39 = vector.load %arg7[%swap3A, %swap3A_38] : memref<1000x128xf32, #tpu.memory_space<vmem>>, vector<1000x128xf32>
    tpu.vector_store %arg7[%swap3A, %swap3A_38], %add3A_37 {strides = array<i32>} : memref<1000x128xf32, #tpu.memory_space<vmem>>, vector<1000x128xf32>,
    return
  }
  func.func @transform_0(%arg0: i32) -> (i32, i32) {
    %c0_i32 = arith.constant 0 : i32
    %c0_i32_0 = arith.constant 0 : i32
    return %arg0, %c0_i32 : i32, i32
  }
  func.func @transform_1(%arg0: i32) -> (i32, i32, i32) {
    %c0_i32 = arith.constant 0 : i32
    %c0_i32_0 = arith.constant 0 : i32
    %c0_i32_1 = arith.constant 0 : i32
    return %c0_i32, %arg0, %c0_i32_0 : i32, i32, i32
  }
  func.func @transform_2(%arg0: i32) -> (i32, i32) {
    %c0_i32 = arith.constant 0 : i32
    %c0_i32_0 = arith.constant 0 : i32
    %c0_i32_1 = arith.constant 0 : i32
    return %c0_i32, %c0_i32_0 : i32, i32
  }
  func.func @transform_3(%arg0: i32) -> (i32, i32) {
    %c0_i32 = arith.constant 0 : i32
    %c0_i32_0 = arith.constant 0 : i32
    %c0_i32_1 = arith.constant 0 : i32
    return %c0_i32, %c0_i32_0 : i32, i32
  }
  func.func @transform_4(%arg0: i32) -> (i32, i32) {
    %c0_i32 = arith.constant 0 : i32
    %c0_i32_0 = arith.constant 0 : i32
    %c0_i32_1 = arith.constant 0 : i32
    return %c0_i32, %c0_i32_0 : i32, i32
  }
  func.func @transform_5(%arg0: i32) -> (i32, i32) {
    %c0_i32 = arith.constant 0 : i32
    %c0_i32_0 = arith.constant 0 : i32
    %c0_i32_1 = arith.constant 0 : i32
    return %c0_i32, %c0_i32_0 : i32, i32
  }
  func.func @transform_6(%arg0: i32) -> (i32, i32) {
    %c0_i32 = arith.constant 0 : i32
    %c0_i32_0 = arith.constant 0 : i32
    return %arg0, %c0_i32 : i32, i32
  }
}

</mosaic_0001>

<sc_bundles>
// kernel: kernel.5.cloned.1.call-start
scs
__scs_entry_jumppad:
0x0: {  	(pc) =	sbr.rel $0x88, $3  }
0x1: {  	(tag) =	ssettag $0x0;
	lr =	simm.s32 $0x1  }
0x2: {  	[smem:$0x3F98] =	sst lr;
	_ =	strace $0xD0000000  }
0x3: {  	_ = 	snop  }
0x4: {  	_ = 	snop  }
0x5: {  	_ = 	snop  }
0x6: {  	_ = 	snop  }
0x7: {  	_ = 	snop  }
__scs_overlays_trampoline_lowered:
0x8: {  	[smem:$0x3FA7] =	sst s0  }
0x9: {  	[smem:$0x3FA8] =	sst s1  }
0xa: {  	[smem:$0x3FA9] =	sst s2  }
0xb: {  	[smem:$0x3FAA] =	sst s3  }
0xc: {  	[smem:$0x3FAB] =	sst s4  }
0xd: {  	[smem:$0x3FAC] =	sst s5  }
0xe: {  	[smem:$0x3FAD] =	sst s6  }
0xf: {  	[smem:$0x3FAE] =	sst s7  }
0x10: {  	[smem:$0x3FAF] =	sst s8  }
0x11: {  	[smem:$0x3FB0] =	sst s9;
	s0 =	simm.s32 @!p0 $0x0  }
0x12: {  	s1 =	sld [smem:$0x3F96];
	s0 =	simm.s32 @p0 $0x1  }
0x13: {  	[smem:$0x3FB1] =	sst s0;
	s0 =	simm.s32 @!p1 $0x0  }
0x14: {  	s2 =	sld [smem:$0x3F95];
	s0 =	simm.s32 @p1 $0x1  }
0x15: {  	[smem:$0x3FB2] =	sst s0;
	s0 =	simm.s32 @!p2 $0x0  }
0x16: {  	s3 =	sld [smem:$0x3FDB];
	s0 =	simm.s32 @p2 $0x1  }
0x17: {  	s4 =	simm.s32 $0x1BF5;
	[smem:$0x3FB4] =	sst s0  }
0x18: {  	s0 =	sld [smem:$0x3F97];
	_ =	swait.ge [sflag:s4], $0x0  }
0x19: {  	s7 =	sld [smem:$0x3F98]  }
0x1a: {  	s8 =	sadd.s32 $0xFFFFE003, lr  }
0x1b: {  	s9 =	sadd.s32 $0xFFFFFEF7, lr;
	s5 =	simm.s32 $0xFFFFFFFF;
	p2 =	slt.u32 s8, $0xFFFFF086  }
0x1c: {  	p1 =	slt.u32 s9, $0xF7A;
	s5 =	simm.s32 @!p2 $0x0  }
0x1d: {  	s5 =	simm.s32 @p1 $0x1;
	p0 =	seq.s32 s7, s2  }
0x1e: {  	s7 =	smul.u32 @!p0 $0xF7A, s2;
	p2 =	seq.s32 @!p0 s5, $0x0  }
0x1f: {  	s9 =	smul.u32 $0xF7A, s1;
	s8 =	simm.s32 @!p0 $0x1BF5;
	p2 =	por !p2, p0  }
0x20: {  	[sflag:s8] =	ssyncset.s32 @!p0 $0xFFFFF086;
	s6 =	sadd.s32 @!p0 s3, s7;
	s7 =	simm.s32 @!p0 $0x108  }
0x21: {  	s3 =	sadd.s32 s3, s9;
	s6 =	sadd.s32 @!p0 $0x88, s6;
	s7 =	simm.s32 @p2 $0x1082  }
0x22: {  	[simem:s7], [sflag:s8] =	dma.local @!p0 [hbm:s6], $0xF7A  }
0x23: {  	s9 =	sor.u32 $0xD0000000, s2;
	s6 =	simm.s32 $0x108;
	_ =	swait.ge @!p0 [sflag:s8], $0x0  }
0x24: {  	s3 =	sadd.s32 $0x88, s3;
	s6 =	simm.s32 @!p1 $0x1082;
	[sflag:s4] =	ssyncset.s32 $0xFFFFF086  }
0x25: {  	[simem:s6], [sflag:s4] =	dma.local [hbm:s3], $0xF7A  }
0x26: {  	[smem:$0x3F98] =	sst s1;
	(tag) =	ssettag s2;
	_ =	strace s9  }
0x27: {  	s1 =	sld [smem:$0x3FA8]  }
0x28: {  	s2 =	sld [smem:$0x3FA9]  }
0x29: {  	s4 =	sld [smem:$0x3FAB]  }
0x2a: {  	p0 =	seq.s32 s5, $0x0;
	s5 =	sld [smem:$0x3FAC]  }
0x2b: {  	s6 =	sld [smem:$0x3FAD]  }
0x2c: {  	s7 =	sld [smem:$0x3FAE]  }
0x2d: {  	s3 =	simm.s32 $0x108;
	s8 =	sld [smem:$0x3FAF]  }
0x2e: {  	s3 =	simm.s32 @!p0 $0x1082;
	s9 =	sld [smem:$0x3FB0]  }
0x2f: {  	lr =	sadd.s32 s0, s3;
	s0 =	sld [smem:$0x3FA7]  }
0x30: {  	s3 =	sld [smem:$0x3FAA]  }
0x31: {  	[smem:$0x3FB3] =	sst s10  }
0x32: {  	s10 =	sld [smem:$0x3FB1];
	_ =	sdelay $0x3  }
0x33: {  	p0 =	seq.s32 s10, $0x1;
	s10 =	sld [smem:$0x3FB3];
	_ =	sdelay $0x3  }
0x34: {  	[smem:$0x3FB3] =	sst s10  }
0x35: {  	s10 =	sld [smem:$0x3FB2];
	_ =	sdelay $0x3  }
0x36: {  	p1 =	seq.s32 s10, $0x1;
	s10 =	sld [smem:$0x3FB3];
	_ =	sdelay $0x3  }
0x37: {  	[smem:$0x3FB3] =	sst s10  }
0x38: {  	s10 =	sld [smem:$0x3FB4]  }
0x39: {  	_ = 	snop;
	(pc) =	sbr.ind lr, $3  }
0x3a: {  	_ = 	snop  }
0x3b: {  	_ = 	snop  }
0x3c: {  	p2 =	seq.s32 s10, $0x1;
	s10 =	sld [smem:$0x3FB3]  }
0x3d: {  	_ =	shalt  }
0x3e: {  	_ =	shalt  }
0x3f: {  	_ =	shalt  }
0x40: {  	_ =	shalt  }
0x41: {  	_ =	shalt  }
0x42: {  	_ =	shalt  }
0x43: {  	_ =	shalt  }
0x44: {  	_ =	shalt  }
0x45: {  	_ =	shalt  }
0x46: {  	_ =	shalt  }
0x47: {  	_ =	shalt  }
0x48: {  	_ =	shalt  }
0x49: {  	_ =	shalt  }
0x4a: {  	_ =	shalt  }
0x4b: {  	_ =	shalt  }
0x4c: {  	_ =	shalt  }
0x4d: {  	_ =	shalt  }
0x4e: {  	_ =	shalt  }
0x4f: {  	_ =	shalt  }
0x50: {  	_ =	shalt  }
0x51: {  	_ =	shalt  }
0x52: {  	_ =	shalt  }
0x53: {  	_ =	shalt  }
0x54: {  	_ =	shalt  }
0x55: {  	_ =	shalt  }
0x56: {  	_ =	shalt  }
0x57: {  	_ =	shalt  }
0x58: {  	_ =	shalt  }
0x59: {  	_ =	shalt  }
0x5a: {  	_ =	shalt  }
0x5b: {  	_ =	shalt  }
0x5c: {  	_ =	shalt  }
0x5d: {  	_ =	shalt  }
0x5e: {  	_ =	shalt  }
0x5f: {  	_ =	shalt  }
0x60: {  	_ =	shalt  }
0x61: {  	_ =	shalt  }
0x62: {  	_ =	shalt  }
0x63: {  	_ =	shalt  }
0x64: {  	_ =	shalt  }
0x65: {  	_ =	shalt  }
0x66: {  	_ =	shalt  }
0x67: {  	_ =	shalt  }
0x68: {  	_ =	shalt  }
0x69: {  	_ =	shalt  }
0x6a: {  	_ =	shalt  }
0x6b: {  	_ =	shalt  }
0x6c: {  	_ =	shalt  }
0x6d: {  	_ =	shalt  }
0x6e: {  	_ =	shalt  }
0x6f: {  	_ =	shalt  }
0x70: {  	_ =	shalt  }
0x71: {  	_ =	shalt  }
0x72: {  	_ =	shalt  }
0x73: {  	_ =	shalt  }
0x74: {  	_ =	shalt  }
0x75: {  	_ =	shalt  }
0x76: {  	_ =	shalt  }
0x77: {  	_ =	shalt  }
0x78: {  	_ =	shalt  }
0x79: {  	_ =	shalt  }
0x7a: {  	_ =	shalt  }
0x7b: {  	_ =	shalt  }
0x7c: {  	_ =	shalt  }
0x7d: {  	_ =	shalt  }
0x7e: {  	_ =	shalt  }
0x7f: {  	_ =	shalt  }
0x80: {  	_ =	shalt  }
0x81: {  	_ =	shalt  }
0x82: {  	_ =	shalt  }
0x83: {  	_ =	shalt  }
0x84: {  	_ =	shalt  }
0x85: {  	_ =	shalt  }
0x86: {  	_ =	shalt  }
0x87: {  	_ =	shalt  }
.Lfunc_end0:
.L_simem_size_0:
called_computation_lowered:
.L_overlay_start_0:
0x88: {  	s2 =	sld [smem:$0x3FD9]  }
0x89: {  	s3 =	sld [smem:$0x3FFE];
	_ =	sdelay $0x1  }
0x8a: {  	s1 =	srdreg.scid  }
0x8b: {  	s0 =	sand.u32 $0x1, s1  }
0x8c: {  	s17 =	sshll.u32 s0, $0xA;
	s2 =	sadd.s32 s3, s2  }
0x8d: {  	s2 =	sadd.s32 s2, s17  }
0x8e: {  	[smem:$0x3FBF] =	sst s2  }
0x8f: {  	_ = 	snop  }
0x90: {  	s2 =	sld [smem:$0x3FC7]  }
0x91: {  	s18 =	sld [smem:$0x3FD0];
	(tm) =	ssettm $0x1  }
0x92: {  	s4 =	sld [smem:$0x3FFB];
	_ =	sdelay $0x3  }
0x93: {  	_ =	strace s4  }
0x94: {  	s4 =	sld [smem:$0x3FFC];
	_ =	sdelay $0x3  }
0x95: {  	_ =	strace s4  }
0x96: {  	s4 =	sld [smem:$0x3FFD];
	_ =	sdelay $0x3  }
0x97: {  	_ =	strace s4  }
0x98: {  	_ =	strace $0x8FFFFFFF  }
0x99: {  	s19 =	sld [smem:$0x3FDB];
	_ =	sdelay $0x1  }
0x9a: {  	s5 =	simm.s32 $_scs_section_size  }
0x9b: {  	s6 =	simm.s32 $_size__tile_overlayer_lowered;
	s7 =	simm.s32 $_tile_overlayer_lowered  }
0x9c: {  	s22 =	simm.s32 $0x1BFF;
	s21 =	sshll.u32 s7, $0x1;
	s4 =	sadd.s32 s5, s19  }
0x9d: {  	s8 =	simm.s32 $0x0;
	s20 =	sshll.u32 s6, $0x1;
	s6 =	sadd.s32 s21, s4  }
0x9e: {  	[timem:s8], [sflag:s22] =	dma.local [hbm:s6], s20  }
0x9f: {  	_ =	swait.ge [sflag:s22], s20  }
0xa0: {  	s5 =	ssub.s32 $0x0, s20;
	[sflag:s22] =	ssyncset.done $0x0  }
0xa1: {  	[sflag:s22] =	ssyncadd.s32 s5;
	_ =	sdelay $0x1  }
0xa2: {  	s23 =	simm.s32 $0x1B8B  }
0xa3: {  	_ =	swait.ge [sflag:s23], $0x1  }
0xa4: {  	[sflag:s23] =	ssyncset.done $0x0  }
0xa5: {  	s25 =	simm.s32 $0x1B8E;
	s24 =	sld [smem:$0x3FFE];
	[sflag:s23] =	ssyncadd.s32 $0xFFFFFFFF  }
0xa6: {  	s26 =	simm.s32 $execute0_lowered;
	[smem:$0x3FD2] =	sst s25  }
0xa7: {  	s6 =	sshll.u32 s26, $0x1;
	_ =	strace $0x80000046;
	[dreg:$0x1] =	wrdreg $0xFFFFFFFF  }
0xa8: {  	s28 =	simm.s32 $_size_execute0_lowered;
	s4 =	sadd.s32 s4, s6;
	[dreg:$0x0] =	wrdreg $0x0  }
0xa9: {  	s6 =	sshll.u32 s28, $0x1;
	[dreg:$0x2] =	wrdreg s4  }
0xaa: {  	[dreg:$0x3] =	wrdreg s6  }
0xab: {  	[dreg:$0x4] =	wrdreg $0xC0  }
0xac: {  	_ =	task [dreg:s8], $0x5FFFF  }
0xad: {  	[dreg:$0x1] =	wrdreg $0xFFFFFFFF  }
0xae: {  	[dreg:$0x0] =	wrdreg $0x60  }
0xaf: {  	[dreg:$0x2] =	wrdreg s18  }
0xb0: {  	[dreg:$0x3] =	wrdreg s24  }
0xb1: {  	[dreg:$0x4] =	wrdreg s2  }
0xb2: {  	[dreg:$0x5] =	wrdreg $0xA1800  }
0xb3: {  	[dreg:$0x6] =	wrdreg $0x9  }
0xb4: {  	_ =	task.clear_ibuf [dreg:s8], $0x7FFFF;
	_ =	strace $0x90000046  }
0xb5: {  	s29 =	simm.s32 $0x9;
	_ =	strace $0x80000048  }
0xb6: {  	_ =	swait.ge [sflag:s29], $0x1  }
0xb7: {  	[sflag:s29] =	ssyncadd.s32 $0xFFFFFFFF  }
0xb8: {  	_ =	strace $0x90000048  }
0xb9: {  	_ =	sfence  }
0xba: {  	s30 =	sld [smem:$0x0];
	_ =	sdelay $0x2  }
0xbb: {  	s31 =	sshll.u32 s1, $0xD;
	s1 =	sshrl.u32 s1, $0x2  }
0xbc: {  	s3 =	sand.u32 $0x4000, s31;
	s1 =	sadd.s32 s1, s30  }
0xbd: {  	s0 =	sor.u32 s3, s0;
	s1 =	sshll.u32 s1, $0x11  }
0xbe: {  	s0 =	sor.u32 s1, s0  }
0xbf: {  	s0 =	sadd.s32 $0x8F2B, s0  }
0xc0: {  	[sflag:s0] =	ssyncadd.remote.s32 $0x1  }
0xc1: {  	_ =	sfence.sel $0xFFFF  }
0xc2: {  	[dreg:$0x0] =	wrdreg $0xFFFFFFFF;
	(pc) =	sbr.abs _section_cstart, $3  }
0xc3: {  	[dreg:$0x1] =	wrdreg $0xFFFFFFFF  }
0xc4: {  	_ =	task.clear_ibuf [dreg:s8], $0x2FFFF;
	_ =	strace $0x9FFFFFFF  }
0xc5: {  	(tm) =	ssettm $0x7FFFFFFF  }
tec
execute0_lowered:
.L_overlay_start_1:
0x0: {  	(tag) =	ssettag $0x1  }
0x1: {  	s0 =	srdreg.scid;
	s26 =	stileid.u32  }
0x2: {  	s2 =	sand.u32 $0x1, s0;
	s13 =	smul.u32 $0x280, s26  }
0x3: {  	s12 =	sor.u32 $0x10, s26;
	s4 =	smul.u32 $0x27100, s2  }
0x4: {  	s14 =	sor.u32 $0x20, s26;
	s15 =	smul.u32 $0x280, s12  }
0x5: {  	s5 =	sor.u32 $0x30, s26;
	s16 =	smul.u32 $0x280, s14  }
0x6: {  	s6 =	sor.u32 $0x40, s26;
	s17 =	smul.u32 $0x280, s5  }
0x7: {  	s7 =	sor.u32 $0x50, s26;
	s18 =	smul.u32 $0x280, s6  }
0x8: {  	s8 =	sor.u32 $0x60, s26;
	s20 =	smul.u32 $0x280, s7  }
0x9: {  	s9 =	sor.u32 $0x70, s26;
	s21 =	smul.u32 $0x280, s8  }
0xa: {  	s10 =	sor.u32 $0x80, s26;
	s22 =	smul.u32 $0x280, s9  }
0xb: {  	s23 =	smul.u32 $0x280, s10  }
0xc: {  	s3 =	rddreg [dreg:$0x1];
	s1 =	simm.s32 $0x0;
	s12 =	smul.u32 $0x5000, s12  }
0xd: {  	s30 =	simm.s32 $0xB;
	s31 =	simm.s32 $0x7;
	s14 =	smul.u32 $0x5000, s14  }
0xe: {  	[smem:$0x7FF] =	sst s1;
	p0 =	sgt.u32 s26, $0x9;
	s6 =	smul.u32 $0x5000, s6  }
0xf: {  	s0 =	sshll.u32 s2, $0x4;
	s8 =	smul.u32 $0x5000, s8;
	s19 =	sadd.s32 s4, s3  }
0x10: {  	s2 =	ssub.s32 $0x2, s2;
	s9 =	smul.u32 $0x5000, s9;
	s24 =	sadd.s32 $0x14C00, s19  }
0x11: {  	s10 =	smul.u32 $0x5000, s10;
	s0 =	sor.u32 s26, s0;
	s13 =	sadd.s32 s13, s24  }
0x12: {  	s11 =	sshrl.u32 s2, $0x1;
	s15 =	sadd.s32 s15, s24;
	[dreg:$0x5] =	wrdreg s13  }
0x13: {  	s2 =	ssub.s32 s2, s11;
	s16 =	sadd.s32 s16, s24;
	[dreg:$0x6] =	wrdreg s15  }
0x14: {  	s11 =	sor.u32 $0x90, s26;
	s17 =	sadd.s32 s17, s24;
	[dreg:$0x7] =	wrdreg s16  }
0x15: {  	s4 =	sor.u32 $0xA0, s26;
	s18 =	sadd.s32 s18, s24;
	[dreg:$0x8] =	wrdreg s17  }
0x16: {  	s12 =	sshrl.u32 s12, $0x2;
	s20 =	sadd.s32 s20, s24;
	[dreg:$0x9] =	wrdreg s18  }
0x17: {  	s19 =	smul.u32 $0x280, s11;
	s21 =	sadd.s32 s21, s24;
	[dreg:$0xa] =	wrdreg s20  }
0x18: {  	s25 =	smul.u32 $0x280, s4;
	s22 =	sadd.s32 s22, s24;
	[dreg:$0xb] =	wrdreg s21  }
0x19: {  	s11 =	smul.u32 $0x5000, s11;
	s23 =	sadd.s32 s23, s24;
	[dreg:$0xc] =	wrdreg s22  }
0x1a: {  	s6 =	sshrl.u32 s6, $0x2;
	s4 =	smul.u32 $0x5000, s4;
	[dreg:$0xd] =	wrdreg s23  }
0x1b: {  	s13 =	sor.u32 $0xB0, s26;
	s18 =	sadd.s32 s19, s24;
	s17 =	sor.u32 $0xC0, s26  }
0x1c: {  	s15 =	sadd.s32 s25, s24;
	s21 =	sor.u32 $0xE0, s26;
	s19 =	smul.u32 $0x280, s13  }
0x1d: {  	s4 =	sshrl.u32 s4, $0x2;
	[dreg:$0xe] =	wrdreg s18;
	s20 =	smul.u32 $0x280, s17  }
0x1e: {  	[dreg:$0xf] =	wrdreg s15;
	s23 =	smul.u32 $0x280, s21;
	s16 =	sadd.s32 s19, s24  }
0x1f: {  	s15 =	sor.u32 $0xD0, s26;
	s18 =	sadd.s32 s20, s24;
	[dreg:$0x10] =	wrdreg s16  }
0x20: {  	s22 =	smul.u32 $0x280, s15;
	s19 =	sadd.s32 s23, s24;
	[dreg:$0x11] =	wrdreg s18  }
0x21: {  	s20 =	smul.u32 $0x2710, s0;
	s18 =	sor.u32 $0xF0, s26;
	[dreg:$0x13] =	wrdreg s19  }
0x22: {  	s16 =	sadd.s32 s22, s24;
	s19 =	rddreg [dreg:$0x2];
	s22 =	smul.u32 $0x280, s18  }
0x23: {  	s23 =	sadd.s32 $0x1000, s3;
	s0 =	smul.u32 $0x27100, s0;
	[dreg:$0x12] =	wrdreg s16  }
0x24: {  	s26 =	smul.u32 $0x5000, s26;
	s16 =	rddreg [dreg:$0x0];
	s22 =	sadd.s32 @!p0 s22, s24  }
0x25: {  	s0 =	sadd.s32 s19, s0;
	s24 =	sshrl.u32 s20, $0x3;
	[dreg:$0x14] =	wrdreg s22  }
0x26: {  	s26 =	sshrl.u32 s26, $0x2;
	s22 =	rddreg [dreg:$0x3];
	s25 =	sadd.s32 s24, s3  }
0x27: {  	s3 =	smul.u32 $0x5000, s5;
	_ =	strace $0x80000047;
	s25 =	sadd.s32 $0xAE00, s25  }
0x28: {  	s28 =	sadd.s32 s26, s22;
	s29 =	sadd.s32 s12, s22;
	[smem:$0x7FA] =	sst s0  }
0x29: {  	s26 =	sshrl.u32 s14, $0x2;
	s6 =	sadd.s32 s6, s22;
	[dreg:$0x15] =	wrdreg s25  }
0x2a: {  	s14 =	smul.u32 $0x5000, s13;
	s4 =	sadd.s32 s4, s22;
	[dreg:$0x1a] =	wrdreg s6  }
0x2b: {  	s12 =	sshrl.u32 s8, $0x2;
	s8 =	smul.u32 $0x5000, s21;
	[smem:$0x7F3] =	sst s4  }
0x2c: {  	s25 =	smul.u32 $0x5000, s7;
	s3 =	sshrl.u32 s3, $0x2;
	[dreg:$0x16] =	wrdreg s28  }
0x2d: {  	s7 =	sadd.s32 s26, s22;
	s26 =	smul.u32 $0x5000, s17;
	[dreg:$0x17] =	wrdreg s29  }
0x2e: {  	s6 =	sadd.s32 s12, s22;
	s12 =	smul.u32 $0x5000, s18;
	[dreg:$0x18] =	wrdreg s7  }
0x2f: {  	s17 =	sadd.s32 $0x28, s20;
	s18 =	sadd.s32 s23, s24;
	[dreg:$0x1c] =	wrdreg s6  }
0x30: {  	s4 =	simm.s32 $0x4;
	s3 =	sadd.s32 s3, s22;
	[smem:$0x7F9] =	sst s18  }
0x31: {  	s21 =	sshrl.u32 s17, $0x3;
	s18 =	simm.s32 $0x3;
	s7 =	simm.s32 $0x5  }
0x32: {  	[dreg:$0x19] =	wrdreg s3;
	s5 =	sshrl.u32 s25, $0x2;
	s3 =	sshrl.u32 s9, $0x2  }
0x33: {  	s25 =	sshrl.u32 s10, $0x2;
	s9 =	sshrl.u32 s26, $0x2;
	s24 =	sadd.s32 s23, s21  }
0x34: {  	s26 =	smax.u32 s2, $0x1;
	s21 =	simm.s32 $0xA;
	[smem:$0x7FB] =	sst s24  }
0x35: {  	s5 =	sadd.s32 s5, s22;
	s3 =	sadd.s32 s3, s22;
	[smem:$0x7FD] =	sst s26  }
0x36: {  	s6 =	sadd.s32 s25, s22;
	s25 =	sshll.u32 s17, $0x4;
	[dreg:$0x1b] =	wrdreg s5  }
0x37: {  	s17 =	simm.s32 $0x10;
	s24 =	simm.s32 $0x2780;
	[dreg:$0x1d] =	wrdreg s3  }
0x38: {  	s26 =	simm.s32 $0x2;
	s5 =	sshrl.u32 s11, $0x2;
	[dreg:$0x1e] =	wrdreg s6  }
0x39: {  	s6 =	smul.u32 $0x5000, s15;
	s3 =	sshrl.u32 s14, $0x2;
	s11 =	sshrl.u32 s8, $0x2  }
0x3a: {  	s15 =	sshrl.u32 s12, $0x2;
	s0 =	sadd.s32 s19, s25;
	s12 =	simm.s32 $0x2800  }
0x3b: {  	s25 =	simm.s32 $0x6;
	s5 =	sadd.s32 s5, s22;
	[smem:$0x7FC] =	sst s0  }
0x3c: {  	s8 =	simm.s32 $0xD;
	s3 =	sadd.s32 s3, s22;
	[dreg:$0x1f] =	wrdreg s5  }
0x3d: {  	s14 =	sadd.s32 s11, s22;
	s11 =	simm.s32 $0x28;
	[smem:$0x7F4] =	sst s3  }
0x3e: {  	s10 =	sshrl.u32 s6, $0x2;
	s3 =	sadd.s32 s9, s22;
	[smem:$0x7F7] =	sst s14  }
0x3f: {  	s14 =	simm.s32 $0x3D80;
	s5 =	simm.s32 $0xC;
	s6 =	simm.s32 $0x9  }
0x40: {  	s9 =	simm.s32 $0x0;
	[smem:$0x7F5] =	sst s3;
	s13 =	sadd.s32 s10, s22  }
0x41: {  	s3 =	sadd.s32 s15, s22;
	s15 =	simm.s32 $0x2980;
	[smem:$0x7F6] =	sst s13  }
0x42: {  	v0 =	vimm.f32 $0.0e+00;
	[smem:$0x7F8] =	sst s3;
	s13 =	simm.s32 $0x8D80;
	s3 =	simm.s32 $0x8  }
.LBB2_1:
0x43: {  	s0 =	rddreg [dreg:$0x15]  }
0x44: {  	[tilespmem:s1], [sflag:$0x1] =	stream.linear.gather [hbm4b:s0+s1], $0x2710, $0x38;
	[tilespmem:$0x1DA00] =	vst v63  }
0x45: {  	[smem:$0x7F2] =	sst s9;
	s2 =	simm.s32 $0x200;
	s0 =	simm.s32 $0x0  }
.LBB2_2:
0x46: {  	p1 =	sne.s32 s2, $0x4E00;
	[tilespmem:s0+$0x29F0] =	vst v0  }
0x47: {  	[tilespmem:s0+$0x2980] =	vst v0  }
0x48: {  	[tilespmem:s0+$0x2990] =	vst v0  }
.Ltmp0:
0x49: {  	[tilespmem:s0+$0x29A0] =	vst v0;
	(pc) =	sbr.rel @p1 .LBB2_2-.Ltmp0, $4  }
0x4a: {  	[tilespmem:s0+$0x29B0] =	vst v0  }
0x4b: {  	[tilespmem:s0+$0x29C0] =	vst v0  }
0x4c: {  	[tilespmem:s0+$0x29D0] =	vst v0  }
0x4d: {  	[tilespmem:s0+$0x29E0] =	vst v0;
	s0 =	sshra.s32 s2, $0x2;
	s2 =	sadd.s32 $0x200, s2  }
0x4e: {  	[tilespmem:s0+$0x29F0] =	vst v0  }
0x4f: {  	[tilespmem:s0+$0x2980] =	vst v0  }
0x50: {  	[tilespmem:s0+$0x2990] =	vst v0  }
0x51: {  	[tilespmem:s0+$0x29A0] =	vst v0  }
0x52: {  	[tilespmem:s0+$0x29B0] =	vst v0  }
0x53: {  	[tilespmem:s0+$0x29C0] =	vst v0  }
0x54: {  	[tilespmem:s0+$0x29D0] =	vst v0  }
0x55: {  	[tilespmem:s0+$0x29E0] =	vst v0  }
0x56: {  	[spmem:s28] =	stream.linear.scatter [tilespmem:s15], [sflag:$0x10], $0x1400, $0x38;
	[tilespmem:$0x1DA00] =	vst v63  }
0x57: {  	_ =	swait.ge [sflag:s17], $0x1400  }
0x58: {  	[sflag:s17] =	ssyncset.done $0x0  }
0x59: {  	[sflag:s17] =	ssyncadd.s32 $0xFFFFEC00  }
0x5a: {  	[spmem:s29] =	stream.linear.scatter [tilespmem:s15], [sflag:$0x10], $0x1400, $0x38;
	[tilespmem:$0x1DA00] =	vst v63  }
0x5b: {  	_ =	swait.ge [sflag:s17], $0x1400  }
0x5c: {  	[sflag:s17] =	ssyncset.done $0x0  }
0x5d: {  	s2 =	rddreg [dreg:$0x18];
	[sflag:s17] =	ssyncadd.s32 $0xFFFFEC00  }
0x5e: {  	[spmem:s2] =	stream.linear.scatter [tilespmem:s15], [sflag:$0x10], $0x1400, $0x38;
	[tilespmem:$0x1DA00] =	vst v63  }
0x5f: {  	_ =	swait.ge [sflag:s17], $0x1400  }
0x60: {  	[sflag:s17] =	ssyncset.done $0x0  }
0x61: {  	s9 =	rddreg [dreg:$0x19];
	[sflag:s17] =	ssyncadd.s32 $0xFFFFEC00  }
0x62: {  	[spmem:s9] =	stream.linear.scatter [tilespmem:s15], [sflag:$0x10], $0x1400, $0x38;
	[tilespmem:$0x1DA00] =	vst v63  }
0x63: {  	_ =	swait.ge [sflag:s17], $0x1400  }
0x64: {  	[sflag:s17] =	ssyncset.done $0x0  }
0x65: {  	s10 =	rddreg [dreg:$0x1a];
	[sflag:s17] =	ssyncadd.s32 $0xFFFFEC00  }
0x66: {  	[spmem:s10] =	stream.linear.scatter [tilespmem:s15], [sflag:$0x10], $0x1400, $0x38;
	[tilespmem:$0x1DA00] =	vst v63  }
0x67: {  	_ =	swait.ge [sflag:s17], $0x1400  }
0x68: {  	[sflag:s17] =	ssyncset.done $0x0  }
0x69: {  	s28 =	rddreg [dreg:$0x1b];
	[sflag:s17] =	ssyncadd.s32 $0xFFFFEC00  }
0x6a: {  	[spmem:s28] =	stream.linear.scatter [tilespmem:s15], [sflag:$0x10], $0x1400, $0x38;
	[tilespmem:$0x1DA00] =	vst v63  }
0x6b: {  	_ =	swait.ge [sflag:s17], $0x1400  }
0x6c: {  	[sflag:s17] =	ssyncset.done $0x0  }
0x6d: {  	s29 =	rddreg [dreg:$0x1c];
	[sflag:s17] =	ssyncadd.s32 $0xFFFFEC00  }
0x6e: {  	[spmem:s29] =	stream.linear.scatter [tilespmem:s15], [sflag:$0x10], $0x1400, $0x38;
	[tilespmem:$0x1DA00] =	vst v63  }
0x6f: {  	_ =	swait.ge [sflag:s17], $0x1400  }
0x70: {  	[sflag:s17] =	ssyncset.done $0x0  }
0x71: {  	s2 =	rddreg [dreg:$0x1d];
	[sflag:s17] =	ssyncadd.s32 $0xFFFFEC00  }
0x72: {  	[spmem:s2] =	stream.linear.scatter [tilespmem:s15], [sflag:$0x10], $0x1400, $0x38;
	[tilespmem:$0x1DA00] =	vst v63  }
0x73: {  	_ =	swait.ge [sflag:s17], $0x1400  }
0x74: {  	[sflag:s17] =	ssyncset.done $0x0  }
0x75: {  	s9 =	rddreg [dreg:$0x1e];
	[sflag:s17] =	ssyncadd.s32 $0xFFFFEC00  }
0x76: {  	[spmem:s9] =	stream.linear.scatter [tilespmem:s15], [sflag:$0x10], $0x1400, $0x38;
	[tilespmem:$0x1DA00] =	vst v63  }
0x77: {  	_ =	swait.ge [sflag:s17], $0x1400  }
0x78: {  	[sflag:s17] =	ssyncset.done $0x0  }
0x79: {  	s10 =	rddreg [dreg:$0x1f];
	[sflag:s17] =	ssyncadd.s32 $0xFFFFEC00  }
0x7a: {  	[spmem:s10] =	stream.linear.scatter [tilespmem:s15], [sflag:$0x10], $0x1400, $0x38;
	[tilespmem:$0x1DA00] =	vst v63  }
0x7b: {  	_ =	swait.ge [sflag:s17], $0x1400  }
0x7c: {  	s28 =	sld [smem:$0x7F3]  }
0x7d: {  	[sflag:s17] =	ssyncset.done $0x0  }
0x7e: {  	[sflag:s17] =	ssyncadd.s32 $0xFFFFEC00  }
0x7f: {  	[spmem:s28] =	stream.linear.scatter [tilespmem:s15], [sflag:$0x10], $0x1400, $0x38;
	[tilespmem:$0x1DA00] =	vst v63  }
0x80: {  	_ =	swait.ge [sflag:s17], $0x1400  }
0x81: {  	s29 =	sld [smem:$0x7F4]  }
0x82: {  	[sflag:s17] =	ssyncset.done $0x0  }
0x83: {  	[sflag:s17] =	ssyncadd.s32 $0xFFFFEC00  }
0x84: {  	[spmem:s29] =	stream.linear.scatter [tilespmem:s15], [sflag:$0x10], $0x1400, $0x38;
	[tilespmem:$0x1DA00] =	vst v63  }
0x85: {  	_ =	swait.ge [sflag:s17], $0x1400  }
0x86: {  	s2 =	sld [smem:$0x7F5]  }
0x87: {  	[sflag:s17] =	ssyncset.done $0x0  }
0x88: {  	[sflag:s17] =	ssyncadd.s32 $0xFFFFEC00  }
0x89: {  	[spmem:s2] =	stream.linear.scatter [tilespmem:s15], [sflag:$0x10], $0x1400, $0x38;
	[tilespmem:$0x1DA00] =	vst v63  }
0x8a: {  	_ =	swait.ge [sflag:s17], $0x1400  }
0x8b: {  	s9 =	sld [smem:$0x7F6]  }
0x8c: {  	[sflag:s17] =	ssyncset.done $0x0  }
0x8d: {  	[sflag:s17] =	ssyncadd.s32 $0xFFFFEC00  }
0x8e: {  	[spmem:s9] =	stream.linear.scatter [tilespmem:s15], [sflag:$0x10], $0x1400, $0x38;
	[tilespmem:$0x1DA00] =	vst v63  }
0x8f: {  	_ =	swait.ge [sflag:s17], $0x1400  }
0x90: {  	s10 =	sld [smem:$0x7F7]  }
0x91: {  	[sflag:s17] =	ssyncset.done $0x0  }
0x92: {  	[sflag:s17] =	ssyncadd.s32 $0xFFFFEC00  }
0x93: {  	[spmem:s10] =	stream.linear.scatter [tilespmem:s15], [sflag:$0x10], $0x1400, $0x38;
	[tilespmem:$0x1DA00] =	vst v63  }
0x94: {  	_ =	swait.ge [sflag:s17], $0x1400  }
0x95: {  	s2 =	sld [smem:$0x7F8]  }
0x96: {  	[sflag:s17] =	ssyncset.done $0x0  }
0x97: {  	s0 =	simm.s32 @!p0 $0x2980;
	[sflag:s17] =	ssyncadd.s32 $0xFFFFEC00  }
0x98: {  	[spmem:s2] =	stream.linear.scatter @!p0 [tilespmem:s0], [sflag:$0x10], $0x1400, $0x38;
	[tilespmem:$0x1DA00] =	vst v63  }
0x99: {  	s0 =	simm.s32 @!p0 $0x10  }
0x9a: {  	_ =	swait.ge @!p0 [sflag:s0], $0x1400  }
0x9b: {  	[sflag:s0] =	ssyncset.done @!p0 $0x0  }
0x9c: {  	s28 =	simm.s32 $0x1;
	[sflag:s0] =	ssyncadd.s32 @!p0 $0xFFFFEC00  }
0x9d: {  	_ =	swait.ge [sflag:s28], $0x2710  }
0x9e: {  	[sflag:s28] =	ssyncset.done $0x0  }
0x9f: {  	[sflag:s28] =	ssyncadd.s32 $0xFFFFD8F0  }
0xa0: {  	[bflag:$0x0] =	sbarrier.arrive $0xFFFF  }
0xa1: {  	s29 =	sld [smem:$0x7F9];
	_ =	sdelay $0x1  }
0xa2: {  	s9 =	simm.s32 $0x0;
	s2 =	sld [smem:$0x7FA]  }
0xa3: {  	[tilespmem:s24], [sflag:$0x2] =	stream.linear.gather [hbm4b:s29+s9], $0x28, $0x38;
	[tilespmem:$0x1DA00] =	vst v63  }
0xa4: {  	s10 =	simm.s32 $0x7980  }
0xa5: {  	[tilespmem:s10], [sflag:$0xA] =	stream.linear.gather [hbm4b:s2+s9], $0x1400, $0x38;
	[tilespmem:$0x1DA00] =	vst v63  }
0xa6: {  	s28 =	sld [smem:$0x7FB]  }
0xa7: {  	[tilespmem:s15], [sflag:$0x6] =	stream.indirect.gather [hbm4b:s16+s11], $0x80, s9, s11, $0xb8;
	[tilespmem:$0x1DA00] =	vst v63  }
0xa8: {  	s29 =	sld [smem:$0x7FC]  }
0xa9: {  	[tilespmem:s12], [sflag:$0x3] =	stream.linear.gather [hbm4b:s28+s9], $0x28, $0x38;
	[tilespmem:$0x1DA00] =	vst v63  }
0xaa: {  	_ = 	snop  }
0xab: {  	[tilespmem:s13], [sflag:$0xB] =	stream.linear.gather [hbm4b:s29+s9], $0x1400, $0x38;
	[tilespmem:$0x1DA00] =	vst v63  }
0xac: {  	_ = 	snop  }
0xad: {  	[tilespmem:s14], [sflag:$0x7] =	stream.indirect.gather [hbm4b:s16+s11], $0x80, s11, s11, $0xb8;
	[tilespmem:$0x1DA00] =	vst v63  }
.LBB2_4:
0xae: {  	_ =	swait.ge [sflag:s21], $0x1400  }
0xaf: {  	[sflag:s21] =	ssyncset.done $0x0  }
0xb0: {  	[sflag:s21] =	ssyncadd.s32 $0xFFFFEC00  }
0xb1: {  	_ =	swait.ge [sflag:s25], $0x1400  }
0xb2: {  	[sflag:s25] =	ssyncset.done $0x0  }
0xb3: {  	s28 =	simm.s32 $0x2B80;
	[sflag:s25] =	ssyncadd.s32 $0xFFFFEC00  }
0xb4: {  	s29 =	simm.s32 $0x7B80;
	v1 =	vld [tilespmem:s28+$0x180]  }
0xb5: {  	v2 =	vld [tilespmem:s29+$0x180]  }
0xb6: {  	v3 =	vld [tilespmem:s29+$0xFFFFFE00]  }
0xb7: {  	v4 =	vld [tilespmem:s28+$0xFFFFFE80]  }
0xb8: {  	v5 =	vld [tilespmem:s29+$0xFFFFFE80]  }
0xb9: {  	v6 =	vld [tilespmem:s28+$0xFFFFFF00]  }
0xba: {  	v7 =	vld [tilespmem:s29+$0xFFFFFF00]  }
0xbb: {  	v8 =	vld [tilespmem:s29+$0xFFFFFF80]  }
0xbc: {  	v10 =	vld [tilespmem:s28+$0x0]  }
0xbd: {  	v11 =	vld [tilespmem:s29+$0x0]  }
0xbe: {  	v12 =	vld [tilespmem:s28+$0x80]  }
0xbf: {  	v13 =	vld [tilespmem:s29+$0x80]  }
0xc0: {  	v14 =	vld [tilespmem:s28+$0x100]  }
0xc1: {  	v41 =	vld [tilespmem:s28+$0xFFFFFF10]  }
0xc2: {  	v42 =	vld [tilespmem:s28+$0xFFFFFF90]  }
0xc3: {  	v43 =	vld [tilespmem:s28+$0x10]  }
0xc4: {  	v44 =	vld [tilespmem:s28+$0xFFFFFF20]  }
0xc5: {  	v45 =	vld [tilespmem:s28+$0xFFFFFFA0]  }
0xc6: {  	v46 =	vld [tilespmem:s28+$0x20]  }
0xc7: {  	v15 =	vld [tilespmem:s28+$0xA0]  }
0xc8: {  	v47 =	vld [tilespmem:s28+$0xFFFFFF30]  }
0xc9: {  	v48 =	vld [tilespmem:s28+$0xFFFFFFB0]  }
0xca: {  	v49 =	vld [tilespmem:s28+$0x30]  }
0xcb: {  	v51 =	vld [tilespmem:s28+$0xFFFFFFC0]  }
0xcc: {  	v52 =	vld [tilespmem:s28+$0x40];
	v1 =	vmul.f32 v2, v1  }
0xcd: {  	v53 =	vld [tilespmem:s28+$0xC0]  }
0xce: {  	[tilespmem:s28+$0x180] =	vst v1;
	v1 =	vld [tilespmem:s28+$0x190]  }
0xcf: {  	v2 =	vld [tilespmem:s29+$0x190]  }
0xd0: {  	v54 =	vld [tilespmem:s28+$0xFFFFFF50]  }
0xd1: {  	v55 =	vld [tilespmem:s28+$0xFFFFFFD0]  }
0xd2: {  	v56 =	vld [tilespmem:s28+$0xD0]  }
0xd3: {  	v57 =	vld [tilespmem:s28+$0xFFFFFE60]  }
0xd4: {  	v58 =	vld [tilespmem:s28+$0xFFFFFFE0];
	v1 =	vmul.f32 v2, v1  }
0xd5: {  	v59 =	vld [tilespmem:s28+$0x60]  }
0xd6: {  	[tilespmem:s28+$0x190] =	vst v1;
	v1 =	vld [tilespmem:s28+$0x1A0]  }
0xd7: {  	v9 =	vld [tilespmem:s29+$0x1A0]  }
0xd8: {  	v4 =	vmul.f32 v5, v4;
	v5 =	vld [tilespmem:s28+$0xFFFFFE00]  }
0xd9: {  	v60 =	vld [tilespmem:s28+$0xE0]  }
0xda: {  	v2 =	vld [tilespmem:s28+$0xFFFFFF80]  }
0xdb: {  	v61 =	vld [tilespmem:s28+$0xFFFFFE70]  }
0xdc: {  	v1 =	vmul.f32 v9, v1;
	v9 =	vld [tilespmem:s29+$0x100]  }
0xdd: {  	v63 =	vld [tilespmem:s28+$0xFFFFFEF0];
	[tilespmem:s28+$0xFFFFFE80] =	vst v4;
	v3 =	vmul.f32 v3, v5  }
0xde: {  	[tilespmem:s28+$0x1A0] =	vst v1;
	v1 =	vmul.f32 v7, v6;
	v6 =	vld [tilespmem:s28+$0x1B0]  }
0xdf: {  	[tilespmem:s28+$0xFFFFFE00] =	vst v3;
	v2 =	vmul.f32 v8, v2;
	v4 =	vld [tilespmem:s29+$0x1B0]  }
0xe0: {  	v7 =	vld [tilespmem:s29+$0xFFFFFE90];
	[tilespmem:s28+$0xFFFFFF00] =	vst v1;
	v1 =	vmul.f32 v11, v10  }
0xe1: {  	[tilespmem:s28+$0xFFFFFF80] =	vst v2;
	v10 =	vld [tilespmem:s28+$0xFFFFFE10];
	v5 =	vmul.f32 v9, v14  }
0xe2: {  	v2 =	vmul.f32 v13, v12;
	[tilespmem:s28+$0x0] =	vst v1;
	v1 =	vld [tilespmem:s29+$0xFFFFFF90]  }
0xe3: {  	[tilespmem:s28+$0x100] =	vst v5;
	v5 =	vld [tilespmem:s29+$0xFFFFFE10]  }
0xe4: {  	[tilespmem:s28+$0x80] =	vst v2;
	v2 =	vld [tilespmem:s29+$0x10];
	v4 =	vmul.f32 v4, v6  }
0xe5: {  	v6 =	vld [tilespmem:s29+$0x110]  }
0xe6: {  	[tilespmem:s28+$0x1B0] =	vst v4;
	v4 =	vld [tilespmem:s28+$0x1C0]  }
0xe7: {  	v9 =	vld [tilespmem:s29+$0x1C0]  }
0xe8: {  	v5 =	vmul.f32 v5, v10;
	v10 =	vld [tilespmem:s28+$0x110]  }
0xe9: {  	v3 =	vld [tilespmem:s29+$0x90]  }
0xea: {  	v11 =	vld [tilespmem:s28+$0xFFFFFE90];
	v1 =	vmul.f32 v1, v42  }
0xeb: {  	v8 =	vld [tilespmem:s29+$0xFFFFFF10];
	v2 =	vmul.f32 v2, v43  }
0xec: {  	[tilespmem:s28+$0xFFFFFF90] =	vst v1;
	v4 =	vmul.f32 v9, v4;
	v9 =	vld [tilespmem:s28+$0x90]  }
0xed: {  	[tilespmem:s28+$0x10] =	vst v2;
	v2 =	vmul.f32 v6, v10;
	v6 =	vld [tilespmem:s29+$0xFFFFFFA0]  }
0xee: {  	v10 =	vld [tilespmem:s28+$0xFFFFFE20]  }
0xef: {  	[tilespmem:s28+$0x1C0] =	vst v4;
	v4 =	vmul.f32 v7, v11;
	v7 =	vld [tilespmem:s28+$0x1D0]  }
0xf0: {  	v11 =	vld [tilespmem:s28+$0xFFFFFEA0]  }
0xf1: {  	[tilespmem:s28+$0xFFFFFE10] =	vst v5;
	v5 =	vmul.f32 v8, v41;
	v8 =	vld [tilespmem:s29+$0x1D0]  }
0xf2: {  	[tilespmem:s28+$0xFFFFFE90] =	vst v4;
	v4 =	vld [tilespmem:s29+$0xFFFFFE20]  }
0xf3: {  	[tilespmem:s28+$0xFFFFFF10] =	vst v5;
	v5 =	vld [tilespmem:s29+$0xFFFFFEA0];
	v1 =	vmul.f32 v3, v9  }
0xf4: {  	v3 =	vld [tilespmem:s29+$0xFFFFFF20]  }
0xf5: {  	v9 =	vld [tilespmem:s29+$0x20];
	[tilespmem:s28+$0x90] =	vst v1  }
0xf6: {  	[tilespmem:s28+$0x110] =	vst v2;
	v1 =	vmul.f32 v8, v7;
	v7 =	vld [tilespmem:s29+$0xA0]  }
0xf7: {  	v8 =	vld [tilespmem:s29+$0x120]  }
0xf8: {  	[tilespmem:s28+$0x1D0] =	vst v1;
	v1 =	vld [tilespmem:s28+$0x1E0];
	v5 =	vmul.f32 v5, v11  }
0xf9: {  	v3 =	vmul.f32 v3, v44;
	v2 =	vld [tilespmem:s29+$0x1E0]  }
0xfa: {  	v11 =	vld [tilespmem:s28+$0xFFFFFEB0];
	[tilespmem:s28+$0xFFFFFEA0] =	vst v5;
	v5 =	vmul.f32 v6, v45  }
0xfb: {  	[tilespmem:s28+$0xFFFFFF20] =	vst v3;
	v3 =	vmul.f32 v9, v46;
	v9 =	vld [tilespmem:s29+$0xFFFFFEB0]  }
0xfc: {  	[tilespmem:s28+$0xFFFFFFA0] =	vst v5;
	v5 =	vmul.f32 v7, v15;
	v7 =	vld [tilespmem:s29+$0xFFFFFF30]  }
0xfd: {  	[tilespmem:s28+$0x20] =	vst v3;
	v3 =	vld [tilespmem:s29+$0xFFFFFFB0]  }
0xfe: {  	v1 =	vmul.f32 v2, v1;
	v2 =	vmul.f32 v4, v10;
	v4 =	vld [tilespmem:s28+$0x120]  }
0xff: {  	[tilespmem:s28+$0xA0] =	vst v5;
	v5 =	vld [tilespmem:s29+$0x30]  }
0x100: {  	[tilespmem:s28+$0x1E0] =	vst v1;
	v1 =	vld [tilespmem:s28+$0x1F0]  }
0x101: {  	v9 =	vmul.f32 v9, v11;
	v11 =	vld [tilespmem:s28+$0x130]  }
0x102: {  	[tilespmem:s28+$0xFFFFFE20] =	vst v2;
	v2 =	vld [tilespmem:s29+$0x1F0]  }
0x103: {  	v6 =	vld [tilespmem:s29+$0xFFFFFE30];
	v4 =	vmul.f32 v8, v4  }
0x104: {  	v8 =	vld [tilespmem:s29+$0xB0]  }
0x105: {  	v7 =	vmul.f32 v7, v47;
	[tilespmem:s28+$0x120] =	vst v4;
	v4 =	vld [tilespmem:s28+$0xFFFFFE30]  }
0x106: {  	[tilespmem:s28+$0xFFFFFEB0] =	vst v9;
	v10 =	vld [tilespmem:s29+$0x130]  }
0x107: {  	v9 =	vld [tilespmem:s29+$0xFFFFFEC0];
	[tilespmem:s28+$0xFFFFFF30] =	vst v7;
	v1 =	vmul.f32 v2, v1  }
0x108: {  	v7 =	vld [tilespmem:s29+$0xFFFFFF40]  }
0x109: {  	v5 =	vmul.f32 v5, v49;
	[tilespmem:s28+$0x1F0] =	vst v1;
	v1 =	vld [tilespmem:s28+$0xF0]  }
0x10a: {  	v4 =	vmul.f32 v6, v4;
	v6 =	vld [tilespmem:s28+$0xB0]  }
0x10b: {  	[tilespmem:s28+$0x30] =	vst v5;
	v5 =	vmul.f32 v10, v11;
	v11 =	vld [tilespmem:s28+$0xFFFFFF40]  }
0x10c: {  	[tilespmem:s28+$0xFFFFFE30] =	vst v4;
	v4 =	vld [tilespmem:s28+$0xFFFFFE40]  }
0x10d: {  	v50 =	vld [tilespmem:s29+$0xFFFFFE40]  }
0x10e: {  	v3 =	vmul.f32 v3, v48;
	v10 =	vld [tilespmem:s28+$0xFFFFFEC0];
	[tilespmem:s28+$0x130] =	vst v5  }
0x10f: {  	v5 =	vld [tilespmem:s29+$0x140]  }
0x110: {  	[tilespmem:s28+$0xFFFFFFB0] =	vst v3;
	v3 =	vmul.f32 v8, v6;
	v8 =	vld [tilespmem:s29+$0x40]  }
0x111: {  	v6 =	vld [tilespmem:s29+$0xFFFFFFC0];
	v7 =	vmul.f32 v7, v11  }
0x112: {  	v11 =	vld [tilespmem:s28+$0xFFFFFE50];
	[tilespmem:s28+$0xB0] =	vst v3;
	v4 =	vmul.f32 v50, v4  }
0x113: {  	v3 =	vld [tilespmem:s29+$0xC0];
	[tilespmem:s28+$0xFFFFFF40] =	vst v7  }
0x114: {  	[tilespmem:s28+$0xFFFFFE40] =	vst v4;
	v4 =	vmul.f32 v9, v10;
	v9 =	vld [tilespmem:s28+$0x140]  }
0x115: {  	v7 =	vmul.f32 v8, v52;
	v8 =	vld [tilespmem:s29+$0xFFFFFF50]  }
0x116: {  	v10 =	vld [tilespmem:s29+$0xFFFFFE50];
	[tilespmem:s28+$0xFFFFFEC0] =	vst v4;
	v4 =	vmul.f32 v6, v51  }
0x117: {  	[tilespmem:s28+$0x40] =	vst v7;
	v6 =	vld [tilespmem:s29+$0xFFFFFED0]  }
0x118: {  	v3 =	vmul.f32 v3, v53;
	v7 =	vld [tilespmem:s29+$0x50];
	[tilespmem:s28+$0xFFFFFFC0] =	vst v4  }
0x119: {  	v4 =	vld [tilespmem:s29+$0xFFFFFFD0]  }
0x11a: {  	v5 =	vmul.f32 v5, v9;
	[tilespmem:s28+$0xC0] =	vst v3;
	v9 =	vld [tilespmem:s28+$0xFFFFFED0]  }
0x11b: {  	v8 =	vmul.f32 v8, v54;
	v3 =	vld [tilespmem:s29+$0xD0]  }
0x11c: {  	v10 =	vmul.f32 v10, v11;
	v11 =	vld [tilespmem:s28+$0x50];
	[tilespmem:s28+$0x140] =	vst v5  }
0x11d: {  	[tilespmem:s28+$0xFFFFFF50] =	vst v8;
	v5 =	vld [tilespmem:s29+$0x150]  }
0x11e: {  	[tilespmem:s28+$0xFFFFFE50] =	vst v10;
	v8 =	vld [tilespmem:s29+$0xFFFFFF60]  }
0x11f: {  	v10 =	vld [tilespmem:s29+$0xFFFFFE60];
	v6 =	vmul.f32 v6, v9  }
0x120: {  	v9 =	vld [tilespmem:s28+$0x150];
	v4 =	vmul.f32 v4, v55  }
0x121: {  	v7 =	vmul.f32 v7, v11;
	v11 =	vld [tilespmem:s28+$0xFFFFFF60];
	[tilespmem:s28+$0xFFFFFED0] =	vst v6  }
0x122: {  	[tilespmem:s28+$0xFFFFFFD0] =	vst v4;
	v6 =	vld [tilespmem:s29+$0xFFFFFEE0]  }
0x123: {  	v3 =	vmul.f32 v3, v56;
	v4 =	vld [tilespmem:s29+$0xFFFFFFE0];
	[tilespmem:s28+$0x50] =	vst v7  }
0x124: {  	v7 =	vld [tilespmem:s29+$0x60]  }
0x125: {  	[tilespmem:s28+$0xD0] =	vst v3;
	v10 =	vmul.f32 v10, v57;
	v5 =	vmul.f32 v5, v9;
	v9 =	vld [tilespmem:s28+$0xFFFFFEE0]  }
0x126: {  	v3 =	vld [tilespmem:s29+$0xE0]  }
0x127: {  	[tilespmem:s28+$0xFFFFFE60] =	vst v10;
	v10 =	vld [tilespmem:s28+$0xFFFFFF70]  }
0x128: {  	v8 =	vmul.f32 v8, v11;
	[tilespmem:s28+$0x150] =	vst v5;
	v11 =	vld [tilespmem:s29+$0xFFFFFE70];
	v4 =	vmul.f32 v4, v58  }
0x129: {  	v5 =	vld [tilespmem:s29+$0x160]  }
0x12a: {  	v6 =	vmul.f32 v6, v9;
	v9 =	vld [tilespmem:s28+$0x160];
	[tilespmem:s28+$0xFFFFFFE0] =	vst v4  }
0x12b: {  	[tilespmem:s28+$0xFFFFFF60] =	vst v8;
	v3 =	vmul.f32 v3, v60;
	v4 =	vld [tilespmem:s29+$0xFFFFFFF0]  }
0x12c: {  	[tilespmem:s28+$0xFFFFFEE0] =	vst v6;
	v6 =	vmul.f32 v7, v59;
	v7 =	vld [tilespmem:s29+$0xFFFFFF70]  }
0x12d: {  	[tilespmem:s28+$0xE0] =	vst v3;
	v62 =	vld [tilespmem:s29+$0xFFFFFEF0]  }
0x12e: {  	[tilespmem:s28+$0x60] =	vst v6;
	v6 =	vld [tilespmem:s29+$0xF0]  }
0x12f: {  	v8 =	vmul.f32 v5, v9;
	v5 =	vld [tilespmem:s29+$0x70]  }
0x130: {  	v2 =	vmul.f32 v11, v61;
	v9 =	vld [tilespmem:s28+$0xFFFFFFF0]  }
0x131: {  	[tilespmem:s28+$0x160] =	vst v8;
	v8 =	vld [tilespmem:s28+$0x70]  }
0x132: {  	[tilespmem:s28+$0xFFFFFE70] =	vst v2;
	v2 =	vld [tilespmem:s28+$0x170]  }
0x133: {  	s0 =	simm.s32 $0x0;
	s2 =	simm.s32 $0x2F80;
	v3 =	vld [tilespmem:s29+$0x170];
	v11 =	vmul.f32 v62, v63  }
.LBB2_5:
0x134: {  	v12 =	vld [tilespmem:s2+$0x180];
	v7 =	vmul.f32 v7, v10;
	s29 =	sadd.s32 $0x400, s29  }
0x135: {  	s0 =	sadd.s32 $0x8, s0;
	v10 =	vld [tilespmem:s29+$0x180];
	[tilespmem:s28+$0xFFFFFEF0] =	vst v11;
	v4 =	vmul.f32 v4, v9  }
0x136: {  	p1 =	slt.u32 s0, $0x20;
	v9 =	vld [tilespmem:s29+$0xFFFFFE00];
	[tilespmem:s28+$0xFFFFFF70] =	vst v7;
	v5 =	vmul.f32 v5, v8  }
0x137: {  	v7 =	vld [tilespmem:s2+$0xFFFFFE80];
	[tilespmem:s28+$0xFFFFFFF0] =	vst v4;
	v1 =	vmul.f32 v6, v1  }
0x138: {  	v4 =	vld [tilespmem:s29+$0xFFFFFE80];
	[tilespmem:s28+$0x70] =	vst v5;
	v2 =	vmul.f32 v3, v2  }
0x139: {  	v3 =	vld [tilespmem:s2+$0xFFFFFF00];
	[tilespmem:s28+$0xF0] =	vst v1  }
0x13a: {  	v1 =	vld [tilespmem:s29+$0xFFFFFF00];
	v5 =	vmul.f32 v10, v12;
	[tilespmem:s28+$0x170] =	vst v2;
	s28 =	smov.u32 s2  }
0x13b: {  	v2 =	vld [tilespmem:s2+$0xFFFFFF80]  }
0x13c: {  	[tilespmem:s2+$0x180] =	vst v5;
	v5 =	vld [tilespmem:s2+$0x190]  }
0x13d: {  	v4 =	vmul.f32 v4, v7;
	v6 =	vld [tilespmem:s29+$0x190]  }
0x13e: {  	v7 =	vld [tilespmem:s29+$0xFFFFFF80]  }
0x13f: {  	[tilespmem:s2+$0xFFFFFE80] =	vst v4;
	v1 =	vmul.f32 v1, v3;
	v3 =	vld [tilespmem:s2+$0x0]  }
0x140: {  	v4 =	vld [tilespmem:s29+$0x0]  }
0x141: {  	[tilespmem:s2+$0xFFFFFF00] =	vst v1;
	v1 =	vld [tilespmem:s2+$0x80]  }
0x142: {  	v8 =	vld [tilespmem:s29+$0x80];
	v5 =	vmul.f32 v6, v5  }
0x143: {  	v2 =	vmul.f32 v7, v2;
	v6 =	vld [tilespmem:s2+$0x100]  }
0x144: {  	[tilespmem:s2+$0x190] =	vst v5;
	v5 =	vld [tilespmem:s2+$0x1A0]  }
0x145: {  	[tilespmem:s2+$0xFFFFFF80] =	vst v2;
	v2 =	vmul.f32 v4, v3;
	v3 =	vld [tilespmem:s29+$0x1A0]  }
0x146: {  	v4 =	vld [tilespmem:s29+$0x100]  }
0x147: {  	v7 =	vld [tilespmem:s2+$0xFFFFFE00];
	[tilespmem:s2+$0x0] =	vst v2;
	v1 =	vmul.f32 v8, v1  }
0x148: {  	v2 =	vld [tilespmem:s29+$0xFFFFFE90]  }
0x149: {  	v8 =	vld [tilespmem:s29+$0xFFFFFF10];
	[tilespmem:s2+$0x80] =	vst v1  }
0x14a: {  	v1 =	vld [tilespmem:s29+$0xFFFFFF90];
	v3 =	vmul.f32 v3, v5  }
0x14b: {  	v5 =	vld [tilespmem:s29+$0x10];
	v4 =	vmul.f32 v4, v6  }
0x14c: {  	v6 =	vmul.f32 v9, v7;
	[tilespmem:s2+$0x1A0] =	vst v3;
	v3 =	vld [tilespmem:s2+$0x1B0]  }
0x14d: {  	[tilespmem:s2+$0x100] =	vst v4;
	v4 =	vld [tilespmem:s29+$0x1B0]  }
0x14e: {  	[tilespmem:s2+$0xFFFFFE00] =	vst v6;
	v6 =	vld [tilespmem:s29+$0x90]  }
0x14f: {  	v7 =	vld [tilespmem:s29+$0xFFFFFE10]  }
0x150: {  	v9 =	vld [tilespmem:s29+$0x110]  }
0x151: {  	v10 =	vld [tilespmem:s2+$0xFFFFFE10]  }
0x152: {  	v11 =	vld [tilespmem:s2+$0xFFFFFE90];
	v3 =	vmul.f32 v4, v3  }
0x153: {  	v4 =	vld [tilespmem:s2+$0xFFFFFF10]  }
0x154: {  	[tilespmem:s2+$0x1B0] =	vst v3;
	v3 =	vld [tilespmem:s2+$0x1C0]  }
0x155: {  	v12 =	vld [tilespmem:s29+$0x1C0]  }
0x156: {  	v7 =	vmul.f32 v7, v10;
	v10 =	vld [tilespmem:s2+$0xFFFFFF90]  }
0x157: {  	v2 =	vmul.f32 v2, v11;
	v11 =	vld [tilespmem:s2+$0x10]  }
0x158: {  	[tilespmem:s2+$0xFFFFFE10] =	vst v7;
	v4 =	vmul.f32 v8, v4;
	v7 =	vld [tilespmem:s2+$0x90]  }
0x159: {  	[tilespmem:s2+$0xFFFFFE90] =	vst v2;
	v2 =	vld [tilespmem:s2+$0x110]  }
0x15a: {  	v8 =	vld [tilespmem:s29+$0xFFFFFE20];
	[tilespmem:s2+$0xFFFFFF10] =	vst v4;
	v3 =	vmul.f32 v12, v3  }
0x15b: {  	v4 =	vld [tilespmem:s29+$0xFFFFFEA0];
	v1 =	vmul.f32 v1, v10  }
0x15c: {  	v5 =	vmul.f32 v5, v11;
	[tilespmem:s2+$0x1C0] =	vst v3;
	v3 =	vld [tilespmem:s2+$0x1D0]  }
0x15d: {  	[tilespmem:s2+$0xFFFFFF90] =	vst v1;
	v1 =	vmul.f32 v6, v7;
	v6 =	vld [tilespmem:s29+$0x1D0]  }
0x15e: {  	v7 =	vld [tilespmem:s29+$0xFFFFFF20];
	[tilespmem:s2+$0x10] =	vst v5;
	v2 =	vmul.f32 v9, v2  }
0x15f: {  	v5 =	vld [tilespmem:s29+$0xFFFFFFA0];
	[tilespmem:s2+$0x90] =	vst v1  }
0x160: {  	v1 =	vld [tilespmem:s29+$0x20];
	[tilespmem:s2+$0x110] =	vst v2  }
0x161: {  	v2 =	vld [tilespmem:s29+$0xA0]  }
0x162: {  	v9 =	vld [tilespmem:s29+$0x120];
	v3 =	vmul.f32 v6, v3  }
0x163: {  	v6 =	vld [tilespmem:s2+$0xFFFFFE20]  }
0x164: {  	[tilespmem:s2+$0x1D0] =	vst v3;
	v3 =	vld [tilespmem:s2+$0x1E0]  }
0x165: {  	v10 =	vld [tilespmem:s29+$0x1E0]  }
0x166: {  	v11 =	vld [tilespmem:s2+$0xFFFFFEA0]  }
0x167: {  	v12 =	vld [tilespmem:s2+$0xFFFFFF20]  }
0x168: {  	v6 =	vmul.f32 v8, v6;
	v8 =	vld [tilespmem:s2+$0xFFFFFFA0]  }
0x169: {  	v13 =	vld [tilespmem:s2+$0x20]  }
0x16a: {  	[tilespmem:s2+$0xFFFFFE20] =	vst v6;
	v6 =	vld [tilespmem:s2+$0xA0];
	v3 =	vmul.f32 v10, v3  }
0x16b: {  	v4 =	vmul.f32 v4, v11;
	v10 =	vld [tilespmem:s2+$0x120]  }
0x16c: {  	v7 =	vmul.f32 v7, v12;
	[tilespmem:s2+$0x1E0] =	vst v3;
	v3 =	vld [tilespmem:s2+$0x1F0]  }
0x16d: {  	[tilespmem:s2+$0xFFFFFEA0] =	vst v4;
	v4 =	vmul.f32 v5, v8;
	v5 =	vld [tilespmem:s29+$0x1F0]  }
0x16e: {  	v8 =	vld [tilespmem:s29+$0xFFFFFE30];
	[tilespmem:s2+$0xFFFFFF20] =	vst v7;
	v1 =	vmul.f32 v1, v13  }
0x16f: {  	v7 =	vld [tilespmem:s29+$0xFFFFFEB0];
	[tilespmem:s2+$0xFFFFFFA0] =	vst v4;
	v2 =	vmul.f32 v2, v6  }
0x170: {  	v4 =	vld [tilespmem:s29+$0xFFFFFF30];
	[tilespmem:s2+$0x20] =	vst v1;
	v1 =	vmul.f32 v9, v10  }
0x171: {  	v6 =	vld [tilespmem:s29+$0xFFFFFFB0];
	[tilespmem:s2+$0xA0] =	vst v2  }
0x172: {  	v2 =	vld [tilespmem:s29+$0x30];
	[tilespmem:s2+$0x120] =	vst v1;
	v1 =	vmul.f32 v5, v3  }
0x173: {  	v3 =	vld [tilespmem:s29+$0xB0]  }
0x174: {  	v5 =	vld [tilespmem:s29+$0x130];
	[tilespmem:s2+$0x1F0] =	vst v1  }
0x175: {  	v1 =	vld [tilespmem:s2+$0xFFFFFE30]  }
0x176: {  	v9 =	vld [tilespmem:s2+$0xFFFFFEB0]  }
0x177: {  	v10 =	vld [tilespmem:s2+$0xFFFFFF30]  }
0x178: {  	v11 =	vld [tilespmem:s2+$0xFFFFFFB0]  }
0x179: {  	v12 =	vld [tilespmem:s2+$0x30]  }
0x17a: {  	v1 =	vmul.f32 v8, v1;
	v8 =	vld [tilespmem:s2+$0xB0]  }
0x17b: {  	v7 =	vmul.f32 v7, v9;
	v9 =	vld [tilespmem:s2+$0x130]  }
0x17c: {  	[tilespmem:s2+$0xFFFFFE30] =	vst v1;
	v1 =	vld [tilespmem:s2+$0xFFFFFE40];
	v4 =	vmul.f32 v4, v10  }
0x17d: {  	v10 =	vld [tilespmem:s29+$0xFFFFFE40];
	[tilespmem:s2+$0xFFFFFEB0] =	vst v7;
	v6 =	vmul.f32 v6, v11  }
0x17e: {  	v7 =	vld [tilespmem:s29+$0xFFFFFEC0];
	[tilespmem:s2+$0xFFFFFF30] =	vst v4;
	v2 =	vmul.f32 v2, v12  }
0x17f: {  	v4 =	vld [tilespmem:s29+$0xFFFFFF40];
	[tilespmem:s2+$0xFFFFFFB0] =	vst v6;
	v3 =	vmul.f32 v3, v8  }
0x180: {  	v6 =	vld [tilespmem:s29+$0xFFFFFFC0];
	[tilespmem:s2+$0x30] =	vst v2;
	v2 =	vmul.f32 v5, v9  }
0x181: {  	v5 =	vld [tilespmem:s29+$0x40];
	[tilespmem:s2+$0xB0] =	vst v3  }
0x182: {  	v1 =	vmul.f32 v10, v1;
	v3 =	vld [tilespmem:s29+$0xC0];
	[tilespmem:s2+$0x130] =	vst v2  }
0x183: {  	v2 =	vld [tilespmem:s29+$0x140]  }
0x184: {  	[tilespmem:s2+$0xFFFFFE40] =	vst v1;
	v1 =	vld [tilespmem:s2+$0xFFFFFEC0]  }
0x185: {  	v8 =	vld [tilespmem:s2+$0xFFFFFF40]  }
0x186: {  	v9 =	vld [tilespmem:s2+$0xFFFFFFC0]  }
0x187: {  	v10 =	vld [tilespmem:s2+$0x40]  }
0x188: {  	v11 =	vld [tilespmem:s2+$0xC0]  }
0x189: {  	v1 =	vmul.f32 v7, v1;
	v7 =	vld [tilespmem:s2+$0x140]  }
0x18a: {  	v12 =	vld [tilespmem:s29+$0xFFFFFE50];
	v4 =	vmul.f32 v4, v8  }
0x18b: {  	v8 =	vld [tilespmem:s2+$0xFFFFFE50];
	[tilespmem:s2+$0xFFFFFEC0] =	vst v1;
	v1 =	vmul.f32 v6, v9  }
0x18c: {  	v6 =	vld [tilespmem:s29+$0xFFFFFED0];
	[tilespmem:s2+$0xFFFFFF40] =	vst v4;
	v4 =	vmul.f32 v5, v10  }
0x18d: {  	v5 =	vld [tilespmem:s29+$0xFFFFFF50];
	[tilespmem:s2+$0xFFFFFFC0] =	vst v1;
	v1 =	vmul.f32 v3, v11  }
0x18e: {  	v3 =	vld [tilespmem:s29+$0xFFFFFFD0];
	[tilespmem:s2+$0x40] =	vst v4;
	v2 =	vmul.f32 v2, v7  }
0x18f: {  	v4 =	vld [tilespmem:s29+$0x50];
	[tilespmem:s2+$0xC0] =	vst v1  }
0x190: {  	v1 =	vmul.f32 v12, v8;
	v7 =	vld [tilespmem:s29+$0xD0];
	[tilespmem:s2+$0x140] =	vst v2  }
0x191: {  	v2 =	vld [tilespmem:s29+$0x150]  }
0x192: {  	[tilespmem:s2+$0xFFFFFE50] =	vst v1;
	v1 =	vld [tilespmem:s2+$0xFFFFFED0]  }
0x193: {  	v8 =	vld [tilespmem:s2+$0xFFFFFF50]  }
0x194: {  	v9 =	vld [tilespmem:s2+$0xFFFFFFD0]  }
0x195: {  	v10 =	vld [tilespmem:s2+$0x50]  }
0x196: {  	v11 =	vld [tilespmem:s2+$0xD0]  }
0x197: {  	v1 =	vmul.f32 v6, v1;
	v6 =	vld [tilespmem:s2+$0x150]  }
0x198: {  	v12 =	vld [tilespmem:s29+$0xFFFFFE60];
	v5 =	vmul.f32 v5, v8  }
0x199: {  	v8 =	vld [tilespmem:s2+$0xFFFFFE60];
	[tilespmem:s2+$0xFFFFFED0] =	vst v1;
	v1 =	vmul.f32 v3, v9  }
0x19a: {  	v3 =	vld [tilespmem:s29+$0xFFFFFEE0];
	[tilespmem:s2+$0xFFFFFF50] =	vst v5;
	v4 =	vmul.f32 v4, v10  }
0x19b: {  	v5 =	vld [tilespmem:s29+$0xFFFFFF60];
	[tilespmem:s2+$0xFFFFFFD0] =	vst v1;
	v1 =	vmul.f32 v7, v11  }
0x19c: {  	v7 =	vld [tilespmem:s29+$0xFFFFFFE0];
	[tilespmem:s2+$0x50] =	vst v4;
	v2 =	vmul.f32 v2, v6  }
0x19d: {  	v4 =	vld [tilespmem:s29+$0x60];
	[tilespmem:s2+$0xD0] =	vst v1  }
0x19e: {  	v1 =	vmul.f32 v12, v8;
	v6 =	vld [tilespmem:s29+$0xE0];
	[tilespmem:s2+$0x150] =	vst v2  }
0x19f: {  	v2 =	vld [tilespmem:s29+$0x160]  }
0x1a0: {  	[tilespmem:s2+$0xFFFFFE60] =	vst v1;
	v1 =	vld [tilespmem:s2+$0xFFFFFEE0]  }
0x1a1: {  	v8 =	vld [tilespmem:s2+$0xFFFFFF60]  }
0x1a2: {  	v9 =	vld [tilespmem:s2+$0xFFFFFFE0]  }
0x1a3: {  	v10 =	vld [tilespmem:s2+$0x60]  }
0x1a4: {  	v11 =	vld [tilespmem:s2+$0xE0]  }
0x1a5: {  	v1 =	vmul.f32 v3, v1;
	v3 =	vld [tilespmem:s2+$0x160]  }
0x1a6: {  	v12 =	vld [tilespmem:s29+$0xFFFFFE70];
	v5 =	vmul.f32 v5, v8  }
0x1a7: {  	v8 =	vld [tilespmem:s2+$0xFFFFFE70];
	[tilespmem:s2+$0xFFFFFEE0] =	vst v1;
	v1 =	vmul.f32 v7, v9  }
0x1a8: {  	v13 =	vld [tilespmem:s29+$0xFFFFFEF0];
	[tilespmem:s2+$0xFFFFFF60] =	vst v5;
	v5 =	vmul.f32 v4, v10  }
0x1a9: {  	v7 =	vld [tilespmem:s29+$0xFFFFFF70];
	[tilespmem:s2+$0xFFFFFFE0] =	vst v1;
	v1 =	vmul.f32 v6, v11  }
0x1aa: {  	v4 =	vld [tilespmem:s29+$0xFFFFFFF0];
	[tilespmem:s2+$0x60] =	vst v5;
	v2 =	vmul.f32 v2, v3  }
0x1ab: {  	v5 =	vld [tilespmem:s29+$0x70];
	[tilespmem:s2+$0xE0] =	vst v1  }
0x1ac: {  	v1 =	vmul.f32 v12, v8;
	v6 =	vld [tilespmem:s29+$0xF0];
	[tilespmem:s2+$0x160] =	vst v2  }
0x1ad: {  	v3 =	vld [tilespmem:s29+$0x170]  }
0x1ae: {  	[tilespmem:s2+$0xFFFFFE70] =	vst v1;
	v2 =	vld [tilespmem:s2+$0xFFFFFEF0]  }
.Ltmp1:
0x1af: {  	v10 =	vld [tilespmem:s2+$0xFFFFFF70];
	(pc) =	sbr.rel @p1 .LBB2_5-.Ltmp1, $4  }
0x1b0: {  	v9 =	vld [tilespmem:s2+$0xFFFFFFF0]  }
0x1b1: {  	v8 =	vld [tilespmem:s2+$0x70]  }
0x1b2: {  	v1 =	vld [tilespmem:s2+$0xF0]  }
0x1b3: {  	s2 =	sadd.s32 $0x400, s2;
	v11 =	vmul.f32 v13, v2;
	v2 =	vld [tilespmem:s28+$0x170]  }
0x1b4: {  	v7 =	vmul.f32 v7, v10  }
0x1b5: {  	[tilespmem:s28+$0xFFFFFEF0] =	vst v11;
	v4 =	vmul.f32 v4, v9  }
0x1b6: {  	[tilespmem:s28+$0xFFFFFF70] =	vst v7;
	v5 =	vmul.f32 v5, v8  }
0x1b7: {  	[tilespmem:s28+$0xFFFFFFF0] =	vst v4;
	v1 =	vmul.f32 v6, v1  }
0x1b8: {  	[tilespmem:s28+$0x70] =	vst v5;
	v2 =	vmul.f32 v3, v2  }
0x1b9: {  	[tilespmem:s28+$0xF0] =	vst v1  }
0x1ba: {  	[tilespmem:s28+$0x170] =	vst v2  }
0x1bb: {  	s28 =	smul.u32 $0xA0, s9;
	_ =	swait.ge [sflag:s26], $0x28  }
0x1bc: {  	p1 =	seq.s32 s9, $0x0;
	[sflag:s26] =	ssyncset.done $0x0  }
0x1bd: {  	s0 =	simm.s32 @!p1 $0xE;
	s2 =	sadd.s32 $0x50, s28;
	[sflag:s26] =	ssyncadd.s32 $0xFFFFFFD8  }
0x1be: {  	[spmem:s22] =	stream.indirect.scatter.add.f32 [tilespmem:s15], [sflag:$0xC], $0x80, s24, s11, $0xb8;
	[tilespmem:$0x1DA00] =	vst v63  }
0x1bf: {  	s10 =	sadd.s32 s20, s2;
	_ =	swait.ge @!p1 [sflag:s0], $0x1400  }
0x1c0: {  	s29 =	sshrl.u32 s10, $0x3;
	s10 =	sshll.u32 s10, $0x4;
	[sflag:s0] =	ssyncset.done @!p1 $0x0  }
0x1c1: {  	[sflag:s0] =	ssyncadd.s32 @!p1 $0xFFFFEC00;
	s0 =	sadd.s32 s23, s29;
	s29 =	simm.s32 $0x2880  }
0x1c2: {  	[tilespmem:s29], [sflag:$0x4] =	stream.linear.gather [hbm4b:s0+s1], $0x28, $0x38;
	[tilespmem:$0x1DA00] =	vst v63  }
0x1c3: {  	s0 =	sadd.s32 s19, s10;
	s10 =	simm.s32 $0x7980  }
0x1c4: {  	[tilespmem:s10], [sflag:$0xA] =	stream.linear.gather [hbm4b:s0+s1], $0x1400, $0x38;
	[tilespmem:$0x1DA00] =	vst v63  }
0x1c5: {  	s10 =	simm.s32 $0x5180  }
0x1c6: {  	[tilespmem:s10], [sflag:$0x8] =	stream.indirect.gather [hbm4b:s16+s11], $0x80, s2, s11, $0xb8;
	[tilespmem:$0x1DA00] =	vst v63  }
0x1c7: {  	_ =	swait.ge [sflag:s30], $0x1400  }
0x1c8: {  	[sflag:s30] =	ssyncset.done $0x0  }
0x1c9: {  	[sflag:s30] =	ssyncadd.s32 $0xFFFFEC00  }
0x1ca: {  	_ =	swait.ge [sflag:s31], $0x1400  }
0x1cb: {  	[sflag:s31] =	ssyncset.done $0x0  }
0x1cc: {  	s29 =	simm.s32 $0x3F80;
	[sflag:s31] =	ssyncadd.s32 $0xFFFFEC00  }
0x1cd: {  	s0 =	simm.s32 $0x8F80;
	v1 =	vld [tilespmem:s29+$0x180]  }
0x1ce: {  	v2 =	vld [tilespmem:s0+$0x180]  }
0x1cf: {  	v3 =	vld [tilespmem:s0+$0xFFFFFE00]  }
0x1d0: {  	v4 =	vld [tilespmem:s29+$0xFFFFFE80]  }
0x1d1: {  	v5 =	vld [tilespmem:s0+$0xFFFFFE80]  }
0x1d2: {  	v6 =	vld [tilespmem:s29+$0xFFFFFF00]  }
0x1d3: {  	v7 =	vld [tilespmem:s0+$0xFFFFFF00]  }
0x1d4: {  	v8 =	vld [tilespmem:s0+$0xFFFFFF80]  }
0x1d5: {  	v10 =	vld [tilespmem:s29+$0x0]  }
0x1d6: {  	v11 =	vld [tilespmem:s0+$0x0]  }
0x1d7: {  	v12 =	vld [tilespmem:s29+$0x80]  }
0x1d8: {  	v13 =	vld [tilespmem:s0+$0x80]  }
0x1d9: {  	v14 =	vld [tilespmem:s29+$0x100]  }
0x1da: {  	v41 =	vld [tilespmem:s29+$0xFFFFFF10]  }
0x1db: {  	v42 =	vld [tilespmem:s29+$0xFFFFFF90]  }
0x1dc: {  	v43 =	vld [tilespmem:s29+$0x10]  }
0x1dd: {  	v44 =	vld [tilespmem:s29+$0xFFFFFF20]  }
0x1de: {  	v45 =	vld [tilespmem:s29+$0xFFFFFFA0]  }
0x1df: {  	v46 =	vld [tilespmem:s29+$0x20]  }
0x1e0: {  	v15 =	vld [tilespmem:s29+$0xA0]  }
0x1e1: {  	v47 =	vld [tilespmem:s29+$0xFFFFFF30]  }
0x1e2: {  	v48 =	vld [tilespmem:s29+$0xFFFFFFB0]  }
0x1e3: {  	v49 =	vld [tilespmem:s29+$0x30]  }
0x1e4: {  	v51 =	vld [tilespmem:s29+$0xFFFFFFC0]  }
0x1e5: {  	v52 =	vld [tilespmem:s29+$0x40];
	v1 =	vmul.f32 v2, v1  }
0x1e6: {  	v53 =	vld [tilespmem:s29+$0xC0]  }
0x1e7: {  	[tilespmem:s29+$0x180] =	vst v1;
	v1 =	vld [tilespmem:s29+$0x190]  }
0x1e8: {  	v2 =	vld [tilespmem:s0+$0x190]  }
0x1e9: {  	v54 =	vld [tilespmem:s29+$0xFFFFFF50]  }
0x1ea: {  	v55 =	vld [tilespmem:s29+$0xFFFFFFD0]  }
0x1eb: {  	v56 =	vld [tilespmem:s29+$0xD0]  }
0x1ec: {  	v57 =	vld [tilespmem:s29+$0xFFFFFE60]  }
0x1ed: {  	v58 =	vld [tilespmem:s29+$0xFFFFFFE0];
	v1 =	vmul.f32 v2, v1  }
0x1ee: {  	v59 =	vld [tilespmem:s29+$0x60]  }
0x1ef: {  	[tilespmem:s29+$0x190] =	vst v1;
	v1 =	vld [tilespmem:s29+$0x1A0]  }
0x1f0: {  	v9 =	vld [tilespmem:s0+$0x1A0]  }
0x1f1: {  	v4 =	vmul.f32 v5, v4;
	v5 =	vld [tilespmem:s29+$0xFFFFFE00]  }
0x1f2: {  	v60 =	vld [tilespmem:s29+$0xE0]  }
0x1f3: {  	v2 =	vld [tilespmem:s29+$0xFFFFFF80]  }
0x1f4: {  	v61 =	vld [tilespmem:s29+$0xFFFFFE70]  }
0x1f5: {  	v1 =	vmul.f32 v9, v1;
	v9 =	vld [tilespmem:s0+$0x100]  }
0x1f6: {  	v63 =	vld [tilespmem:s29+$0xFFFFFEF0];
	[tilespmem:s29+$0xFFFFFE80] =	vst v4;
	v3 =	vmul.f32 v3, v5  }
0x1f7: {  	[tilespmem:s29+$0x1A0] =	vst v1;
	v1 =	vmul.f32 v7, v6;
	v6 =	vld [tilespmem:s29+$0x1B0]  }
0x1f8: {  	[tilespmem:s29+$0xFFFFFE00] =	vst v3;
	v2 =	vmul.f32 v8, v2;
	v4 =	vld [tilespmem:s0+$0x1B0]  }
0x1f9: {  	v7 =	vld [tilespmem:s0+$0xFFFFFE90];
	[tilespmem:s29+$0xFFFFFF00] =	vst v1;
	v1 =	vmul.f32 v11, v10  }
0x1fa: {  	[tilespmem:s29+$0xFFFFFF80] =	vst v2;
	v10 =	vld [tilespmem:s29+$0xFFFFFE10];
	v5 =	vmul.f32 v9, v14  }
0x1fb: {  	v2 =	vmul.f32 v13, v12;
	[tilespmem:s29+$0x0] =	vst v1;
	v1 =	vld [tilespmem:s0+$0xFFFFFF90]  }
0x1fc: {  	[tilespmem:s29+$0x100] =	vst v5;
	v5 =	vld [tilespmem:s0+$0xFFFFFE10]  }
0x1fd: {  	[tilespmem:s29+$0x80] =	vst v2;
	v2 =	vld [tilespmem:s0+$0x10];
	v4 =	vmul.f32 v4, v6  }
0x1fe: {  	v6 =	vld [tilespmem:s0+$0x110]  }
0x1ff: {  	[tilespmem:s29+$0x1B0] =	vst v4;
	v4 =	vld [tilespmem:s29+$0x1C0]  }
0x200: {  	v9 =	vld [tilespmem:s0+$0x1C0]  }
0x201: {  	v5 =	vmul.f32 v5, v10;
	v10 =	vld [tilespmem:s29+$0x110]  }
0x202: {  	v3 =	vld [tilespmem:s0+$0x90]  }
0x203: {  	v11 =	vld [tilespmem:s29+$0xFFFFFE90];
	v1 =	vmul.f32 v1, v42  }
0x204: {  	v8 =	vld [tilespmem:s0+$0xFFFFFF10];
	v2 =	vmul.f32 v2, v43  }
0x205: {  	[tilespmem:s29+$0xFFFFFF90] =	vst v1;
	v4 =	vmul.f32 v9, v4;
	v9 =	vld [tilespmem:s29+$0x90]  }
0x206: {  	[tilespmem:s29+$0x10] =	vst v2;
	v2 =	vmul.f32 v6, v10;
	v6 =	vld [tilespmem:s0+$0xFFFFFFA0]  }
0x207: {  	v10 =	vld [tilespmem:s29+$0xFFFFFE20]  }
0x208: {  	[tilespmem:s29+$0x1C0] =	vst v4;
	v4 =	vmul.f32 v7, v11;
	v7 =	vld [tilespmem:s29+$0x1D0]  }
0x209: {  	v11 =	vld [tilespmem:s29+$0xFFFFFEA0]  }
0x20a: {  	[tilespmem:s29+$0xFFFFFE10] =	vst v5;
	v5 =	vmul.f32 v8, v41;
	v8 =	vld [tilespmem:s0+$0x1D0]  }
0x20b: {  	[tilespmem:s29+$0xFFFFFE90] =	vst v4;
	v4 =	vld [tilespmem:s0+$0xFFFFFE20]  }
0x20c: {  	[tilespmem:s29+$0xFFFFFF10] =	vst v5;
	v5 =	vld [tilespmem:s0+$0xFFFFFEA0];
	v1 =	vmul.f32 v3, v9  }
0x20d: {  	v3 =	vld [tilespmem:s0+$0xFFFFFF20]  }
0x20e: {  	v9 =	vld [tilespmem:s0+$0x20];
	[tilespmem:s29+$0x90] =	vst v1  }
0x20f: {  	[tilespmem:s29+$0x110] =	vst v2;
	v1 =	vmul.f32 v8, v7;
	v7 =	vld [tilespmem:s0+$0xA0]  }
0x210: {  	v8 =	vld [tilespmem:s0+$0x120]  }
0x211: {  	[tilespmem:s29+$0x1D0] =	vst v1;
	v1 =	vld [tilespmem:s29+$0x1E0];
	v5 =	vmul.f32 v5, v11  }
0x212: {  	v3 =	vmul.f32 v3, v44;
	v2 =	vld [tilespmem:s0+$0x1E0]  }
0x213: {  	v11 =	vld [tilespmem:s29+$0xFFFFFEB0];
	[tilespmem:s29+$0xFFFFFEA0] =	vst v5;
	v5 =	vmul.f32 v6, v45  }
0x214: {  	[tilespmem:s29+$0xFFFFFF20] =	vst v3;
	v3 =	vmul.f32 v9, v46;
	v9 =	vld [tilespmem:s0+$0xFFFFFEB0]  }
0x215: {  	[tilespmem:s29+$0xFFFFFFA0] =	vst v5;
	v5 =	vmul.f32 v7, v15;
	v7 =	vld [tilespmem:s0+$0xFFFFFF30]  }
0x216: {  	[tilespmem:s29+$0x20] =	vst v3;
	v3 =	vld [tilespmem:s0+$0xFFFFFFB0]  }
0x217: {  	v1 =	vmul.f32 v2, v1;
	v2 =	vmul.f32 v4, v10;
	v4 =	vld [tilespmem:s29+$0x120]  }
0x218: {  	[tilespmem:s29+$0xA0] =	vst v5;
	v5 =	vld [tilespmem:s0+$0x30]  }
0x219: {  	[tilespmem:s29+$0x1E0] =	vst v1;
	v1 =	vld [tilespmem:s29+$0x1F0]  }
0x21a: {  	v9 =	vmul.f32 v9, v11;
	v11 =	vld [tilespmem:s29+$0x130]  }
0x21b: {  	[tilespmem:s29+$0xFFFFFE20] =	vst v2;
	v2 =	vld [tilespmem:s0+$0x1F0]  }
0x21c: {  	v6 =	vld [tilespmem:s0+$0xFFFFFE30];
	v4 =	vmul.f32 v8, v4  }
0x21d: {  	v8 =	vld [tilespmem:s0+$0xB0]  }
0x21e: {  	v7 =	vmul.f32 v7, v47;
	[tilespmem:s29+$0x120] =	vst v4;
	v4 =	vld [tilespmem:s29+$0xFFFFFE30]  }
0x21f: {  	[tilespmem:s29+$0xFFFFFEB0] =	vst v9;
	v10 =	vld [tilespmem:s0+$0x130]  }
0x220: {  	v9 =	vld [tilespmem:s0+$0xFFFFFEC0];
	[tilespmem:s29+$0xFFFFFF30] =	vst v7;
	v1 =	vmul.f32 v2, v1  }
0x221: {  	v7 =	vld [tilespmem:s0+$0xFFFFFF40]  }
0x222: {  	v5 =	vmul.f32 v5, v49;
	[tilespmem:s29+$0x1F0] =	vst v1;
	v1 =	vld [tilespmem:s29+$0xF0]  }
0x223: {  	v4 =	vmul.f32 v6, v4;
	v6 =	vld [tilespmem:s29+$0xB0]  }
0x224: {  	[tilespmem:s29+$0x30] =	vst v5;
	v5 =	vmul.f32 v10, v11;
	v11 =	vld [tilespmem:s29+$0xFFFFFF40]  }
0x225: {  	[tilespmem:s29+$0xFFFFFE30] =	vst v4;
	v4 =	vld [tilespmem:s29+$0xFFFFFE40]  }
0x226: {  	v50 =	vld [tilespmem:s0+$0xFFFFFE40]  }
0x227: {  	v3 =	vmul.f32 v3, v48;
	v10 =	vld [tilespmem:s29+$0xFFFFFEC0];
	[tilespmem:s29+$0x130] =	vst v5  }
0x228: {  	v5 =	vld [tilespmem:s0+$0x140]  }
0x229: {  	[tilespmem:s29+$0xFFFFFFB0] =	vst v3;
	v3 =	vmul.f32 v8, v6;
	v8 =	vld [tilespmem:s0+$0x40]  }
0x22a: {  	v6 =	vld [tilespmem:s0+$0xFFFFFFC0];
	v7 =	vmul.f32 v7, v11  }
0x22b: {  	v11 =	vld [tilespmem:s29+$0xFFFFFE50];
	[tilespmem:s29+$0xB0] =	vst v3;
	v4 =	vmul.f32 v50, v4  }
0x22c: {  	v3 =	vld [tilespmem:s0+$0xC0];
	[tilespmem:s29+$0xFFFFFF40] =	vst v7  }
0x22d: {  	[tilespmem:s29+$0xFFFFFE40] =	vst v4;
	v4 =	vmul.f32 v9, v10;
	v9 =	vld [tilespmem:s29+$0x140]  }
0x22e: {  	v7 =	vmul.f32 v8, v52;
	v8 =	vld [tilespmem:s0+$0xFFFFFF50]  }
0x22f: {  	v10 =	vld [tilespmem:s0+$0xFFFFFE50];
	[tilespmem:s29+$0xFFFFFEC0] =	vst v4;
	v4 =	vmul.f32 v6, v51  }
0x230: {  	[tilespmem:s29+$0x40] =	vst v7;
	v6 =	vld [tilespmem:s0+$0xFFFFFED0]  }
0x231: {  	v3 =	vmul.f32 v3, v53;
	v7 =	vld [tilespmem:s0+$0x50];
	[tilespmem:s29+$0xFFFFFFC0] =	vst v4  }
0x232: {  	v4 =	vld [tilespmem:s0+$0xFFFFFFD0]  }
0x233: {  	v5 =	vmul.f32 v5, v9;
	[tilespmem:s29+$0xC0] =	vst v3;
	v9 =	vld [tilespmem:s29+$0xFFFFFED0]  }
0x234: {  	v8 =	vmul.f32 v8, v54;
	v3 =	vld [tilespmem:s0+$0xD0]  }
0x235: {  	v10 =	vmul.f32 v10, v11;
	v11 =	vld [tilespmem:s29+$0x50];
	[tilespmem:s29+$0x140] =	vst v5  }
0x236: {  	[tilespmem:s29+$0xFFFFFF50] =	vst v8;
	v5 =	vld [tilespmem:s0+$0x150]  }
0x237: {  	[tilespmem:s29+$0xFFFFFE50] =	vst v10;
	v8 =	vld [tilespmem:s0+$0xFFFFFF60]  }
0x238: {  	v10 =	vld [tilespmem:s0+$0xFFFFFE60];
	v6 =	vmul.f32 v6, v9  }
0x239: {  	v9 =	vld [tilespmem:s29+$0x150];
	v4 =	vmul.f32 v4, v55  }
0x23a: {  	v7 =	vmul.f32 v7, v11;
	v11 =	vld [tilespmem:s29+$0xFFFFFF60];
	[tilespmem:s29+$0xFFFFFED0] =	vst v6  }
0x23b: {  	[tilespmem:s29+$0xFFFFFFD0] =	vst v4;
	v6 =	vld [tilespmem:s0+$0xFFFFFEE0]  }
0x23c: {  	v3 =	vmul.f32 v3, v56;
	v4 =	vld [tilespmem:s0+$0xFFFFFFE0];
	[tilespmem:s29+$0x50] =	vst v7  }
0x23d: {  	v7 =	vld [tilespmem:s0+$0x60]  }
0x23e: {  	[tilespmem:s29+$0xD0] =	vst v3;
	v10 =	vmul.f32 v10, v57;
	v5 =	vmul.f32 v5, v9;
	v9 =	vld [tilespmem:s29+$0xFFFFFEE0]  }
0x23f: {  	v3 =	vld [tilespmem:s0+$0xE0]  }
0x240: {  	[tilespmem:s29+$0xFFFFFE60] =	vst v10;
	v10 =	vld [tilespmem:s29+$0xFFFFFF70]  }
0x241: {  	v8 =	vmul.f32 v8, v11;
	[tilespmem:s29+$0x150] =	vst v5;
	v11 =	vld [tilespmem:s0+$0xFFFFFE70];
	v4 =	vmul.f32 v4, v58  }
0x242: {  	v5 =	vld [tilespmem:s0+$0x160]  }
0x243: {  	v6 =	vmul.f32 v6, v9;
	v9 =	vld [tilespmem:s29+$0x160];
	[tilespmem:s29+$0xFFFFFFE0] =	vst v4  }
0x244: {  	[tilespmem:s29+$0xFFFFFF60] =	vst v8;
	v3 =	vmul.f32 v3, v60;
	v4 =	vld [tilespmem:s0+$0xFFFFFFF0]  }
0x245: {  	[tilespmem:s29+$0xFFFFFEE0] =	vst v6;
	v6 =	vmul.f32 v7, v59;
	v7 =	vld [tilespmem:s0+$0xFFFFFF70]  }
0x246: {  	[tilespmem:s29+$0xE0] =	vst v3;
	v62 =	vld [tilespmem:s0+$0xFFFFFEF0]  }
0x247: {  	[tilespmem:s29+$0x60] =	vst v6;
	v6 =	vld [tilespmem:s0+$0xF0]  }
0x248: {  	v8 =	vmul.f32 v5, v9;
	v5 =	vld [tilespmem:s0+$0x70]  }
0x249: {  	v2 =	vmul.f32 v11, v61;
	v9 =	vld [tilespmem:s29+$0xFFFFFFF0]  }
0x24a: {  	[tilespmem:s29+$0x160] =	vst v8;
	v8 =	vld [tilespmem:s29+$0x70]  }
0x24b: {  	[tilespmem:s29+$0xFFFFFE70] =	vst v2;
	v2 =	vld [tilespmem:s29+$0x170]  }
0x24c: {  	s2 =	simm.s32 $0x0;
	s10 =	simm.s32 $0x4380;
	v3 =	vld [tilespmem:s0+$0x170];
	v11 =	vmul.f32 v62, v63  }
.LBB2_7:
0x24d: {  	v12 =	vld [tilespmem:s10+$0x180];
	v7 =	vmul.f32 v7, v10;
	s0 =	sadd.s32 $0x400, s0  }
0x24e: {  	s2 =	sadd.s32 $0x8, s2;
	v10 =	vld [tilespmem:s0+$0x180];
	[tilespmem:s29+$0xFFFFFEF0] =	vst v11;
	v4 =	vmul.f32 v4, v9  }
0x24f: {  	p2 =	slt.u32 s2, $0x20;
	v9 =	vld [tilespmem:s0+$0xFFFFFE00];
	[tilespmem:s29+$0xFFFFFF70] =	vst v7;
	v5 =	vmul.f32 v5, v8  }
0x250: {  	v7 =	vld [tilespmem:s10+$0xFFFFFE80];
	[tilespmem:s29+$0xFFFFFFF0] =	vst v4;
	v1 =	vmul.f32 v6, v1  }
0x251: {  	v4 =	vld [tilespmem:s0+$0xFFFFFE80];
	[tilespmem:s29+$0x70] =	vst v5;
	v2 =	vmul.f32 v3, v2  }
0x252: {  	v3 =	vld [tilespmem:s10+$0xFFFFFF00];
	[tilespmem:s29+$0xF0] =	vst v1  }
0x253: {  	v1 =	vld [tilespmem:s0+$0xFFFFFF00];
	v5 =	vmul.f32 v10, v12;
	[tilespmem:s29+$0x170] =	vst v2;
	s29 =	smov.u32 s10  }
0x254: {  	v2 =	vld [tilespmem:s10+$0xFFFFFF80]  }
0x255: {  	[tilespmem:s10+$0x180] =	vst v5;
	v5 =	vld [tilespmem:s10+$0x190]  }
0x256: {  	v4 =	vmul.f32 v4, v7;
	v6 =	vld [tilespmem:s0+$0x190]  }
0x257: {  	v7 =	vld [tilespmem:s0+$0xFFFFFF80]  }
0x258: {  	[tilespmem:s10+$0xFFFFFE80] =	vst v4;
	v1 =	vmul.f32 v1, v3;
	v3 =	vld [tilespmem:s10+$0x0]  }
0x259: {  	v4 =	vld [tilespmem:s0+$0x0]  }
0x25a: {  	[tilespmem:s10+$0xFFFFFF00] =	vst v1;
	v1 =	vld [tilespmem:s10+$0x80]  }
0x25b: {  	v8 =	vld [tilespmem:s0+$0x80];
	v5 =	vmul.f32 v6, v5  }
0x25c: {  	v2 =	vmul.f32 v7, v2;
	v6 =	vld [tilespmem:s10+$0x100]  }
0x25d: {  	[tilespmem:s10+$0x190] =	vst v5;
	v5 =	vld [tilespmem:s10+$0x1A0]  }
0x25e: {  	[tilespmem:s10+$0xFFFFFF80] =	vst v2;
	v2 =	vmul.f32 v4, v3;
	v3 =	vld [tilespmem:s0+$0x1A0]  }
0x25f: {  	v4 =	vld [tilespmem:s0+$0x100]  }
0x260: {  	v7 =	vld [tilespmem:s10+$0xFFFFFE00];
	[tilespmem:s10+$0x0] =	vst v2;
	v1 =	vmul.f32 v8, v1  }
0x261: {  	v2 =	vld [tilespmem:s0+$0xFFFFFE90]  }
0x262: {  	v8 =	vld [tilespmem:s0+$0xFFFFFF10];
	[tilespmem:s10+$0x80] =	vst v1  }
0x263: {  	v1 =	vld [tilespmem:s0+$0xFFFFFF90];
	v3 =	vmul.f32 v3, v5  }
0x264: {  	v5 =	vld [tilespmem:s0+$0x10];
	v4 =	vmul.f32 v4, v6  }
0x265: {  	v6 =	vmul.f32 v9, v7;
	[tilespmem:s10+$0x1A0] =	vst v3;
	v3 =	vld [tilespmem:s10+$0x1B0]  }
0x266: {  	[tilespmem:s10+$0x100] =	vst v4;
	v4 =	vld [tilespmem:s0+$0x1B0]  }
0x267: {  	[tilespmem:s10+$0xFFFFFE00] =	vst v6;
	v6 =	vld [tilespmem:s0+$0x90]  }
0x268: {  	v7 =	vld [tilespmem:s0+$0xFFFFFE10]  }
0x269: {  	v9 =	vld [tilespmem:s0+$0x110]  }
0x26a: {  	v10 =	vld [tilespmem:s10+$0xFFFFFE10]  }
0x26b: {  	v11 =	vld [tilespmem:s10+$0xFFFFFE90];
	v3 =	vmul.f32 v4, v3  }
0x26c: {  	v4 =	vld [tilespmem:s10+$0xFFFFFF10]  }
0x26d: {  	[tilespmem:s10+$0x1B0] =	vst v3;
	v3 =	vld [tilespmem:s10+$0x1C0]  }
0x26e: {  	v12 =	vld [tilespmem:s0+$0x1C0]  }
0x26f: {  	v7 =	vmul.f32 v7, v10;
	v10 =	vld [tilespmem:s10+$0xFFFFFF90]  }
0x270: {  	v2 =	vmul.f32 v2, v11;
	v11 =	vld [tilespmem:s10+$0x10]  }
0x271: {  	[tilespmem:s10+$0xFFFFFE10] =	vst v7;
	v4 =	vmul.f32 v8, v4;
	v7 =	vld [tilespmem:s10+$0x90]  }
0x272: {  	[tilespmem:s10+$0xFFFFFE90] =	vst v2;
	v2 =	vld [tilespmem:s10+$0x110]  }
0x273: {  	v8 =	vld [tilespmem:s0+$0xFFFFFE20];
	[tilespmem:s10+$0xFFFFFF10] =	vst v4;
	v3 =	vmul.f32 v12, v3  }
0x274: {  	v4 =	vld [tilespmem:s0+$0xFFFFFEA0];
	v1 =	vmul.f32 v1, v10  }
0x275: {  	v5 =	vmul.f32 v5, v11;
	[tilespmem:s10+$0x1C0] =	vst v3;
	v3 =	vld [tilespmem:s10+$0x1D0]  }
0x276: {  	[tilespmem:s10+$0xFFFFFF90] =	vst v1;
	v1 =	vmul.f32 v6, v7;
	v6 =	vld [tilespmem:s0+$0x1D0]  }
0x277: {  	v7 =	vld [tilespmem:s0+$0xFFFFFF20];
	[tilespmem:s10+$0x10] =	vst v5;
	v2 =	vmul.f32 v9, v2  }
0x278: {  	v5 =	vld [tilespmem:s0+$0xFFFFFFA0];
	[tilespmem:s10+$0x90] =	vst v1  }
0x279: {  	v1 =	vld [tilespmem:s0+$0x20];
	[tilespmem:s10+$0x110] =	vst v2  }
0x27a: {  	v2 =	vld [tilespmem:s0+$0xA0]  }
0x27b: {  	v9 =	vld [tilespmem:s0+$0x120];
	v3 =	vmul.f32 v6, v3  }
0x27c: {  	v6 =	vld [tilespmem:s10+$0xFFFFFE20]  }
0x27d: {  	[tilespmem:s10+$0x1D0] =	vst v3;
	v3 =	vld [tilespmem:s10+$0x1E0]  }
0x27e: {  	v10 =	vld [tilespmem:s0+$0x1E0]  }
0x27f: {  	v11 =	vld [tilespmem:s10+$0xFFFFFEA0]  }
0x280: {  	v12 =	vld [tilespmem:s10+$0xFFFFFF20]  }
0x281: {  	v6 =	vmul.f32 v8, v6;
	v8 =	vld [tilespmem:s10+$0xFFFFFFA0]  }
0x282: {  	v13 =	vld [tilespmem:s10+$0x20]  }
0x283: {  	[tilespmem:s10+$0xFFFFFE20] =	vst v6;
	v6 =	vld [tilespmem:s10+$0xA0];
	v3 =	vmul.f32 v10, v3  }
0x284: {  	v4 =	vmul.f32 v4, v11;
	v10 =	vld [tilespmem:s10+$0x120]  }
0x285: {  	v7 =	vmul.f32 v7, v12;
	[tilespmem:s10+$0x1E0] =	vst v3;
	v3 =	vld [tilespmem:s10+$0x1F0]  }
0x286: {  	[tilespmem:s10+$0xFFFFFEA0] =	vst v4;
	v4 =	vmul.f32 v5, v8;
	v5 =	vld [tilespmem:s0+$0x1F0]  }
0x287: {  	v8 =	vld [tilespmem:s0+$0xFFFFFE30];
	[tilespmem:s10+$0xFFFFFF20] =	vst v7;
	v1 =	vmul.f32 v1, v13  }
0x288: {  	v7 =	vld [tilespmem:s0+$0xFFFFFEB0];
	[tilespmem:s10+$0xFFFFFFA0] =	vst v4;
	v2 =	vmul.f32 v2, v6  }
0x289: {  	v4 =	vld [tilespmem:s0+$0xFFFFFF30];
	[tilespmem:s10+$0x20] =	vst v1;
	v1 =	vmul.f32 v9, v10  }
0x28a: {  	v6 =	vld [tilespmem:s0+$0xFFFFFFB0];
	[tilespmem:s10+$0xA0] =	vst v2  }
0x28b: {  	v2 =	vld [tilespmem:s0+$0x30];
	[tilespmem:s10+$0x120] =	vst v1;
	v1 =	vmul.f32 v5, v3  }
0x28c: {  	v3 =	vld [tilespmem:s0+$0xB0]  }
0x28d: {  	v5 =	vld [tilespmem:s0+$0x130];
	[tilespmem:s10+$0x1F0] =	vst v1  }
0x28e: {  	v1 =	vld [tilespmem:s10+$0xFFFFFE30]  }
0x28f: {  	v9 =	vld [tilespmem:s10+$0xFFFFFEB0]  }
0x290: {  	v10 =	vld [tilespmem:s10+$0xFFFFFF30]  }
0x291: {  	v11 =	vld [tilespmem:s10+$0xFFFFFFB0]  }
0x292: {  	v12 =	vld [tilespmem:s10+$0x30]  }
0x293: {  	v1 =	vmul.f32 v8, v1;
	v8 =	vld [tilespmem:s10+$0xB0]  }
0x294: {  	v7 =	vmul.f32 v7, v9;
	v9 =	vld [tilespmem:s10+$0x130]  }
0x295: {  	[tilespmem:s10+$0xFFFFFE30] =	vst v1;
	v1 =	vld [tilespmem:s10+$0xFFFFFE40];
	v4 =	vmul.f32 v4, v10  }
0x296: {  	v10 =	vld [tilespmem:s0+$0xFFFFFE40];
	[tilespmem:s10+$0xFFFFFEB0] =	vst v7;
	v6 =	vmul.f32 v6, v11  }
0x297: {  	v7 =	vld [tilespmem:s0+$0xFFFFFEC0];
	[tilespmem:s10+$0xFFFFFF30] =	vst v4;
	v2 =	vmul.f32 v2, v12  }
0x298: {  	v4 =	vld [tilespmem:s0+$0xFFFFFF40];
	[tilespmem:s10+$0xFFFFFFB0] =	vst v6;
	v3 =	vmul.f32 v3, v8  }
0x299: {  	v6 =	vld [tilespmem:s0+$0xFFFFFFC0];
	[tilespmem:s10+$0x30] =	vst v2;
	v2 =	vmul.f32 v5, v9  }
0x29a: {  	v5 =	vld [tilespmem:s0+$0x40];
	[tilespmem:s10+$0xB0] =	vst v3  }
0x29b: {  	v1 =	vmul.f32 v10, v1;
	v3 =	vld [tilespmem:s0+$0xC0];
	[tilespmem:s10+$0x130] =	vst v2  }
0x29c: {  	v2 =	vld [tilespmem:s0+$0x140]  }
0x29d: {  	[tilespmem:s10+$0xFFFFFE40] =	vst v1;
	v1 =	vld [tilespmem:s10+$0xFFFFFEC0]  }
0x29e: {  	v8 =	vld [tilespmem:s10+$0xFFFFFF40]  }
0x29f: {  	v9 =	vld [tilespmem:s10+$0xFFFFFFC0]  }
0x2a0: {  	v10 =	vld [tilespmem:s10+$0x40]  }
0x2a1: {  	v11 =	vld [tilespmem:s10+$0xC0]  }
0x2a2: {  	v1 =	vmul.f32 v7, v1;
	v7 =	vld [tilespmem:s10+$0x140]  }
0x2a3: {  	v12 =	vld [tilespmem:s0+$0xFFFFFE50];
	v4 =	vmul.f32 v4, v8  }
0x2a4: {  	v8 =	vld [tilespmem:s10+$0xFFFFFE50];
	[tilespmem:s10+$0xFFFFFEC0] =	vst v1;
	v1 =	vmul.f32 v6, v9  }
0x2a5: {  	v6 =	vld [tilespmem:s0+$0xFFFFFED0];
	[tilespmem:s10+$0xFFFFFF40] =	vst v4;
	v4 =	vmul.f32 v5, v10  }
0x2a6: {  	v5 =	vld [tilespmem:s0+$0xFFFFFF50];
	[tilespmem:s10+$0xFFFFFFC0] =	vst v1;
	v1 =	vmul.f32 v3, v11  }
0x2a7: {  	v3 =	vld [tilespmem:s0+$0xFFFFFFD0];
	[tilespmem:s10+$0x40] =	vst v4;
	v2 =	vmul.f32 v2, v7  }
0x2a8: {  	v4 =	vld [tilespmem:s0+$0x50];
	[tilespmem:s10+$0xC0] =	vst v1  }
0x2a9: {  	v1 =	vmul.f32 v12, v8;
	v7 =	vld [tilespmem:s0+$0xD0];
	[tilespmem:s10+$0x140] =	vst v2  }
0x2aa: {  	v2 =	vld [tilespmem:s0+$0x150]  }
0x2ab: {  	[tilespmem:s10+$0xFFFFFE50] =	vst v1;
	v1 =	vld [tilespmem:s10+$0xFFFFFED0]  }
0x2ac: {  	v8 =	vld [tilespmem:s10+$0xFFFFFF50]  }
0x2ad: {  	v9 =	vld [tilespmem:s10+$0xFFFFFFD0]  }
0x2ae: {  	v10 =	vld [tilespmem:s10+$0x50]  }
0x2af: {  	v11 =	vld [tilespmem:s10+$0xD0]  }
0x2b0: {  	v1 =	vmul.f32 v6, v1;
	v6 =	vld [tilespmem:s10+$0x150]  }
0x2b1: {  	v12 =	vld [tilespmem:s0+$0xFFFFFE60];
	v5 =	vmul.f32 v5, v8  }
0x2b2: {  	v8 =	vld [tilespmem:s10+$0xFFFFFE60];
	[tilespmem:s10+$0xFFFFFED0] =	vst v1;
	v1 =	vmul.f32 v3, v9  }
0x2b3: {  	v3 =	vld [tilespmem:s0+$0xFFFFFEE0];
	[tilespmem:s10+$0xFFFFFF50] =	vst v5;
	v4 =	vmul.f32 v4, v10  }
0x2b4: {  	v5 =	vld [tilespmem:s0+$0xFFFFFF60];
	[tilespmem:s10+$0xFFFFFFD0] =	vst v1;
	v1 =	vmul.f32 v7, v11  }
0x2b5: {  	v7 =	vld [tilespmem:s0+$0xFFFFFFE0];
	[tilespmem:s10+$0x50] =	vst v4;
	v2 =	vmul.f32 v2, v6  }
0x2b6: {  	v4 =	vld [tilespmem:s0+$0x60];
	[tilespmem:s10+$0xD0] =	vst v1  }
0x2b7: {  	v1 =	vmul.f32 v12, v8;
	v6 =	vld [tilespmem:s0+$0xE0];
	[tilespmem:s10+$0x150] =	vst v2  }
0x2b8: {  	v2 =	vld [tilespmem:s0+$0x160]  }
0x2b9: {  	[tilespmem:s10+$0xFFFFFE60] =	vst v1;
	v1 =	vld [tilespmem:s10+$0xFFFFFEE0]  }
0x2ba: {  	v8 =	vld [tilespmem:s10+$0xFFFFFF60]  }
0x2bb: {  	v9 =	vld [tilespmem:s10+$0xFFFFFFE0]  }
0x2bc: {  	v10 =	vld [tilespmem:s10+$0x60]  }
0x2bd: {  	v11 =	vld [tilespmem:s10+$0xE0]  }
0x2be: {  	v1 =	vmul.f32 v3, v1;
	v3 =	vld [tilespmem:s10+$0x160]  }
0x2bf: {  	v12 =	vld [tilespmem:s0+$0xFFFFFE70];
	v5 =	vmul.f32 v5, v8  }
0x2c0: {  	v8 =	vld [tilespmem:s10+$0xFFFFFE70];
	[tilespmem:s10+$0xFFFFFEE0] =	vst v1;
	v1 =	vmul.f32 v7, v9  }
0x2c1: {  	v13 =	vld [tilespmem:s0+$0xFFFFFEF0];
	[tilespmem:s10+$0xFFFFFF60] =	vst v5;
	v5 =	vmul.f32 v4, v10  }
0x2c2: {  	v7 =	vld [tilespmem:s0+$0xFFFFFF70];
	[tilespmem:s10+$0xFFFFFFE0] =	vst v1;
	v1 =	vmul.f32 v6, v11  }
0x2c3: {  	v4 =	vld [tilespmem:s0+$0xFFFFFFF0];
	[tilespmem:s10+$0x60] =	vst v5;
	v2 =	vmul.f32 v2, v3  }
0x2c4: {  	v5 =	vld [tilespmem:s0+$0x70];
	[tilespmem:s10+$0xE0] =	vst v1  }
0x2c5: {  	v1 =	vmul.f32 v12, v8;
	v6 =	vld [tilespmem:s0+$0xF0];
	[tilespmem:s10+$0x160] =	vst v2  }
0x2c6: {  	v3 =	vld [tilespmem:s0+$0x170]  }
0x2c7: {  	[tilespmem:s10+$0xFFFFFE70] =	vst v1;
	v2 =	vld [tilespmem:s10+$0xFFFFFEF0]  }
.Ltmp2:
0x2c8: {  	v10 =	vld [tilespmem:s10+$0xFFFFFF70];
	(pc) =	sbr.rel @p2 .LBB2_7-.Ltmp2, $4  }
0x2c9: {  	v9 =	vld [tilespmem:s10+$0xFFFFFFF0]  }
0x2ca: {  	v8 =	vld [tilespmem:s10+$0x70]  }
0x2cb: {  	v1 =	vld [tilespmem:s10+$0xF0]  }
0x2cc: {  	s10 =	sadd.s32 $0x400, s10;
	v11 =	vmul.f32 v13, v2;
	v2 =	vld [tilespmem:s29+$0x170]  }
0x2cd: {  	v7 =	vmul.f32 v7, v10  }
0x2ce: {  	[tilespmem:s29+$0xFFFFFEF0] =	vst v11;
	v4 =	vmul.f32 v4, v9  }
0x2cf: {  	[tilespmem:s29+$0xFFFFFF70] =	vst v7;
	v5 =	vmul.f32 v5, v8  }
0x2d0: {  	[tilespmem:s29+$0xFFFFFFF0] =	vst v4;
	v1 =	vmul.f32 v6, v1  }
0x2d1: {  	[tilespmem:s29+$0x70] =	vst v5;
	v2 =	vmul.f32 v3, v2  }
0x2d2: {  	[tilespmem:s29+$0xF0] =	vst v1  }
0x2d3: {  	[tilespmem:s29+$0x170] =	vst v2  }
0x2d4: {  	_ =	swait.ge [sflag:s18], $0x28  }
0x2d5: {  	[sflag:s18] =	ssyncset.done $0x0  }
0x2d6: {  	s0 =	simm.s32 @!p1 $0xF;
	s2 =	sadd.s32 $0x78, s28;
	[sflag:s18] =	ssyncadd.s32 $0xFFFFFFD8  }
0x2d7: {  	[spmem:s22] =	stream.indirect.scatter.add.f32 [tilespmem:s14], [sflag:$0xD], $0x80, s12, s11, $0xb8;
	[tilespmem:$0x1DA00] =	vst v63  }
0x2d8: {  	s10 =	sadd.s32 s20, s2;
	_ =	swait.ge @!p1 [sflag:s0], $0x1400  }
0x2d9: {  	s29 =	sshrl.u32 s10, $0x3;
	s10 =	sshll.u32 s10, $0x4;
	[sflag:s0] =	ssyncset.done @!p1 $0x0  }
0x2da: {  	[sflag:s0] =	ssyncadd.s32 @!p1 $0xFFFFEC00;
	s0 =	sadd.s32 s23, s29;
	s29 =	simm.s32 $0x2900  }
0x2db: {  	[tilespmem:s29], [sflag:$0x5] =	stream.linear.gather [hbm4b:s0+s1], $0x28, $0x38;
	[tilespmem:$0x1DA00] =	vst v63  }
0x2dc: {  	s0 =	sadd.s32 s19, s10  }
0x2dd: {  	[tilespmem:s13], [sflag:$0xB] =	stream.linear.gather [hbm4b:s0+s1], $0x1400, $0x38;
	[tilespmem:$0x1DA00] =	vst v63  }
0x2de: {  	s10 =	simm.s32 $0x6580  }
0x2df: {  	[tilespmem:s10], [sflag:$0x9] =	stream.indirect.gather [hbm4b:s16+s11], $0x80, s2, s11, $0xb8;
	[tilespmem:$0x1DA00] =	vst v63  }
0x2e0: {  	_ =	swait.ge [sflag:s21], $0x1400  }
0x2e1: {  	[sflag:s21] =	ssyncset.done $0x0  }
0x2e2: {  	[sflag:s21] =	ssyncadd.s32 $0xFFFFEC00  }
0x2e3: {  	_ =	swait.ge [sflag:s3], $0x1400  }
0x2e4: {  	[sflag:s3] =	ssyncset.done $0x0  }
0x2e5: {  	s29 =	simm.s32 $0x5380;
	[sflag:s3] =	ssyncadd.s32 $0xFFFFEC00  }
0x2e6: {  	s0 =	simm.s32 $0x7B80;
	v1 =	vld [tilespmem:s29+$0x180]  }
0x2e7: {  	v2 =	vld [tilespmem:s0+$0x180]  }
0x2e8: {  	v3 =	vld [tilespmem:s0+$0xFFFFFE00]  }
0x2e9: {  	v4 =	vld [tilespmem:s29+$0xFFFFFE80]  }
0x2ea: {  	v5 =	vld [tilespmem:s0+$0xFFFFFE80]  }
0x2eb: {  	v6 =	vld [tilespmem:s29+$0xFFFFFF00]  }
0x2ec: {  	v7 =	vld [tilespmem:s0+$0xFFFFFF00]  }
0x2ed: {  	v8 =	vld [tilespmem:s0+$0xFFFFFF80]  }
0x2ee: {  	v10 =	vld [tilespmem:s29+$0x0]  }
0x2ef: {  	v11 =	vld [tilespmem:s0+$0x0]  }
0x2f0: {  	v12 =	vld [tilespmem:s29+$0x80]  }
0x2f1: {  	v13 =	vld [tilespmem:s0+$0x80]  }
0x2f2: {  	v14 =	vld [tilespmem:s29+$0x100]  }
0x2f3: {  	v41 =	vld [tilespmem:s29+$0xFFFFFF10]  }
0x2f4: {  	v42 =	vld [tilespmem:s29+$0xFFFFFF90]  }
0x2f5: {  	v43 =	vld [tilespmem:s29+$0x10]  }
0x2f6: {  	v44 =	vld [tilespmem:s29+$0xFFFFFF20]  }
0x2f7: {  	v45 =	vld [tilespmem:s29+$0xFFFFFFA0]  }
0x2f8: {  	v46 =	vld [tilespmem:s29+$0x20]  }
0x2f9: {  	v15 =	vld [tilespmem:s29+$0xA0]  }
0x2fa: {  	v47 =	vld [tilespmem:s29+$0xFFFFFF30]  }
0x2fb: {  	v48 =	vld [tilespmem:s29+$0xFFFFFFB0]  }
0x2fc: {  	v49 =	vld [tilespmem:s29+$0x30]  }
0x2fd: {  	v51 =	vld [tilespmem:s29+$0xFFFFFFC0]  }
0x2fe: {  	v52 =	vld [tilespmem:s29+$0x40];
	v1 =	vmul.f32 v2, v1  }
0x2ff: {  	v53 =	vld [tilespmem:s29+$0xC0]  }
0x300: {  	[tilespmem:s29+$0x180] =	vst v1;
	v1 =	vld [tilespmem:s29+$0x190]  }
0x301: {  	v2 =	vld [tilespmem:s0+$0x190]  }
0x302: {  	v54 =	vld [tilespmem:s29+$0xFFFFFF50]  }
0x303: {  	v55 =	vld [tilespmem:s29+$0xFFFFFFD0]  }
0x304: {  	v56 =	vld [tilespmem:s29+$0xD0]  }
0x305: {  	v57 =	vld [tilespmem:s29+$0xFFFFFE60]  }
0x306: {  	v58 =	vld [tilespmem:s29+$0xFFFFFFE0];
	v1 =	vmul.f32 v2, v1  }
0x307: {  	v59 =	vld [tilespmem:s29+$0x60]  }
0x308: {  	[tilespmem:s29+$0x190] =	vst v1;
	v1 =	vld [tilespmem:s29+$0x1A0]  }
0x309: {  	v9 =	vld [tilespmem:s0+$0x1A0]  }
0x30a: {  	v4 =	vmul.f32 v5, v4;
	v5 =	vld [tilespmem:s29+$0xFFFFFE00]  }
0x30b: {  	v60 =	vld [tilespmem:s29+$0xE0]  }
0x30c: {  	v2 =	vld [tilespmem:s29+$0xFFFFFF80]  }
0x30d: {  	v61 =	vld [tilespmem:s29+$0xFFFFFE70]  }
0x30e: {  	v1 =	vmul.f32 v9, v1;
	v9 =	vld [tilespmem:s0+$0x100]  }
0x30f: {  	v63 =	vld [tilespmem:s29+$0xFFFFFEF0];
	[tilespmem:s29+$0xFFFFFE80] =	vst v4;
	v3 =	vmul.f32 v3, v5  }
0x310: {  	[tilespmem:s29+$0x1A0] =	vst v1;
	v1 =	vmul.f32 v7, v6;
	v6 =	vld [tilespmem:s29+$0x1B0]  }
0x311: {  	[tilespmem:s29+$0xFFFFFE00] =	vst v3;
	v2 =	vmul.f32 v8, v2;
	v4 =	vld [tilespmem:s0+$0x1B0]  }
0x312: {  	v7 =	vld [tilespmem:s0+$0xFFFFFE90];
	[tilespmem:s29+$0xFFFFFF00] =	vst v1;
	v1 =	vmul.f32 v11, v10  }
0x313: {  	[tilespmem:s29+$0xFFFFFF80] =	vst v2;
	v10 =	vld [tilespmem:s29+$0xFFFFFE10];
	v5 =	vmul.f32 v9, v14  }
0x314: {  	v2 =	vmul.f32 v13, v12;
	[tilespmem:s29+$0x0] =	vst v1;
	v1 =	vld [tilespmem:s0+$0xFFFFFF90]  }
0x315: {  	[tilespmem:s29+$0x100] =	vst v5;
	v5 =	vld [tilespmem:s0+$0xFFFFFE10]  }
0x316: {  	[tilespmem:s29+$0x80] =	vst v2;
	v2 =	vld [tilespmem:s0+$0x10];
	v4 =	vmul.f32 v4, v6  }
0x317: {  	v6 =	vld [tilespmem:s0+$0x110]  }
0x318: {  	[tilespmem:s29+$0x1B0] =	vst v4;
	v4 =	vld [tilespmem:s29+$0x1C0]  }
0x319: {  	v9 =	vld [tilespmem:s0+$0x1C0]  }
0x31a: {  	v5 =	vmul.f32 v5, v10;
	v10 =	vld [tilespmem:s29+$0x110]  }
0x31b: {  	v3 =	vld [tilespmem:s0+$0x90]  }
0x31c: {  	v11 =	vld [tilespmem:s29+$0xFFFFFE90];
	v1 =	vmul.f32 v1, v42  }
0x31d: {  	v8 =	vld [tilespmem:s0+$0xFFFFFF10];
	v2 =	vmul.f32 v2, v43  }
0x31e: {  	[tilespmem:s29+$0xFFFFFF90] =	vst v1;
	v4 =	vmul.f32 v9, v4;
	v9 =	vld [tilespmem:s29+$0x90]  }
0x31f: {  	[tilespmem:s29+$0x10] =	vst v2;
	v2 =	vmul.f32 v6, v10;
	v6 =	vld [tilespmem:s0+$0xFFFFFFA0]  }
0x320: {  	v10 =	vld [tilespmem:s29+$0xFFFFFE20]  }
0x321: {  	[tilespmem:s29+$0x1C0] =	vst v4;
	v4 =	vmul.f32 v7, v11;
	v7 =	vld [tilespmem:s29+$0x1D0]  }
0x322: {  	v11 =	vld [tilespmem:s29+$0xFFFFFEA0]  }
0x323: {  	[tilespmem:s29+$0xFFFFFE10] =	vst v5;
	v5 =	vmul.f32 v8, v41;
	v8 =	vld [tilespmem:s0+$0x1D0]  }
0x324: {  	[tilespmem:s29+$0xFFFFFE90] =	vst v4;
	v4 =	vld [tilespmem:s0+$0xFFFFFE20]  }
0x325: {  	[tilespmem:s29+$0xFFFFFF10] =	vst v5;
	v5 =	vld [tilespmem:s0+$0xFFFFFEA0];
	v1 =	vmul.f32 v3, v9  }
0x326: {  	v3 =	vld [tilespmem:s0+$0xFFFFFF20]  }
0x327: {  	v9 =	vld [tilespmem:s0+$0x20];
	[tilespmem:s29+$0x90] =	vst v1  }
0x328: {  	[tilespmem:s29+$0x110] =	vst v2;
	v1 =	vmul.f32 v8, v7;
	v7 =	vld [tilespmem:s0+$0xA0]  }
0x329: {  	v8 =	vld [tilespmem:s0+$0x120]  }
0x32a: {  	[tilespmem:s29+$0x1D0] =	vst v1;
	v1 =	vld [tilespmem:s29+$0x1E0];
	v5 =	vmul.f32 v5, v11  }
0x32b: {  	v3 =	vmul.f32 v3, v44;
	v2 =	vld [tilespmem:s0+$0x1E0]  }
0x32c: {  	v11 =	vld [tilespmem:s29+$0xFFFFFEB0];
	[tilespmem:s29+$0xFFFFFEA0] =	vst v5;
	v5 =	vmul.f32 v6, v45  }
0x32d: {  	[tilespmem:s29+$0xFFFFFF20] =	vst v3;
	v3 =	vmul.f32 v9, v46;
	v9 =	vld [tilespmem:s0+$0xFFFFFEB0]  }
0x32e: {  	[tilespmem:s29+$0xFFFFFFA0] =	vst v5;
	v5 =	vmul.f32 v7, v15;
	v7 =	vld [tilespmem:s0+$0xFFFFFF30]  }
0x32f: {  	[tilespmem:s29+$0x20] =	vst v3;
	v3 =	vld [tilespmem:s0+$0xFFFFFFB0]  }
0x330: {  	v1 =	vmul.f32 v2, v1;
	v2 =	vmul.f32 v4, v10;
	v4 =	vld [tilespmem:s29+$0x120]  }
0x331: {  	[tilespmem:s29+$0xA0] =	vst v5;
	v5 =	vld [tilespmem:s0+$0x30]  }
0x332: {  	[tilespmem:s29+$0x1E0] =	vst v1;
	v1 =	vld [tilespmem:s29+$0x1F0]  }
0x333: {  	v9 =	vmul.f32 v9, v11;
	v11 =	vld [tilespmem:s29+$0x130]  }
0x334: {  	[tilespmem:s29+$0xFFFFFE20] =	vst v2;
	v2 =	vld [tilespmem:s0+$0x1F0]  }
0x335: {  	v6 =	vld [tilespmem:s0+$0xFFFFFE30];
	v4 =	vmul.f32 v8, v4  }
0x336: {  	v8 =	vld [tilespmem:s0+$0xB0]  }
0x337: {  	v7 =	vmul.f32 v7, v47;
	[tilespmem:s29+$0x120] =	vst v4;
	v4 =	vld [tilespmem:s29+$0xFFFFFE30]  }
0x338: {  	[tilespmem:s29+$0xFFFFFEB0] =	vst v9;
	v10 =	vld [tilespmem:s0+$0x130]  }
0x339: {  	v9 =	vld [tilespmem:s0+$0xFFFFFEC0];
	[tilespmem:s29+$0xFFFFFF30] =	vst v7;
	v1 =	vmul.f32 v2, v1  }
0x33a: {  	v7 =	vld [tilespmem:s0+$0xFFFFFF40]  }
0x33b: {  	v5 =	vmul.f32 v5, v49;
	[tilespmem:s29+$0x1F0] =	vst v1;
	v1 =	vld [tilespmem:s29+$0xF0]  }
0x33c: {  	v4 =	vmul.f32 v6, v4;
	v6 =	vld [tilespmem:s29+$0xB0]  }
0x33d: {  	[tilespmem:s29+$0x30] =	vst v5;
	v5 =	vmul.f32 v10, v11;
	v11 =	vld [tilespmem:s29+$0xFFFFFF40]  }
0x33e: {  	[tilespmem:s29+$0xFFFFFE30] =	vst v4;
	v4 =	vld [tilespmem:s29+$0xFFFFFE40]  }
0x33f: {  	v50 =	vld [tilespmem:s0+$0xFFFFFE40]  }
0x340: {  	v3 =	vmul.f32 v3, v48;
	v10 =	vld [tilespmem:s29+$0xFFFFFEC0];
	[tilespmem:s29+$0x130] =	vst v5  }
0x341: {  	v5 =	vld [tilespmem:s0+$0x140]  }
0x342: {  	[tilespmem:s29+$0xFFFFFFB0] =	vst v3;
	v3 =	vmul.f32 v8, v6;
	v8 =	vld [tilespmem:s0+$0x40]  }
0x343: {  	v6 =	vld [tilespmem:s0+$0xFFFFFFC0];
	v7 =	vmul.f32 v7, v11  }
0x344: {  	v11 =	vld [tilespmem:s29+$0xFFFFFE50];
	[tilespmem:s29+$0xB0] =	vst v3;
	v4 =	vmul.f32 v50, v4  }
0x345: {  	v3 =	vld [tilespmem:s0+$0xC0];
	[tilespmem:s29+$0xFFFFFF40] =	vst v7  }
0x346: {  	[tilespmem:s29+$0xFFFFFE40] =	vst v4;
	v4 =	vmul.f32 v9, v10;
	v9 =	vld [tilespmem:s29+$0x140]  }
0x347: {  	v7 =	vmul.f32 v8, v52;
	v8 =	vld [tilespmem:s0+$0xFFFFFF50]  }
0x348: {  	v10 =	vld [tilespmem:s0+$0xFFFFFE50];
	[tilespmem:s29+$0xFFFFFEC0] =	vst v4;
	v4 =	vmul.f32 v6, v51  }
0x349: {  	[tilespmem:s29+$0x40] =	vst v7;
	v6 =	vld [tilespmem:s0+$0xFFFFFED0]  }
0x34a: {  	v3 =	vmul.f32 v3, v53;
	v7 =	vld [tilespmem:s0+$0x50];
	[tilespmem:s29+$0xFFFFFFC0] =	vst v4  }
0x34b: {  	v4 =	vld [tilespmem:s0+$0xFFFFFFD0]  }
0x34c: {  	v5 =	vmul.f32 v5, v9;
	[tilespmem:s29+$0xC0] =	vst v3;
	v9 =	vld [tilespmem:s29+$0xFFFFFED0]  }
0x34d: {  	v8 =	vmul.f32 v8, v54;
	v3 =	vld [tilespmem:s0+$0xD0]  }
0x34e: {  	v10 =	vmul.f32 v10, v11;
	v11 =	vld [tilespmem:s29+$0x50];
	[tilespmem:s29+$0x140] =	vst v5  }
0x34f: {  	[tilespmem:s29+$0xFFFFFF50] =	vst v8;
	v5 =	vld [tilespmem:s0+$0x150]  }
0x350: {  	[tilespmem:s29+$0xFFFFFE50] =	vst v10;
	v8 =	vld [tilespmem:s0+$0xFFFFFF60]  }
0x351: {  	v10 =	vld [tilespmem:s0+$0xFFFFFE60];
	v6 =	vmul.f32 v6, v9  }
0x352: {  	v9 =	vld [tilespmem:s29+$0x150];
	v4 =	vmul.f32 v4, v55  }
0x353: {  	v7 =	vmul.f32 v7, v11;
	v11 =	vld [tilespmem:s29+$0xFFFFFF60];
	[tilespmem:s29+$0xFFFFFED0] =	vst v6  }
0x354: {  	[tilespmem:s29+$0xFFFFFFD0] =	vst v4;
	v6 =	vld [tilespmem:s0+$0xFFFFFEE0]  }
0x355: {  	v3 =	vmul.f32 v3, v56;
	v4 =	vld [tilespmem:s0+$0xFFFFFFE0];
	[tilespmem:s29+$0x50] =	vst v7  }
0x356: {  	v7 =	vld [tilespmem:s0+$0x60]  }
0x357: {  	[tilespmem:s29+$0xD0] =	vst v3;
	v10 =	vmul.f32 v10, v57;
	v5 =	vmul.f32 v5, v9;
	v9 =	vld [tilespmem:s29+$0xFFFFFEE0]  }
0x358: {  	v3 =	vld [tilespmem:s0+$0xE0]  }
0x359: {  	[tilespmem:s29+$0xFFFFFE60] =	vst v10;
	v10 =	vld [tilespmem:s29+$0xFFFFFF70]  }
0x35a: {  	v8 =	vmul.f32 v8, v11;
	[tilespmem:s29+$0x150] =	vst v5;
	v11 =	vld [tilespmem:s0+$0xFFFFFE70];
	v4 =	vmul.f32 v4, v58  }
0x35b: {  	v5 =	vld [tilespmem:s0+$0x160]  }
0x35c: {  	v6 =	vmul.f32 v6, v9;
	v9 =	vld [tilespmem:s29+$0x160];
	[tilespmem:s29+$0xFFFFFFE0] =	vst v4  }
0x35d: {  	[tilespmem:s29+$0xFFFFFF60] =	vst v8;
	v3 =	vmul.f32 v3, v60;
	v4 =	vld [tilespmem:s0+$0xFFFFFFF0]  }
0x35e: {  	[tilespmem:s29+$0xFFFFFEE0] =	vst v6;
	v6 =	vmul.f32 v7, v59;
	v7 =	vld [tilespmem:s0+$0xFFFFFF70]  }
0x35f: {  	[tilespmem:s29+$0xE0] =	vst v3;
	v62 =	vld [tilespmem:s0+$0xFFFFFEF0]  }
0x360: {  	[tilespmem:s29+$0x60] =	vst v6;
	v6 =	vld [tilespmem:s0+$0xF0]  }
0x361: {  	v8 =	vmul.f32 v5, v9;
	v5 =	vld [tilespmem:s0+$0x70]  }
0x362: {  	v2 =	vmul.f32 v11, v61;
	v9 =	vld [tilespmem:s29+$0xFFFFFFF0]  }
0x363: {  	[tilespmem:s29+$0x160] =	vst v8;
	v8 =	vld [tilespmem:s29+$0x70]  }
0x364: {  	[tilespmem:s29+$0xFFFFFE70] =	vst v2;
	v2 =	vld [tilespmem:s29+$0x170]  }
0x365: {  	s2 =	simm.s32 $0x0;
	s10 =	simm.s32 $0x5780;
	v3 =	vld [tilespmem:s0+$0x170];
	v11 =	vmul.f32 v62, v63  }
.LBB2_9:
0x366: {  	v12 =	vld [tilespmem:s10+$0x180];
	v7 =	vmul.f32 v7, v10;
	s0 =	sadd.s32 $0x400, s0  }
0x367: {  	s2 =	sadd.s32 $0x8, s2;
	v10 =	vld [tilespmem:s0+$0x180];
	[tilespmem:s29+$0xFFFFFEF0] =	vst v11;
	v4 =	vmul.f32 v4, v9  }
0x368: {  	p1 =	slt.u32 s2, $0x20;
	v9 =	vld [tilespmem:s0+$0xFFFFFE00];
	[tilespmem:s29+$0xFFFFFF70] =	vst v7;
	v5 =	vmul.f32 v5, v8  }
0x369: {  	v7 =	vld [tilespmem:s10+$0xFFFFFE80];
	[tilespmem:s29+$0xFFFFFFF0] =	vst v4;
	v1 =	vmul.f32 v6, v1  }
0x36a: {  	v4 =	vld [tilespmem:s0+$0xFFFFFE80];
	[tilespmem:s29+$0x70] =	vst v5;
	v2 =	vmul.f32 v3, v2  }
0x36b: {  	v3 =	vld [tilespmem:s10+$0xFFFFFF00];
	[tilespmem:s29+$0xF0] =	vst v1  }
0x36c: {  	v1 =	vld [tilespmem:s0+$0xFFFFFF00];
	v5 =	vmul.f32 v10, v12;
	[tilespmem:s29+$0x170] =	vst v2;
	s29 =	smov.u32 s10  }
0x36d: {  	v2 =	vld [tilespmem:s10+$0xFFFFFF80]  }
0x36e: {  	[tilespmem:s10+$0x180] =	vst v5;
	v5 =	vld [tilespmem:s10+$0x190]  }
0x36f: {  	v4 =	vmul.f32 v4, v7;
	v6 =	vld [tilespmem:s0+$0x190]  }
0x370: {  	v7 =	vld [tilespmem:s0+$0xFFFFFF80]  }
0x371: {  	[tilespmem:s10+$0xFFFFFE80] =	vst v4;
	v1 =	vmul.f32 v1, v3;
	v3 =	vld [tilespmem:s10+$0x0]  }
0x372: {  	v4 =	vld [tilespmem:s0+$0x0]  }
0x373: {  	[tilespmem:s10+$0xFFFFFF00] =	vst v1;
	v1 =	vld [tilespmem:s10+$0x80]  }
0x374: {  	v8 =	vld [tilespmem:s0+$0x80];
	v5 =	vmul.f32 v6, v5  }
0x375: {  	v2 =	vmul.f32 v7, v2;
	v6 =	vld [tilespmem:s10+$0x100]  }
0x376: {  	[tilespmem:s10+$0x190] =	vst v5;
	v5 =	vld [tilespmem:s10+$0x1A0]  }
0x377: {  	[tilespmem:s10+$0xFFFFFF80] =	vst v2;
	v2 =	vmul.f32 v4, v3;
	v3 =	vld [tilespmem:s0+$0x1A0]  }
0x378: {  	v4 =	vld [tilespmem:s0+$0x100]  }
0x379: {  	v7 =	vld [tilespmem:s10+$0xFFFFFE00];
	[tilespmem:s10+$0x0] =	vst v2;
	v1 =	vmul.f32 v8, v1  }
0x37a: {  	v2 =	vld [tilespmem:s0+$0xFFFFFE90]  }
0x37b: {  	v8 =	vld [tilespmem:s0+$0xFFFFFF10];
	[tilespmem:s10+$0x80] =	vst v1  }
0x37c: {  	v1 =	vld [tilespmem:s0+$0xFFFFFF90];
	v3 =	vmul.f32 v3, v5  }
0x37d: {  	v5 =	vld [tilespmem:s0+$0x10];
	v4 =	vmul.f32 v4, v6  }
0x37e: {  	v6 =	vmul.f32 v9, v7;
	[tilespmem:s10+$0x1A0] =	vst v3;
	v3 =	vld [tilespmem:s10+$0x1B0]  }
0x37f: {  	[tilespmem:s10+$0x100] =	vst v4;
	v4 =	vld [tilespmem:s0+$0x1B0]  }
0x380: {  	[tilespmem:s10+$0xFFFFFE00] =	vst v6;
	v6 =	vld [tilespmem:s0+$0x90]  }
0x381: {  	v7 =	vld [tilespmem:s0+$0xFFFFFE10]  }
0x382: {  	v9 =	vld [tilespmem:s0+$0x110]  }
0x383: {  	v10 =	vld [tilespmem:s10+$0xFFFFFE10]  }
0x384: {  	v11 =	vld [tilespmem:s10+$0xFFFFFE90];
	v3 =	vmul.f32 v4, v3  }
0x385: {  	v4 =	vld [tilespmem:s10+$0xFFFFFF10]  }
0x386: {  	[tilespmem:s10+$0x1B0] =	vst v3;
	v3 =	vld [tilespmem:s10+$0x1C0]  }
0x387: {  	v12 =	vld [tilespmem:s0+$0x1C0]  }
0x388: {  	v7 =	vmul.f32 v7, v10;
	v10 =	vld [tilespmem:s10+$0xFFFFFF90]  }
0x389: {  	v2 =	vmul.f32 v2, v11;
	v11 =	vld [tilespmem:s10+$0x10]  }
0x38a: {  	[tilespmem:s10+$0xFFFFFE10] =	vst v7;
	v4 =	vmul.f32 v8, v4;
	v7 =	vld [tilespmem:s10+$0x90]  }
0x38b: {  	[tilespmem:s10+$0xFFFFFE90] =	vst v2;
	v2 =	vld [tilespmem:s10+$0x110]  }
0x38c: {  	v8 =	vld [tilespmem:s0+$0xFFFFFE20];
	[tilespmem:s10+$0xFFFFFF10] =	vst v4;
	v3 =	vmul.f32 v12, v3  }
0x38d: {  	v4 =	vld [tilespmem:s0+$0xFFFFFEA0];
	v1 =	vmul.f32 v1, v10  }
0x38e: {  	v5 =	vmul.f32 v5, v11;
	[tilespmem:s10+$0x1C0] =	vst v3;
	v3 =	vld [tilespmem:s10+$0x1D0]  }
0x38f: {  	[tilespmem:s10+$0xFFFFFF90] =	vst v1;
	v1 =	vmul.f32 v6, v7;
	v6 =	vld [tilespmem:s0+$0x1D0]  }
0x390: {  	v7 =	vld [tilespmem:s0+$0xFFFFFF20];
	[tilespmem:s10+$0x10] =	vst v5;
	v2 =	vmul.f32 v9, v2  }
0x391: {  	v5 =	vld [tilespmem:s0+$0xFFFFFFA0];
	[tilespmem:s10+$0x90] =	vst v1  }
0x392: {  	v1 =	vld [tilespmem:s0+$0x20];
	[tilespmem:s10+$0x110] =	vst v2  }
0x393: {  	v2 =	vld [tilespmem:s0+$0xA0]  }
0x394: {  	v9 =	vld [tilespmem:s0+$0x120];
	v3 =	vmul.f32 v6, v3  }
0x395: {  	v6 =	vld [tilespmem:s10+$0xFFFFFE20]  }
0x396: {  	[tilespmem:s10+$0x1D0] =	vst v3;
	v3 =	vld [tilespmem:s10+$0x1E0]  }
0x397: {  	v10 =	vld [tilespmem:s0+$0x1E0]  }
0x398: {  	v11 =	vld [tilespmem:s10+$0xFFFFFEA0]  }
0x399: {  	v12 =	vld [tilespmem:s10+$0xFFFFFF20]  }
0x39a: {  	v6 =	vmul.f32 v8, v6;
	v8 =	vld [tilespmem:s10+$0xFFFFFFA0]  }
0x39b: {  	v13 =	vld [tilespmem:s10+$0x20]  }
0x39c: {  	[tilespmem:s10+$0xFFFFFE20] =	vst v6;
	v6 =	vld [tilespmem:s10+$0xA0];
	v3 =	vmul.f32 v10, v3  }
0x39d: {  	v4 =	vmul.f32 v4, v11;
	v10 =	vld [tilespmem:s10+$0x120]  }
0x39e: {  	v7 =	vmul.f32 v7, v12;
	[tilespmem:s10+$0x1E0] =	vst v3;
	v3 =	vld [tilespmem:s10+$0x1F0]  }
0x39f: {  	[tilespmem:s10+$0xFFFFFEA0] =	vst v4;
	v4 =	vmul.f32 v5, v8;
	v5 =	vld [tilespmem:s0+$0x1F0]  }
0x3a0: {  	v8 =	vld [tilespmem:s0+$0xFFFFFE30];
	[tilespmem:s10+$0xFFFFFF20] =	vst v7;
	v1 =	vmul.f32 v1, v13  }
0x3a1: {  	v7 =	vld [tilespmem:s0+$0xFFFFFEB0];
	[tilespmem:s10+$0xFFFFFFA0] =	vst v4;
	v2 =	vmul.f32 v2, v6  }
0x3a2: {  	v4 =	vld [tilespmem:s0+$0xFFFFFF30];
	[tilespmem:s10+$0x20] =	vst v1;
	v1 =	vmul.f32 v9, v10  }
0x3a3: {  	v6 =	vld [tilespmem:s0+$0xFFFFFFB0];
	[tilespmem:s10+$0xA0] =	vst v2  }
0x3a4: {  	v2 =	vld [tilespmem:s0+$0x30];
	[tilespmem:s10+$0x120] =	vst v1;
	v1 =	vmul.f32 v5, v3  }
0x3a5: {  	v3 =	vld [tilespmem:s0+$0xB0]  }
0x3a6: {  	v5 =	vld [tilespmem:s0+$0x130];
	[tilespmem:s10+$0x1F0] =	vst v1  }
0x3a7: {  	v1 =	vld [tilespmem:s10+$0xFFFFFE30]  }
0x3a8: {  	v9 =	vld [tilespmem:s10+$0xFFFFFEB0]  }
0x3a9: {  	v10 =	vld [tilespmem:s10+$0xFFFFFF30]  }
0x3aa: {  	v11 =	vld [tilespmem:s10+$0xFFFFFFB0]  }
0x3ab: {  	v12 =	vld [tilespmem:s10+$0x30]  }
0x3ac: {  	v1 =	vmul.f32 v8, v1;
	v8 =	vld [tilespmem:s10+$0xB0]  }
0x3ad: {  	v7 =	vmul.f32 v7, v9;
	v9 =	vld [tilespmem:s10+$0x130]  }
0x3ae: {  	[tilespmem:s10+$0xFFFFFE30] =	vst v1;
	v1 =	vld [tilespmem:s10+$0xFFFFFE40];
	v4 =	vmul.f32 v4, v10  }
0x3af: {  	v10 =	vld [tilespmem:s0+$0xFFFFFE40];
	[tilespmem:s10+$0xFFFFFEB0] =	vst v7;
	v6 =	vmul.f32 v6, v11  }
0x3b0: {  	v7 =	vld [tilespmem:s0+$0xFFFFFEC0];
	[tilespmem:s10+$0xFFFFFF30] =	vst v4;
	v2 =	vmul.f32 v2, v12  }
0x3b1: {  	v4 =	vld [tilespmem:s0+$0xFFFFFF40];
	[tilespmem:s10+$0xFFFFFFB0] =	vst v6;
	v3 =	vmul.f32 v3, v8  }
0x3b2: {  	v6 =	vld [tilespmem:s0+$0xFFFFFFC0];
	[tilespmem:s10+$0x30] =	vst v2;
	v2 =	vmul.f32 v5, v9  }
0x3b3: {  	v5 =	vld [tilespmem:s0+$0x40];
	[tilespmem:s10+$0xB0] =	vst v3  }
0x3b4: {  	v1 =	vmul.f32 v10, v1;
	v3 =	vld [tilespmem:s0+$0xC0];
	[tilespmem:s10+$0x130] =	vst v2  }
0x3b5: {  	v2 =	vld [tilespmem:s0+$0x140]  }
0x3b6: {  	[tilespmem:s10+$0xFFFFFE40] =	vst v1;
	v1 =	vld [tilespmem:s10+$0xFFFFFEC0]  }
0x3b7: {  	v8 =	vld [tilespmem:s10+$0xFFFFFF40]  }
0x3b8: {  	v9 =	vld [tilespmem:s10+$0xFFFFFFC0]  }
0x3b9: {  	v10 =	vld [tilespmem:s10+$0x40]  }
0x3ba: {  	v11 =	vld [tilespmem:s10+$0xC0]  }
0x3bb: {  	v1 =	vmul.f32 v7, v1;
	v7 =	vld [tilespmem:s10+$0x140]  }
0x3bc: {  	v12 =	vld [tilespmem:s0+$0xFFFFFE50];
	v4 =	vmul.f32 v4, v8  }
0x3bd: {  	v8 =	vld [tilespmem:s10+$0xFFFFFE50];
	[tilespmem:s10+$0xFFFFFEC0] =	vst v1;
	v1 =	vmul.f32 v6, v9  }
0x3be: {  	v6 =	vld [tilespmem:s0+$0xFFFFFED0];
	[tilespmem:s10+$0xFFFFFF40] =	vst v4;
	v4 =	vmul.f32 v5, v10  }
0x3bf: {  	v5 =	vld [tilespmem:s0+$0xFFFFFF50];
	[tilespmem:s10+$0xFFFFFFC0] =	vst v1;
	v1 =	vmul.f32 v3, v11  }
0x3c0: {  	v3 =	vld [tilespmem:s0+$0xFFFFFFD0];
	[tilespmem:s10+$0x40] =	vst v4;
	v2 =	vmul.f32 v2, v7  }
0x3c1: {  	v4 =	vld [tilespmem:s0+$0x50];
	[tilespmem:s10+$0xC0] =	vst v1  }
0x3c2: {  	v1 =	vmul.f32 v12, v8;
	v7 =	vld [tilespmem:s0+$0xD0];
	[tilespmem:s10+$0x140] =	vst v2  }
0x3c3: {  	v2 =	vld [tilespmem:s0+$0x150]  }
0x3c4: {  	[tilespmem:s10+$0xFFFFFE50] =	vst v1;
	v1 =	vld [tilespmem:s10+$0xFFFFFED0]  }
0x3c5: {  	v8 =	vld [tilespmem:s10+$0xFFFFFF50]  }
0x3c6: {  	v9 =	vld [tilespmem:s10+$0xFFFFFFD0]  }
0x3c7: {  	v10 =	vld [tilespmem:s10+$0x50]  }
0x3c8: {  	v11 =	vld [tilespmem:s10+$0xD0]  }
0x3c9: {  	v1 =	vmul.f32 v6, v1;
	v6 =	vld [tilespmem:s10+$0x150]  }
0x3ca: {  	v12 =	vld [tilespmem:s0+$0xFFFFFE60];
	v5 =	vmul.f32 v5, v8  }
0x3cb: {  	v8 =	vld [tilespmem:s10+$0xFFFFFE60];
	[tilespmem:s10+$0xFFFFFED0] =	vst v1;
	v1 =	vmul.f32 v3, v9  }
0x3cc: {  	v3 =	vld [tilespmem:s0+$0xFFFFFEE0];
	[tilespmem:s10+$0xFFFFFF50] =	vst v5;
	v4 =	vmul.f32 v4, v10  }
0x3cd: {  	v5 =	vld [tilespmem:s0+$0xFFFFFF60];
	[tilespmem:s10+$0xFFFFFFD0] =	vst v1;
	v1 =	vmul.f32 v7, v11  }
0x3ce: {  	v7 =	vld [tilespmem:s0+$0xFFFFFFE0];
	[tilespmem:s10+$0x50] =	vst v4;
	v2 =	vmul.f32 v2, v6  }
0x3cf: {  	v4 =	vld [tilespmem:s0+$0x60];
	[tilespmem:s10+$0xD0] =	vst v1  }
0x3d0: {  	v1 =	vmul.f32 v12, v8;
	v6 =	vld [tilespmem:s0+$0xE0];
	[tilespmem:s10+$0x150] =	vst v2  }
0x3d1: {  	v2 =	vld [tilespmem:s0+$0x160]  }
0x3d2: {  	[tilespmem:s10+$0xFFFFFE60] =	vst v1;
	v1 =	vld [tilespmem:s10+$0xFFFFFEE0]  }
0x3d3: {  	v8 =	vld [tilespmem:s10+$0xFFFFFF60]  }
0x3d4: {  	v9 =	vld [tilespmem:s10+$0xFFFFFFE0]  }
0x3d5: {  	v10 =	vld [tilespmem:s10+$0x60]  }
0x3d6: {  	v11 =	vld [tilespmem:s10+$0xE0]  }
0x3d7: {  	v1 =	vmul.f32 v3, v1;
	v3 =	vld [tilespmem:s10+$0x160]  }
0x3d8: {  	v12 =	vld [tilespmem:s0+$0xFFFFFE70];
	v5 =	vmul.f32 v5, v8  }
0x3d9: {  	v8 =	vld [tilespmem:s10+$0xFFFFFE70];
	[tilespmem:s10+$0xFFFFFEE0] =	vst v1;
	v1 =	vmul.f32 v7, v9  }
0x3da: {  	v13 =	vld [tilespmem:s0+$0xFFFFFEF0];
	[tilespmem:s10+$0xFFFFFF60] =	vst v5;
	v5 =	vmul.f32 v4, v10  }
0x3db: {  	v7 =	vld [tilespmem:s0+$0xFFFFFF70];
	[tilespmem:s10+$0xFFFFFFE0] =	vst v1;
	v1 =	vmul.f32 v6, v11  }
0x3dc: {  	v4 =	vld [tilespmem:s0+$0xFFFFFFF0];
	[tilespmem:s10+$0x60] =	vst v5;
	v2 =	vmul.f32 v2, v3  }
0x3dd: {  	v5 =	vld [tilespmem:s0+$0x70];
	[tilespmem:s10+$0xE0] =	vst v1  }
0x3de: {  	v1 =	vmul.f32 v12, v8;
	v6 =	vld [tilespmem:s0+$0xF0];
	[tilespmem:s10+$0x160] =	vst v2  }
0x3df: {  	v3 =	vld [tilespmem:s0+$0x170]  }
0x3e0: {  	[tilespmem:s10+$0xFFFFFE70] =	vst v1;
	v2 =	vld [tilespmem:s10+$0xFFFFFEF0]  }
.Ltmp3:
0x3e1: {  	v10 =	vld [tilespmem:s10+$0xFFFFFF70];
	(pc) =	sbr.rel @p1 .LBB2_9-.Ltmp3, $4  }
0x3e2: {  	v9 =	vld [tilespmem:s10+$0xFFFFFFF0]  }
0x3e3: {  	v8 =	vld [tilespmem:s10+$0x70]  }
0x3e4: {  	v1 =	vld [tilespmem:s10+$0xF0]  }
0x3e5: {  	s10 =	sadd.s32 $0x400, s10;
	v11 =	vmul.f32 v13, v2;
	v2 =	vld [tilespmem:s29+$0x170]  }
0x3e6: {  	v7 =	vmul.f32 v7, v10  }
0x3e7: {  	[tilespmem:s29+$0xFFFFFEF0] =	vst v11;
	v4 =	vmul.f32 v4, v9  }
0x3e8: {  	[tilespmem:s29+$0xFFFFFF70] =	vst v7;
	v5 =	vmul.f32 v5, v8  }
0x3e9: {  	[tilespmem:s29+$0xFFFFFFF0] =	vst v4;
	v1 =	vmul.f32 v6, v1  }
0x3ea: {  	[tilespmem:s29+$0x70] =	vst v5;
	v2 =	vmul.f32 v3, v2  }
0x3eb: {  	[tilespmem:s29+$0xF0] =	vst v1  }
0x3ec: {  	[tilespmem:s29+$0x170] =	vst v2  }
0x3ed: {  	_ =	swait.ge [sflag:s4], $0x28  }
0x3ee: {  	[sflag:s4] =	ssyncset.done $0x0  }
0x3ef: {  	s0 =	simm.s32 $0x2880;
	s2 =	simm.s32 $0x5180;
	[sflag:s4] =	ssyncadd.s32 $0xFFFFFFD8  }
0x3f0: {  	[spmem:s22] =	stream.indirect.scatter.add.f32 [tilespmem:s2], [sflag:$0xE], $0x80, s0, s11, $0xb8;
	[tilespmem:$0x1DA00] =	vst v63  }
0x3f1: {  	s0 =	sadd.s32 $0xA0, s28  }
0x3f2: {  	_ =	swait.ge [sflag:s5], $0x1400;
	s2 =	sadd.s32 s20, s0  }
0x3f3: {  	[sflag:s5] =	ssyncset.done $0x0;
	s10 =	sshrl.u32 s2, $0x3  }
0x3f4: {  	s2 =	sshll.u32 s2, $0x4;
	[sflag:s5] =	ssyncadd.s32 $0xFFFFEC00;
	s10 =	sadd.s32 s23, s10  }
0x3f5: {  	[tilespmem:s24], [sflag:$0x2] =	stream.linear.gather [hbm4b:s10+s1], $0x28, $0x38;
	[tilespmem:$0x1DA00] =	vst v63  }
0x3f6: {  	s2 =	sadd.s32 s19, s2;
	s10 =	simm.s32 $0x7980  }
0x3f7: {  	[tilespmem:s10], [sflag:$0xA] =	stream.linear.gather [hbm4b:s2+s1], $0x1400, $0x38;
	[tilespmem:$0x1DA00] =	vst v63  }
0x3f8: {  	_ = 	snop  }
0x3f9: {  	[tilespmem:s15], [sflag:$0x6] =	stream.indirect.gather [hbm4b:s16+s11], $0x80, s0, s11, $0xb8;
	[tilespmem:$0x1DA00] =	vst v63  }
0x3fa: {  	_ =	swait.ge [sflag:s30], $0x1400  }
0x3fb: {  	[sflag:s30] =	ssyncset.done $0x0  }
0x3fc: {  	[sflag:s30] =	ssyncadd.s32 $0xFFFFEC00  }
0x3fd: {  	_ =	swait.ge [sflag:s6], $0x1400  }
0x3fe: {  	[sflag:s6] =	ssyncset.done $0x0  }
0x3ff: {  	s29 =	simm.s32 $0x6780;
	[sflag:s6] =	ssyncadd.s32 $0xFFFFEC00  }
0x400: {  	s0 =	simm.s32 $0x8F80;
	v1 =	vld [tilespmem:s29+$0x180]  }
0x401: {  	v2 =	vld [tilespmem:s0+$0x180]  }
0x402: {  	v3 =	vld [tilespmem:s0+$0xFFFFFE00]  }
0x403: {  	v4 =	vld [tilespmem:s29+$0xFFFFFE80]  }
0x404: {  	v5 =	vld [tilespmem:s0+$0xFFFFFE80]  }
0x405: {  	v6 =	vld [tilespmem:s29+$0xFFFFFF00]  }
0x406: {  	v7 =	vld [tilespmem:s0+$0xFFFFFF00]  }
0x407: {  	v8 =	vld [tilespmem:s0+$0xFFFFFF80]  }
0x408: {  	v10 =	vld [tilespmem:s29+$0x0]  }
0x409: {  	v11 =	vld [tilespmem:s0+$0x0]  }
0x40a: {  	v12 =	vld [tilespmem:s29+$0x80]  }
0x40b: {  	v13 =	vld [tilespmem:s0+$0x80]  }
0x40c: {  	v14 =	vld [tilespmem:s29+$0x100]  }
0x40d: {  	v41 =	vld [tilespmem:s29+$0xFFFFFF10]  }
0x40e: {  	v42 =	vld [tilespmem:s29+$0xFFFFFF90]  }
0x40f: {  	v43 =	vld [tilespmem:s29+$0x10]  }
0x410: {  	v44 =	vld [tilespmem:s29+$0xFFFFFF20]  }
0x411: {  	v45 =	vld [tilespmem:s29+$0xFFFFFFA0]  }
0x412: {  	v46 =	vld [tilespmem:s29+$0x20]  }
0x413: {  	v15 =	vld [tilespmem:s29+$0xA0]  }
0x414: {  	v47 =	vld [tilespmem:s29+$0xFFFFFF30]  }
0x415: {  	v48 =	vld [tilespmem:s29+$0xFFFFFFB0]  }
0x416: {  	v49 =	vld [tilespmem:s29+$0x30]  }
0x417: {  	v51 =	vld [tilespmem:s29+$0xFFFFFFC0]  }
0x418: {  	v52 =	vld [tilespmem:s29+$0x40];
	v1 =	vmul.f32 v2, v1  }
0x419: {  	v53 =	vld [tilespmem:s29+$0xC0]  }
0x41a: {  	[tilespmem:s29+$0x180] =	vst v1;
	v1 =	vld [tilespmem:s29+$0x190]  }
0x41b: {  	v2 =	vld [tilespmem:s0+$0x190]  }
0x41c: {  	v54 =	vld [tilespmem:s29+$0xFFFFFF50]  }
0x41d: {  	v55 =	vld [tilespmem:s29+$0xFFFFFFD0]  }
0x41e: {  	v56 =	vld [tilespmem:s29+$0xD0]  }
0x41f: {  	v57 =	vld [tilespmem:s29+$0xFFFFFE60]  }
0x420: {  	v58 =	vld [tilespmem:s29+$0xFFFFFFE0];
	v1 =	vmul.f32 v2, v1  }
0x421: {  	v59 =	vld [tilespmem:s29+$0x60]  }
0x422: {  	[tilespmem:s29+$0x190] =	vst v1;
	v1 =	vld [tilespmem:s29+$0x1A0]  }
0x423: {  	v9 =	vld [tilespmem:s0+$0x1A0]  }
0x424: {  	v4 =	vmul.f32 v5, v4;
	v5 =	vld [tilespmem:s29+$0xFFFFFE00]  }
0x425: {  	v60 =	vld [tilespmem:s29+$0xE0]  }
0x426: {  	v2 =	vld [tilespmem:s29+$0xFFFFFF80]  }
0x427: {  	v61 =	vld [tilespmem:s29+$0xFFFFFE70]  }
0x428: {  	v1 =	vmul.f32 v9, v1;
	v9 =	vld [tilespmem:s0+$0x100]  }
0x429: {  	v63 =	vld [tilespmem:s29+$0xFFFFFEF0];
	[tilespmem:s29+$0xFFFFFE80] =	vst v4;
	v3 =	vmul.f32 v3, v5  }
0x42a: {  	[tilespmem:s29+$0x1A0] =	vst v1;
	v1 =	vmul.f32 v7, v6;
	v6 =	vld [tilespmem:s29+$0x1B0]  }
0x42b: {  	[tilespmem:s29+$0xFFFFFE00] =	vst v3;
	v2 =	vmul.f32 v8, v2;
	v4 =	vld [tilespmem:s0+$0x1B0]  }
0x42c: {  	v7 =	vld [tilespmem:s0+$0xFFFFFE90];
	[tilespmem:s29+$0xFFFFFF00] =	vst v1;
	v1 =	vmul.f32 v11, v10  }
0x42d: {  	[tilespmem:s29+$0xFFFFFF80] =	vst v2;
	v10 =	vld [tilespmem:s29+$0xFFFFFE10];
	v5 =	vmul.f32 v9, v14  }
0x42e: {  	v2 =	vmul.f32 v13, v12;
	[tilespmem:s29+$0x0] =	vst v1;
	v1 =	vld [tilespmem:s0+$0xFFFFFF90]  }
0x42f: {  	[tilespmem:s29+$0x100] =	vst v5;
	v5 =	vld [tilespmem:s0+$0xFFFFFE10]  }
0x430: {  	[tilespmem:s29+$0x80] =	vst v2;
	v2 =	vld [tilespmem:s0+$0x10];
	v4 =	vmul.f32 v4, v6  }
0x431: {  	v6 =	vld [tilespmem:s0+$0x110]  }
0x432: {  	[tilespmem:s29+$0x1B0] =	vst v4;
	v4 =	vld [tilespmem:s29+$0x1C0]  }
0x433: {  	v9 =	vld [tilespmem:s0+$0x1C0]  }
0x434: {  	v5 =	vmul.f32 v5, v10;
	v10 =	vld [tilespmem:s29+$0x110]  }
0x435: {  	v3 =	vld [tilespmem:s0+$0x90]  }
0x436: {  	v11 =	vld [tilespmem:s29+$0xFFFFFE90];
	v1 =	vmul.f32 v1, v42  }
0x437: {  	v8 =	vld [tilespmem:s0+$0xFFFFFF10];
	v2 =	vmul.f32 v2, v43  }
0x438: {  	[tilespmem:s29+$0xFFFFFF90] =	vst v1;
	v4 =	vmul.f32 v9, v4;
	v9 =	vld [tilespmem:s29+$0x90]  }
0x439: {  	[tilespmem:s29+$0x10] =	vst v2;
	v2 =	vmul.f32 v6, v10;
	v6 =	vld [tilespmem:s0+$0xFFFFFFA0]  }
0x43a: {  	v10 =	vld [tilespmem:s29+$0xFFFFFE20]  }
0x43b: {  	[tilespmem:s29+$0x1C0] =	vst v4;
	v4 =	vmul.f32 v7, v11;
	v7 =	vld [tilespmem:s29+$0x1D0]  }
0x43c: {  	v11 =	vld [tilespmem:s29+$0xFFFFFEA0]  }
0x43d: {  	[tilespmem:s29+$0xFFFFFE10] =	vst v5;
	v5 =	vmul.f32 v8, v41;
	v8 =	vld [tilespmem:s0+$0x1D0]  }
0x43e: {  	[tilespmem:s29+$0xFFFFFE90] =	vst v4;
	v4 =	vld [tilespmem:s0+$0xFFFFFE20]  }
0x43f: {  	[tilespmem:s29+$0xFFFFFF10] =	vst v5;
	v5 =	vld [tilespmem:s0+$0xFFFFFEA0];
	v1 =	vmul.f32 v3, v9  }
0x440: {  	v3 =	vld [tilespmem:s0+$0xFFFFFF20]  }
0x441: {  	v9 =	vld [tilespmem:s0+$0x20];
	[tilespmem:s29+$0x90] =	vst v1  }
0x442: {  	[tilespmem:s29+$0x110] =	vst v2;
	v1 =	vmul.f32 v8, v7;
	v7 =	vld [tilespmem:s0+$0xA0]  }
0x443: {  	v8 =	vld [tilespmem:s0+$0x120]  }
0x444: {  	[tilespmem:s29+$0x1D0] =	vst v1;
	v1 =	vld [tilespmem:s29+$0x1E0];
	v5 =	vmul.f32 v5, v11  }
0x445: {  	v3 =	vmul.f32 v3, v44;
	v2 =	vld [tilespmem:s0+$0x1E0]  }
0x446: {  	v11 =	vld [tilespmem:s29+$0xFFFFFEB0];
	[tilespmem:s29+$0xFFFFFEA0] =	vst v5;
	v5 =	vmul.f32 v6, v45  }
0x447: {  	[tilespmem:s29+$0xFFFFFF20] =	vst v3;
	v3 =	vmul.f32 v9, v46;
	v9 =	vld [tilespmem:s0+$0xFFFFFEB0]  }
0x448: {  	[tilespmem:s29+$0xFFFFFFA0] =	vst v5;
	v5 =	vmul.f32 v7, v15;
	v7 =	vld [tilespmem:s0+$0xFFFFFF30]  }
0x449: {  	[tilespmem:s29+$0x20] =	vst v3;
	v3 =	vld [tilespmem:s0+$0xFFFFFFB0]  }
0x44a: {  	v1 =	vmul.f32 v2, v1;
	v2 =	vmul.f32 v4, v10;
	v4 =	vld [tilespmem:s29+$0x120]  }
0x44b: {  	[tilespmem:s29+$0xA0] =	vst v5;
	v5 =	vld [tilespmem:s0+$0x30]  }
0x44c: {  	[tilespmem:s29+$0x1E0] =	vst v1;
	v1 =	vld [tilespmem:s29+$0x1F0]  }
0x44d: {  	v9 =	vmul.f32 v9, v11;
	v11 =	vld [tilespmem:s29+$0x130]  }
0x44e: {  	[tilespmem:s29+$0xFFFFFE20] =	vst v2;
	v2 =	vld [tilespmem:s0+$0x1F0]  }
0x44f: {  	v6 =	vld [tilespmem:s0+$0xFFFFFE30];
	v4 =	vmul.f32 v8, v4  }
0x450: {  	v8 =	vld [tilespmem:s0+$0xB0]  }
0x451: {  	v7 =	vmul.f32 v7, v47;
	[tilespmem:s29+$0x120] =	vst v4;
	v4 =	vld [tilespmem:s29+$0xFFFFFE30]  }
0x452: {  	[tilespmem:s29+$0xFFFFFEB0] =	vst v9;
	v10 =	vld [tilespmem:s0+$0x130]  }
0x453: {  	v9 =	vld [tilespmem:s0+$0xFFFFFEC0];
	[tilespmem:s29+$0xFFFFFF30] =	vst v7;
	v1 =	vmul.f32 v2, v1  }
0x454: {  	v7 =	vld [tilespmem:s0+$0xFFFFFF40]  }
0x455: {  	v5 =	vmul.f32 v5, v49;
	[tilespmem:s29+$0x1F0] =	vst v1;
	v1 =	vld [tilespmem:s29+$0xF0]  }
0x456: {  	v4 =	vmul.f32 v6, v4;
	v6 =	vld [tilespmem:s29+$0xB0]  }
0x457: {  	[tilespmem:s29+$0x30] =	vst v5;
	v5 =	vmul.f32 v10, v11;
	v11 =	vld [tilespmem:s29+$0xFFFFFF40]  }
0x458: {  	[tilespmem:s29+$0xFFFFFE30] =	vst v4;
	v4 =	vld [tilespmem:s29+$0xFFFFFE40]  }
0x459: {  	v50 =	vld [tilespmem:s0+$0xFFFFFE40]  }
0x45a: {  	v3 =	vmul.f32 v3, v48;
	v10 =	vld [tilespmem:s29+$0xFFFFFEC0];
	[tilespmem:s29+$0x130] =	vst v5  }
0x45b: {  	v5 =	vld [tilespmem:s0+$0x140]  }
0x45c: {  	[tilespmem:s29+$0xFFFFFFB0] =	vst v3;
	v3 =	vmul.f32 v8, v6;
	v8 =	vld [tilespmem:s0+$0x40]  }
0x45d: {  	v6 =	vld [tilespmem:s0+$0xFFFFFFC0];
	v7 =	vmul.f32 v7, v11  }
0x45e: {  	v11 =	vld [tilespmem:s29+$0xFFFFFE50];
	[tilespmem:s29+$0xB0] =	vst v3;
	v4 =	vmul.f32 v50, v4  }
0x45f: {  	v3 =	vld [tilespmem:s0+$0xC0];
	[tilespmem:s29+$0xFFFFFF40] =	vst v7  }
0x460: {  	[tilespmem:s29+$0xFFFFFE40] =	vst v4;
	v4 =	vmul.f32 v9, v10;
	v9 =	vld [tilespmem:s29+$0x140]  }
0x461: {  	v7 =	vmul.f32 v8, v52;
	v8 =	vld [tilespmem:s0+$0xFFFFFF50]  }
0x462: {  	v10 =	vld [tilespmem:s0+$0xFFFFFE50];
	[tilespmem:s29+$0xFFFFFEC0] =	vst v4;
	v4 =	vmul.f32 v6, v51  }
0x463: {  	[tilespmem:s29+$0x40] =	vst v7;
	v6 =	vld [tilespmem:s0+$0xFFFFFED0]  }
0x464: {  	v3 =	vmul.f32 v3, v53;
	v7 =	vld [tilespmem:s0+$0x50];
	[tilespmem:s29+$0xFFFFFFC0] =	vst v4  }
0x465: {  	v4 =	vld [tilespmem:s0+$0xFFFFFFD0]  }
0x466: {  	v5 =	vmul.f32 v5, v9;
	[tilespmem:s29+$0xC0] =	vst v3;
	v9 =	vld [tilespmem:s29+$0xFFFFFED0]  }
0x467: {  	v8 =	vmul.f32 v8, v54;
	v3 =	vld [tilespmem:s0+$0xD0]  }
0x468: {  	v10 =	vmul.f32 v10, v11;
	v11 =	vld [tilespmem:s29+$0x50];
	[tilespmem:s29+$0x140] =	vst v5  }
0x469: {  	[tilespmem:s29+$0xFFFFFF50] =	vst v8;
	v5 =	vld [tilespmem:s0+$0x150]  }
0x46a: {  	[tilespmem:s29+$0xFFFFFE50] =	vst v10;
	v8 =	vld [tilespmem:s0+$0xFFFFFF60]  }
0x46b: {  	v10 =	vld [tilespmem:s0+$0xFFFFFE60];
	v6 =	vmul.f32 v6, v9  }
0x46c: {  	v9 =	vld [tilespmem:s29+$0x150];
	v4 =	vmul.f32 v4, v55  }
0x46d: {  	v7 =	vmul.f32 v7, v11;
	v11 =	vld [tilespmem:s29+$0xFFFFFF60];
	[tilespmem:s29+$0xFFFFFED0] =	vst v6  }
0x46e: {  	[tilespmem:s29+$0xFFFFFFD0] =	vst v4;
	v6 =	vld [tilespmem:s0+$0xFFFFFEE0]  }
0x46f: {  	v3 =	vmul.f32 v3, v56;
	v4 =	vld [tilespmem:s0+$0xFFFFFFE0];
	[tilespmem:s29+$0x50] =	vst v7  }
0x470: {  	v7 =	vld [tilespmem:s0+$0x60]  }
0x471: {  	[tilespmem:s29+$0xD0] =	vst v3;
	v10 =	vmul.f32 v10, v57;
	v5 =	vmul.f32 v5, v9;
	v9 =	vld [tilespmem:s29+$0xFFFFFEE0]  }
0x472: {  	v3 =	vld [tilespmem:s0+$0xE0]  }
0x473: {  	[tilespmem:s29+$0xFFFFFE60] =	vst v10;
	v10 =	vld [tilespmem:s29+$0xFFFFFF70]  }
0x474: {  	v8 =	vmul.f32 v8, v11;
	[tilespmem:s29+$0x150] =	vst v5;
	v11 =	vld [tilespmem:s0+$0xFFFFFE70];
	v4 =	vmul.f32 v4, v58  }
0x475: {  	v5 =	vld [tilespmem:s0+$0x160]  }
0x476: {  	v6 =	vmul.f32 v6, v9;
	v9 =	vld [tilespmem:s29+$0x160];
	[tilespmem:s29+$0xFFFFFFE0] =	vst v4  }
0x477: {  	[tilespmem:s29+$0xFFFFFF60] =	vst v8;
	v3 =	vmul.f32 v3, v60;
	v4 =	vld [tilespmem:s0+$0xFFFFFFF0]  }
0x478: {  	[tilespmem:s29+$0xFFFFFEE0] =	vst v6;
	v6 =	vmul.f32 v7, v59;
	v7 =	vld [tilespmem:s0+$0xFFFFFF70]  }
0x479: {  	[tilespmem:s29+$0xE0] =	vst v3;
	v62 =	vld [tilespmem:s0+$0xFFFFFEF0]  }
0x47a: {  	[tilespmem:s29+$0x60] =	vst v6;
	v6 =	vld [tilespmem:s0+$0xF0]  }
0x47b: {  	v8 =	vmul.f32 v5, v9;
	v5 =	vld [tilespmem:s0+$0x70]  }
0x47c: {  	v2 =	vmul.f32 v11, v61;
	v9 =	vld [tilespmem:s29+$0xFFFFFFF0]  }
0x47d: {  	[tilespmem:s29+$0x160] =	vst v8;
	v8 =	vld [tilespmem:s29+$0x70]  }
0x47e: {  	[tilespmem:s29+$0xFFFFFE70] =	vst v2;
	v2 =	vld [tilespmem:s29+$0x170]  }
0x47f: {  	s2 =	simm.s32 $0x0;
	s10 =	simm.s32 $0x6B80;
	v3 =	vld [tilespmem:s0+$0x170];
	v11 =	vmul.f32 v62, v63  }
.LBB2_11:
0x480: {  	v12 =	vld [tilespmem:s10+$0x180];
	v7 =	vmul.f32 v7, v10;
	s0 =	sadd.s32 $0x400, s0  }
0x481: {  	s2 =	sadd.s32 $0x8, s2;
	v10 =	vld [tilespmem:s0+$0x180];
	[tilespmem:s29+$0xFFFFFEF0] =	vst v11;
	v4 =	vmul.f32 v4, v9  }
0x482: {  	p1 =	slt.u32 s2, $0x20;
	v9 =	vld [tilespmem:s0+$0xFFFFFE00];
	[tilespmem:s29+$0xFFFFFF70] =	vst v7;
	v5 =	vmul.f32 v5, v8  }
0x483: {  	v7 =	vld [tilespmem:s10+$0xFFFFFE80];
	[tilespmem:s29+$0xFFFFFFF0] =	vst v4;
	v1 =	vmul.f32 v6, v1  }
0x484: {  	v4 =	vld [tilespmem:s0+$0xFFFFFE80];
	[tilespmem:s29+$0x70] =	vst v5;
	v2 =	vmul.f32 v3, v2  }
0x485: {  	v3 =	vld [tilespmem:s10+$0xFFFFFF00];
	[tilespmem:s29+$0xF0] =	vst v1  }
0x486: {  	v1 =	vld [tilespmem:s0+$0xFFFFFF00];
	v5 =	vmul.f32 v10, v12;
	[tilespmem:s29+$0x170] =	vst v2;
	s29 =	smov.u32 s10  }
0x487: {  	v2 =	vld [tilespmem:s10+$0xFFFFFF80]  }
0x488: {  	[tilespmem:s10+$0x180] =	vst v5;
	v5 =	vld [tilespmem:s10+$0x190]  }
0x489: {  	v4 =	vmul.f32 v4, v7;
	v6 =	vld [tilespmem:s0+$0x190]  }
0x48a: {  	v7 =	vld [tilespmem:s0+$0xFFFFFF80]  }
0x48b: {  	[tilespmem:s10+$0xFFFFFE80] =	vst v4;
	v1 =	vmul.f32 v1, v3;
	v3 =	vld [tilespmem:s10+$0x0]  }
0x48c: {  	v4 =	vld [tilespmem:s0+$0x0]  }
0x48d: {  	[tilespmem:s10+$0xFFFFFF00] =	vst v1;
	v1 =	vld [tilespmem:s10+$0x80]  }
0x48e: {  	v8 =	vld [tilespmem:s0+$0x80];
	v5 =	vmul.f32 v6, v5  }
0x48f: {  	v2 =	vmul.f32 v7, v2;
	v6 =	vld [tilespmem:s10+$0x100]  }
0x490: {  	[tilespmem:s10+$0x190] =	vst v5;
	v5 =	vld [tilespmem:s10+$0x1A0]  }
0x491: {  	[tilespmem:s10+$0xFFFFFF80] =	vst v2;
	v2 =	vmul.f32 v4, v3;
	v3 =	vld [tilespmem:s0+$0x1A0]  }
0x492: {  	v4 =	vld [tilespmem:s0+$0x100]  }
0x493: {  	v7 =	vld [tilespmem:s10+$0xFFFFFE00];
	[tilespmem:s10+$0x0] =	vst v2;
	v1 =	vmul.f32 v8, v1  }
0x494: {  	v2 =	vld [tilespmem:s0+$0xFFFFFE90]  }
0x495: {  	v8 =	vld [tilespmem:s0+$0xFFFFFF10];
	[tilespmem:s10+$0x80] =	vst v1  }
0x496: {  	v1 =	vld [tilespmem:s0+$0xFFFFFF90];
	v3 =	vmul.f32 v3, v5  }
0x497: {  	v5 =	vld [tilespmem:s0+$0x10];
	v4 =	vmul.f32 v4, v6  }
0x498: {  	v6 =	vmul.f32 v9, v7;
	[tilespmem:s10+$0x1A0] =	vst v3;
	v3 =	vld [tilespmem:s10+$0x1B0]  }
0x499: {  	[tilespmem:s10+$0x100] =	vst v4;
	v4 =	vld [tilespmem:s0+$0x1B0]  }
0x49a: {  	[tilespmem:s10+$0xFFFFFE00] =	vst v6;
	v6 =	vld [tilespmem:s0+$0x90]  }
0x49b: {  	v7 =	vld [tilespmem:s0+$0xFFFFFE10]  }
0x49c: {  	v9 =	vld [tilespmem:s0+$0x110]  }
0x49d: {  	v10 =	vld [tilespmem:s10+$0xFFFFFE10]  }
0x49e: {  	v11 =	vld [tilespmem:s10+$0xFFFFFE90];
	v3 =	vmul.f32 v4, v3  }
0x49f: {  	v4 =	vld [tilespmem:s10+$0xFFFFFF10]  }
0x4a0: {  	[tilespmem:s10+$0x1B0] =	vst v3;
	v3 =	vld [tilespmem:s10+$0x1C0]  }
0x4a1: {  	v12 =	vld [tilespmem:s0+$0x1C0]  }
0x4a2: {  	v7 =	vmul.f32 v7, v10;
	v10 =	vld [tilespmem:s10+$0xFFFFFF90]  }
0x4a3: {  	v2 =	vmul.f32 v2, v11;
	v11 =	vld [tilespmem:s10+$0x10]  }
0x4a4: {  	[tilespmem:s10+$0xFFFFFE10] =	vst v7;
	v4 =	vmul.f32 v8, v4;
	v7 =	vld [tilespmem:s10+$0x90]  }
0x4a5: {  	[tilespmem:s10+$0xFFFFFE90] =	vst v2;
	v2 =	vld [tilespmem:s10+$0x110]  }
0x4a6: {  	v8 =	vld [tilespmem:s0+$0xFFFFFE20];
	[tilespmem:s10+$0xFFFFFF10] =	vst v4;
	v3 =	vmul.f32 v12, v3  }
0x4a7: {  	v4 =	vld [tilespmem:s0+$0xFFFFFEA0];
	v1 =	vmul.f32 v1, v10  }
0x4a8: {  	v5 =	vmul.f32 v5, v11;
	[tilespmem:s10+$0x1C0] =	vst v3;
	v3 =	vld [tilespmem:s10+$0x1D0]  }
0x4a9: {  	[tilespmem:s10+$0xFFFFFF90] =	vst v1;
	v1 =	vmul.f32 v6, v7;
	v6 =	vld [tilespmem:s0+$0x1D0]  }
0x4aa: {  	v7 =	vld [tilespmem:s0+$0xFFFFFF20];
	[tilespmem:s10+$0x10] =	vst v5;
	v2 =	vmul.f32 v9, v2  }
0x4ab: {  	v5 =	vld [tilespmem:s0+$0xFFFFFFA0];
	[tilespmem:s10+$0x90] =	vst v1  }
0x4ac: {  	v1 =	vld [tilespmem:s0+$0x20];
	[tilespmem:s10+$0x110] =	vst v2  }
0x4ad: {  	v2 =	vld [tilespmem:s0+$0xA0]  }
0x4ae: {  	v9 =	vld [tilespmem:s0+$0x120];
	v3 =	vmul.f32 v6, v3  }
0x4af: {  	v6 =	vld [tilespmem:s10+$0xFFFFFE20]  }
0x4b0: {  	[tilespmem:s10+$0x1D0] =	vst v3;
	v3 =	vld [tilespmem:s10+$0x1E0]  }
0x4b1: {  	v10 =	vld [tilespmem:s0+$0x1E0]  }
0x4b2: {  	v11 =	vld [tilespmem:s10+$0xFFFFFEA0]  }
0x4b3: {  	v12 =	vld [tilespmem:s10+$0xFFFFFF20]  }
0x4b4: {  	v6 =	vmul.f32 v8, v6;
	v8 =	vld [tilespmem:s10+$0xFFFFFFA0]  }
0x4b5: {  	v13 =	vld [tilespmem:s10+$0x20]  }
0x4b6: {  	[tilespmem:s10+$0xFFFFFE20] =	vst v6;
	v6 =	vld [tilespmem:s10+$0xA0];
	v3 =	vmul.f32 v10, v3  }
0x4b7: {  	v4 =	vmul.f32 v4, v11;
	v10 =	vld [tilespmem:s10+$0x120]  }
0x4b8: {  	v7 =	vmul.f32 v7, v12;
	[tilespmem:s10+$0x1E0] =	vst v3;
	v3 =	vld [tilespmem:s10+$0x1F0]  }
0x4b9: {  	[tilespmem:s10+$0xFFFFFEA0] =	vst v4;
	v4 =	vmul.f32 v5, v8;
	v5 =	vld [tilespmem:s0+$0x1F0]  }
0x4ba: {  	v8 =	vld [tilespmem:s0+$0xFFFFFE30];
	[tilespmem:s10+$0xFFFFFF20] =	vst v7;
	v1 =	vmul.f32 v1, v13  }
0x4bb: {  	v7 =	vld [tilespmem:s0+$0xFFFFFEB0];
	[tilespmem:s10+$0xFFFFFFA0] =	vst v4;
	v2 =	vmul.f32 v2, v6  }
0x4bc: {  	v4 =	vld [tilespmem:s0+$0xFFFFFF30];
	[tilespmem:s10+$0x20] =	vst v1;
	v1 =	vmul.f32 v9, v10  }
0x4bd: {  	v6 =	vld [tilespmem:s0+$0xFFFFFFB0];
	[tilespmem:s10+$0xA0] =	vst v2  }
0x4be: {  	v2 =	vld [tilespmem:s0+$0x30];
	[tilespmem:s10+$0x120] =	vst v1;
	v1 =	vmul.f32 v5, v3  }
0x4bf: {  	v3 =	vld [tilespmem:s0+$0xB0]  }
0x4c0: {  	v5 =	vld [tilespmem:s0+$0x130];
	[tilespmem:s10+$0x1F0] =	vst v1  }
0x4c1: {  	v1 =	vld [tilespmem:s10+$0xFFFFFE30]  }
0x4c2: {  	v9 =	vld [tilespmem:s10+$0xFFFFFEB0]  }
0x4c3: {  	v10 =	vld [tilespmem:s10+$0xFFFFFF30]  }
0x4c4: {  	v11 =	vld [tilespmem:s10+$0xFFFFFFB0]  }
0x4c5: {  	v12 =	vld [tilespmem:s10+$0x30]  }
0x4c6: {  	v1 =	vmul.f32 v8, v1;
	v8 =	vld [tilespmem:s10+$0xB0]  }
0x4c7: {  	v7 =	vmul.f32 v7, v9;
	v9 =	vld [tilespmem:s10+$0x130]  }
0x4c8: {  	[tilespmem:s10+$0xFFFFFE30] =	vst v1;
	v1 =	vld [tilespmem:s10+$0xFFFFFE40];
	v4 =	vmul.f32 v4, v10  }
0x4c9: {  	v10 =	vld [tilespmem:s0+$0xFFFFFE40];
	[tilespmem:s10+$0xFFFFFEB0] =	vst v7;
	v6 =	vmul.f32 v6, v11  }
0x4ca: {  	v7 =	vld [tilespmem:s0+$0xFFFFFEC0];
	[tilespmem:s10+$0xFFFFFF30] =	vst v4;
	v2 =	vmul.f32 v2, v12  }
0x4cb: {  	v4 =	vld [tilespmem:s0+$0xFFFFFF40];
	[tilespmem:s10+$0xFFFFFFB0] =	vst v6;
	v3 =	vmul.f32 v3, v8  }
0x4cc: {  	v6 =	vld [tilespmem:s0+$0xFFFFFFC0];
	[tilespmem:s10+$0x30] =	vst v2;
	v2 =	vmul.f32 v5, v9  }
0x4cd: {  	v5 =	vld [tilespmem:s0+$0x40];
	[tilespmem:s10+$0xB0] =	vst v3  }
0x4ce: {  	v1 =	vmul.f32 v10, v1;
	v3 =	vld [tilespmem:s0+$0xC0];
	[tilespmem:s10+$0x130] =	vst v2  }
0x4cf: {  	v2 =	vld [tilespmem:s0+$0x140]  }
0x4d0: {  	[tilespmem:s10+$0xFFFFFE40] =	vst v1;
	v1 =	vld [tilespmem:s10+$0xFFFFFEC0]  }
0x4d1: {  	v8 =	vld [tilespmem:s10+$0xFFFFFF40]  }
0x4d2: {  	v9 =	vld [tilespmem:s10+$0xFFFFFFC0]  }
0x4d3: {  	v10 =	vld [tilespmem:s10+$0x40]  }
0x4d4: {  	v11 =	vld [tilespmem:s10+$0xC0]  }
0x4d5: {  	v1 =	vmul.f32 v7, v1;
	v7 =	vld [tilespmem:s10+$0x140]  }
0x4d6: {  	v12 =	vld [tilespmem:s0+$0xFFFFFE50];
	v4 =	vmul.f32 v4, v8  }
0x4d7: {  	v8 =	vld [tilespmem:s10+$0xFFFFFE50];
	[tilespmem:s10+$0xFFFFFEC0] =	vst v1;
	v1 =	vmul.f32 v6, v9  }
0x4d8: {  	v6 =	vld [tilespmem:s0+$0xFFFFFED0];
	[tilespmem:s10+$0xFFFFFF40] =	vst v4;
	v4 =	vmul.f32 v5, v10  }
0x4d9: {  	v5 =	vld [tilespmem:s0+$0xFFFFFF50];
	[tilespmem:s10+$0xFFFFFFC0] =	vst v1;
	v1 =	vmul.f32 v3, v11  }
0x4da: {  	v3 =	vld [tilespmem:s0+$0xFFFFFFD0];
	[tilespmem:s10+$0x40] =	vst v4;
	v2 =	vmul.f32 v2, v7  }
0x4db: {  	v4 =	vld [tilespmem:s0+$0x50];
	[tilespmem:s10+$0xC0] =	vst v1  }
0x4dc: {  	v1 =	vmul.f32 v12, v8;
	v7 =	vld [tilespmem:s0+$0xD0];
	[tilespmem:s10+$0x140] =	vst v2  }
0x4dd: {  	v2 =	vld [tilespmem:s0+$0x150]  }
0x4de: {  	[tilespmem:s10+$0xFFFFFE50] =	vst v1;
	v1 =	vld [tilespmem:s10+$0xFFFFFED0]  }
0x4df: {  	v8 =	vld [tilespmem:s10+$0xFFFFFF50]  }
0x4e0: {  	v9 =	vld [tilespmem:s10+$0xFFFFFFD0]  }
0x4e1: {  	v10 =	vld [tilespmem:s10+$0x50]  }
0x4e2: {  	v11 =	vld [tilespmem:s10+$0xD0]  }
0x4e3: {  	v1 =	vmul.f32 v6, v1;
	v6 =	vld [tilespmem:s10+$0x150]  }
0x4e4: {  	v12 =	vld [tilespmem:s0+$0xFFFFFE60];
	v5 =	vmul.f32 v5, v8  }
0x4e5: {  	v8 =	vld [tilespmem:s10+$0xFFFFFE60];
	[tilespmem:s10+$0xFFFFFED0] =	vst v1;
	v1 =	vmul.f32 v3, v9  }
0x4e6: {  	v3 =	vld [tilespmem:s0+$0xFFFFFEE0];
	[tilespmem:s10+$0xFFFFFF50] =	vst v5;
	v4 =	vmul.f32 v4, v10  }
0x4e7: {  	v5 =	vld [tilespmem:s0+$0xFFFFFF60];
	[tilespmem:s10+$0xFFFFFFD0] =	vst v1;
	v1 =	vmul.f32 v7, v11  }
0x4e8: {  	v7 =	vld [tilespmem:s0+$0xFFFFFFE0];
	[tilespmem:s10+$0x50] =	vst v4;
	v2 =	vmul.f32 v2, v6  }
0x4e9: {  	v4 =	vld [tilespmem:s0+$0x60];
	[tilespmem:s10+$0xD0] =	vst v1  }
0x4ea: {  	v1 =	vmul.f32 v12, v8;
	v6 =	vld [tilespmem:s0+$0xE0];
	[tilespmem:s10+$0x150] =	vst v2  }
0x4eb: {  	v2 =	vld [tilespmem:s0+$0x160]  }
0x4ec: {  	[tilespmem:s10+$0xFFFFFE60] =	vst v1;
	v1 =	vld [tilespmem:s10+$0xFFFFFEE0]  }
0x4ed: {  	v8 =	vld [tilespmem:s10+$0xFFFFFF60]  }
0x4ee: {  	v9 =	vld [tilespmem:s10+$0xFFFFFFE0]  }
0x4ef: {  	v10 =	vld [tilespmem:s10+$0x60]  }
0x4f0: {  	v11 =	vld [tilespmem:s10+$0xE0]  }
0x4f1: {  	v1 =	vmul.f32 v3, v1;
	v3 =	vld [tilespmem:s10+$0x160]  }
0x4f2: {  	v12 =	vld [tilespmem:s0+$0xFFFFFE70];
	v5 =	vmul.f32 v5, v8  }
0x4f3: {  	v8 =	vld [tilespmem:s10+$0xFFFFFE70];
	[tilespmem:s10+$0xFFFFFEE0] =	vst v1;
	v1 =	vmul.f32 v7, v9  }
0x4f4: {  	v13 =	vld [tilespmem:s0+$0xFFFFFEF0];
	[tilespmem:s10+$0xFFFFFF60] =	vst v5;
	v5 =	vmul.f32 v4, v10  }
0x4f5: {  	v7 =	vld [tilespmem:s0+$0xFFFFFF70];
	[tilespmem:s10+$0xFFFFFFE0] =	vst v1;
	v1 =	vmul.f32 v6, v11  }
0x4f6: {  	v4 =	vld [tilespmem:s0+$0xFFFFFFF0];
	[tilespmem:s10+$0x60] =	vst v5;
	v2 =	vmul.f32 v2, v3  }
0x4f7: {  	v5 =	vld [tilespmem:s0+$0x70];
	[tilespmem:s10+$0xE0] =	vst v1  }
0x4f8: {  	v1 =	vmul.f32 v12, v8;
	v6 =	vld [tilespmem:s0+$0xF0];
	[tilespmem:s10+$0x160] =	vst v2  }
0x4f9: {  	v3 =	vld [tilespmem:s0+$0x170]  }
0x4fa: {  	[tilespmem:s10+$0xFFFFFE70] =	vst v1;
	v2 =	vld [tilespmem:s10+$0xFFFFFEF0]  }
.Ltmp4:
0x4fb: {  	v10 =	vld [tilespmem:s10+$0xFFFFFF70];
	(pc) =	sbr.rel @p1 .LBB2_11-.Ltmp4, $4  }
0x4fc: {  	v9 =	vld [tilespmem:s10+$0xFFFFFFF0]  }
0x4fd: {  	v8 =	vld [tilespmem:s10+$0x70]  }
0x4fe: {  	v1 =	vld [tilespmem:s10+$0xF0]  }
0x4ff: {  	s10 =	sadd.s32 $0x400, s10;
	v11 =	vmul.f32 v13, v2;
	v2 =	vld [tilespmem:s29+$0x170]  }
0x500: {  	v7 =	vmul.f32 v7, v10  }
0x501: {  	[tilespmem:s29+$0xFFFFFEF0] =	vst v11;
	v4 =	vmul.f32 v4, v9  }
0x502: {  	[tilespmem:s29+$0xFFFFFF70] =	vst v7;
	v5 =	vmul.f32 v5, v8  }
0x503: {  	[tilespmem:s29+$0xFFFFFFF0] =	vst v4;
	v1 =	vmul.f32 v6, v1  }
0x504: {  	[tilespmem:s29+$0x70] =	vst v5;
	v2 =	vmul.f32 v3, v2  }
0x505: {  	[tilespmem:s29+$0xF0] =	vst v1  }
0x506: {  	[tilespmem:s29+$0x170] =	vst v2  }
0x507: {  	_ =	swait.ge [sflag:s7], $0x28  }
0x508: {  	s0 =	simm.s32 $0x2900;
	[sflag:s7] =	ssyncset.done $0x0  }
0x509: {  	s2 =	simm.s32 $0x6580;
	s28 =	sadd.s32 $0xC8, s28;
	[sflag:s7] =	ssyncadd.s32 $0xFFFFFFD8  }
0x50a: {  	[spmem:s22] =	stream.indirect.scatter.add.f32 [tilespmem:s2], [sflag:$0xF], $0x80, s0, s11, $0xb8;
	[tilespmem:$0x1DA00] =	vst v63  }
0x50b: {  	s29 =	sadd.s32 s20, s28;
	_ =	swait.ge [sflag:s8], $0x1400  }
0x50c: {  	s9 =	sadd.s32 $0x1, s9;
	s10 =	sshrl.u32 s29, $0x3;
	[sflag:s8] =	ssyncset.done $0x0  }
0x50d: {  	p1 =	sne.s32 s9, $0x3E;
	s10 =	sadd.s32 s23, s10;
	[sflag:s8] =	ssyncadd.s32 $0xFFFFEC00  }
0x50e: {  	[tilespmem:s12], [sflag:$0x3] =	stream.linear.gather [hbm4b:s10+s1], $0x28, $0x38;
	[tilespmem:$0x1DA00] =	vst v63  }
.Ltmp5:
0x50f: {  	s2 =	sshll.u32 s29, $0x4;
	(pc) =	sbr.rel @p1 .LBB2_4-.Ltmp5, $4  }
0x510: {  	s2 =	sadd.s32 s19, s2  }
0x511: {  	[tilespmem:s13], [sflag:$0xB] =	stream.linear.gather [hbm4b:s2+s1], $0x1400, $0x38;
	[tilespmem:$0x1DA00] =	vst v63  }
0x512: {  	_ = 	snop  }
0x513: {  	[tilespmem:s14], [sflag:$0x7] =	stream.indirect.gather [hbm4b:s16+s11], $0x80, s28, s11, $0xb8;
	[tilespmem:$0x1DA00] =	vst v63  }
0x514: {  	_ =	swait.ge [sflag:s21], $0x1400  }
0x515: {  	[sflag:s21] =	ssyncset.done $0x0  }
0x516: {  	[sflag:s21] =	ssyncadd.s32 $0xFFFFEC00  }
0x517: {  	_ =	swait.ge [sflag:s25], $0x1400  }
0x518: {  	[sflag:s25] =	ssyncset.done $0x0  }
0x519: {  	s9 =	simm.s32 $0x2B80;
	[sflag:s25] =	ssyncadd.s32 $0xFFFFEC00  }
0x51a: {  	s0 =	simm.s32 $0x7B80;
	v1 =	vld [tilespmem:s9+$0x180]  }
0x51b: {  	v2 =	vld [tilespmem:s0+$0x180]  }
0x51c: {  	v3 =	vld [tilespmem:s0+$0xFFFFFE00]  }
0x51d: {  	v4 =	vld [tilespmem:s9+$0xFFFFFE80]  }
0x51e: {  	v5 =	vld [tilespmem:s0+$0xFFFFFE80]  }
0x51f: {  	v6 =	vld [tilespmem:s9+$0xFFFFFF00]  }
0x520: {  	v7 =	vld [tilespmem:s0+$0xFFFFFF00]  }
0x521: {  	v8 =	vld [tilespmem:s0+$0xFFFFFF80]  }
0x522: {  	v10 =	vld [tilespmem:s9+$0x0]  }
0x523: {  	v11 =	vld [tilespmem:s0+$0x0]  }
0x524: {  	v12 =	vld [tilespmem:s9+$0x80]  }
0x525: {  	v13 =	vld [tilespmem:s0+$0x80]  }
0x526: {  	v14 =	vld [tilespmem:s9+$0x100]  }
0x527: {  	v41 =	vld [tilespmem:s9+$0xFFFFFF10]  }
0x528: {  	v42 =	vld [tilespmem:s9+$0xFFFFFF90]  }
0x529: {  	v43 =	vld [tilespmem:s9+$0x10]  }
0x52a: {  	v44 =	vld [tilespmem:s9+$0xFFFFFF20]  }
0x52b: {  	v45 =	vld [tilespmem:s9+$0xFFFFFFA0]  }
0x52c: {  	v46 =	vld [tilespmem:s9+$0x20]  }
0x52d: {  	v15 =	vld [tilespmem:s9+$0xA0]  }
0x52e: {  	v47 =	vld [tilespmem:s9+$0xFFFFFF30]  }
0x52f: {  	v48 =	vld [tilespmem:s9+$0xFFFFFFB0]  }
0x530: {  	v49 =	vld [tilespmem:s9+$0x30]  }
0x531: {  	v51 =	vld [tilespmem:s9+$0xFFFFFFC0]  }
0x532: {  	v52 =	vld [tilespmem:s9+$0x40];
	v1 =	vmul.f32 v2, v1  }
0x533: {  	v53 =	vld [tilespmem:s9+$0xC0]  }
0x534: {  	[tilespmem:s9+$0x180] =	vst v1;
	v1 =	vld [tilespmem:s9+$0x190]  }
0x535: {  	v2 =	vld [tilespmem:s0+$0x190]  }
0x536: {  	v54 =	vld [tilespmem:s9+$0xFFFFFF50]  }
0x537: {  	v55 =	vld [tilespmem:s9+$0xFFFFFFD0]  }
0x538: {  	v56 =	vld [tilespmem:s9+$0xD0]  }
0x539: {  	v57 =	vld [tilespmem:s9+$0xFFFFFE60]  }
0x53a: {  	v58 =	vld [tilespmem:s9+$0xFFFFFFE0];
	v1 =	vmul.f32 v2, v1  }
0x53b: {  	v59 =	vld [tilespmem:s9+$0x60]  }
0x53c: {  	[tilespmem:s9+$0x190] =	vst v1;
	v1 =	vld [tilespmem:s9+$0x1A0]  }
0x53d: {  	v9 =	vld [tilespmem:s0+$0x1A0]  }
0x53e: {  	v4 =	vmul.f32 v5, v4;
	v5 =	vld [tilespmem:s9+$0xFFFFFE00]  }
0x53f: {  	v60 =	vld [tilespmem:s9+$0xE0]  }
0x540: {  	v2 =	vld [tilespmem:s9+$0xFFFFFF80]  }
0x541: {  	v61 =	vld [tilespmem:s9+$0xFFFFFE70]  }
0x542: {  	v1 =	vmul.f32 v9, v1;
	v9 =	vld [tilespmem:s0+$0x100]  }
0x543: {  	v63 =	vld [tilespmem:s9+$0xFFFFFEF0];
	[tilespmem:s9+$0xFFFFFE80] =	vst v4;
	v3 =	vmul.f32 v3, v5  }
0x544: {  	[tilespmem:s9+$0x1A0] =	vst v1;
	v1 =	vmul.f32 v7, v6;
	v6 =	vld [tilespmem:s9+$0x1B0]  }
0x545: {  	[tilespmem:s9+$0xFFFFFE00] =	vst v3;
	v2 =	vmul.f32 v8, v2;
	v4 =	vld [tilespmem:s0+$0x1B0]  }
0x546: {  	v7 =	vld [tilespmem:s0+$0xFFFFFE90];
	[tilespmem:s9+$0xFFFFFF00] =	vst v1;
	v1 =	vmul.f32 v11, v10  }
0x547: {  	[tilespmem:s9+$0xFFFFFF80] =	vst v2;
	v10 =	vld [tilespmem:s9+$0xFFFFFE10];
	v5 =	vmul.f32 v9, v14  }
0x548: {  	v2 =	vmul.f32 v13, v12;
	[tilespmem:s9+$0x0] =	vst v1;
	v1 =	vld [tilespmem:s0+$0xFFFFFF90]  }
0x549: {  	[tilespmem:s9+$0x100] =	vst v5;
	v5 =	vld [tilespmem:s0+$0xFFFFFE10]  }
0x54a: {  	[tilespmem:s9+$0x80] =	vst v2;
	v2 =	vld [tilespmem:s0+$0x10];
	v4 =	vmul.f32 v4, v6  }
0x54b: {  	v6 =	vld [tilespmem:s0+$0x110]  }
0x54c: {  	[tilespmem:s9+$0x1B0] =	vst v4;
	v4 =	vld [tilespmem:s9+$0x1C0]  }
0x54d: {  	v9 =	vld [tilespmem:s0+$0x1C0]  }
0x54e: {  	v5 =	vmul.f32 v5, v10;
	v10 =	vld [tilespmem:s9+$0x110]  }
0x54f: {  	v3 =	vld [tilespmem:s0+$0x90]  }
0x550: {  	v11 =	vld [tilespmem:s9+$0xFFFFFE90];
	v1 =	vmul.f32 v1, v42  }
0x551: {  	v8 =	vld [tilespmem:s0+$0xFFFFFF10];
	v2 =	vmul.f32 v2, v43  }
0x552: {  	[tilespmem:s9+$0xFFFFFF90] =	vst v1;
	v4 =	vmul.f32 v9, v4;
	v9 =	vld [tilespmem:s9+$0x90]  }
0x553: {  	[tilespmem:s9+$0x10] =	vst v2;
	v2 =	vmul.f32 v6, v10;
	v6 =	vld [tilespmem:s0+$0xFFFFFFA0]  }
0x554: {  	v10 =	vld [tilespmem:s9+$0xFFFFFE20]  }
0x555: {  	[tilespmem:s9+$0x1C0] =	vst v4;
	v4 =	vmul.f32 v7, v11;
	v7 =	vld [tilespmem:s9+$0x1D0]  }
0x556: {  	v11 =	vld [tilespmem:s9+$0xFFFFFEA0]  }
0x557: {  	[tilespmem:s9+$0xFFFFFE10] =	vst v5;
	v5 =	vmul.f32 v8, v41;
	v8 =	vld [tilespmem:s0+$0x1D0]  }
0x558: {  	[tilespmem:s9+$0xFFFFFE90] =	vst v4;
	v4 =	vld [tilespmem:s0+$0xFFFFFE20]  }
0x559: {  	[tilespmem:s9+$0xFFFFFF10] =	vst v5;
	v5 =	vld [tilespmem:s0+$0xFFFFFEA0];
	v1 =	vmul.f32 v3, v9  }
0x55a: {  	v3 =	vld [tilespmem:s0+$0xFFFFFF20]  }
0x55b: {  	v9 =	vld [tilespmem:s0+$0x20];
	[tilespmem:s9+$0x90] =	vst v1  }
0x55c: {  	[tilespmem:s9+$0x110] =	vst v2;
	v1 =	vmul.f32 v8, v7;
	v7 =	vld [tilespmem:s0+$0xA0]  }
0x55d: {  	v8 =	vld [tilespmem:s0+$0x120]  }
0x55e: {  	[tilespmem:s9+$0x1D0] =	vst v1;
	v1 =	vld [tilespmem:s9+$0x1E0];
	v5 =	vmul.f32 v5, v11  }
0x55f: {  	v3 =	vmul.f32 v3, v44;
	v2 =	vld [tilespmem:s0+$0x1E0]  }
0x560: {  	v11 =	vld [tilespmem:s9+$0xFFFFFEB0];
	[tilespmem:s9+$0xFFFFFEA0] =	vst v5;
	v5 =	vmul.f32 v6, v45  }
0x561: {  	[tilespmem:s9+$0xFFFFFF20] =	vst v3;
	v3 =	vmul.f32 v9, v46;
	v9 =	vld [tilespmem:s0+$0xFFFFFEB0]  }
0x562: {  	[tilespmem:s9+$0xFFFFFFA0] =	vst v5;
	v5 =	vmul.f32 v7, v15;
	v7 =	vld [tilespmem:s0+$0xFFFFFF30]  }
0x563: {  	[tilespmem:s9+$0x20] =	vst v3;
	v3 =	vld [tilespmem:s0+$0xFFFFFFB0]  }
0x564: {  	v1 =	vmul.f32 v2, v1;
	v2 =	vmul.f32 v4, v10;
	v4 =	vld [tilespmem:s9+$0x120]  }
0x565: {  	[tilespmem:s9+$0xA0] =	vst v5;
	v5 =	vld [tilespmem:s0+$0x30]  }
0x566: {  	[tilespmem:s9+$0x1E0] =	vst v1;
	v1 =	vld [tilespmem:s9+$0x1F0]  }
0x567: {  	v9 =	vmul.f32 v9, v11;
	v11 =	vld [tilespmem:s9+$0x130]  }
0x568: {  	[tilespmem:s9+$0xFFFFFE20] =	vst v2;
	v2 =	vld [tilespmem:s0+$0x1F0]  }
0x569: {  	v6 =	vld [tilespmem:s0+$0xFFFFFE30];
	v4 =	vmul.f32 v8, v4  }
0x56a: {  	v8 =	vld [tilespmem:s0+$0xB0]  }
0x56b: {  	v7 =	vmul.f32 v7, v47;
	[tilespmem:s9+$0x120] =	vst v4;
	v4 =	vld [tilespmem:s9+$0xFFFFFE30]  }
0x56c: {  	[tilespmem:s9+$0xFFFFFEB0] =	vst v9;
	v10 =	vld [tilespmem:s0+$0x130]  }
0x56d: {  	v9 =	vld [tilespmem:s0+$0xFFFFFEC0];
	[tilespmem:s9+$0xFFFFFF30] =	vst v7;
	v1 =	vmul.f32 v2, v1  }
0x56e: {  	v7 =	vld [tilespmem:s0+$0xFFFFFF40]  }
0x56f: {  	v5 =	vmul.f32 v5, v49;
	[tilespmem:s9+$0x1F0] =	vst v1;
	v1 =	vld [tilespmem:s9+$0xF0]  }
0x570: {  	v4 =	vmul.f32 v6, v4;
	v6 =	vld [tilespmem:s9+$0xB0]  }
0x571: {  	[tilespmem:s9+$0x30] =	vst v5;
	v5 =	vmul.f32 v10, v11;
	v11 =	vld [tilespmem:s9+$0xFFFFFF40]  }
0x572: {  	[tilespmem:s9+$0xFFFFFE30] =	vst v4;
	v4 =	vld [tilespmem:s9+$0xFFFFFE40]  }
0x573: {  	v50 =	vld [tilespmem:s0+$0xFFFFFE40]  }
0x574: {  	v3 =	vmul.f32 v3, v48;
	v10 =	vld [tilespmem:s9+$0xFFFFFEC0];
	[tilespmem:s9+$0x130] =	vst v5  }
0x575: {  	v5 =	vld [tilespmem:s0+$0x140]  }
0x576: {  	[tilespmem:s9+$0xFFFFFFB0] =	vst v3;
	v3 =	vmul.f32 v8, v6;
	v8 =	vld [tilespmem:s0+$0x40]  }
0x577: {  	v6 =	vld [tilespmem:s0+$0xFFFFFFC0];
	v7 =	vmul.f32 v7, v11  }
0x578: {  	v11 =	vld [tilespmem:s9+$0xFFFFFE50];
	[tilespmem:s9+$0xB0] =	vst v3;
	v4 =	vmul.f32 v50, v4  }
0x579: {  	v3 =	vld [tilespmem:s0+$0xC0];
	[tilespmem:s9+$0xFFFFFF40] =	vst v7  }
0x57a: {  	[tilespmem:s9+$0xFFFFFE40] =	vst v4;
	v4 =	vmul.f32 v9, v10;
	v9 =	vld [tilespmem:s9+$0x140]  }
0x57b: {  	v7 =	vmul.f32 v8, v52;
	v8 =	vld [tilespmem:s0+$0xFFFFFF50]  }
0x57c: {  	v10 =	vld [tilespmem:s0+$0xFFFFFE50];
	[tilespmem:s9+$0xFFFFFEC0] =	vst v4;
	v4 =	vmul.f32 v6, v51  }
0x57d: {  	[tilespmem:s9+$0x40] =	vst v7;
	v6 =	vld [tilespmem:s0+$0xFFFFFED0]  }
0x57e: {  	v3 =	vmul.f32 v3, v53;
	v7 =	vld [tilespmem:s0+$0x50];
	[tilespmem:s9+$0xFFFFFFC0] =	vst v4  }
0x57f: {  	v4 =	vld [tilespmem:s0+$0xFFFFFFD0]  }
0x580: {  	v5 =	vmul.f32 v5, v9;
	[tilespmem:s9+$0xC0] =	vst v3;
	v9 =	vld [tilespmem:s9+$0xFFFFFED0]  }
0x581: {  	v8 =	vmul.f32 v8, v54;
	v3 =	vld [tilespmem:s0+$0xD0]  }
0x582: {  	v10 =	vmul.f32 v10, v11;
	v11 =	vld [tilespmem:s9+$0x50];
	[tilespmem:s9+$0x140] =	vst v5  }
0x583: {  	[tilespmem:s9+$0xFFFFFF50] =	vst v8;
	v5 =	vld [tilespmem:s0+$0x150]  }
0x584: {  	[tilespmem:s9+$0xFFFFFE50] =	vst v10;
	v8 =	vld [tilespmem:s0+$0xFFFFFF60]  }
0x585: {  	v10 =	vld [tilespmem:s0+$0xFFFFFE60];
	v6 =	vmul.f32 v6, v9  }
0x586: {  	v9 =	vld [tilespmem:s9+$0x150];
	v4 =	vmul.f32 v4, v55  }
0x587: {  	v7 =	vmul.f32 v7, v11;
	v11 =	vld [tilespmem:s9+$0xFFFFFF60];
	[tilespmem:s9+$0xFFFFFED0] =	vst v6  }
0x588: {  	[tilespmem:s9+$0xFFFFFFD0] =	vst v4;
	v6 =	vld [tilespmem:s0+$0xFFFFFEE0]  }
0x589: {  	v3 =	vmul.f32 v3, v56;
	v4 =	vld [tilespmem:s0+$0xFFFFFFE0];
	[tilespmem:s9+$0x50] =	vst v7  }
0x58a: {  	v7 =	vld [tilespmem:s0+$0x60]  }
0x58b: {  	[tilespmem:s9+$0xD0] =	vst v3;
	v10 =	vmul.f32 v10, v57;
	v5 =	vmul.f32 v5, v9;
	v9 =	vld [tilespmem:s9+$0xFFFFFEE0]  }
0x58c: {  	v3 =	vld [tilespmem:s0+$0xE0]  }
0x58d: {  	[tilespmem:s9+$0xFFFFFE60] =	vst v10;
	v10 =	vld [tilespmem:s9+$0xFFFFFF70]  }
0x58e: {  	v8 =	vmul.f32 v8, v11;
	[tilespmem:s9+$0x150] =	vst v5;
	v11 =	vld [tilespmem:s0+$0xFFFFFE70];
	v4 =	vmul.f32 v4, v58  }
0x58f: {  	v5 =	vld [tilespmem:s0+$0x160]  }
0x590: {  	v6 =	vmul.f32 v6, v9;
	v9 =	vld [tilespmem:s9+$0x160];
	[tilespmem:s9+$0xFFFFFFE0] =	vst v4  }
0x591: {  	[tilespmem:s9+$0xFFFFFF60] =	vst v8;
	v3 =	vmul.f32 v3, v60;
	v4 =	vld [tilespmem:s0+$0xFFFFFFF0]  }
0x592: {  	[tilespmem:s9+$0xFFFFFEE0] =	vst v6;
	v6 =	vmul.f32 v7, v59;
	v7 =	vld [tilespmem:s0+$0xFFFFFF70]  }
0x593: {  	[tilespmem:s9+$0xE0] =	vst v3;
	v62 =	vld [tilespmem:s0+$0xFFFFFEF0]  }
0x594: {  	[tilespmem:s9+$0x60] =	vst v6;
	v6 =	vld [tilespmem:s0+$0xF0]  }
0x595: {  	v8 =	vmul.f32 v5, v9;
	v5 =	vld [tilespmem:s0+$0x70]  }
0x596: {  	v2 =	vmul.f32 v11, v61;
	v9 =	vld [tilespmem:s9+$0xFFFFFFF0]  }
0x597: {  	[tilespmem:s9+$0x160] =	vst v8;
	v8 =	vld [tilespmem:s9+$0x70]  }
0x598: {  	[tilespmem:s9+$0xFFFFFE70] =	vst v2;
	v2 =	vld [tilespmem:s9+$0x170]  }
0x599: {  	s2 =	simm.s32 $0x0;
	s10 =	simm.s32 $0x2F80;
	v3 =	vld [tilespmem:s0+$0x170];
	v11 =	vmul.f32 v62, v63  }
.LBB2_14:
0x59a: {  	v12 =	vld [tilespmem:s10+$0x180];
	v7 =	vmul.f32 v7, v10;
	s0 =	sadd.s32 $0x400, s0  }
0x59b: {  	s2 =	sadd.s32 $0x8, s2;
	v10 =	vld [tilespmem:s0+$0x180];
	[tilespmem:s9+$0xFFFFFEF0] =	vst v11;
	v4 =	vmul.f32 v4, v9  }
0x59c: {  	p1 =	slt.u32 s2, $0x20;
	v9 =	vld [tilespmem:s0+$0xFFFFFE00];
	[tilespmem:s9+$0xFFFFFF70] =	vst v7;
	v5 =	vmul.f32 v5, v8  }
0x59d: {  	v7 =	vld [tilespmem:s10+$0xFFFFFE80];
	[tilespmem:s9+$0xFFFFFFF0] =	vst v4;
	v1 =	vmul.f32 v6, v1  }
0x59e: {  	v4 =	vld [tilespmem:s0+$0xFFFFFE80];
	[tilespmem:s9+$0x70] =	vst v5;
	v2 =	vmul.f32 v3, v2  }
0x59f: {  	v3 =	vld [tilespmem:s10+$0xFFFFFF00];
	[tilespmem:s9+$0xF0] =	vst v1  }
0x5a0: {  	v1 =	vld [tilespmem:s0+$0xFFFFFF00];
	v5 =	vmul.f32 v10, v12;
	[tilespmem:s9+$0x170] =	vst v2;
	s9 =	smov.u32 s10  }
0x5a1: {  	v2 =	vld [tilespmem:s10+$0xFFFFFF80]  }
0x5a2: {  	[tilespmem:s10+$0x180] =	vst v5;
	v5 =	vld [tilespmem:s10+$0x190]  }
0x5a3: {  	v4 =	vmul.f32 v4, v7;
	v6 =	vld [tilespmem:s0+$0x190]  }
0x5a4: {  	v7 =	vld [tilespmem:s0+$0xFFFFFF80]  }
0x5a5: {  	[tilespmem:s10+$0xFFFFFE80] =	vst v4;
	v1 =	vmul.f32 v1, v3;
	v3 =	vld [tilespmem:s10+$0x0]  }
0x5a6: {  	v4 =	vld [tilespmem:s0+$0x0]  }
0x5a7: {  	[tilespmem:s10+$0xFFFFFF00] =	vst v1;
	v1 =	vld [tilespmem:s10+$0x80]  }
0x5a8: {  	v8 =	vld [tilespmem:s0+$0x80];
	v5 =	vmul.f32 v6, v5  }
0x5a9: {  	v2 =	vmul.f32 v7, v2;
	v6 =	vld [tilespmem:s10+$0x100]  }
0x5aa: {  	[tilespmem:s10+$0x190] =	vst v5;
	v5 =	vld [tilespmem:s10+$0x1A0]  }
0x5ab: {  	[tilespmem:s10+$0xFFFFFF80] =	vst v2;
	v2 =	vmul.f32 v4, v3;
	v3 =	vld [tilespmem:s0+$0x1A0]  }
0x5ac: {  	v4 =	vld [tilespmem:s0+$0x100]  }
0x5ad: {  	v7 =	vld [tilespmem:s10+$0xFFFFFE00];
	[tilespmem:s10+$0x0] =	vst v2;
	v1 =	vmul.f32 v8, v1  }
0x5ae: {  	v2 =	vld [tilespmem:s0+$0xFFFFFE90]  }
0x5af: {  	v8 =	vld [tilespmem:s0+$0xFFFFFF10];
	[tilespmem:s10+$0x80] =	vst v1  }
0x5b0: {  	v1 =	vld [tilespmem:s0+$0xFFFFFF90];
	v3 =	vmul.f32 v3, v5  }
0x5b1: {  	v5 =	vld [tilespmem:s0+$0x10];
	v4 =	vmul.f32 v4, v6  }
0x5b2: {  	v6 =	vmul.f32 v9, v7;
	[tilespmem:s10+$0x1A0] =	vst v3;
	v3 =	vld [tilespmem:s10+$0x1B0]  }
0x5b3: {  	[tilespmem:s10+$0x100] =	vst v4;
	v4 =	vld [tilespmem:s0+$0x1B0]  }
0x5b4: {  	[tilespmem:s10+$0xFFFFFE00] =	vst v6;
	v6 =	vld [tilespmem:s0+$0x90]  }
0x5b5: {  	v7 =	vld [tilespmem:s0+$0xFFFFFE10]  }
0x5b6: {  	v9 =	vld [tilespmem:s0+$0x110]  }
0x5b7: {  	v10 =	vld [tilespmem:s10+$0xFFFFFE10]  }
0x5b8: {  	v11 =	vld [tilespmem:s10+$0xFFFFFE90];
	v3 =	vmul.f32 v4, v3  }
0x5b9: {  	v4 =	vld [tilespmem:s10+$0xFFFFFF10]  }
0x5ba: {  	[tilespmem:s10+$0x1B0] =	vst v3;
	v3 =	vld [tilespmem:s10+$0x1C0]  }
0x5bb: {  	v12 =	vld [tilespmem:s0+$0x1C0]  }
0x5bc: {  	v7 =	vmul.f32 v7, v10;
	v10 =	vld [tilespmem:s10+$0xFFFFFF90]  }
0x5bd: {  	v2 =	vmul.f32 v2, v11;
	v11 =	vld [tilespmem:s10+$0x10]  }
0x5be: {  	[tilespmem:s10+$0xFFFFFE10] =	vst v7;
	v4 =	vmul.f32 v8, v4;
	v7 =	vld [tilespmem:s10+$0x90]  }
0x5bf: {  	[tilespmem:s10+$0xFFFFFE90] =	vst v2;
	v2 =	vld [tilespmem:s10+$0x110]  }
0x5c0: {  	v8 =	vld [tilespmem:s0+$0xFFFFFE20];
	[tilespmem:s10+$0xFFFFFF10] =	vst v4;
	v3 =	vmul.f32 v12, v3  }
0x5c1: {  	v4 =	vld [tilespmem:s0+$0xFFFFFEA0];
	v1 =	vmul.f32 v1, v10  }
0x5c2: {  	v5 =	vmul.f32 v5, v11;
	[tilespmem:s10+$0x1C0] =	vst v3;
	v3 =	vld [tilespmem:s10+$0x1D0]  }
0x5c3: {  	[tilespmem:s10+$0xFFFFFF90] =	vst v1;
	v1 =	vmul.f32 v6, v7;
	v6 =	vld [tilespmem:s0+$0x1D0]  }
0x5c4: {  	v7 =	vld [tilespmem:s0+$0xFFFFFF20];
	[tilespmem:s10+$0x10] =	vst v5;
	v2 =	vmul.f32 v9, v2  }
0x5c5: {  	v5 =	vld [tilespmem:s0+$0xFFFFFFA0];
	[tilespmem:s10+$0x90] =	vst v1  }
0x5c6: {  	v1 =	vld [tilespmem:s0+$0x20];
	[tilespmem:s10+$0x110] =	vst v2  }
0x5c7: {  	v2 =	vld [tilespmem:s0+$0xA0]  }
0x5c8: {  	v9 =	vld [tilespmem:s0+$0x120];
	v3 =	vmul.f32 v6, v3  }
0x5c9: {  	v6 =	vld [tilespmem:s10+$0xFFFFFE20]  }
0x5ca: {  	[tilespmem:s10+$0x1D0] =	vst v3;
	v3 =	vld [tilespmem:s10+$0x1E0]  }
0x5cb: {  	v10 =	vld [tilespmem:s0+$0x1E0]  }
0x5cc: {  	v11 =	vld [tilespmem:s10+$0xFFFFFEA0]  }
0x5cd: {  	v12 =	vld [tilespmem:s10+$0xFFFFFF20]  }
0x5ce: {  	v6 =	vmul.f32 v8, v6;
	v8 =	vld [tilespmem:s10+$0xFFFFFFA0]  }
0x5cf: {  	v13 =	vld [tilespmem:s10+$0x20]  }
0x5d0: {  	[tilespmem:s10+$0xFFFFFE20] =	vst v6;
	v6 =	vld [tilespmem:s10+$0xA0];
	v3 =	vmul.f32 v10, v3  }
0x5d1: {  	v4 =	vmul.f32 v4, v11;
	v10 =	vld [tilespmem:s10+$0x120]  }
0x5d2: {  	v7 =	vmul.f32 v7, v12;
	[tilespmem:s10+$0x1E0] =	vst v3;
	v3 =	vld [tilespmem:s10+$0x1F0]  }
0x5d3: {  	[tilespmem:s10+$0xFFFFFEA0] =	vst v4;
	v4 =	vmul.f32 v5, v8;
	v5 =	vld [tilespmem:s0+$0x1F0]  }
0x5d4: {  	v8 =	vld [tilespmem:s0+$0xFFFFFE30];
	[tilespmem:s10+$0xFFFFFF20] =	vst v7;
	v1 =	vmul.f32 v1, v13  }
0x5d5: {  	v7 =	vld [tilespmem:s0+$0xFFFFFEB0];
	[tilespmem:s10+$0xFFFFFFA0] =	vst v4;
	v2 =	vmul.f32 v2, v6  }
0x5d6: {  	v4 =	vld [tilespmem:s0+$0xFFFFFF30];
	[tilespmem:s10+$0x20] =	vst v1;
	v1 =	vmul.f32 v9, v10  }
0x5d7: {  	v6 =	vld [tilespmem:s0+$0xFFFFFFB0];
	[tilespmem:s10+$0xA0] =	vst v2  }
0x5d8: {  	v2 =	vld [tilespmem:s0+$0x30];
	[tilespmem:s10+$0x120] =	vst v1;
	v1 =	vmul.f32 v5, v3  }
0x5d9: {  	v3 =	vld [tilespmem:s0+$0xB0]  }
0x5da: {  	v5 =	vld [tilespmem:s0+$0x130];
	[tilespmem:s10+$0x1F0] =	vst v1  }
0x5db: {  	v1 =	vld [tilespmem:s10+$0xFFFFFE30]  }
0x5dc: {  	v9 =	vld [tilespmem:s10+$0xFFFFFEB0]  }
0x5dd: {  	v10 =	vld [tilespmem:s10+$0xFFFFFF30]  }
0x5de: {  	v11 =	vld [tilespmem:s10+$0xFFFFFFB0]  }
0x5df: {  	v12 =	vld [tilespmem:s10+$0x30]  }
0x5e0: {  	v1 =	vmul.f32 v8, v1;
	v8 =	vld [tilespmem:s10+$0xB0]  }
0x5e1: {  	v7 =	vmul.f32 v7, v9;
	v9 =	vld [tilespmem:s10+$0x130]  }
0x5e2: {  	[tilespmem:s10+$0xFFFFFE30] =	vst v1;
	v1 =	vld [tilespmem:s10+$0xFFFFFE40];
	v4 =	vmul.f32 v4, v10  }
0x5e3: {  	v10 =	vld [tilespmem:s0+$0xFFFFFE40];
	[tilespmem:s10+$0xFFFFFEB0] =	vst v7;
	v6 =	vmul.f32 v6, v11  }
0x5e4: {  	v7 =	vld [tilespmem:s0+$0xFFFFFEC0];
	[tilespmem:s10+$0xFFFFFF30] =	vst v4;
	v2 =	vmul.f32 v2, v12  }
0x5e5: {  	v4 =	vld [tilespmem:s0+$0xFFFFFF40];
	[tilespmem:s10+$0xFFFFFFB0] =	vst v6;
	v3 =	vmul.f32 v3, v8  }
0x5e6: {  	v6 =	vld [tilespmem:s0+$0xFFFFFFC0];
	[tilespmem:s10+$0x30] =	vst v2;
	v2 =	vmul.f32 v5, v9  }
0x5e7: {  	v5 =	vld [tilespmem:s0+$0x40];
	[tilespmem:s10+$0xB0] =	vst v3  }
0x5e8: {  	v1 =	vmul.f32 v10, v1;
	v3 =	vld [tilespmem:s0+$0xC0];
	[tilespmem:s10+$0x130] =	vst v2  }
0x5e9: {  	v2 =	vld [tilespmem:s0+$0x140]  }
0x5ea: {  	[tilespmem:s10+$0xFFFFFE40] =	vst v1;
	v1 =	vld [tilespmem:s10+$0xFFFFFEC0]  }
0x5eb: {  	v8 =	vld [tilespmem:s10+$0xFFFFFF40]  }
0x5ec: {  	v9 =	vld [tilespmem:s10+$0xFFFFFFC0]  }
0x5ed: {  	v10 =	vld [tilespmem:s10+$0x40]  }
0x5ee: {  	v11 =	vld [tilespmem:s10+$0xC0]  }
0x5ef: {  	v1 =	vmul.f32 v7, v1;
	v7 =	vld [tilespmem:s10+$0x140]  }
0x5f0: {  	v12 =	vld [tilespmem:s0+$0xFFFFFE50];
	v4 =	vmul.f32 v4, v8  }
0x5f1: {  	v8 =	vld [tilespmem:s10+$0xFFFFFE50];
	[tilespmem:s10+$0xFFFFFEC0] =	vst v1;
	v1 =	vmul.f32 v6, v9  }
0x5f2: {  	v6 =	vld [tilespmem:s0+$0xFFFFFED0];
	[tilespmem:s10+$0xFFFFFF40] =	vst v4;
	v4 =	vmul.f32 v5, v10  }
0x5f3: {  	v5 =	vld [tilespmem:s0+$0xFFFFFF50];
	[tilespmem:s10+$0xFFFFFFC0] =	vst v1;
	v1 =	vmul.f32 v3, v11  }
0x5f4: {  	v3 =	vld [tilespmem:s0+$0xFFFFFFD0];
	[tilespmem:s10+$0x40] =	vst v4;
	v2 =	vmul.f32 v2, v7  }
0x5f5: {  	v4 =	vld [tilespmem:s0+$0x50];
	[tilespmem:s10+$0xC0] =	vst v1  }
0x5f6: {  	v1 =	vmul.f32 v12, v8;
	v7 =	vld [tilespmem:s0+$0xD0];
	[tilespmem:s10+$0x140] =	vst v2  }
0x5f7: {  	v2 =	vld [tilespmem:s0+$0x150]  }
0x5f8: {  	[tilespmem:s10+$0xFFFFFE50] =	vst v1;
	v1 =	vld [tilespmem:s10+$0xFFFFFED0]  }
0x5f9: {  	v8 =	vld [tilespmem:s10+$0xFFFFFF50]  }
0x5fa: {  	v9 =	vld [tilespmem:s10+$0xFFFFFFD0]  }
0x5fb: {  	v10 =	vld [tilespmem:s10+$0x50]  }
0x5fc: {  	v11 =	vld [tilespmem:s10+$0xD0]  }
0x5fd: {  	v1 =	vmul.f32 v6, v1;
	v6 =	vld [tilespmem:s10+$0x150]  }
0x5fe: {  	v12 =	vld [tilespmem:s0+$0xFFFFFE60];
	v5 =	vmul.f32 v5, v8  }
0x5ff: {  	v8 =	vld [tilespmem:s10+$0xFFFFFE60];
	[tilespmem:s10+$0xFFFFFED0] =	vst v1;
	v1 =	vmul.f32 v3, v9  }
0x600: {  	v3 =	vld [tilespmem:s0+$0xFFFFFEE0];
	[tilespmem:s10+$0xFFFFFF50] =	vst v5;
	v4 =	vmul.f32 v4, v10  }
0x601: {  	v5 =	vld [tilespmem:s0+$0xFFFFFF60];
	[tilespmem:s10+$0xFFFFFFD0] =	vst v1;
	v1 =	vmul.f32 v7, v11  }
0x602: {  	v7 =	vld [tilespmem:s0+$0xFFFFFFE0];
	[tilespmem:s10+$0x50] =	vst v4;
	v2 =	vmul.f32 v2, v6  }
0x603: {  	v4 =	vld [tilespmem:s0+$0x60];
	[tilespmem:s10+$0xD0] =	vst v1  }
0x604: {  	v1 =	vmul.f32 v12, v8;
	v6 =	vld [tilespmem:s0+$0xE0];
	[tilespmem:s10+$0x150] =	vst v2  }
0x605: {  	v2 =	vld [tilespmem:s0+$0x160]  }
0x606: {  	[tilespmem:s10+$0xFFFFFE60] =	vst v1;
	v1 =	vld [tilespmem:s10+$0xFFFFFEE0]  }
0x607: {  	v8 =	vld [tilespmem:s10+$0xFFFFFF60]  }
0x608: {  	v9 =	vld [tilespmem:s10+$0xFFFFFFE0]  }
0x609: {  	v10 =	vld [tilespmem:s10+$0x60]  }
0x60a: {  	v11 =	vld [tilespmem:s10+$0xE0]  }
0x60b: {  	v1 =	vmul.f32 v3, v1;
	v3 =	vld [tilespmem:s10+$0x160]  }
0x60c: {  	v12 =	vld [tilespmem:s0+$0xFFFFFE70];
	v5 =	vmul.f32 v5, v8  }
0x60d: {  	v8 =	vld [tilespmem:s10+$0xFFFFFE70];
	[tilespmem:s10+$0xFFFFFEE0] =	vst v1;
	v1 =	vmul.f32 v7, v9  }
0x60e: {  	v13 =	vld [tilespmem:s0+$0xFFFFFEF0];
	[tilespmem:s10+$0xFFFFFF60] =	vst v5;
	v5 =	vmul.f32 v4, v10  }
0x60f: {  	v7 =	vld [tilespmem:s0+$0xFFFFFF70];
	[tilespmem:s10+$0xFFFFFFE0] =	vst v1;
	v1 =	vmul.f32 v6, v11  }
0x610: {  	v4 =	vld [tilespmem:s0+$0xFFFFFFF0];
	[tilespmem:s10+$0x60] =	vst v5;
	v2 =	vmul.f32 v2, v3  }
0x611: {  	v5 =	vld [tilespmem:s0+$0x70];
	[tilespmem:s10+$0xE0] =	vst v1  }
0x612: {  	v1 =	vmul.f32 v12, v8;
	v6 =	vld [tilespmem:s0+$0xF0];
	[tilespmem:s10+$0x160] =	vst v2  }
0x613: {  	v3 =	vld [tilespmem:s0+$0x170]  }
0x614: {  	[tilespmem:s10+$0xFFFFFE70] =	vst v1;
	v2 =	vld [tilespmem:s10+$0xFFFFFEF0]  }
.Ltmp6:
0x615: {  	v10 =	vld [tilespmem:s10+$0xFFFFFF70];
	(pc) =	sbr.rel @p1 .LBB2_14-.Ltmp6, $4  }
0x616: {  	v9 =	vld [tilespmem:s10+$0xFFFFFFF0]  }
0x617: {  	v8 =	vld [tilespmem:s10+$0x70]  }
0x618: {  	v1 =	vld [tilespmem:s10+$0xF0]  }
0x619: {  	s10 =	sadd.s32 $0x400, s10;
	v11 =	vmul.f32 v13, v2;
	v2 =	vld [tilespmem:s9+$0x170]  }
0x61a: {  	v7 =	vmul.f32 v7, v10  }
0x61b: {  	[tilespmem:s9+$0xFFFFFEF0] =	vst v11;
	v4 =	vmul.f32 v4, v9  }
0x61c: {  	[tilespmem:s9+$0xFFFFFF70] =	vst v7;
	v5 =	vmul.f32 v5, v8  }
0x61d: {  	[tilespmem:s9+$0xFFFFFFF0] =	vst v4;
	v1 =	vmul.f32 v6, v1  }
0x61e: {  	[tilespmem:s9+$0x70] =	vst v5;
	v2 =	vmul.f32 v3, v2  }
0x61f: {  	[tilespmem:s9+$0xF0] =	vst v1  }
0x620: {  	[tilespmem:s9+$0x170] =	vst v2  }
0x621: {  	_ =	swait.ge [sflag:s26], $0x28  }
0x622: {  	[sflag:s26] =	ssyncset.done $0x0  }
0x623: {  	[sflag:s26] =	ssyncadd.s32 $0xFFFFFFD8  }
0x624: {  	[spmem:s22] =	stream.indirect.scatter.add.f32 [tilespmem:s15], [sflag:$0xC], $0x80, s24, s11, $0xb8;
	[tilespmem:$0x1DA00] =	vst v63  }
0x625: {  	_ =	swait.ge [sflag:s30], $0x1400  }
0x626: {  	[sflag:s30] =	ssyncset.done $0x0  }
0x627: {  	[sflag:s30] =	ssyncadd.s32 $0xFFFFEC00  }
0x628: {  	_ =	swait.ge [sflag:s31], $0x1400  }
0x629: {  	[sflag:s31] =	ssyncset.done $0x0  }
0x62a: {  	s9 =	simm.s32 $0x3F80;
	[sflag:s31] =	ssyncadd.s32 $0xFFFFEC00  }
0x62b: {  	s0 =	simm.s32 $0x8F80;
	v1 =	vld [tilespmem:s9+$0x180]  }
0x62c: {  	v2 =	vld [tilespmem:s0+$0x180]  }
0x62d: {  	v3 =	vld [tilespmem:s0+$0xFFFFFE00]  }
0x62e: {  	v4 =	vld [tilespmem:s9+$0xFFFFFE80]  }
0x62f: {  	v5 =	vld [tilespmem:s0+$0xFFFFFE80]  }
0x630: {  	v6 =	vld [tilespmem:s9+$0xFFFFFF00]  }
0x631: {  	v7 =	vld [tilespmem:s0+$0xFFFFFF00]  }
0x632: {  	v8 =	vld [tilespmem:s0+$0xFFFFFF80]  }
0x633: {  	v10 =	vld [tilespmem:s9+$0x0]  }
0x634: {  	v11 =	vld [tilespmem:s0+$0x0]  }
0x635: {  	v12 =	vld [tilespmem:s9+$0x80]  }
0x636: {  	v13 =	vld [tilespmem:s0+$0x80]  }
0x637: {  	v14 =	vld [tilespmem:s9+$0x100]  }
0x638: {  	v41 =	vld [tilespmem:s9+$0xFFFFFF10]  }
0x639: {  	v42 =	vld [tilespmem:s9+$0xFFFFFF90]  }
0x63a: {  	v43 =	vld [tilespmem:s9+$0x10]  }
0x63b: {  	v44 =	vld [tilespmem:s9+$0xFFFFFF20]  }
0x63c: {  	v45 =	vld [tilespmem:s9+$0xFFFFFFA0]  }
0x63d: {  	v46 =	vld [tilespmem:s9+$0x20]  }
0x63e: {  	v15 =	vld [tilespmem:s9+$0xA0]  }
0x63f: {  	v47 =	vld [tilespmem:s9+$0xFFFFFF30]  }
0x640: {  	v48 =	vld [tilespmem:s9+$0xFFFFFFB0]  }
0x641: {  	v49 =	vld [tilespmem:s9+$0x30]  }
0x642: {  	v51 =	vld [tilespmem:s9+$0xFFFFFFC0]  }
0x643: {  	v52 =	vld [tilespmem:s9+$0x40];
	v1 =	vmul.f32 v2, v1  }
0x644: {  	v53 =	vld [tilespmem:s9+$0xC0]  }
0x645: {  	[tilespmem:s9+$0x180] =	vst v1;
	v1 =	vld [tilespmem:s9+$0x190]  }
0x646: {  	v2 =	vld [tilespmem:s0+$0x190]  }
0x647: {  	v54 =	vld [tilespmem:s9+$0xFFFFFF50]  }
0x648: {  	v55 =	vld [tilespmem:s9+$0xFFFFFFD0]  }
0x649: {  	v56 =	vld [tilespmem:s9+$0xD0]  }
0x64a: {  	v57 =	vld [tilespmem:s9+$0xFFFFFE60]  }
0x64b: {  	v58 =	vld [tilespmem:s9+$0xFFFFFFE0];
	v1 =	vmul.f32 v2, v1  }
0x64c: {  	v59 =	vld [tilespmem:s9+$0x60]  }
0x64d: {  	[tilespmem:s9+$0x190] =	vst v1;
	v1 =	vld [tilespmem:s9+$0x1A0]  }
0x64e: {  	v9 =	vld [tilespmem:s0+$0x1A0]  }
0x64f: {  	v4 =	vmul.f32 v5, v4;
	v5 =	vld [tilespmem:s9+$0xFFFFFE00]  }
0x650: {  	v60 =	vld [tilespmem:s9+$0xE0]  }
0x651: {  	v2 =	vld [tilespmem:s9+$0xFFFFFF80]  }
0x652: {  	v61 =	vld [tilespmem:s9+$0xFFFFFE70]  }
0x653: {  	v1 =	vmul.f32 v9, v1;
	v9 =	vld [tilespmem:s0+$0x100]  }
0x654: {  	v63 =	vld [tilespmem:s9+$0xFFFFFEF0];
	[tilespmem:s9+$0xFFFFFE80] =	vst v4;
	v3 =	vmul.f32 v3, v5  }
0x655: {  	[tilespmem:s9+$0x1A0] =	vst v1;
	v1 =	vmul.f32 v7, v6;
	v6 =	vld [tilespmem:s9+$0x1B0]  }
0x656: {  	[tilespmem:s9+$0xFFFFFE00] =	vst v3;
	v2 =	vmul.f32 v8, v2;
	v4 =	vld [tilespmem:s0+$0x1B0]  }
0x657: {  	v7 =	vld [tilespmem:s0+$0xFFFFFE90];
	[tilespmem:s9+$0xFFFFFF00] =	vst v1;
	v1 =	vmul.f32 v11, v10  }
0x658: {  	[tilespmem:s9+$0xFFFFFF80] =	vst v2;
	v10 =	vld [tilespmem:s9+$0xFFFFFE10];
	v5 =	vmul.f32 v9, v14  }
0x659: {  	v2 =	vmul.f32 v13, v12;
	[tilespmem:s9+$0x0] =	vst v1;
	v1 =	vld [tilespmem:s0+$0xFFFFFF90]  }
0x65a: {  	[tilespmem:s9+$0x100] =	vst v5;
	v5 =	vld [tilespmem:s0+$0xFFFFFE10]  }
0x65b: {  	[tilespmem:s9+$0x80] =	vst v2;
	v2 =	vld [tilespmem:s0+$0x10];
	v4 =	vmul.f32 v4, v6  }
0x65c: {  	v6 =	vld [tilespmem:s0+$0x110]  }
0x65d: {  	[tilespmem:s9+$0x1B0] =	vst v4;
	v4 =	vld [tilespmem:s9+$0x1C0]  }
0x65e: {  	v9 =	vld [tilespmem:s0+$0x1C0]  }
0x65f: {  	v5 =	vmul.f32 v5, v10;
	v10 =	vld [tilespmem:s9+$0x110]  }
0x660: {  	v3 =	vld [tilespmem:s0+$0x90]  }
0x661: {  	v11 =	vld [tilespmem:s9+$0xFFFFFE90];
	v1 =	vmul.f32 v1, v42  }
0x662: {  	v8 =	vld [tilespmem:s0+$0xFFFFFF10];
	v2 =	vmul.f32 v2, v43  }
0x663: {  	[tilespmem:s9+$0xFFFFFF90] =	vst v1;
	v4 =	vmul.f32 v9, v4;
	v9 =	vld [tilespmem:s9+$0x90]  }
0x664: {  	[tilespmem:s9+$0x10] =	vst v2;
	v2 =	vmul.f32 v6, v10;
	v6 =	vld [tilespmem:s0+$0xFFFFFFA0]  }
0x665: {  	v10 =	vld [tilespmem:s9+$0xFFFFFE20]  }
0x666: {  	[tilespmem:s9+$0x1C0] =	vst v4;
	v4 =	vmul.f32 v7, v11;
	v7 =	vld [tilespmem:s9+$0x1D0]  }
0x667: {  	v11 =	vld [tilespmem:s9+$0xFFFFFEA0]  }
0x668: {  	[tilespmem:s9+$0xFFFFFE10] =	vst v5;
	v5 =	vmul.f32 v8, v41;
	v8 =	vld [tilespmem:s0+$0x1D0]  }
0x669: {  	[tilespmem:s9+$0xFFFFFE90] =	vst v4;
	v4 =	vld [tilespmem:s0+$0xFFFFFE20]  }
0x66a: {  	[tilespmem:s9+$0xFFFFFF10] =	vst v5;
	v5 =	vld [tilespmem:s0+$0xFFFFFEA0];
	v1 =	vmul.f32 v3, v9  }
0x66b: {  	v3 =	vld [tilespmem:s0+$0xFFFFFF20]  }
0x66c: {  	v9 =	vld [tilespmem:s0+$0x20];
	[tilespmem:s9+$0x90] =	vst v1  }
0x66d: {  	[tilespmem:s9+$0x110] =	vst v2;
	v1 =	vmul.f32 v8, v7;
	v7 =	vld [tilespmem:s0+$0xA0]  }
0x66e: {  	v8 =	vld [tilespmem:s0+$0x120]  }
0x66f: {  	[tilespmem:s9+$0x1D0] =	vst v1;
	v1 =	vld [tilespmem:s9+$0x1E0];
	v5 =	vmul.f32 v5, v11  }
0x670: {  	v3 =	vmul.f32 v3, v44;
	v2 =	vld [tilespmem:s0+$0x1E0]  }
0x671: {  	v11 =	vld [tilespmem:s9+$0xFFFFFEB0];
	[tilespmem:s9+$0xFFFFFEA0] =	vst v5;
	v5 =	vmul.f32 v6, v45  }
0x672: {  	[tilespmem:s9+$0xFFFFFF20] =	vst v3;
	v3 =	vmul.f32 v9, v46;
	v9 =	vld [tilespmem:s0+$0xFFFFFEB0]  }
0x673: {  	[tilespmem:s9+$0xFFFFFFA0] =	vst v5;
	v5 =	vmul.f32 v7, v15;
	v7 =	vld [tilespmem:s0+$0xFFFFFF30]  }
0x674: {  	[tilespmem:s9+$0x20] =	vst v3;
	v3 =	vld [tilespmem:s0+$0xFFFFFFB0]  }
0x675: {  	v1 =	vmul.f32 v2, v1;
	v2 =	vmul.f32 v4, v10;
	v4 =	vld [tilespmem:s9+$0x120]  }
0x676: {  	[tilespmem:s9+$0xA0] =	vst v5;
	v5 =	vld [tilespmem:s0+$0x30]  }
0x677: {  	[tilespmem:s9+$0x1E0] =	vst v1;
	v1 =	vld [tilespmem:s9+$0x1F0]  }
0x678: {  	v9 =	vmul.f32 v9, v11;
	v11 =	vld [tilespmem:s9+$0x130]  }
0x679: {  	[tilespmem:s9+$0xFFFFFE20] =	vst v2;
	v2 =	vld [tilespmem:s0+$0x1F0]  }
0x67a: {  	v6 =	vld [tilespmem:s0+$0xFFFFFE30];
	v4 =	vmul.f32 v8, v4  }
0x67b: {  	v8 =	vld [tilespmem:s0+$0xB0]  }
0x67c: {  	v7 =	vmul.f32 v7, v47;
	[tilespmem:s9+$0x120] =	vst v4;
	v4 =	vld [tilespmem:s9+$0xFFFFFE30]  }
0x67d: {  	[tilespmem:s9+$0xFFFFFEB0] =	vst v9;
	v10 =	vld [tilespmem:s0+$0x130]  }
0x67e: {  	v9 =	vld [tilespmem:s0+$0xFFFFFEC0];
	[tilespmem:s9+$0xFFFFFF30] =	vst v7;
	v1 =	vmul.f32 v2, v1  }
0x67f: {  	v7 =	vld [tilespmem:s0+$0xFFFFFF40]  }
0x680: {  	v5 =	vmul.f32 v5, v49;
	[tilespmem:s9+$0x1F0] =	vst v1;
	v1 =	vld [tilespmem:s9+$0xF0]  }
0x681: {  	v4 =	vmul.f32 v6, v4;
	v6 =	vld [tilespmem:s9+$0xB0]  }
0x682: {  	[tilespmem:s9+$0x30] =	vst v5;
	v5 =	vmul.f32 v10, v11;
	v11 =	vld [tilespmem:s9+$0xFFFFFF40]  }
0x683: {  	[tilespmem:s9+$0xFFFFFE30] =	vst v4;
	v4 =	vld [tilespmem:s9+$0xFFFFFE40]  }
0x684: {  	v50 =	vld [tilespmem:s0+$0xFFFFFE40]  }
0x685: {  	v3 =	vmul.f32 v3, v48;
	v10 =	vld [tilespmem:s9+$0xFFFFFEC0];
	[tilespmem:s9+$0x130] =	vst v5  }
0x686: {  	v5 =	vld [tilespmem:s0+$0x140]  }
0x687: {  	[tilespmem:s9+$0xFFFFFFB0] =	vst v3;
	v3 =	vmul.f32 v8, v6;
	v8 =	vld [tilespmem:s0+$0x40]  }
0x688: {  	v6 =	vld [tilespmem:s0+$0xFFFFFFC0];
	v7 =	vmul.f32 v7, v11  }
0x689: {  	v11 =	vld [tilespmem:s9+$0xFFFFFE50];
	[tilespmem:s9+$0xB0] =	vst v3;
	v4 =	vmul.f32 v50, v4  }
0x68a: {  	v3 =	vld [tilespmem:s0+$0xC0];
	[tilespmem:s9+$0xFFFFFF40] =	vst v7  }
0x68b: {  	[tilespmem:s9+$0xFFFFFE40] =	vst v4;
	v4 =	vmul.f32 v9, v10;
	v9 =	vld [tilespmem:s9+$0x140]  }
0x68c: {  	v7 =	vmul.f32 v8, v52;
	v8 =	vld [tilespmem:s0+$0xFFFFFF50]  }
0x68d: {  	v10 =	vld [tilespmem:s0+$0xFFFFFE50];
	[tilespmem:s9+$0xFFFFFEC0] =	vst v4;
	v4 =	vmul.f32 v6, v51  }
0x68e: {  	[tilespmem:s9+$0x40] =	vst v7;
	v6 =	vld [tilespmem:s0+$0xFFFFFED0]  }
0x68f: {  	v3 =	vmul.f32 v3, v53;
	v7 =	vld [tilespmem:s0+$0x50];
	[tilespmem:s9+$0xFFFFFFC0] =	vst v4  }
0x690: {  	v4 =	vld [tilespmem:s0+$0xFFFFFFD0]  }
0x691: {  	v5 =	vmul.f32 v5, v9;
	[tilespmem:s9+$0xC0] =	vst v3;
	v9 =	vld [tilespmem:s9+$0xFFFFFED0]  }
0x692: {  	v8 =	vmul.f32 v8, v54;
	v3 =	vld [tilespmem:s0+$0xD0]  }
0x693: {  	v10 =	vmul.f32 v10, v11;
	v11 =	vld [tilespmem:s9+$0x50];
	[tilespmem:s9+$0x140] =	vst v5  }
0x694: {  	[tilespmem:s9+$0xFFFFFF50] =	vst v8;
	v5 =	vld [tilespmem:s0+$0x150]  }
0x695: {  	[tilespmem:s9+$0xFFFFFE50] =	vst v10;
	v8 =	vld [tilespmem:s0+$0xFFFFFF60]  }
0x696: {  	v10 =	vld [tilespmem:s0+$0xFFFFFE60];
	v6 =	vmul.f32 v6, v9  }
0x697: {  	v9 =	vld [tilespmem:s9+$0x150];
	v4 =	vmul.f32 v4, v55  }
0x698: {  	v7 =	vmul.f32 v7, v11;
	v11 =	vld [tilespmem:s9+$0xFFFFFF60];
	[tilespmem:s9+$0xFFFFFED0] =	vst v6  }
0x699: {  	[tilespmem:s9+$0xFFFFFFD0] =	vst v4;
	v6 =	vld [tilespmem:s0+$0xFFFFFEE0]  }
0x69a: {  	v3 =	vmul.f32 v3, v56;
	v4 =	vld [tilespmem:s0+$0xFFFFFFE0];
	[tilespmem:s9+$0x50] =	vst v7  }
0x69b: {  	v7 =	vld [tilespmem:s0+$0x60]  }
0x69c: {  	[tilespmem:s9+$0xD0] =	vst v3;
	v10 =	vmul.f32 v10, v57;
	v5 =	vmul.f32 v5, v9;
	v9 =	vld [tilespmem:s9+$0xFFFFFEE0]  }
0x69d: {  	v3 =	vld [tilespmem:s0+$0xE0]  }
0x69e: {  	[tilespmem:s9+$0xFFFFFE60] =	vst v10;
	v10 =	vld [tilespmem:s9+$0xFFFFFF70]  }
0x69f: {  	v8 =	vmul.f32 v8, v11;
	[tilespmem:s9+$0x150] =	vst v5;
	v11 =	vld [tilespmem:s0+$0xFFFFFE70];
	v4 =	vmul.f32 v4, v58  }
0x6a0: {  	v5 =	vld [tilespmem:s0+$0x160]  }
0x6a1: {  	v6 =	vmul.f32 v6, v9;
	v9 =	vld [tilespmem:s9+$0x160];
	[tilespmem:s9+$0xFFFFFFE0] =	vst v4  }
0x6a2: {  	[tilespmem:s9+$0xFFFFFF60] =	vst v8;
	v3 =	vmul.f32 v3, v60;
	v4 =	vld [tilespmem:s0+$0xFFFFFFF0]  }
0x6a3: {  	[tilespmem:s9+$0xFFFFFEE0] =	vst v6;
	v6 =	vmul.f32 v7, v59;
	v7 =	vld [tilespmem:s0+$0xFFFFFF70]  }
0x6a4: {  	[tilespmem:s9+$0xE0] =	vst v3;
	v62 =	vld [tilespmem:s0+$0xFFFFFEF0]  }
0x6a5: {  	v2 =	vmul.f32 v11, v61;
	[tilespmem:s9+$0x60] =	vst v6;
	v6 =	vld [tilespmem:s0+$0xF0]  }
0x6a6: {  	v8 =	vmul.f32 v5, v9;
	v5 =	vld [tilespmem:s0+$0x70]  }
0x6a7: {  	[tilespmem:s9+$0xFFFFFE70] =	vst v2;
	v9 =	vld [tilespmem:s9+$0xFFFFFFF0]  }
0x6a8: {  	[tilespmem:s9+$0x160] =	vst v8;
	v8 =	vld [tilespmem:s9+$0x70]  }
0x6a9: {  	v2 =	vld [tilespmem:s9+$0x170];
	s28 =	rddreg [dreg:$0x16]  }
0x6aa: {  	s2 =	simm.s32 $0x0;
	s10 =	simm.s32 $0x4380;
	v3 =	vld [tilespmem:s0+$0x170];
	v11 =	vmul.f32 v62, v63;
	s29 =	rddreg [dreg:$0x17]  }
.LBB2_16:
0x6ab: {  	v12 =	vld [tilespmem:s10+$0x180];
	v7 =	vmul.f32 v7, v10;
	s0 =	sadd.s32 $0x400, s0  }
0x6ac: {  	s2 =	sadd.s32 $0x8, s2;
	v10 =	vld [tilespmem:s0+$0x180];
	[tilespmem:s9+$0xFFFFFEF0] =	vst v11;
	v4 =	vmul.f32 v4, v9  }
0x6ad: {  	p1 =	slt.u32 s2, $0x20;
	v9 =	vld [tilespmem:s0+$0xFFFFFE00];
	[tilespmem:s9+$0xFFFFFF70] =	vst v7;
	v5 =	vmul.f32 v5, v8  }
0x6ae: {  	v7 =	vld [tilespmem:s10+$0xFFFFFE80];
	[tilespmem:s9+$0xFFFFFFF0] =	vst v4;
	v1 =	vmul.f32 v6, v1  }
0x6af: {  	v4 =	vld [tilespmem:s0+$0xFFFFFE80];
	[tilespmem:s9+$0x70] =	vst v5;
	v2 =	vmul.f32 v3, v2  }
0x6b0: {  	v3 =	vld [tilespmem:s10+$0xFFFFFF00];
	[tilespmem:s9+$0xF0] =	vst v1  }
0x6b1: {  	v1 =	vld [tilespmem:s0+$0xFFFFFF00];
	v5 =	vmul.f32 v10, v12;
	[tilespmem:s9+$0x170] =	vst v2;
	s9 =	smov.u32 s10  }
0x6b2: {  	v2 =	vld [tilespmem:s10+$0xFFFFFF80]  }
0x6b3: {  	[tilespmem:s10+$0x180] =	vst v5;
	v5 =	vld [tilespmem:s10+$0x190]  }
0x6b4: {  	v4 =	vmul.f32 v4, v7;
	v6 =	vld [tilespmem:s0+$0x190]  }
0x6b5: {  	v7 =	vld [tilespmem:s0+$0xFFFFFF80]  }
0x6b6: {  	[tilespmem:s10+$0xFFFFFE80] =	vst v4;
	v1 =	vmul.f32 v1, v3;
	v3 =	vld [tilespmem:s10+$0x0]  }
0x6b7: {  	v4 =	vld [tilespmem:s0+$0x0]  }
0x6b8: {  	[tilespmem:s10+$0xFFFFFF00] =	vst v1;
	v1 =	vld [tilespmem:s10+$0x80]  }
0x6b9: {  	v8 =	vld [tilespmem:s0+$0x80];
	v5 =	vmul.f32 v6, v5  }
0x6ba: {  	v2 =	vmul.f32 v7, v2;
	v6 =	vld [tilespmem:s10+$0x100]  }
0x6bb: {  	[tilespmem:s10+$0x190] =	vst v5;
	v5 =	vld [tilespmem:s10+$0x1A0]  }
0x6bc: {  	[tilespmem:s10+$0xFFFFFF80] =	vst v2;
	v2 =	vmul.f32 v4, v3;
	v3 =	vld [tilespmem:s0+$0x1A0]  }
0x6bd: {  	v4 =	vld [tilespmem:s0+$0x100]  }
0x6be: {  	v7 =	vld [tilespmem:s10+$0xFFFFFE00];
	[tilespmem:s10+$0x0] =	vst v2;
	v1 =	vmul.f32 v8, v1  }
0x6bf: {  	v2 =	vld [tilespmem:s0+$0xFFFFFE90]  }
0x6c0: {  	v8 =	vld [tilespmem:s0+$0xFFFFFF10];
	[tilespmem:s10+$0x80] =	vst v1  }
0x6c1: {  	v1 =	vld [tilespmem:s0+$0xFFFFFF90];
	v3 =	vmul.f32 v3, v5  }
0x6c2: {  	v5 =	vld [tilespmem:s0+$0x10];
	v4 =	vmul.f32 v4, v6  }
0x6c3: {  	v6 =	vmul.f32 v9, v7;
	[tilespmem:s10+$0x1A0] =	vst v3;
	v3 =	vld [tilespmem:s10+$0x1B0]  }
0x6c4: {  	[tilespmem:s10+$0x100] =	vst v4;
	v4 =	vld [tilespmem:s0+$0x1B0]  }
0x6c5: {  	[tilespmem:s10+$0xFFFFFE00] =	vst v6;
	v6 =	vld [tilespmem:s0+$0x90]  }
0x6c6: {  	v7 =	vld [tilespmem:s0+$0xFFFFFE10]  }
0x6c7: {  	v9 =	vld [tilespmem:s0+$0x110]  }
0x6c8: {  	v10 =	vld [tilespmem:s10+$0xFFFFFE10]  }
0x6c9: {  	v11 =	vld [tilespmem:s10+$0xFFFFFE90];
	v3 =	vmul.f32 v4, v3  }
0x6ca: {  	v4 =	vld [tilespmem:s10+$0xFFFFFF10]  }
0x6cb: {  	[tilespmem:s10+$0x1B0] =	vst v3;
	v3 =	vld [tilespmem:s10+$0x1C0]  }
0x6cc: {  	v12 =	vld [tilespmem:s0+$0x1C0]  }
0x6cd: {  	v7 =	vmul.f32 v7, v10;
	v10 =	vld [tilespmem:s10+$0xFFFFFF90]  }
0x6ce: {  	v2 =	vmul.f32 v2, v11;
	v11 =	vld [tilespmem:s10+$0x10]  }
0x6cf: {  	[tilespmem:s10+$0xFFFFFE10] =	vst v7;
	v4 =	vmul.f32 v8, v4;
	v7 =	vld [tilespmem:s10+$0x90]  }
0x6d0: {  	[tilespmem:s10+$0xFFFFFE90] =	vst v2;
	v2 =	vld [tilespmem:s10+$0x110]  }
0x6d1: {  	v8 =	vld [tilespmem:s0+$0xFFFFFE20];
	[tilespmem:s10+$0xFFFFFF10] =	vst v4;
	v3 =	vmul.f32 v12, v3  }
0x6d2: {  	v4 =	vld [tilespmem:s0+$0xFFFFFEA0];
	v1 =	vmul.f32 v1, v10  }
0x6d3: {  	v5 =	vmul.f32 v5, v11;
	[tilespmem:s10+$0x1C0] =	vst v3;
	v3 =	vld [tilespmem:s10+$0x1D0]  }
0x6d4: {  	[tilespmem:s10+$0xFFFFFF90] =	vst v1;
	v1 =	vmul.f32 v6, v7;
	v6 =	vld [tilespmem:s0+$0x1D0]  }
0x6d5: {  	v7 =	vld [tilespmem:s0+$0xFFFFFF20];
	[tilespmem:s10+$0x10] =	vst v5;
	v2 =	vmul.f32 v9, v2  }
0x6d6: {  	v5 =	vld [tilespmem:s0+$0xFFFFFFA0];
	[tilespmem:s10+$0x90] =	vst v1  }
0x6d7: {  	v1 =	vld [tilespmem:s0+$0x20];
	[tilespmem:s10+$0x110] =	vst v2  }
0x6d8: {  	v2 =	vld [tilespmem:s0+$0xA0]  }
0x6d9: {  	v9 =	vld [tilespmem:s0+$0x120];
	v3 =	vmul.f32 v6, v3  }
0x6da: {  	v6 =	vld [tilespmem:s10+$0xFFFFFE20]  }
0x6db: {  	[tilespmem:s10+$0x1D0] =	vst v3;
	v3 =	vld [tilespmem:s10+$0x1E0]  }
0x6dc: {  	v10 =	vld [tilespmem:s0+$0x1E0]  }
0x6dd: {  	v11 =	vld [tilespmem:s10+$0xFFFFFEA0]  }
0x6de: {  	v12 =	vld [tilespmem:s10+$0xFFFFFF20]  }
0x6df: {  	v6 =	vmul.f32 v8, v6;
	v8 =	vld [tilespmem:s10+$0xFFFFFFA0]  }
0x6e0: {  	v13 =	vld [tilespmem:s10+$0x20]  }
0x6e1: {  	[tilespmem:s10+$0xFFFFFE20] =	vst v6;
	v6 =	vld [tilespmem:s10+$0xA0];
	v3 =	vmul.f32 v10, v3  }
0x6e2: {  	v4 =	vmul.f32 v4, v11;
	v10 =	vld [tilespmem:s10+$0x120]  }
0x6e3: {  	v7 =	vmul.f32 v7, v12;
	[tilespmem:s10+$0x1E0] =	vst v3;
	v3 =	vld [tilespmem:s10+$0x1F0]  }
0x6e4: {  	[tilespmem:s10+$0xFFFFFEA0] =	vst v4;
	v4 =	vmul.f32 v5, v8;
	v5 =	vld [tilespmem:s0+$0x1F0]  }
0x6e5: {  	v8 =	vld [tilespmem:s0+$0xFFFFFE30];
	[tilespmem:s10+$0xFFFFFF20] =	vst v7;
	v1 =	vmul.f32 v1, v13  }
0x6e6: {  	v7 =	vld [tilespmem:s0+$0xFFFFFEB0];
	[tilespmem:s10+$0xFFFFFFA0] =	vst v4;
	v2 =	vmul.f32 v2, v6  }
0x6e7: {  	v4 =	vld [tilespmem:s0+$0xFFFFFF30];
	[tilespmem:s10+$0x20] =	vst v1;
	v1 =	vmul.f32 v9, v10  }
0x6e8: {  	v6 =	vld [tilespmem:s0+$0xFFFFFFB0];
	[tilespmem:s10+$0xA0] =	vst v2  }
0x6e9: {  	v2 =	vld [tilespmem:s0+$0x30];
	[tilespmem:s10+$0x120] =	vst v1;
	v1 =	vmul.f32 v5, v3  }
0x6ea: {  	v3 =	vld [tilespmem:s0+$0xB0]  }
0x6eb: {  	v5 =	vld [tilespmem:s0+$0x130];
	[tilespmem:s10+$0x1F0] =	vst v1  }
0x6ec: {  	v1 =	vld [tilespmem:s10+$0xFFFFFE30]  }
0x6ed: {  	v9 =	vld [tilespmem:s10+$0xFFFFFEB0]  }
0x6ee: {  	v10 =	vld [tilespmem:s10+$0xFFFFFF30]  }
0x6ef: {  	v11 =	vld [tilespmem:s10+$0xFFFFFFB0]  }
0x6f0: {  	v12 =	vld [tilespmem:s10+$0x30]  }
0x6f1: {  	v1 =	vmul.f32 v8, v1;
	v8 =	vld [tilespmem:s10+$0xB0]  }
0x6f2: {  	v7 =	vmul.f32 v7, v9;
	v9 =	vld [tilespmem:s10+$0x130]  }
0x6f3: {  	[tilespmem:s10+$0xFFFFFE30] =	vst v1;
	v1 =	vld [tilespmem:s10+$0xFFFFFE40];
	v4 =	vmul.f32 v4, v10  }
0x6f4: {  	v10 =	vld [tilespmem:s0+$0xFFFFFE40];
	[tilespmem:s10+$0xFFFFFEB0] =	vst v7;
	v6 =	vmul.f32 v6, v11  }
0x6f5: {  	v7 =	vld [tilespmem:s0+$0xFFFFFEC0];
	[tilespmem:s10+$0xFFFFFF30] =	vst v4;
	v2 =	vmul.f32 v2, v12  }
0x6f6: {  	v4 =	vld [tilespmem:s0+$0xFFFFFF40];
	[tilespmem:s10+$0xFFFFFFB0] =	vst v6;
	v3 =	vmul.f32 v3, v8  }
0x6f7: {  	v6 =	vld [tilespmem:s0+$0xFFFFFFC0];
	[tilespmem:s10+$0x30] =	vst v2;
	v2 =	vmul.f32 v5, v9  }
0x6f8: {  	v5 =	vld [tilespmem:s0+$0x40];
	[tilespmem:s10+$0xB0] =	vst v3  }
0x6f9: {  	v1 =	vmul.f32 v10, v1;
	v3 =	vld [tilespmem:s0+$0xC0];
	[tilespmem:s10+$0x130] =	vst v2  }
0x6fa: {  	v2 =	vld [tilespmem:s0+$0x140]  }
0x6fb: {  	[tilespmem:s10+$0xFFFFFE40] =	vst v1;
	v1 =	vld [tilespmem:s10+$0xFFFFFEC0]  }
0x6fc: {  	v8 =	vld [tilespmem:s10+$0xFFFFFF40]  }
0x6fd: {  	v9 =	vld [tilespmem:s10+$0xFFFFFFC0]  }
0x6fe: {  	v10 =	vld [tilespmem:s10+$0x40]  }
0x6ff: {  	v11 =	vld [tilespmem:s10+$0xC0]  }
0x700: {  	v1 =	vmul.f32 v7, v1;
	v7 =	vld [tilespmem:s10+$0x140]  }
0x701: {  	v12 =	vld [tilespmem:s0+$0xFFFFFE50];
	v4 =	vmul.f32 v4, v8  }
0x702: {  	v8 =	vld [tilespmem:s10+$0xFFFFFE50];
	[tilespmem:s10+$0xFFFFFEC0] =	vst v1;
	v1 =	vmul.f32 v6, v9  }
0x703: {  	v6 =	vld [tilespmem:s0+$0xFFFFFED0];
	[tilespmem:s10+$0xFFFFFF40] =	vst v4;
	v4 =	vmul.f32 v5, v10  }
0x704: {  	v5 =	vld [tilespmem:s0+$0xFFFFFF50];
	[tilespmem:s10+$0xFFFFFFC0] =	vst v1;
	v1 =	vmul.f32 v3, v11  }
0x705: {  	v3 =	vld [tilespmem:s0+$0xFFFFFFD0];
	[tilespmem:s10+$0x40] =	vst v4;
	v2 =	vmul.f32 v2, v7  }
0x706: {  	v4 =	vld [tilespmem:s0+$0x50];
	[tilespmem:s10+$0xC0] =	vst v1  }
0x707: {  	v1 =	vmul.f32 v12, v8;
	v7 =	vld [tilespmem:s0+$0xD0];
	[tilespmem:s10+$0x140] =	vst v2  }
0x708: {  	v2 =	vld [tilespmem:s0+$0x150]  }
0x709: {  	[tilespmem:s10+$0xFFFFFE50] =	vst v1;
	v1 =	vld [tilespmem:s10+$0xFFFFFED0]  }
0x70a: {  	v8 =	vld [tilespmem:s10+$0xFFFFFF50]  }
0x70b: {  	v9 =	vld [tilespmem:s10+$0xFFFFFFD0]  }
0x70c: {  	v10 =	vld [tilespmem:s10+$0x50]  }
0x70d: {  	v11 =	vld [tilespmem:s10+$0xD0]  }
0x70e: {  	v1 =	vmul.f32 v6, v1;
	v6 =	vld [tilespmem:s10+$0x150]  }
0x70f: {  	v12 =	vld [tilespmem:s0+$0xFFFFFE60];
	v5 =	vmul.f32 v5, v8  }
0x710: {  	v8 =	vld [tilespmem:s10+$0xFFFFFE60];
	[tilespmem:s10+$0xFFFFFED0] =	vst v1;
	v1 =	vmul.f32 v3, v9  }
0x711: {  	v3 =	vld [tilespmem:s0+$0xFFFFFEE0];
	[tilespmem:s10+$0xFFFFFF50] =	vst v5;
	v4 =	vmul.f32 v4, v10  }
0x712: {  	v5 =	vld [tilespmem:s0+$0xFFFFFF60];
	[tilespmem:s10+$0xFFFFFFD0] =	vst v1;
	v1 =	vmul.f32 v7, v11  }
0x713: {  	v7 =	vld [tilespmem:s0+$0xFFFFFFE0];
	[tilespmem:s10+$0x50] =	vst v4;
	v2 =	vmul.f32 v2, v6  }
0x714: {  	v4 =	vld [tilespmem:s0+$0x60];
	[tilespmem:s10+$0xD0] =	vst v1  }
0x715: {  	v1 =	vmul.f32 v12, v8;
	v6 =	vld [tilespmem:s0+$0xE0];
	[tilespmem:s10+$0x150] =	vst v2  }
0x716: {  	v2 =	vld [tilespmem:s0+$0x160]  }
0x717: {  	[tilespmem:s10+$0xFFFFFE60] =	vst v1;
	v1 =	vld [tilespmem:s10+$0xFFFFFEE0]  }
0x718: {  	v8 =	vld [tilespmem:s10+$0xFFFFFF60]  }
0x719: {  	v9 =	vld [tilespmem:s10+$0xFFFFFFE0]  }
0x71a: {  	v10 =	vld [tilespmem:s10+$0x60]  }
0x71b: {  	v11 =	vld [tilespmem:s10+$0xE0]  }
0x71c: {  	v1 =	vmul.f32 v3, v1;
	v3 =	vld [tilespmem:s10+$0x160]  }
0x71d: {  	v12 =	vld [tilespmem:s0+$0xFFFFFE70];
	v5 =	vmul.f32 v5, v8  }
0x71e: {  	v8 =	vld [tilespmem:s10+$0xFFFFFE70];
	[tilespmem:s10+$0xFFFFFEE0] =	vst v1;
	v1 =	vmul.f32 v7, v9  }
0x71f: {  	v13 =	vld [tilespmem:s0+$0xFFFFFEF0];
	[tilespmem:s10+$0xFFFFFF60] =	vst v5;
	v5 =	vmul.f32 v4, v10  }
0x720: {  	v7 =	vld [tilespmem:s0+$0xFFFFFF70];
	[tilespmem:s10+$0xFFFFFFE0] =	vst v1;
	v1 =	vmul.f32 v6, v11  }
0x721: {  	v4 =	vld [tilespmem:s0+$0xFFFFFFF0];
	[tilespmem:s10+$0x60] =	vst v5;
	v2 =	vmul.f32 v2, v3  }
0x722: {  	v5 =	vld [tilespmem:s0+$0x70];
	[tilespmem:s10+$0xE0] =	vst v1  }
0x723: {  	v1 =	vmul.f32 v12, v8;
	v6 =	vld [tilespmem:s0+$0xF0];
	[tilespmem:s10+$0x160] =	vst v2  }
0x724: {  	v3 =	vld [tilespmem:s0+$0x170]  }
0x725: {  	[tilespmem:s10+$0xFFFFFE70] =	vst v1;
	v2 =	vld [tilespmem:s10+$0xFFFFFEF0]  }
.Ltmp7:
0x726: {  	v10 =	vld [tilespmem:s10+$0xFFFFFF70];
	(pc) =	sbr.rel @p1 .LBB2_16-.Ltmp7, $4  }
0x727: {  	v9 =	vld [tilespmem:s10+$0xFFFFFFF0]  }
0x728: {  	v8 =	vld [tilespmem:s10+$0x70]  }
0x729: {  	v1 =	vld [tilespmem:s10+$0xF0]  }
0x72a: {  	s10 =	sadd.s32 $0x400, s10;
	v11 =	vmul.f32 v13, v2;
	v2 =	vld [tilespmem:s9+$0x170]  }
0x72b: {  	v7 =	vmul.f32 v7, v10  }
0x72c: {  	[tilespmem:s9+$0xFFFFFEF0] =	vst v11;
	v4 =	vmul.f32 v4, v9  }
0x72d: {  	[tilespmem:s9+$0xFFFFFF70] =	vst v7;
	v5 =	vmul.f32 v5, v8  }
0x72e: {  	[tilespmem:s9+$0xFFFFFFF0] =	vst v4;
	v1 =	vmul.f32 v6, v1  }
0x72f: {  	[tilespmem:s9+$0x70] =	vst v5;
	v2 =	vmul.f32 v3, v2  }
0x730: {  	[tilespmem:s9+$0xF0] =	vst v1  }
0x731: {  	[tilespmem:s9+$0x170] =	vst v2  }
0x732: {  	_ =	swait.ge [sflag:s18], $0x28  }
0x733: {  	[sflag:s18] =	ssyncset.done $0x0  }
0x734: {  	s0 =	simm.s32 $0xE;
	[sflag:s18] =	ssyncadd.s32 $0xFFFFFFD8  }
0x735: {  	[spmem:s22] =	stream.indirect.scatter.add.f32 [tilespmem:s14], [sflag:$0xD], $0x80, s12, s11, $0xb8;
	[tilespmem:$0x1DA00] =	vst v63  }
0x736: {  	_ =	swait.ge [sflag:s0], $0x1400  }
0x737: {  	[sflag:s0] =	ssyncset.done $0x0  }
0x738: {  	s9 =	simm.s32 $0xF;
	[sflag:s0] =	ssyncadd.s32 $0xFFFFEC00  }
0x739: {  	_ =	swait.ge [sflag:s9], $0x1400  }
0x73a: {  	[sflag:s9] =	ssyncset.done $0x0  }
0x73b: {  	[sflag:s9] =	ssyncadd.s32 $0xFFFFEC00  }
0x73c: {  	_ =	swait.ge [sflag:s5], $0x1400  }
0x73d: {  	[sflag:s5] =	ssyncset.done $0x0  }
0x73e: {  	[sflag:s5] =	ssyncadd.s32 $0xFFFFEC00  }
0x73f: {  	_ =	swait.ge [sflag:s8], $0x1400  }
0x740: {  	[sflag:s8] =	ssyncset.done $0x0  }
0x741: {  	[sflag:s8] =	ssyncadd.s32 $0xFFFFEC00  }
0x742: {  	[bflag:$0x0] =	sbarrier.arrive $0xFFFF  }
0x743: {  	[tilespmem:s15], [sflag:$0x10] =	stream.linear.gather [spmem:s28], $0x1400, $0x38;
	[tilespmem:$0x1DA00] =	vst v63  }
0x744: {  	_ =	swait.ge [sflag:s17], $0x1400  }
0x745: {  	[sflag:s17] =	ssyncset.done $0x0  }
0x746: {  	s10 =	rddreg [dreg:$0x5];
	[sflag:s17] =	ssyncadd.s32 $0xFFFFEC00  }
0x747: {  	[hbm4b:s10+s1] =	stream.linear.scatter [tilespmem:s15], [sflag:$0x10], $0x1400, $0x38;
	[tilespmem:$0x1DA00] =	vst v63  }
0x748: {  	_ =	swait.ge [sflag:s17], $0x1400  }
0x749: {  	[sflag:s17] =	ssyncset.done $0x0  }
0x74a: {  	[sflag:s17] =	ssyncadd.s32 $0xFFFFEC00  }
0x74b: {  	[tilespmem:s15], [sflag:$0x10] =	stream.linear.gather [spmem:s29], $0x1400, $0x38;
	[tilespmem:$0x1DA00] =	vst v63  }
0x74c: {  	_ =	swait.ge [sflag:s17], $0x1400  }
0x74d: {  	[sflag:s17] =	ssyncset.done $0x0  }
0x74e: {  	s2 =	rddreg [dreg:$0x6];
	[sflag:s17] =	ssyncadd.s32 $0xFFFFEC00  }
0x74f: {  	[hbm4b:s2+s1] =	stream.linear.scatter [tilespmem:s15], [sflag:$0x10], $0x1400, $0x38;
	[tilespmem:$0x1DA00] =	vst v63  }
0x750: {  	_ =	swait.ge [sflag:s17], $0x1400  }
0x751: {  	[sflag:s17] =	ssyncset.done $0x0  }
0x752: {  	s9 =	rddreg [dreg:$0x18];
	[sflag:s17] =	ssyncadd.s32 $0xFFFFEC00  }
0x753: {  	[tilespmem:s15], [sflag:$0x10] =	stream.linear.gather [spmem:s9], $0x1400, $0x38;
	[tilespmem:$0x1DA00] =	vst v63  }
0x754: {  	_ =	swait.ge [sflag:s17], $0x1400  }
0x755: {  	[sflag:s17] =	ssyncset.done $0x0  }
0x756: {  	s10 =	rddreg [dreg:$0x7];
	[sflag:s17] =	ssyncadd.s32 $0xFFFFEC00  }
0x757: {  	[hbm4b:s10+s1] =	stream.linear.scatter [tilespmem:s15], [sflag:$0x10], $0x1400, $0x38;
	[tilespmem:$0x1DA00] =	vst v63  }
0x758: {  	_ =	swait.ge [sflag:s17], $0x1400  }
0x759: {  	[sflag:s17] =	ssyncset.done $0x0  }
0x75a: {  	s2 =	rddreg [dreg:$0x19];
	[sflag:s17] =	ssyncadd.s32 $0xFFFFEC00  }
0x75b: {  	[tilespmem:s15], [sflag:$0x10] =	stream.linear.gather [spmem:s2], $0x1400, $0x38;
	[tilespmem:$0x1DA00] =	vst v63  }
0x75c: {  	_ =	swait.ge [sflag:s17], $0x1400  }
0x75d: {  	[sflag:s17] =	ssyncset.done $0x0  }
0x75e: {  	s9 =	rddreg [dreg:$0x8];
	[sflag:s17] =	ssyncadd.s32 $0xFFFFEC00  }
0x75f: {  	[hbm4b:s9+s1] =	stream.linear.scatter [tilespmem:s15], [sflag:$0x10], $0x1400, $0x38;
	[tilespmem:$0x1DA00] =	vst v63  }
0x760: {  	_ =	swait.ge [sflag:s17], $0x1400  }
0x761: {  	[sflag:s17] =	ssyncset.done $0x0  }
0x762: {  	s10 =	rddreg [dreg:$0x1a];
	[sflag:s17] =	ssyncadd.s32 $0xFFFFEC00  }
0x763: {  	[tilespmem:s15], [sflag:$0x10] =	stream.linear.gather [spmem:s10], $0x1400, $0x38;
	[tilespmem:$0x1DA00] =	vst v63  }
0x764: {  	_ =	swait.ge [sflag:s17], $0x1400  }
0x765: {  	[sflag:s17] =	ssyncset.done $0x0  }
0x766: {  	s2 =	rddreg [dreg:$0x9];
	[sflag:s17] =	ssyncadd.s32 $0xFFFFEC00  }
0x767: {  	[hbm4b:s2+s1] =	stream.linear.scatter [tilespmem:s15], [sflag:$0x10], $0x1400, $0x38;
	[tilespmem:$0x1DA00] =	vst v63  }
0x768: {  	_ =	swait.ge [sflag:s17], $0x1400  }
0x769: {  	[sflag:s17] =	ssyncset.done $0x0  }
0x76a: {  	s9 =	rddreg [dreg:$0x1b];
	[sflag:s17] =	ssyncadd.s32 $0xFFFFEC00  }
0x76b: {  	[tilespmem:s15], [sflag:$0x10] =	stream.linear.gather [spmem:s9], $0x1400, $0x38;
	[tilespmem:$0x1DA00] =	vst v63  }
0x76c: {  	_ =	swait.ge [sflag:s17], $0x1400  }
0x76d: {  	[sflag:s17] =	ssyncset.done $0x0  }
0x76e: {  	s10 =	rddreg [dreg:$0xa];
	[sflag:s17] =	ssyncadd.s32 $0xFFFFEC00  }
0x76f: {  	[hbm4b:s10+s1] =	stream.linear.scatter [tilespmem:s15], [sflag:$0x10], $0x1400, $0x38;
	[tilespmem:$0x1DA00] =	vst v63  }
0x770: {  	_ =	swait.ge [sflag:s17], $0x1400  }
0x771: {  	[sflag:s17] =	ssyncset.done $0x0  }
0x772: {  	s2 =	rddreg [dreg:$0x1c];
	[sflag:s17] =	ssyncadd.s32 $0xFFFFEC00  }
0x773: {  	[tilespmem:s15], [sflag:$0x10] =	stream.linear.gather [spmem:s2], $0x1400, $0x38;
	[tilespmem:$0x1DA00] =	vst v63  }
0x774: {  	_ =	swait.ge [sflag:s17], $0x1400  }
0x775: {  	[sflag:s17] =	ssyncset.done $0x0  }
0x776: {  	s9 =	rddreg [dreg:$0xb];
	[sflag:s17] =	ssyncadd.s32 $0xFFFFEC00  }
0x777: {  	[hbm4b:s9+s1] =	stream.linear.scatter [tilespmem:s15], [sflag:$0x10], $0x1400, $0x38;
	[tilespmem:$0x1DA00] =	vst v63  }
0x778: {  	_ =	swait.ge [sflag:s17], $0x1400  }
0x779: {  	[sflag:s17] =	ssyncset.done $0x0  }
0x77a: {  	s10 =	rddreg [dreg:$0x1d];
	[sflag:s17] =	ssyncadd.s32 $0xFFFFEC00  }
0x77b: {  	[tilespmem:s15], [sflag:$0x10] =	stream.linear.gather [spmem:s10], $0x1400, $0x38;
	[tilespmem:$0x1DA00] =	vst v63  }
0x77c: {  	_ =	swait.ge [sflag:s17], $0x1400  }
0x77d: {  	[sflag:s17] =	ssyncset.done $0x0  }
0x77e: {  	s2 =	rddreg [dreg:$0xc];
	[sflag:s17] =	ssyncadd.s32 $0xFFFFEC00  }
0x77f: {  	[hbm4b:s2+s1] =	stream.linear.scatter [tilespmem:s15], [sflag:$0x10], $0x1400, $0x38;
	[tilespmem:$0x1DA00] =	vst v63  }
0x780: {  	_ =	swait.ge [sflag:s17], $0x1400  }
0x781: {  	[sflag:s17] =	ssyncset.done $0x0  }
0x782: {  	s9 =	rddreg [dreg:$0x1e];
	[sflag:s17] =	ssyncadd.s32 $0xFFFFEC00  }
0x783: {  	[tilespmem:s15], [sflag:$0x10] =	stream.linear.gather [spmem:s9], $0x1400, $0x38;
	[tilespmem:$0x1DA00] =	vst v63  }
0x784: {  	_ =	swait.ge [sflag:s17], $0x1400  }
0x785: {  	[sflag:s17] =	ssyncset.done $0x0  }
0x786: {  	s10 =	rddreg [dreg:$0xd];
	[sflag:s17] =	ssyncadd.s32 $0xFFFFEC00  }
0x787: {  	[hbm4b:s10+s1] =	stream.linear.scatter [tilespmem:s15], [sflag:$0x10], $0x1400, $0x38;
	[tilespmem:$0x1DA00] =	vst v63  }
0x788: {  	_ =	swait.ge [sflag:s17], $0x1400  }
0x789: {  	[sflag:s17] =	ssyncset.done $0x0  }
0x78a: {  	s2 =	rddreg [dreg:$0x1f];
	[sflag:s17] =	ssyncadd.s32 $0xFFFFEC00  }
0x78b: {  	[tilespmem:s15], [sflag:$0x10] =	stream.linear.gather [spmem:s2], $0x1400, $0x38;
	[tilespmem:$0x1DA00] =	vst v63  }
0x78c: {  	_ =	swait.ge [sflag:s17], $0x1400  }
0x78d: {  	[sflag:s17] =	ssyncset.done $0x0  }
0x78e: {  	s9 =	rddreg [dreg:$0xe];
	[sflag:s17] =	ssyncadd.s32 $0xFFFFEC00  }
0x78f: {  	[hbm4b:s9+s1] =	stream.linear.scatter [tilespmem:s15], [sflag:$0x10], $0x1400, $0x38;
	[tilespmem:$0x1DA00] =	vst v63  }
0x790: {  	_ =	swait.ge [sflag:s17], $0x1400  }
0x791: {  	s10 =	sld [smem:$0x7F3]  }
0x792: {  	[sflag:s17] =	ssyncset.done $0x0  }
0x793: {  	[sflag:s17] =	ssyncadd.s32 $0xFFFFEC00  }
0x794: {  	[tilespmem:s15], [sflag:$0x10] =	stream.linear.gather [spmem:s10], $0x1400, $0x38;
	[tilespmem:$0x1DA00] =	vst v63  }
0x795: {  	_ =	swait.ge [sflag:s17], $0x1400  }
0x796: {  	[sflag:s17] =	ssyncset.done $0x0  }
0x797: {  	s2 =	rddreg [dreg:$0xf];
	[sflag:s17] =	ssyncadd.s32 $0xFFFFEC00  }
0x798: {  	[hbm4b:s2+s1] =	stream.linear.scatter [tilespmem:s15], [sflag:$0x10], $0x1400, $0x38;
	[tilespmem:$0x1DA00] =	vst v63  }
0x799: {  	_ =	swait.ge [sflag:s17], $0x1400  }
0x79a: {  	s9 =	sld [smem:$0x7F4]  }
0x79b: {  	[sflag:s17] =	ssyncset.done $0x0  }
0x79c: {  	[sflag:s17] =	ssyncadd.s32 $0xFFFFEC00  }
0x79d: {  	[tilespmem:s15], [sflag:$0x10] =	stream.linear.gather [spmem:s9], $0x1400, $0x38;
	[tilespmem:$0x1DA00] =	vst v63  }
0x79e: {  	_ =	swait.ge [sflag:s17], $0x1400  }
0x79f: {  	[sflag:s17] =	ssyncset.done $0x0  }
0x7a0: {  	s10 =	rddreg [dreg:$0x10];
	[sflag:s17] =	ssyncadd.s32 $0xFFFFEC00  }
0x7a1: {  	[hbm4b:s10+s1] =	stream.linear.scatter [tilespmem:s15], [sflag:$0x10], $0x1400, $0x38;
	[tilespmem:$0x1DA00] =	vst v63  }
0x7a2: {  	_ =	swait.ge [sflag:s17], $0x1400  }
0x7a3: {  	s2 =	sld [smem:$0x7F5]  }
0x7a4: {  	[sflag:s17] =	ssyncset.done $0x0  }
0x7a5: {  	[sflag:s17] =	ssyncadd.s32 $0xFFFFEC00  }
0x7a6: {  	[tilespmem:s15], [sflag:$0x10] =	stream.linear.gather [spmem:s2], $0x1400, $0x38;
	[tilespmem:$0x1DA00] =	vst v63  }
0x7a7: {  	_ =	swait.ge [sflag:s17], $0x1400  }
0x7a8: {  	[sflag:s17] =	ssyncset.done $0x0  }
0x7a9: {  	s9 =	rddreg [dreg:$0x11];
	[sflag:s17] =	ssyncadd.s32 $0xFFFFEC00  }
0x7aa: {  	[hbm4b:s9+s1] =	stream.linear.scatter [tilespmem:s15], [sflag:$0x10], $0x1400, $0x38;
	[tilespmem:$0x1DA00] =	vst v63  }
0x7ab: {  	_ =	swait.ge [sflag:s17], $0x1400  }
0x7ac: {  	s10 =	sld [smem:$0x7F6]  }
0x7ad: {  	[sflag:s17] =	ssyncset.done $0x0  }
0x7ae: {  	[sflag:s17] =	ssyncadd.s32 $0xFFFFEC00  }
0x7af: {  	[tilespmem:s15], [sflag:$0x10] =	stream.linear.gather [spmem:s10], $0x1400, $0x38;
	[tilespmem:$0x1DA00] =	vst v63  }
0x7b0: {  	_ =	swait.ge [sflag:s17], $0x1400  }
0x7b1: {  	[sflag:s17] =	ssyncset.done $0x0  }
0x7b2: {  	s2 =	rddreg [dreg:$0x12];
	[sflag:s17] =	ssyncadd.s32 $0xFFFFEC00  }
0x7b3: {  	[hbm4b:s2+s1] =	stream.linear.scatter [tilespmem:s15], [sflag:$0x10], $0x1400, $0x38;
	[tilespmem:$0x1DA00] =	vst v63  }
0x7b4: {  	_ =	swait.ge [sflag:s17], $0x1400  }
0x7b5: {  	s9 =	sld [smem:$0x7F7]  }
0x7b6: {  	[sflag:s17] =	ssyncset.done $0x0  }
0x7b7: {  	[sflag:s17] =	ssyncadd.s32 $0xFFFFEC00  }
0x7b8: {  	[tilespmem:s15], [sflag:$0x10] =	stream.linear.gather [spmem:s9], $0x1400, $0x38;
	[tilespmem:$0x1DA00] =	vst v63  }
0x7b9: {  	_ =	swait.ge [sflag:s17], $0x1400  }
0x7ba: {  	[sflag:s17] =	ssyncset.done $0x0  }
0x7bb: {  	s10 =	rddreg [dreg:$0x13];
	[sflag:s17] =	ssyncadd.s32 $0xFFFFEC00  }
0x7bc: {  	[hbm4b:s10+s1] =	stream.linear.scatter [tilespmem:s15], [sflag:$0x10], $0x1400, $0x38;
	[tilespmem:$0x1DA00] =	vst v63  }
0x7bd: {  	_ =	swait.ge [sflag:s17], $0x1400  }
0x7be: {  	s2 =	sld [smem:$0x7F8]  }
0x7bf: {  	[sflag:s17] =	ssyncset.done $0x0  }
0x7c0: {  	s0 =	simm.s32 @!p0 $0x2980;
	[sflag:s17] =	ssyncadd.s32 $0xFFFFEC00  }
0x7c1: {  	[tilespmem:s0], [sflag:$0x10] =	stream.linear.gather @!p0 [spmem:s2], $0x1400, $0x38;
	[tilespmem:$0x1DA00] =	vst v63  }
0x7c2: {  	s2 =	simm.s32 @!p0 $0x10  }
0x7c3: {  	_ =	swait.ge @!p0 [sflag:s2], $0x1400  }
0x7c4: {  	[sflag:s2] =	ssyncset.done @!p0 $0x0  }
0x7c5: {  	s9 =	simm.s32 @!p0 $0x0;
	s10 =	rddreg [dreg:$0x14];
	[sflag:s2] =	ssyncadd.s32 @!p0 $0xFFFFEC00  }
0x7c6: {  	[hbm4b:s10+s9] =	stream.linear.scatter @!p0 [tilespmem:s0], [sflag:$0x10], $0x1400, $0x38;
	[tilespmem:$0x1DA00] =	vst v63  }
0x7c7: {  	_ =	swait.ge @!p0 [sflag:s2], $0x1400  }
0x7c8: {  	s0 =	sld [smem:$0x7F2]  }
0x7c9: {  	s10 =	sld [smem:$0x7FD];
	_ =	sdelay $0x1  }
0x7ca: {  	s9 =	sadd.s32 $0x1, s0  }
0x7cb: {  	p1 =	sne.s32 s9, s10  }
.Ltmp8:
0x7cc: {  	_ = 	snop;
	(pc) =	sbr.rel @p1 .LBB2_1-.Ltmp8, $3  }
0x7cd: {  	_ =	sdelay $0x1  }
0x7ce: {  	[sflag:s2] =	ssyncset.done @!p0 $0x0  }
0x7cf: {  	[sflag:s2] =	ssyncadd.s32 @!p0 $0xFFFFEC00  }
0x7d0: {  	_ =	sfence.sel $0x180000  }
0x7d1: {  	[bflag:$0x0] =	sbarrier.arrive $0xFFFF  }
0x7d2: {  	_ =	strace $0x90000047  }
0x7d3: {  	s0 =	stileid.u32;
	[bflag:$0x2] =	sbarrier.arrive $0xFFFF  }
0x7d4: {  	p0 =	sne.s32 s0, $0x0;
	s0 =	rddreg [dreg:$0x4]  }
0x7d5: {  	s0 =	sadd.s32 @!p0 $0x100000, s0  }
0x7d6: {  	[sflag:s0] =	ssyncadd.tile.s32 @!p0 $0x1;
	_ =	shalt  }
.Lfunc_end2:
_tile_overlayer_lowered:
.L_overlay_start_2:
0x7d7: {  	(tag) =	ssettag $0x2  }
0x7d8: {  	s0 =	rddreg [dreg:$0x0];
	s2 =	stileid.u32  }
0x7d9: {  	s1 =	rddreg [dreg:$0x1];
	p0 =	sne.s32 s2, $0x0  }
0x7da: {  	s3 =	rddreg [dreg:$0x2];
	[bflag:$0x3] =	sbarrier.arrive $0xFFFF;
	s2 =	simm.s32 @!p0 $0x1C10  }
0x7db: {  	[timem:s3], [sflag:s2] =	dma.local @!p0 [hbm:s0], s1  }
0x7dc: {  	s0 =	simm.s32 @!p0 $0x10  }
0x7dd: {  	_ =	swait.ge @!p0 [sflag:s0], s1  }
0x7de: {  	s1 =	ssub.s32 @!p0 $0x0, s1;
	[sflag:s0] =	ssyncset.done @!p0 $0x0  }
0x7df: {  	[sflag:s0] =	ssyncadd.s32 @!p0 s1  }
0x7e0: {  	[bflag:$0x3] =	sbarrier.arrive $0xFFFF  }
0x7e1: {  	_ =	shalt  }

</sc_bundles>
